<compile_context>
chip_gen: v7x
topology: tpu7x:2x2x1
jax: 0.10.2.dev20260603
libtpu: 0.0.44.dev20260713+nightly
codegen_flags: <defaults>
</compile_context>

<pallas_src>
import jax
import jax.numpy as jnp
from jax import lax
from jax.experimental import pallas as pl
from jax.experimental.pallas import tpu as pltpu
from jax.experimental.pallas import tpu_sc as plsc

N_CELL = 100000
N_TISSUE = 1000
HID = 128
FEAT = 2048
E = 300000

ECHUNK = 2048
NCHUNKS_E = 148
EP = NCHUNKS_E * ECHUNK
PAD_DST_C2T = 1001
PAD_DST_T2C = 100008

CSTRIDE = 2052
HALF = 500
JUNK_ROW = HALF
C_HALF_WORDS = 1028096
ACC_BASE = C_HALF_WORDS
ACC_WORDS = 400128
SPMEM_WORDS = 1433600
TILE_SPW = SPMEM_WORDS // 16
ZCHUNK = 5600

NP = 102400
NCHUNKS_N = NP // 128

CIDP = 100352
CID_CH = CIDP // 16

_mesh = plsc.VectorSubcoreMesh(
    core_axis_name="c", subcore_axis_name="s", num_cores=2, num_subcores=16)


def _gelu(x):
    return 0.5 * x * (1.0 + lax.erf(x * 0.7071067811865476))


def _gn_rows(x, g, b, eps=1e-5):
    n, c = x.shape
    gi = lax.broadcasted_iota(jnp.int32, (c, c), 0) // 32
    gj = lax.broadcasted_iota(jnp.int32, (c, c), 1) // 32
    M = jnp.where(gi == gj, 1.0 / 32.0, 0.0).astype(jnp.float32)
    mu = lax.dot_general(x, M, (((1,), (0,)), ((), ())),
                         preferred_element_type=jnp.float32)
    xc = x - mu
    var = lax.dot_general(xc * xc, M, (((1,), (0,)), ((), ())),
                          preferred_element_type=jnp.float32)
    return xc * lax.rsqrt(var + eps) * g + b


def _lrelu(x):
    return jnp.where(x >= 0, x, 0.01 * x)


def _mm_t(a, w):
    return lax.dot_general(a, w, (((1,), (1,)), ((), ())),
                           preferred_element_type=jnp.float32)


def _p1_body(ef, et, W_c, b_c, gnc_g, gnc_b, W_t, b_t, gnt_g, gnt_b,
             Ws_t2c, b_t2c, Wn_c2t, Ws_c2t, b_c2t, Wn_t2c,
             cself, cWn, tself, v01):
    ctab = _gn_rows(_gelu(_mm_t(_lrelu(ef[...]), W_c[...]) + b_c[...]),
                    gnc_g[...], gnc_b[...])
    cself[...] = _mm_t(ctab, Ws_t2c[...]) + b_t2c[...]
    cWn[...] = _mm_t(ctab, Wn_c2t[...])
    ttab = _gn_rows(_gelu(_mm_t(_lrelu(et[...]), W_t[...]) + b_t[...]),
                    gnt_g[...], gnt_b[...])
    tself[...] = _mm_t(ttab, Ws_c2t[...]) + b_c2t[...]
    v01[...] = _mm_t(ttab, Wn_t2c[...])


def _p1(ef, et, W_c, b_c, gnc_g, gnc_b, W_t, b_t, gnt_g, gnt_b,
        Ws_t2c, b_t2c, Wn_c2t, Ws_c2t, b_c2t, Wn_t2c):
    return pl.pallas_call(
        _p1_body,
        out_shape=(
            jax.ShapeDtypeStruct((FEAT, HID), jnp.float32),
            jax.ShapeDtypeStruct((FEAT, HID), jnp.float32),
            jax.ShapeDtypeStruct((8, HID), jnp.float32),
            jax.ShapeDtypeStruct((8, HID), jnp.float32),
        ),
    )(ef, et, W_c, b_c, gnc_g, gnc_b, W_t, b_t, gnt_g, gnt_b,
      Ws_t2c, b_t2c, Wn_c2t, Ws_c2t, b_c2t, Wn_t2c)


def _p2_body(srcc, dstc, wc, srct, dstt, wt, cellid, tisid,
             out_sp,
             tis_v, srcv, dstv, wv, srcv2, dstv2, wv2,
             cidv, fidx1, fidx2, onesv, zbuf, cstg, sem0, sem1,
             spmem, spcid):
    core = lax.axis_index("c")
    sub = lax.axis_index("s")
    bufs = ((srcv, dstv, wv), (srcv2, dstv2, wv2))
    sems = (sem0, sem1)

    def fill_z(i, _):
        zbuf[pl.ds(i * 16, 16)] = jnp.zeros((16,), jnp.float32)
        return 0
    lax.fori_loop(0, ZCHUNK // 16, fill_z, 0)

    def fill_o(i, _):
        onesv[pl.ds(i * 16, 16)] = jnp.ones((16,), jnp.float32)
        return 0
    lax.fori_loop(0, ECHUNK // 16, fill_o, 0)

    zb = sub * TILE_SPW
    for j in range(16):
        pltpu.sync_copy(zbuf, spmem.at[pl.ds(zb + j * ZCHUNK, ZCHUNK)])
    pltpu.sync_copy(cellid.at[pl.ds(sub * CID_CH, CID_CH)], cstg)
    pltpu.sync_copy(cstg, spcid.at[pl.ds(sub * CID_CH, CID_CH)])
    pltpu.sync_copy(tisid, tis_v)
    plsc.subcore_barrier()

    row_lo = core * HALF

    def issue(sa, da, wa, ch, b):
        off = ch * ECHUNK
        return (pltpu.async_copy(sa.at[pl.ds(off, ECHUNK)], bufs[b][0],
                                 sems[b]),
                pltpu.async_copy(da.at[pl.ds(off, ECHUNK)], bufs[b][1],
                                 sems[b]),
                pltpu.async_copy(wa.at[pl.ds(off, ECHUNK)], bufs[b][2],
                                 sems[b]))

    NIT_C = (NCHUNKS_E + 15) // 16
    hs = issue(srcc, dstc, wc, jnp.minimum(sub, NCHUNKS_E - 1), 0)
    for j in range(NIT_C):
        nxt = None
        if j + 1 < NIT_C:
            ch_n = jnp.minimum(sub + (j + 1) * 16, NCHUNKS_E - 1)
            nxt = issue(srcc, dstc, wc, ch_n, (j + 1) % 2)
        for h in hs:
            h.wait()
        sv, dv, wvb = bufs[j % 2]
        ch = sub + j * 16

        @pl.when(ch < NCHUNKS_E)
        def _():
            pltpu.sync_copy(spcid.at[sv], cidv)

            def vec(k, _):
                d16 = dv[pl.ds(k * 16, 16)]
                c16 = cidv[pl.ds(k * 16, 16)]
                loc = d16 - row_lo
                ok = jnp.logical_and(loc >= 0, loc < HALF)
                row = jnp.where(ok, loc, JUNK_ROW)
                fidx1[pl.ds(k * 16, 16)] = row * CSTRIDE + c16
                fidx2[pl.ds(k * 16, 16)] = jnp.where(
                    ok, row * CSTRIDE + 2048, JUNK_ROW * CSTRIDE + c16)
                return 0
            lax.fori_loop(0, ECHUNK // 16, vec, 0)
            pltpu.sync_copy(wvb, spmem.at[fidx1], add=True)
            pltpu.sync_copy(onesv, spmem.at[fidx2], add=True)
        hs = nxt

    NHALF = NCHUNKS_E // 2
    NIT_T = (NHALF + 15) // 16
    base_t = core * NHALF
    hs = issue(srct, dstt, wt, base_t + jnp.minimum(sub, NHALF - 1), 0)
    for j in range(NIT_T):
        nxt = None
        if j + 1 < NIT_T:
            ch_n = base_t + jnp.minimum(sub + (j + 1) * 16, NHALF - 1)
            nxt = issue(srct, dstt, wt, ch_n, (j + 1) % 2)
        for h in hs:
            h.wait()
        sv, dv, wvb = bufs[j % 2]
        local = sub + j * 16

        @pl.when(local < NHALF)
        def _():
            def vec(k, _):
                s16 = sv[pl.ds(k * 16, 16)]
                d16 = dv[pl.ds(k * 16, 16)]
                t16 = plsc.load_gather(tis_v, [s16])
                fidx1[pl.ds(k * 16, 16)] = ACC_BASE + d16 * 4 + t16
                fidx2[pl.ds(k * 16, 16)] = ACC_BASE + d16 * 4 + 2
                return 0
            lax.fori_loop(0, ECHUNK // 16, vec, 0)
            pltpu.sync_copy(wvb, spmem.at[fidx1], add=True)
            pltpu.sync_copy(onesv, spmem.at[fidx2], add=True)
        hs = nxt

    plsc.subcore_barrier()

    for j in range(16):
        off = sub * TILE_SPW + j * ZCHUNK
        pltpu.sync_copy(spmem.at[pl.ds(off, ZCHUNK)], zbuf)
        pltpu.sync_copy(zbuf, out_sp.at[pl.ds(core * SPMEM_WORDS + off,
                                              ZCHUNK)])


def _p2(srcc, dstc, wc, srct, dstt, wt, cellid, tisid):
    return pl.kernel(
        _p2_body,
        out_type=jax.ShapeDtypeStruct((2 * SPMEM_WORDS,), jnp.float32),
        mesh=_mesh,
        scratch_types=(
            pltpu.VMEM((N_TISSUE,), jnp.int32),
            pltpu.VMEM((ECHUNK,), jnp.int32),
            pltpu.VMEM((ECHUNK,), jnp.int32),
            pltpu.VMEM((ECHUNK,), jnp.float32),
            pltpu.VMEM((ECHUNK,), jnp.int32),
            pltpu.VMEM((ECHUNK,), jnp.int32),
            pltpu.VMEM((ECHUNK,), jnp.float32),
            pltpu.VMEM((ECHUNK,), jnp.int32),
            pltpu.VMEM((ECHUNK,), jnp.int32),
            pltpu.VMEM((ECHUNK,), jnp.int32),
            pltpu.VMEM((ECHUNK,), jnp.float32),
            pltpu.VMEM((ZCHUNK,), jnp.float32),
            pltpu.VMEM((CID_CH,), jnp.int32),
            pltpu.SemaphoreType.DMA,
            pltpu.SemaphoreType.DMA,
            pltpu.VMEM_SHARED((SPMEM_WORDS,), jnp.float32),
            pltpu.VMEM_SHARED((CIDP,), jnp.int32),
        ),
        compiler_params=pltpu.CompilerParams(needs_layout_passes=False),
    )(srcc, dstc, wc, srct, dstt, wt, cellid, tisid)


RCHUNK = 320
NCH3 = NP // RCHUNK // 32


def _p3_body(cid_hbm, cself_hbm, x_hbm, cidv0, cidv1, ur0, ur1, sem0, sem1,
             spcs):
    core = lax.axis_index("c")
    sub = lax.axis_index("s")
    wid = sub * 2 + core

    pltpu.sync_copy(cself_hbm.at[pl.ds(sub * 128, 128)],
                    ur0.at[pl.ds(0, 128)])
    pltpu.sync_copy(ur0.at[pl.ds(0, 128)], spcs.at[pl.ds(sub * 128, 128)])
    plsc.subcore_barrier()

    cid = (cidv0, cidv1)
    ur = (ur0, ur1)
    sem = (sem0, sem1)

    def start(i, b):
        base = (wid + i * 32) * RCHUNK
        pltpu.sync_copy(cid_hbm.at[pl.ds(base, RCHUNK)], cid[b])
        return pltpu.async_copy(spcs.at[cid[b]], ur[b], sem[b])

    h = start(0, 0)
    for i in range(NCH3):
        b = i % 2
        hn = start(i + 1, 1 - b) if i + 1 < NCH3 else None
        h.wait()
        pltpu.sync_copy(ur[b], x_hbm.at[pl.ds((wid + i * 32) * RCHUNK,
                                              RCHUNK)])
        h = hn


def _p3(cid_p, cself):
    return pl.kernel(
        _p3_body,
        out_type=jax.ShapeDtypeStruct((NP, HID), jnp.float32),
        mesh=_mesh,
        scratch_types=(
            pltpu.VMEM((RCHUNK,), jnp.int32),
            pltpu.VMEM((RCHUNK,), jnp.int32),
            pltpu.VMEM((RCHUNK, HID), jnp.float32),
            pltpu.VMEM((RCHUNK, HID), jnp.float32),
            pltpu.SemaphoreType.DMA,
            pltpu.SemaphoreType.DMA,
            pltpu.VMEM_SHARED((FEAT, HID), jnp.float32),
        ),
        compiler_params=pltpu.CompilerParams(needs_layout_passes=False),
    )(cid_p, cself)


NOUT = N_CELL + N_TISSUE
BLK4 = 1000
NBLK4 = NOUT // BLK4


def _p4_body(x, acc0, acc1, v0, v1, g, b, tin, out):
    i = pl.program_id(0)

    @pl.when(i < NBLK4 - 1)
    def _():
        acc = acc0[...] + acc1[...]
        a = acc[:, 0:1]
        bb = acc[:, 1:2]
        d = jnp.maximum(acc[:, 2:3], 1.0)
        y = x[...] + (a / d) * v0[...] + (bb / d) * v1[...]
        out[...] = _gelu(_gn_rows(y, g[...], b[...]))

    @pl.when(i == NBLK4 - 1)
    def _():
        out[...] = tin[...]


def _p4(x, acc0, acc1, v0, v1, g, b, tin):
    return pl.pallas_call(
        _p4_body,
        grid=(NBLK4,),
        in_specs=[
            pl.BlockSpec((BLK4, HID), lambda i: (i, 0)),
            pl.BlockSpec((BLK4, 4), lambda i: (i, 0)),
            pl.BlockSpec((BLK4, 4), lambda i: (i, 0)),
            pl.BlockSpec((1, HID), lambda i: (0, 0)),
            pl.BlockSpec((1, HID), lambda i: (0, 0)),
            pl.BlockSpec((1, HID), lambda i: (0, 0)),
            pl.BlockSpec((1, HID), lambda i: (0, 0)),
            pl.BlockSpec((N_TISSUE, HID), lambda i: (0, 0)),
        ],
        out_specs=pl.BlockSpec((BLK4, HID), lambda i: (i, 0)),
        out_shape=jax.ShapeDtypeStruct((NOUT, HID), jnp.float32),
    )(x, acc0, acc1, v0, v1, g, b, tin)


def _p5_body(c2, cWn, tself, tidb, g, b, out):
    C = c2[...]
    neigh = lax.dot_general(C[:, :2048], cWn[...], (((1,), (0,)), ((), ())),
                            preferred_element_type=jnp.float32)
    deg = C[:, 2048:2049]
    invd = 1.0 / jnp.maximum(deg, 1.0)
    t0 = tself[0:1, :]
    t1 = tself[1:2, :]
    tsel = t0 + tidb[...] * (t1 - t0)
    y = tsel + neigh * invd
    out[...] = _gelu(_gn_rows(y, g[...], b[...]))


def _p5(c2, cWn, tself, tidb, g, b):
    return pl.pallas_call(
        _p5_body,
        out_shape=jax.ShapeDtypeStruct((N_TISSUE, HID), jnp.float32),
    )(c2, cWn, tself, tidb, g, b)


def kernel(cell_id, tissue_id, src_c2t, dst_c2t, src_t2c, dst_t2c,
           w_c2t, w_t2c, embed_feat, embed_tissue, W_t, b_t, W_c, b_c,
           gn_t_g, gn_t_b, gn_c_g, gn_c_b, Ws_c2t, Wn_c2t, b_c2t,
           Ws_t2c, Wn_t2c, b_t2c, gn1_g, gn1_b):
    i32 = jnp.int32
    f32 = jnp.float32
    row = lambda v: v.reshape(1, HID).astype(f32)

    et_p = jnp.zeros((8, HID), f32).at[0:2, :].set(embed_tissue)
    cself, cWn, tself, v01 = _p1(
        embed_feat.astype(f32), et_p, W_c, row(b_c), row(gn_c_g), row(gn_c_b),
        W_t, row(b_t), row(gn_t_g), row(gn_t_b),
        Ws_t2c, row(b_t2c), Wn_c2t, Ws_c2t, row(b_c2t), Wn_t2c)

    padi = lambda v, val: jnp.concatenate(
        [v.astype(i32), jnp.full((EP - E,), val, i32)])
    padf = lambda v: jnp.concatenate([v, jnp.zeros((EP - E,), f32)])
    cid_sp = jnp.concatenate([cell_id.astype(i32),
                              jnp.zeros((CIDP - N_CELL,), i32)])
    sp = _p2(
        padi(src_c2t, 0), padi(dst_c2t, PAD_DST_C2T), padf(w_c2t),
        padi(src_t2c, 0), padi(dst_t2c, PAD_DST_T2C), padf(w_t2c),
        cid_sp, tissue_id.astype(i32))

    cid_p = jnp.concatenate([cell_id.astype(i32),
                             jnp.zeros((NP - N_CELL,), i32)])
    zpad = jnp.zeros((NP * 4 - N_CELL * 4,), f32)
    acc0_p = jnp.concatenate(
        [lax.dynamic_slice(sp, (ACC_BASE,), (N_CELL * 4,)), zpad]
    ).reshape(NP, 4)
    acc1_p = jnp.concatenate(
        [lax.dynamic_slice(sp, (SPMEM_WORDS + ACC_BASE,), (N_CELL * 4,)),
         zpad]).reshape(NP, 4)
    x = _p3(cid_p, cself)

    c0 = lax.dynamic_slice(sp, (0,), (HALF * CSTRIDE,))
    c1 = lax.dynamic_slice(sp, (SPMEM_WORDS,), (HALF * CSTRIDE,))
    c2 = jnp.concatenate([c0.reshape(HALF, CSTRIDE),
                          c1.reshape(HALF, CSTRIDE)], axis=0)
    tidb = jnp.broadcast_to(
        tissue_id.astype(f32).reshape(N_TISSUE, 1), (N_TISSUE, HID))
    t_out = _p5(c2, cWn, tself, tidb,
                gn1_g.reshape(1, HID), gn1_b.reshape(1, HID))

    return _p4(x, acc0_p, acc1_p, v01[0:1, :], v01[1:2, :],
               gn1_g.reshape(1, HID), gn1_b.reshape(1, HID), t_out)

# --- scband reference (transcript-rebuilt; emitter-appended) ---
"""Pipeline reference for scband-hetero-net-21543555956876 (READ-ONLY COPY).

The authoritative reference and input builder live on the scoring server;
editing this copy changes nothing except your own understanding.
"""

import jax, jax.numpy as jnp
import numpy as np

N_CELL = 100000
N_TISSUE = 1000
HID = 128
FEAT_SIZE = 2048
E = 300000

def groupnorm(x, gamma, beta, groups=4, eps=1e-5):
    n, c = x.shape
    xg = x.reshape(n, groups, c // groups)
    mu = xg.mean(axis=-1, keepdims=True)
    var = ((xg - mu) ** 2).mean(axis=-1, keepdims=True)
    xn = (xg - mu) / jnp.sqrt(var + eps)
    return xn.reshape(n, c) * gamma + beta

def _lin_init(k, shape):
    s = 1.0 / np.sqrt(shape[-1])
    return jax.random.uniform(k, shape, minval=-s, maxval=s, dtype=jnp.float32)

def setup_inputs(seed: int = 0):
    key = jax.random.key(seed)
    ks = jax.random.split(key, 32)
    inp = {}
    inp["cell_id"] = jax.random.randint(ks[0], (N_CELL,), 0, FEAT_SIZE)
    inp["tissue_id"] = jax.random.randint(ks[1], (N_TISSUE,), 0, 2)
    inp["src_c2t"] = jax.random.randint(ks[2], (E,), 0, N_CELL)
    inp["dst_c2t"] = jax.random.randint(ks[3], (E,), 0, N_TISSUE)
    inp["src_t2c"] = jax.random.randint(ks[4], (E,), 0, N_TISSUE)
    inp["dst_t2c"] = jax.random.randint(ks[5], (E,), 0, N_CELL)
    inp["w_c2t"] = jax.random.uniform(ks[6], (E,), dtype=jnp.float32)
    inp["w_t2c"] = jax.random.uniform(ks[7], (E,), dtype=jnp.float32)
    inp["embed_feat"] = jax.random.normal(ks[8], (FEAT_SIZE, HID), dtype=jnp.float32) * 0.02
    inp["embed_tissue"] = jax.random.normal(ks[9], (2, HID), dtype=jnp.float32) * 0.02
    inp["W_t"] = _lin_init(ks[10], (HID, HID))
    inp["b_t"] = jnp.zeros((HID,), jnp.float32)
    inp["W_c"] = _lin_init(ks[11], (HID, HID))
    inp["b_c"] = jnp.zeros((HID,), jnp.float32)
    inp["gn_t_g"] = jnp.ones((HID,), jnp.float32)
    inp["gn_t_b"] = jnp.zeros((HID,), jnp.float32)
    inp["gn_c_g"] = jnp.ones((HID,), jnp.float32)
    inp["gn_c_b"] = jnp.zeros((HID,), jnp.float32)
    inp["Ws_c2t"] = _lin_init(ks[12], (HID, HID))
    inp["Wn_c2t"] = _lin_init(ks[13], (HID, HID))
    inp["b_c2t"] = jnp.zeros((HID,), jnp.float32)
    inp["Ws_t2c"] = _lin_init(ks[14], (HID, HID))
    inp["Wn_t2c"] = _lin_init(ks[15], (HID, HID))
    inp["b_t2c"] = jnp.zeros((HID,), jnp.float32)
    inp["gn1_g"] = jnp.ones((HID,), jnp.float32)
    inp["gn1_b"] = jnp.zeros((HID,), jnp.float32)
    return inp

def _lrelu(x):
    return jnp.where(x >= 0, x, 0.01 * x)

def _sage(h_src, h_dst, src, dst, w, n_dst, Ws, Wn, b):
    # DGL SAGEConv 'mean' with edge_weight: neigh = mean over in-edges of (w_e * h_src)
    msg = jnp.take(h_src, src, axis=0) * w[:, None]
    ssum = jnp.zeros((n_dst, h_src.shape[1]), h_src.dtype).at[dst].add(msg)
    deg = jnp.zeros((n_dst,), h_src.dtype).at[dst].add(1.0)
    neigh = ssum / jnp.maximum(deg, 1.0)[:, None]
    return h_dst @ Ws.T + neigh @ Wn.T + b

def reference(cell_id, tissue_id, src_c2t, dst_c2t, src_t2c, dst_t2c, w_c2t, w_t2c, embed_feat, embed_tissue, W_t, b_t, W_c, b_c, gn_t_g, gn_t_b, gn_c_g, gn_c_b, Ws_c2t, Wn_c2t, b_c2t, Ws_t2c, Wn_t2c, b_t2c, gn1_g, gn1_b):
    # calculate_initial_embedding
    hcell = _lrelu(jnp.take(embed_feat, cell_id, axis=0))
    htis = _lrelu(jnp.take(embed_tissue, tissue_id, axis=0))
    # embedding_layers=2: one linear+GELU+GroupNorm per node type
    hcell = groupnorm(jax.nn.gelu(hcell @ W_c.T + b_c, approximate=False), gn_c_g, gn_c_b)
    htis = groupnorm(jax.nn.gelu(htis @ W_t.T + b_t, approximate=False), gn_t_g, gn_t_b)
    # HeteroGraphConv layer 0 (stack aggregate, one relation per dst type)
    t_out = _sage(hcell, htis, src_c2t, dst_c2t, w_c2t, N_TISSUE, Ws_c2t, Wn_c2t, b_c2t)
    c_out = _sage(htis, hcell, src_t2c, dst_t2c, w_t2c, N_CELL, Ws_t2c, Wn_t2c, b_t2c)
    # attention_agg: single-relation branch -> conv_norm[layer*len(edges)+1] (shared module)
    c_out = jax.nn.gelu(groupnorm(c_out, gn1_g, gn1_b), approximate=False)
    t_out = jax.nn.gelu(groupnorm(t_out, gn1_g, gn1_b), approximate=False)
    return jnp.concatenate([c_out, t_out], axis=0)

if __name__ == "__main__":
    import jax
    _d = setup_inputs()
    print(jax.jit(kernel)(*tuple(_d.values())))

</pallas_src>

<mosaic_0001>
#map = affine_map<(d0, d1) -> (0)>
module attributes {stable_mosaic.version = 14 : i64} {
  func.func @_p2_body(%arg0: i32, %arg1: i32, %arg2: memref<303104xi32, #tpu.memory_space<hbm>>, %arg3: memref<303104xi32, #tpu.memory_space<hbm>>, %arg4: memref<303104xf32, #tpu.memory_space<hbm>>, %arg5: memref<303104xi32, #tpu.memory_space<hbm>>, %arg6: memref<303104xi32, #tpu.memory_space<hbm>>, %arg7: memref<303104xf32, #tpu.memory_space<hbm>>, %arg8: memref<100352xi32, #tpu.memory_space<hbm>>, %arg9: memref<1000xi32, #tpu.memory_space<hbm>>, %arg10: memref<2867200xf32, #tpu.memory_space<hbm>>, %arg11: memref<1000xi32, #tpu.memory_space<vmem>>, %arg12: memref<2048xi32, #tpu.memory_space<vmem>>, %arg13: memref<2048xi32, #tpu.memory_space<vmem>>, %arg14: memref<2048xf32, #tpu.memory_space<vmem>>, %arg15: memref<2048xi32, #tpu.memory_space<vmem>>, %arg16: memref<2048xi32, #tpu.memory_space<vmem>>, %arg17: memref<2048xf32, #tpu.memory_space<vmem>>, %arg18: memref<2048xi32, #tpu.memory_space<vmem>>, %arg19: memref<2048xi32, #tpu.memory_space<vmem>>, %arg20: memref<2048xi32, #tpu.memory_space<vmem>>, %arg21: memref<2048xf32, #tpu.memory_space<vmem>>, %arg22: memref<5600xf32, #tpu.memory_space<vmem>>, %arg23: memref<6272xi32, #tpu.memory_space<vmem>>, %arg24: memref<!tpu.dma_semaphore, #tpu.memory_space<semaphore_mem>>, %arg25: memref<!tpu.dma_semaphore, #tpu.memory_space<semaphore_mem>>, %arg26: memref<1433600xf32, #tpu.memory_space<vmem_shared>>, %arg27: memref<100352xi32, #tpu.memory_space<vmem_shared>>) attributes {dimension_semantics = [#tpu.dimension_semantics<core_parallel>, #tpu.dimension_semantics<subcore_parallel>], iteration_bounds = array<i64: 2, 16>, scalar_prefetch = 0 : i64, scratch_operands = 17 : i64, tpu.core_type = #tpu.core_type<sc_vector_subcore>, window_params = [{transform_indices = #map}, {transform_indices = #map}, {transform_indices = #map}, {transform_indices = #map}, {transform_indices = #map}, {transform_indices = #map}, {transform_indices = #map}, {transform_indices = #map}, {transform_indices = #map}]} {
    %scan3A = arith.constant 0 : i32
    %scan3A_0 = arith.constant 0 : i32
    %scan3A_1 = arith.constant 350 : i32
    %scan3A_2 = arith.addi %scan3A_0, %scan3A_1 : i32
    %scan3A_3 = arith.constant 1 : i32
    %scan3A_4 = scf.for %scan3A_536 = %scan3A_0 to %scan3A_2 step %scan3A_3 iter_args(%scan3A_537 = %scan3A) -> (i32)  : i32 {
      %broadcast_in_dim3A = arith.constant 0.000000e+00 : f32
      %broadcast_in_dim3A_538 = vector.broadcast %broadcast_in_dim3A : f32 to vector<16xf32>
      %mul3A_539 = arith.constant 16 : i32
      %mul3A_540 = arith.muli %scan3A_536, %mul3A_539 : i32
      %swap3A = arith.index_cast %mul3A_540 : i32 to index
      %swap3A_541 = tpu.vector_load %arg22[%swap3A] {strides = array<i32>} : memref<5600xf32, #tpu.memory_space<vmem>>, vector<16xf32>,
      tpu.vector_store %arg22[%swap3A], %broadcast_in_dim3A_538 {strides = array<i32>} : memref<5600xf32, #tpu.memory_space<vmem>>, vector<16xf32>,
      %scan3A_542 = arith.constant 0 : i32
      scf.yield %scan3A_542 : i32
    }
    %scan3A_5 = arith.constant 350 : i32
    %scan3A_6 = arith.constant 0 : i32
    %scan3A_7 = arith.constant 0 : i32
    %scan3A_8 = arith.constant 128 : i32
    %scan3A_9 = arith.addi %scan3A_7, %scan3A_8 : i32
    %scan3A_10 = arith.constant 1 : i32
    %scan3A_11 = scf.for %scan3A_536 = %scan3A_7 to %scan3A_9 step %scan3A_10 iter_args(%scan3A_537 = %scan3A_6) -> (i32)  : i32 {
      %broadcast_in_dim3A = arith.constant 1.000000e+00 : f32
      %broadcast_in_dim3A_538 = vector.broadcast %broadcast_in_dim3A : f32 to vector<16xf32>
      %mul3A_539 = arith.constant 16 : i32
      %mul3A_540 = arith.muli %scan3A_536, %mul3A_539 : i32
      %swap3A = arith.index_cast %mul3A_540 : i32 to index
      %swap3A_541 = tpu.vector_load %arg21[%swap3A] {strides = array<i32>} : memref<2048xf32, #tpu.memory_space<vmem>>, vector<16xf32>,
      tpu.vector_store %arg21[%swap3A], %broadcast_in_dim3A_538 {strides = array<i32>} : memref<2048xf32, #tpu.memory_space<vmem>>, vector<16xf32>,
      %scan3A_542 = arith.constant 0 : i32
      scf.yield %scan3A_542 : i32
    }
    %scan3A_12 = arith.constant 128 : i32
    %mul3A = arith.constant 89600 : i32
    %mul3A_13 = arith.muli %arg1, %mul3A : i32
    %add3A = arith.constant 0 : i32
    %add3A_14 = arith.addi %mul3A_13, %add3A : i32
    "tpu.region"() ({
      %run_scoped3A = tpu.sem_alloc : memref<!tpu.dma_semaphore, #tpu.memory_space<semaphore_mem>>
      %dma_start3A_536 = tpu.memref_slice %arg26[%add3A_14] : memref<1433600xf32, #tpu.memory_space<vmem_shared>> -> memref<5600xf32, #tpu.memory_space<vmem_shared>>
      %dma_start3A_537 = tpu.memref_slice %arg26[%add3A_14] : memref<1433600xf32, #tpu.memory_space<vmem_shared>> -> memref<5600xf32, #tpu.memory_space<vmem_shared>>
      tpu.enqueue_dma source(%arg22 : memref<5600xf32, #tpu.memory_space<vmem>>) target(%dma_start3A_537 : memref<5600xf32, #tpu.memory_space<vmem_shared>>) target_semaphore(%run_scoped3A : memref<!tpu.dma_semaphore, #tpu.memory_space<semaphore_mem>>)
      %dma_wait3A_538 = tpu.memref_slice %arg26[%add3A_14] : memref<1433600xf32, #tpu.memory_space<vmem_shared>> -> memref<5600xf32, #tpu.memory_space<vmem_shared>>
      %dma_wait3A_539 = tpu.memref_slice %arg26[%add3A_14] : memref<1433600xf32, #tpu.memory_space<vmem_shared>> -> memref<5600xf32, #tpu.memory_space<vmem_shared>>
      tpu.wait_dma2 semaphore(%run_scoped3A : memref<!tpu.dma_semaphore, #tpu.memory_space<semaphore_mem>>) src(%arg22 : memref<5600xf32, #tpu.memory_space<vmem>>) dst(%dma_wait3A_539 : memref<5600xf32, #tpu.memory_space<vmem_shared>>)
      tpu.yield
    }) : () -> ()
    %add3A_15 = arith.constant 5600 : i32
    %add3A_16 = arith.addi %mul3A_13, %add3A_15 : i32
    "tpu.region"() ({
      %run_scoped3A = tpu.sem_alloc : memref<!tpu.dma_semaphore, #tpu.memory_space<semaphore_mem>>
      %dma_start3A_536 = tpu.memref_slice %arg26[%add3A_16] : memref<1433600xf32, #tpu.memory_space<vmem_shared>> -> memref<5600xf32, #tpu.memory_space<vmem_shared>>
      %dma_start3A_537 = tpu.memref_slice %arg26[%add3A_16] : memref<1433600xf32, #tpu.memory_space<vmem_shared>> -> memref<5600xf32, #tpu.memory_space<vmem_shared>>
      tpu.enqueue_dma source(%arg22 : memref<5600xf32, #tpu.memory_space<vmem>>) target(%dma_start3A_537 : memref<5600xf32, #tpu.memory_space<vmem_shared>>) target_semaphore(%run_scoped3A : memref<!tpu.dma_semaphore, #tpu.memory_space<semaphore_mem>>)
      %dma_wait3A_538 = tpu.memref_slice %arg26[%add3A_16] : memref<1433600xf32, #tpu.memory_space<vmem_shared>> -> memref<5600xf32, #tpu.memory_space<vmem_shared>>
      %dma_wait3A_539 = tpu.memref_slice %arg26[%add3A_16] : memref<1433600xf32, #tpu.memory_space<vmem_shared>> -> memref<5600xf32, #tpu.memory_space<vmem_shared>>
      tpu.wait_dma2 semaphore(%run_scoped3A : memref<!tpu.dma_semaphore, #tpu.memory_space<semaphore_mem>>) src(%arg22 : memref<5600xf32, #tpu.memory_space<vmem>>) dst(%dma_wait3A_539 : memref<5600xf32, #tpu.memory_space<vmem_shared>>)
      tpu.yield
    }) : () -> ()
    %add3A_17 = arith.constant 11200 : i32
    %add3A_18 = arith.addi %mul3A_13, %add3A_17 : i32
    "tpu.region"() ({
      %run_scoped3A = tpu.sem_alloc : memref<!tpu.dma_semaphore, #tpu.memory_space<semaphore_mem>>
      %dma_start3A_536 = tpu.memref_slice %arg26[%add3A_18] : memref<1433600xf32, #tpu.memory_space<vmem_shared>> -> memref<5600xf32, #tpu.memory_space<vmem_shared>>
      %dma_start3A_537 = tpu.memref_slice %arg26[%add3A_18] : memref<1433600xf32, #tpu.memory_space<vmem_shared>> -> memref<5600xf32, #tpu.memory_space<vmem_shared>>
      tpu.enqueue_dma source(%arg22 : memref<5600xf32, #tpu.memory_space<vmem>>) target(%dma_start3A_537 : memref<5600xf32, #tpu.memory_space<vmem_shared>>) target_semaphore(%run_scoped3A : memref<!tpu.dma_semaphore, #tpu.memory_space<semaphore_mem>>)
      %dma_wait3A_538 = tpu.memref_slice %arg26[%add3A_18] : memref<1433600xf32, #tpu.memory_space<vmem_shared>> -> memref<5600xf32, #tpu.memory_space<vmem_shared>>
      %dma_wait3A_539 = tpu.memref_slice %arg26[%add3A_18] : memref<1433600xf32, #tpu.memory_space<vmem_shared>> -> memref<5600xf32, #tpu.memory_space<vmem_shared>>
      tpu.wait_dma2 semaphore(%run_scoped3A : memref<!tpu.dma_semaphore, #tpu.memory_space<semaphore_mem>>) src(%arg22 : memref<5600xf32, #tpu.memory_space<vmem>>) dst(%dma_wait3A_539 : memref<5600xf32, #tpu.memory_space<vmem_shared>>)
      tpu.yield
    }) : () -> ()
    %add3A_19 = arith.constant 16800 : i32
    %add3A_20 = arith.addi %mul3A_13, %add3A_19 : i32
    "tpu.region"() ({
      %run_scoped3A = tpu.sem_alloc : memref<!tpu.dma_semaphore, #tpu.memory_space<semaphore_mem>>
      %dma_start3A_536 = tpu.memref_slice %arg26[%add3A_20] : memref<1433600xf32, #tpu.memory_space<vmem_shared>> -> memref<5600xf32, #tpu.memory_space<vmem_shared>>
      %dma_start3A_537 = tpu.memref_slice %arg26[%add3A_20] : memref<1433600xf32, #tpu.memory_space<vmem_shared>> -> memref<5600xf32, #tpu.memory_space<vmem_shared>>
      tpu.enqueue_dma source(%arg22 : memref<5600xf32, #tpu.memory_space<vmem>>) target(%dma_start3A_537 : memref<5600xf32, #tpu.memory_space<vmem_shared>>) target_semaphore(%run_scoped3A : memref<!tpu.dma_semaphore, #tpu.memory_space<semaphore_mem>>)
      %dma_wait3A_538 = tpu.memref_slice %arg26[%add3A_20] : memref<1433600xf32, #tpu.memory_space<vmem_shared>> -> memref<5600xf32, #tpu.memory_space<vmem_shared>>
      %dma_wait3A_539 = tpu.memref_slice %arg26[%add3A_20] : memref<1433600xf32, #tpu.memory_space<vmem_shared>> -> memref<5600xf32, #tpu.memory_space<vmem_shared>>
      tpu.wait_dma2 semaphore(%run_scoped3A : memref<!tpu.dma_semaphore, #tpu.memory_space<semaphore_mem>>) src(%arg22 : memref<5600xf32, #tpu.memory_space<vmem>>) dst(%dma_wait3A_539 : memref<5600xf32, #tpu.memory_space<vmem_shared>>)
      tpu.yield
    }) : () -> ()
    %add3A_21 = arith.constant 22400 : i32
    %add3A_22 = arith.addi %mul3A_13, %add3A_21 : i32
    "tpu.region"() ({
      %run_scoped3A = tpu.sem_alloc : memref<!tpu.dma_semaphore, #tpu.memory_space<semaphore_mem>>
      %dma_start3A_536 = tpu.memref_slice %arg26[%add3A_22] : memref<1433600xf32, #tpu.memory_space<vmem_shared>> -> memref<5600xf32, #tpu.memory_space<vmem_shared>>
      %dma_start3A_537 = tpu.memref_slice %arg26[%add3A_22] : memref<1433600xf32, #tpu.memory_space<vmem_shared>> -> memref<5600xf32, #tpu.memory_space<vmem_shared>>
      tpu.enqueue_dma source(%arg22 : memref<5600xf32, #tpu.memory_space<vmem>>) target(%dma_start3A_537 : memref<5600xf32, #tpu.memory_space<vmem_shared>>) target_semaphore(%run_scoped3A : memref<!tpu.dma_semaphore, #tpu.memory_space<semaphore_mem>>)
      %dma_wait3A_538 = tpu.memref_slice %arg26[%add3A_22] : memref<1433600xf32, #tpu.memory_space<vmem_shared>> -> memref<5600xf32, #tpu.memory_space<vmem_shared>>
      %dma_wait3A_539 = tpu.memref_slice %arg26[%add3A_22] : memref<1433600xf32, #tpu.memory_space<vmem_shared>> -> memref<5600xf32, #tpu.memory_space<vmem_shared>>
      tpu.wait_dma2 semaphore(%run_scoped3A : memref<!tpu.dma_semaphore, #tpu.memory_space<semaphore_mem>>) src(%arg22 : memref<5600xf32, #tpu.memory_space<vmem>>) dst(%dma_wait3A_539 : memref<5600xf32, #tpu.memory_space<vmem_shared>>)
      tpu.yield
    }) : () -> ()
    %add3A_23 = arith.constant 28000 : i32
    %add3A_24 = arith.addi %mul3A_13, %add3A_23 : i32
    "tpu.region"() ({
      %run_scoped3A = tpu.sem_alloc : memref<!tpu.dma_semaphore, #tpu.memory_space<semaphore_mem>>
      %dma_start3A_536 = tpu.memref_slice %arg26[%add3A_24] : memref<1433600xf32, #tpu.memory_space<vmem_shared>> -> memref<5600xf32, #tpu.memory_space<vmem_shared>>
      %dma_start3A_537 = tpu.memref_slice %arg26[%add3A_24] : memref<1433600xf32, #tpu.memory_space<vmem_shared>> -> memref<5600xf32, #tpu.memory_space<vmem_shared>>
      tpu.enqueue_dma source(%arg22 : memref<5600xf32, #tpu.memory_space<vmem>>) target(%dma_start3A_537 : memref<5600xf32, #tpu.memory_space<vmem_shared>>) target_semaphore(%run_scoped3A : memref<!tpu.dma_semaphore, #tpu.memory_space<semaphore_mem>>)
      %dma_wait3A_538 = tpu.memref_slice %arg26[%add3A_24] : memref<1433600xf32, #tpu.memory_space<vmem_shared>> -> memref<5600xf32, #tpu.memory_space<vmem_shared>>
      %dma_wait3A_539 = tpu.memref_slice %arg26[%add3A_24] : memref<1433600xf32, #tpu.memory_space<vmem_shared>> -> memref<5600xf32, #tpu.memory_space<vmem_shared>>
      tpu.wait_dma2 semaphore(%run_scoped3A : memref<!tpu.dma_semaphore, #tpu.memory_space<semaphore_mem>>) src(%arg22 : memref<5600xf32, #tpu.memory_space<vmem>>) dst(%dma_wait3A_539 : memref<5600xf32, #tpu.memory_space<vmem_shared>>)
      tpu.yield
    }) : () -> ()
    %add3A_25 = arith.constant 33600 : i32
    %add3A_26 = arith.addi %mul3A_13, %add3A_25 : i32
    "tpu.region"() ({
      %run_scoped3A = tpu.sem_alloc : memref<!tpu.dma_semaphore, #tpu.memory_space<semaphore_mem>>
      %dma_start3A_536 = tpu.memref_slice %arg26[%add3A_26] : memref<1433600xf32, #tpu.memory_space<vmem_shared>> -> memref<5600xf32, #tpu.memory_space<vmem_shared>>
      %dma_start3A_537 = tpu.memref_slice %arg26[%add3A_26] : memref<1433600xf32, #tpu.memory_space<vmem_shared>> -> memref<5600xf32, #tpu.memory_space<vmem_shared>>
      tpu.enqueue_dma source(%arg22 : memref<5600xf32, #tpu.memory_space<vmem>>) target(%dma_start3A_537 : memref<5600xf32, #tpu.memory_space<vmem_shared>>) target_semaphore(%run_scoped3A : memref<!tpu.dma_semaphore, #tpu.memory_space<semaphore_mem>>)
      %dma_wait3A_538 = tpu.memref_slice %arg26[%add3A_26] : memref<1433600xf32, #tpu.memory_space<vmem_shared>> -> memref<5600xf32, #tpu.memory_space<vmem_shared>>
      %dma_wait3A_539 = tpu.memref_slice %arg26[%add3A_26] : memref<1433600xf32, #tpu.memory_space<vmem_shared>> -> memref<5600xf32, #tpu.memory_space<vmem_shared>>
      tpu.wait_dma2 semaphore(%run_scoped3A : memref<!tpu.dma_semaphore, #tpu.memory_space<semaphore_mem>>) src(%arg22 : memref<5600xf32, #tpu.memory_space<vmem>>) dst(%dma_wait3A_539 : memref<5600xf32, #tpu.memory_space<vmem_shared>>)
      tpu.yield
    }) : () -> ()
    %add3A_27 = arith.constant 39200 : i32
    %add3A_28 = arith.addi %mul3A_13, %add3A_27 : i32
    "tpu.region"() ({
      %run_scoped3A = tpu.sem_alloc : memref<!tpu.dma_semaphore, #tpu.memory_space<semaphore_mem>>
      %dma_start3A_536 = tpu.memref_slice %arg26[%add3A_28] : memref<1433600xf32, #tpu.memory_space<vmem_shared>> -> memref<5600xf32, #tpu.memory_space<vmem_shared>>
      %dma_start3A_537 = tpu.memref_slice %arg26[%add3A_28] : memref<1433600xf32, #tpu.memory_space<vmem_shared>> -> memref<5600xf32, #tpu.memory_space<vmem_shared>>
      tpu.enqueue_dma source(%arg22 : memref<5600xf32, #tpu.memory_space<vmem>>) target(%dma_start3A_537 : memref<5600xf32, #tpu.memory_space<vmem_shared>>) target_semaphore(%run_scoped3A : memref<!tpu.dma_semaphore, #tpu.memory_space<semaphore_mem>>)
      %dma_wait3A_538 = tpu.memref_slice %arg26[%add3A_28] : memref<1433600xf32, #tpu.memory_space<vmem_shared>> -> memref<5600xf32, #tpu.memory_space<vmem_shared>>
      %dma_wait3A_539 = tpu.memref_slice %arg26[%add3A_28] : memref<1433600xf32, #tpu.memory_space<vmem_shared>> -> memref<5600xf32, #tpu.memory_space<vmem_shared>>
      tpu.wait_dma2 semaphore(%run_scoped3A : memref<!tpu.dma_semaphore, #tpu.memory_space<semaphore_mem>>) src(%arg22 : memref<5600xf32, #tpu.memory_space<vmem>>) dst(%dma_wait3A_539 : memref<5600xf32, #tpu.memory_space<vmem_shared>>)
      tpu.yield
    }) : () -> ()
    %add3A_29 = arith.constant 44800 : i32
    %add3A_30 = arith.addi %mul3A_13, %add3A_29 : i32
    "tpu.region"() ({
      %run_scoped3A = tpu.sem_alloc : memref<!tpu.dma_semaphore, #tpu.memory_space<semaphore_mem>>
      %dma_start3A_536 = tpu.memref_slice %arg26[%add3A_30] : memref<1433600xf32, #tpu.memory_space<vmem_shared>> -> memref<5600xf32, #tpu.memory_space<vmem_shared>>
      %dma_start3A_537 = tpu.memref_slice %arg26[%add3A_30] : memref<1433600xf32, #tpu.memory_space<vmem_shared>> -> memref<5600xf32, #tpu.memory_space<vmem_shared>>
      tpu.enqueue_dma source(%arg22 : memref<5600xf32, #tpu.memory_space<vmem>>) target(%dma_start3A_537 : memref<5600xf32, #tpu.memory_space<vmem_shared>>) target_semaphore(%run_scoped3A : memref<!tpu.dma_semaphore, #tpu.memory_space<semaphore_mem>>)
      %dma_wait3A_538 = tpu.memref_slice %arg26[%add3A_30] : memref<1433600xf32, #tpu.memory_space<vmem_shared>> -> memref<5600xf32, #tpu.memory_space<vmem_shared>>
      %dma_wait3A_539 = tpu.memref_slice %arg26[%add3A_30] : memref<1433600xf32, #tpu.memory_space<vmem_shared>> -> memref<5600xf32, #tpu.memory_space<vmem_shared>>
      tpu.wait_dma2 semaphore(%run_scoped3A : memref<!tpu.dma_semaphore, #tpu.memory_space<semaphore_mem>>) src(%arg22 : memref<5600xf32, #tpu.memory_space<vmem>>) dst(%dma_wait3A_539 : memref<5600xf32, #tpu.memory_space<vmem_shared>>)
      tpu.yield
    }) : () -> ()
    %add3A_31 = arith.constant 50400 : i32
    %add3A_32 = arith.addi %mul3A_13, %add3A_31 : i32
    "tpu.region"() ({
      %run_scoped3A = tpu.sem_alloc : memref<!tpu.dma_semaphore, #tpu.memory_space<semaphore_mem>>
      %dma_start3A_536 = tpu.memref_slice %arg26[%add3A_32] : memref<1433600xf32, #tpu.memory_space<vmem_shared>> -> memref<5600xf32, #tpu.memory_space<vmem_shared>>
      %dma_start3A_537 = tpu.memref_slice %arg26[%add3A_32] : memref<1433600xf32, #tpu.memory_space<vmem_shared>> -> memref<5600xf32, #tpu.memory_space<vmem_shared>>
      tpu.enqueue_dma source(%arg22 : memref<5600xf32, #tpu.memory_space<vmem>>) target(%dma_start3A_537 : memref<5600xf32, #tpu.memory_space<vmem_shared>>) target_semaphore(%run_scoped3A : memref<!tpu.dma_semaphore, #tpu.memory_space<semaphore_mem>>)
      %dma_wait3A_538 = tpu.memref_slice %arg26[%add3A_32] : memref<1433600xf32, #tpu.memory_space<vmem_shared>> -> memref<5600xf32, #tpu.memory_space<vmem_shared>>
      %dma_wait3A_539 = tpu.memref_slice %arg26[%add3A_32] : memref<1433600xf32, #tpu.memory_space<vmem_shared>> -> memref<5600xf32, #tpu.memory_space<vmem_shared>>
      tpu.wait_dma2 semaphore(%run_scoped3A : memref<!tpu.dma_semaphore, #tpu.memory_space<semaphore_mem>>) src(%arg22 : memref<5600xf32, #tpu.memory_space<vmem>>) dst(%dma_wait3A_539 : memref<5600xf32, #tpu.memory_space<vmem_shared>>)
      tpu.yield
    }) : () -> ()
    %add3A_33 = arith.constant 56000 : i32
    %add3A_34 = arith.addi %mul3A_13, %add3A_33 : i32
    "tpu.region"() ({
      %run_scoped3A = tpu.sem_alloc : memref<!tpu.dma_semaphore, #tpu.memory_space<semaphore_mem>>
      %dma_start3A_536 = tpu.memref_slice %arg26[%add3A_34] : memref<1433600xf32, #tpu.memory_space<vmem_shared>> -> memref<5600xf32, #tpu.memory_space<vmem_shared>>
      %dma_start3A_537 = tpu.memref_slice %arg26[%add3A_34] : memref<1433600xf32, #tpu.memory_space<vmem_shared>> -> memref<5600xf32, #tpu.memory_space<vmem_shared>>
      tpu.enqueue_dma source(%arg22 : memref<5600xf32, #tpu.memory_space<vmem>>) target(%dma_start3A_537 : memref<5600xf32, #tpu.memory_space<vmem_shared>>) target_semaphore(%run_scoped3A : memref<!tpu.dma_semaphore, #tpu.memory_space<semaphore_mem>>)
      %dma_wait3A_538 = tpu.memref_slice %arg26[%add3A_34] : memref<1433600xf32, #tpu.memory_space<vmem_shared>> -> memref<5600xf32, #tpu.memory_space<vmem_shared>>
      %dma_wait3A_539 = tpu.memref_slice %arg26[%add3A_34] : memref<1433600xf32, #tpu.memory_space<vmem_shared>> -> memref<5600xf32, #tpu.memory_space<vmem_shared>>
      tpu.wait_dma2 semaphore(%run_scoped3A : memref<!tpu.dma_semaphore, #tpu.memory_space<semaphore_mem>>) src(%arg22 : memref<5600xf32, #tpu.memory_space<vmem>>) dst(%dma_wait3A_539 : memref<5600xf32, #tpu.memory_space<vmem_shared>>)
      tpu.yield
    }) : () -> ()
    %add3A_35 = arith.constant 61600 : i32
    %add3A_36 = arith.addi %mul3A_13, %add3A_35 : i32
    "tpu.region"() ({
      %run_scoped3A = tpu.sem_alloc : memref<!tpu.dma_semaphore, #tpu.memory_space<semaphore_mem>>
      %dma_start3A_536 = tpu.memref_slice %arg26[%add3A_36] : memref<1433600xf32, #tpu.memory_space<vmem_shared>> -> memref<5600xf32, #tpu.memory_space<vmem_shared>>
      %dma_start3A_537 = tpu.memref_slice %arg26[%add3A_36] : memref<1433600xf32, #tpu.memory_space<vmem_shared>> -> memref<5600xf32, #tpu.memory_space<vmem_shared>>
      tpu.enqueue_dma source(%arg22 : memref<5600xf32, #tpu.memory_space<vmem>>) target(%dma_start3A_537 : memref<5600xf32, #tpu.memory_space<vmem_shared>>) target_semaphore(%run_scoped3A : memref<!tpu.dma_semaphore, #tpu.memory_space<semaphore_mem>>)
      %dma_wait3A_538 = tpu.memref_slice %arg26[%add3A_36] : memref<1433600xf32, #tpu.memory_space<vmem_shared>> -> memref<5600xf32, #tpu.memory_space<vmem_shared>>
      %dma_wait3A_539 = tpu.memref_slice %arg26[%add3A_36] : memref<1433600xf32, #tpu.memory_space<vmem_shared>> -> memref<5600xf32, #tpu.memory_space<vmem_shared>>
      tpu.wait_dma2 semaphore(%run_scoped3A : memref<!tpu.dma_semaphore, #tpu.memory_space<semaphore_mem>>) src(%arg22 : memref<5600xf32, #tpu.memory_space<vmem>>) dst(%dma_wait3A_539 : memref<5600xf32, #tpu.memory_space<vmem_shared>>)
      tpu.yield
    }) : () -> ()
    %add3A_37 = arith.constant 67200 : i32
    %add3A_38 = arith.addi %mul3A_13, %add3A_37 : i32
    "tpu.region"() ({
      %run_scoped3A = tpu.sem_alloc : memref<!tpu.dma_semaphore, #tpu.memory_space<semaphore_mem>>
      %dma_start3A_536 = tpu.memref_slice %arg26[%add3A_38] : memref<1433600xf32, #tpu.memory_space<vmem_shared>> -> memref<5600xf32, #tpu.memory_space<vmem_shared>>
      %dma_start3A_537 = tpu.memref_slice %arg26[%add3A_38] : memref<1433600xf32, #tpu.memory_space<vmem_shared>> -> memref<5600xf32, #tpu.memory_space<vmem_shared>>
      tpu.enqueue_dma source(%arg22 : memref<5600xf32, #tpu.memory_space<vmem>>) target(%dma_start3A_537 : memref<5600xf32, #tpu.memory_space<vmem_shared>>) target_semaphore(%run_scoped3A : memref<!tpu.dma_semaphore, #tpu.memory_space<semaphore_mem>>)
      %dma_wait3A_538 = tpu.memref_slice %arg26[%add3A_38] : memref<1433600xf32, #tpu.memory_space<vmem_shared>> -> memref<5600xf32, #tpu.memory_space<vmem_shared>>
      %dma_wait3A_539 = tpu.memref_slice %arg26[%add3A_38] : memref<1433600xf32, #tpu.memory_space<vmem_shared>> -> memref<5600xf32, #tpu.memory_space<vmem_shared>>
      tpu.wait_dma2 semaphore(%run_scoped3A : memref<!tpu.dma_semaphore, #tpu.memory_space<semaphore_mem>>) src(%arg22 : memref<5600xf32, #tpu.memory_space<vmem>>) dst(%dma_wait3A_539 : memref<5600xf32, #tpu.memory_space<vmem_shared>>)
      tpu.yield
    }) : () -> ()
    %add3A_39 = arith.constant 72800 : i32
    %add3A_40 = arith.addi %mul3A_13, %add3A_39 : i32
    "tpu.region"() ({
      %run_scoped3A = tpu.sem_alloc : memref<!tpu.dma_semaphore, #tpu.memory_space<semaphore_mem>>
      %dma_start3A_536 = tpu.memref_slice %arg26[%add3A_40] : memref<1433600xf32, #tpu.memory_space<vmem_shared>> -> memref<5600xf32, #tpu.memory_space<vmem_shared>>
      %dma_start3A_537 = tpu.memref_slice %arg26[%add3A_40] : memref<1433600xf32, #tpu.memory_space<vmem_shared>> -> memref<5600xf32, #tpu.memory_space<vmem_shared>>
      tpu.enqueue_dma source(%arg22 : memref<5600xf32, #tpu.memory_space<vmem>>) target(%dma_start3A_537 : memref<5600xf32, #tpu.memory_space<vmem_shared>>) target_semaphore(%run_scoped3A : memref<!tpu.dma_semaphore, #tpu.memory_space<semaphore_mem>>)
      %dma_wait3A_538 = tpu.memref_slice %arg26[%add3A_40] : memref<1433600xf32, #tpu.memory_space<vmem_shared>> -> memref<5600xf32, #tpu.memory_space<vmem_shared>>
      %dma_wait3A_539 = tpu.memref_slice %arg26[%add3A_40] : memref<1433600xf32, #tpu.memory_space<vmem_shared>> -> memref<5600xf32, #tpu.memory_space<vmem_shared>>
      tpu.wait_dma2 semaphore(%run_scoped3A : memref<!tpu.dma_semaphore, #tpu.memory_space<semaphore_mem>>) src(%arg22 : memref<5600xf32, #tpu.memory_space<vmem>>) dst(%dma_wait3A_539 : memref<5600xf32, #tpu.memory_space<vmem_shared>>)
      tpu.yield
    }) : () -> ()
    %add3A_41 = arith.constant 78400 : i32
    %add3A_42 = arith.addi %mul3A_13, %add3A_41 : i32
    "tpu.region"() ({
      %run_scoped3A = tpu.sem_alloc : memref<!tpu.dma_semaphore, #tpu.memory_space<semaphore_mem>>
      %dma_start3A_536 = tpu.memref_slice %arg26[%add3A_42] : memref<1433600xf32, #tpu.memory_space<vmem_shared>> -> memref<5600xf32, #tpu.memory_space<vmem_shared>>
      %dma_start3A_537 = tpu.memref_slice %arg26[%add3A_42] : memref<1433600xf32, #tpu.memory_space<vmem_shared>> -> memref<5600xf32, #tpu.memory_space<vmem_shared>>
      tpu.enqueue_dma source(%arg22 : memref<5600xf32, #tpu.memory_space<vmem>>) target(%dma_start3A_537 : memref<5600xf32, #tpu.memory_space<vmem_shared>>) target_semaphore(%run_scoped3A : memref<!tpu.dma_semaphore, #tpu.memory_space<semaphore_mem>>)
      %dma_wait3A_538 = tpu.memref_slice %arg26[%add3A_42] : memref<1433600xf32, #tpu.memory_space<vmem_shared>> -> memref<5600xf32, #tpu.memory_space<vmem_shared>>
      %dma_wait3A_539 = tpu.memref_slice %arg26[%add3A_42] : memref<1433600xf32, #tpu.memory_space<vmem_shared>> -> memref<5600xf32, #tpu.memory_space<vmem_shared>>
      tpu.wait_dma2 semaphore(%run_scoped3A : memref<!tpu.dma_semaphore, #tpu.memory_space<semaphore_mem>>) src(%arg22 : memref<5600xf32, #tpu.memory_space<vmem>>) dst(%dma_wait3A_539 : memref<5600xf32, #tpu.memory_space<vmem_shared>>)
      tpu.yield
    }) : () -> ()
    %add3A_43 = arith.constant 84000 : i32
    %add3A_44 = arith.addi %mul3A_13, %add3A_43 : i32
    "tpu.region"() ({
      %run_scoped3A = tpu.sem_alloc : memref<!tpu.dma_semaphore, #tpu.memory_space<semaphore_mem>>
      %dma_start3A_536 = tpu.memref_slice %arg26[%add3A_44] : memref<1433600xf32, #tpu.memory_space<vmem_shared>> -> memref<5600xf32, #tpu.memory_space<vmem_shared>>
      %dma_start3A_537 = tpu.memref_slice %arg26[%add3A_44] : memref<1433600xf32, #tpu.memory_space<vmem_shared>> -> memref<5600xf32, #tpu.memory_space<vmem_shared>>
      tpu.enqueue_dma source(%arg22 : memref<5600xf32, #tpu.memory_space<vmem>>) target(%dma_start3A_537 : memref<5600xf32, #tpu.memory_space<vmem_shared>>) target_semaphore(%run_scoped3A : memref<!tpu.dma_semaphore, #tpu.memory_space<semaphore_mem>>)
      %dma_wait3A_538 = tpu.memref_slice %arg26[%add3A_44] : memref<1433600xf32, #tpu.memory_space<vmem_shared>> -> memref<5600xf32, #tpu.memory_space<vmem_shared>>
      %dma_wait3A_539 = tpu.memref_slice %arg26[%add3A_44] : memref<1433600xf32, #tpu.memory_space<vmem_shared>> -> memref<5600xf32, #tpu.memory_space<vmem_shared>>
      tpu.wait_dma2 semaphore(%run_scoped3A : memref<!tpu.dma_semaphore, #tpu.memory_space<semaphore_mem>>) src(%arg22 : memref<5600xf32, #tpu.memory_space<vmem>>) dst(%dma_wait3A_539 : memref<5600xf32, #tpu.memory_space<vmem_shared>>)
      tpu.yield
    }) : () -> ()
    %mul3A_45 = arith.constant 6272 : i32
    %mul3A_46 = arith.muli %arg1, %mul3A_45 : i32
    "tpu.region"() ({
      %run_scoped3A = tpu.sem_alloc : memref<!tpu.dma_semaphore, #tpu.memory_space<semaphore_mem>>
      %dma_start3A_536 = tpu.memref_slice %arg8[%mul3A_46] : memref<100352xi32, #tpu.memory_space<hbm>> -> memref<6272xi32, #tpu.memory_space<hbm>>
      %dma_start3A_537 = tpu.memref_slice %arg8[%mul3A_46] : memref<100352xi32, #tpu.memory_space<hbm>> -> memref<6272xi32, #tpu.memory_space<hbm>>
      tpu.enqueue_dma source(%dma_start3A_537 : memref<6272xi32, #tpu.memory_space<hbm>>) target(%arg23 : memref<6272xi32, #tpu.memory_space<vmem>>) target_semaphore(%run_scoped3A : memref<!tpu.dma_semaphore, #tpu.memory_space<semaphore_mem>>)
      %dma_wait3A_538 = tpu.memref_slice %arg8[%mul3A_46] : memref<100352xi32, #tpu.memory_space<hbm>> -> memref<6272xi32, #tpu.memory_space<hbm>>
      %dma_wait3A_539 = tpu.memref_slice %arg8[%mul3A_46] : memref<100352xi32, #tpu.memory_space<hbm>> -> memref<6272xi32, #tpu.memory_space<hbm>>
      tpu.wait_dma2 semaphore(%run_scoped3A : memref<!tpu.dma_semaphore, #tpu.memory_space<semaphore_mem>>) src(%dma_wait3A_539 : memref<6272xi32, #tpu.memory_space<hbm>>) dst(%arg23 : memref<6272xi32, #tpu.memory_space<vmem>>)
      tpu.yield
    }) : () -> ()
    %mul3A_47 = arith.constant 6272 : i32
    %mul3A_48 = arith.muli %arg1, %mul3A_47 : i32
    "tpu.region"() ({
      %run_scoped3A = tpu.sem_alloc : memref<!tpu.dma_semaphore, #tpu.memory_space<semaphore_mem>>
      %dma_start3A_536 = tpu.memref_slice %arg27[%mul3A_48] : memref<100352xi32, #tpu.memory_space<vmem_shared>> -> memref<6272xi32, #tpu.memory_space<vmem_shared>>
      %dma_start3A_537 = tpu.memref_slice %arg27[%mul3A_48] : memref<100352xi32, #tpu.memory_space<vmem_shared>> -> memref<6272xi32, #tpu.memory_space<vmem_shared>>
      tpu.enqueue_dma source(%arg23 : memref<6272xi32, #tpu.memory_space<vmem>>) target(%dma_start3A_537 : memref<6272xi32, #tpu.memory_space<vmem_shared>>) target_semaphore(%run_scoped3A : memref<!tpu.dma_semaphore, #tpu.memory_space<semaphore_mem>>)
      %dma_wait3A_538 = tpu.memref_slice %arg27[%mul3A_48] : memref<100352xi32, #tpu.memory_space<vmem_shared>> -> memref<6272xi32, #tpu.memory_space<vmem_shared>>
      %dma_wait3A_539 = tpu.memref_slice %arg27[%mul3A_48] : memref<100352xi32, #tpu.memory_space<vmem_shared>> -> memref<6272xi32, #tpu.memory_space<vmem_shared>>
      tpu.wait_dma2 semaphore(%run_scoped3A : memref<!tpu.dma_semaphore, #tpu.memory_space<semaphore_mem>>) src(%arg23 : memref<6272xi32, #tpu.memory_space<vmem>>) dst(%dma_wait3A_539 : memref<6272xi32, #tpu.memory_space<vmem_shared>>)
      tpu.yield
    }) : () -> ()
    "tpu.region"() ({
      %run_scoped3A = tpu.sem_alloc : memref<!tpu.dma_semaphore, #tpu.memory_space<semaphore_mem>>
      tpu.enqueue_dma source(%arg9 : memref<1000xi32, #tpu.memory_space<hbm>>) target(%arg11 : memref<1000xi32, #tpu.memory_space<vmem>>) target_semaphore(%run_scoped3A : memref<!tpu.dma_semaphore, #tpu.memory_space<semaphore_mem>>)
      tpu.wait_dma2 semaphore(%run_scoped3A : memref<!tpu.dma_semaphore, #tpu.memory_space<semaphore_mem>>) src(%arg9 : memref<1000xi32, #tpu.memory_space<hbm>>) dst(%arg11 : memref<1000xi32, #tpu.memory_space<vmem>>)
      tpu.yield
    }) : () -> ()
    %barrier3A = arith.constant 0 : index
    tpu.barrier barrier_id(%barrier3A)
    %mul3A_49 = arith.constant 500 : i32
    %mul3A_50 = arith.muli %arg0, %mul3A_49 : i32
    %min3A = arith.constant 147 : i32
    %min3A_51 = arith.minsi %arg1, %min3A : i32
    %mul3A_52 = arith.constant 2048 : i32
    %mul3A_53 = arith.muli %min3A_51, %mul3A_52 : i32
    %dma_start3A = tpu.memref_slice %arg2[%mul3A_53] : memref<303104xi32, #tpu.memory_space<hbm>> -> memref<2048xi32, #tpu.memory_space<hbm>>
    %dma_start3A_54 = tpu.memref_slice %arg2[%mul3A_53] : memref<303104xi32, #tpu.memory_space<hbm>> -> memref<2048xi32, #tpu.memory_space<hbm>>
    tpu.enqueue_dma source(%dma_start3A_54 : memref<2048xi32, #tpu.memory_space<hbm>>) target(%arg12 : memref<2048xi32, #tpu.memory_space<vmem>>) target_semaphore(%arg24 : memref<!tpu.dma_semaphore, #tpu.memory_space<semaphore_mem>>)
    %dma_start3A_55 = tpu.memref_slice %arg3[%mul3A_53] : memref<303104xi32, #tpu.memory_space<hbm>> -> memref<2048xi32, #tpu.memory_space<hbm>>
    %dma_start3A_56 = tpu.memref_slice %arg3[%mul3A_53] : memref<303104xi32, #tpu.memory_space<hbm>> -> memref<2048xi32, #tpu.memory_space<hbm>>
    tpu.enqueue_dma source(%dma_start3A_56 : memref<2048xi32, #tpu.memory_space<hbm>>) target(%arg13 : memref<2048xi32, #tpu.memory_space<vmem>>) target_semaphore(%arg24 : memref<!tpu.dma_semaphore, #tpu.memory_space<semaphore_mem>>)
    %dma_start3A_57 = tpu.memref_slice %arg4[%mul3A_53] : memref<303104xf32, #tpu.memory_space<hbm>> -> memref<2048xf32, #tpu.memory_space<hbm>>
    %dma_start3A_58 = tpu.memref_slice %arg4[%mul3A_53] : memref<303104xf32, #tpu.memory_space<hbm>> -> memref<2048xf32, #tpu.memory_space<hbm>>
    tpu.enqueue_dma source(%dma_start3A_58 : memref<2048xf32, #tpu.memory_space<hbm>>) target(%arg14 : memref<2048xf32, #tpu.memory_space<vmem>>) target_semaphore(%arg24 : memref<!tpu.dma_semaphore, #tpu.memory_space<semaphore_mem>>)
    %add3A_59 = arith.constant 16 : i32
    %add3A_60 = arith.addi %arg1, %add3A_59 : i32
    %min3A_61 = arith.constant 147 : i32
    %min3A_62 = arith.minsi %add3A_60, %min3A_61 : i32
    %mul3A_63 = arith.constant 2048 : i32
    %mul3A_64 = arith.muli %min3A_62, %mul3A_63 : i32
    %dma_start3A_65 = tpu.memref_slice %arg2[%mul3A_64] : memref<303104xi32, #tpu.memory_space<hbm>> -> memref<2048xi32, #tpu.memory_space<hbm>>
    %dma_start3A_66 = tpu.memref_slice %arg2[%mul3A_64] : memref<303104xi32, #tpu.memory_space<hbm>> -> memref<2048xi32, #tpu.memory_space<hbm>>
    tpu.enqueue_dma source(%dma_start3A_66 : memref<2048xi32, #tpu.memory_space<hbm>>) target(%arg15 : memref<2048xi32, #tpu.memory_space<vmem>>) target_semaphore(%arg25 : memref<!tpu.dma_semaphore, #tpu.memory_space<semaphore_mem>>)
    %dma_start3A_67 = tpu.memref_slice %arg3[%mul3A_64] : memref<303104xi32, #tpu.memory_space<hbm>> -> memref<2048xi32, #tpu.memory_space<hbm>>
    %dma_start3A_68 = tpu.memref_slice %arg3[%mul3A_64] : memref<303104xi32, #tpu.memory_space<hbm>> -> memref<2048xi32, #tpu.memory_space<hbm>>
    tpu.enqueue_dma source(%dma_start3A_68 : memref<2048xi32, #tpu.memory_space<hbm>>) target(%arg16 : memref<2048xi32, #tpu.memory_space<vmem>>) target_semaphore(%arg25 : memref<!tpu.dma_semaphore, #tpu.memory_space<semaphore_mem>>)
    %dma_start3A_69 = tpu.memref_slice %arg4[%mul3A_64] : memref<303104xf32, #tpu.memory_space<hbm>> -> memref<2048xf32, #tpu.memory_space<hbm>>
    %dma_start3A_70 = tpu.memref_slice %arg4[%mul3A_64] : memref<303104xf32, #tpu.memory_space<hbm>> -> memref<2048xf32, #tpu.memory_space<hbm>>
    tpu.enqueue_dma source(%dma_start3A_70 : memref<2048xf32, #tpu.memory_space<hbm>>) target(%arg17 : memref<2048xf32, #tpu.memory_space<vmem>>) target_semaphore(%arg25 : memref<!tpu.dma_semaphore, #tpu.memory_space<semaphore_mem>>)
    %dma_wait3A = tpu.memref_slice %arg2[%mul3A_53] : memref<303104xi32, #tpu.memory_space<hbm>> -> memref<2048xi32, #tpu.memory_space<hbm>>
    %dma_wait3A_71 = tpu.memref_slice %arg2[%mul3A_53] : memref<303104xi32, #tpu.memory_space<hbm>> -> memref<2048xi32, #tpu.memory_space<hbm>>
    tpu.wait_dma2 semaphore(%arg24 : memref<!tpu.dma_semaphore, #tpu.memory_space<semaphore_mem>>) src(%dma_wait3A_71 : memref<2048xi32, #tpu.memory_space<hbm>>) dst(%arg12 : memref<2048xi32, #tpu.memory_space<vmem>>)
    %dma_wait3A_72 = tpu.memref_slice %arg3[%mul3A_53] : memref<303104xi32, #tpu.memory_space<hbm>> -> memref<2048xi32, #tpu.memory_space<hbm>>
    %dma_wait3A_73 = tpu.memref_slice %arg3[%mul3A_53] : memref<303104xi32, #tpu.memory_space<hbm>> -> memref<2048xi32, #tpu.memory_space<hbm>>
    tpu.wait_dma2 semaphore(%arg24 : memref<!tpu.dma_semaphore, #tpu.memory_space<semaphore_mem>>) src(%dma_wait3A_73 : memref<2048xi32, #tpu.memory_space<hbm>>) dst(%arg13 : memref<2048xi32, #tpu.memory_space<vmem>>)
    %dma_wait3A_74 = tpu.memref_slice %arg4[%mul3A_53] : memref<303104xf32, #tpu.memory_space<hbm>> -> memref<2048xf32, #tpu.memory_space<hbm>>
    %dma_wait3A_75 = tpu.memref_slice %arg4[%mul3A_53] : memref<303104xf32, #tpu.memory_space<hbm>> -> memref<2048xf32, #tpu.memory_space<hbm>>
    tpu.wait_dma2 semaphore(%arg24 : memref<!tpu.dma_semaphore, #tpu.memory_space<semaphore_mem>>) src(%dma_wait3A_75 : memref<2048xf32, #tpu.memory_space<hbm>>) dst(%arg14 : memref<2048xf32, #tpu.memory_space<vmem>>)
    %add3A_76 = arith.constant 0 : i32
    %add3A_77 = arith.addi %arg1, %add3A_76 : i32
    %lt3A = arith.constant 148 : i32
    %lt3A_78 = arith.cmpi slt, %add3A_77, %lt3A : i32
    %convert_element_type3A = arith.extui %lt3A_78 : i1 to i32
    %cond3A = arith.constant 0 : i32
    %cond3A_79 = arith.cmpi ne, %convert_element_type3A, %cond3A : i32
    scf.if %cond3A_79 {
      "tpu.region"() ({
        %run_scoped3A = tpu.sem_alloc : memref<!tpu.dma_semaphore, #tpu.memory_space<semaphore_mem>>
        %dma_start3A_543 = arith.constant 0 : i32
        %dma_start3A_544 = tpu.memref_slice %arg27[%dma_start3A_543] : memref<100352xi32, #tpu.memory_space<vmem_shared>> -> memref<100352xi32, #tpu.memory_space<vmem_shared>>
        tpu.enqueue_indirect_dma source(%dma_start3A_544 : memref<100352xi32, #tpu.memory_space<vmem_shared>>) target(%arg18 : memref<2048xi32, #tpu.memory_space<vmem>>) offsets(%arg12 : memref<2048xi32, #tpu.memory_space<vmem>>) semaphore(%run_scoped3A : memref<!tpu.dma_semaphore, #tpu.memory_space<semaphore_mem>>)
        %dma_wait3A_545 = arith.constant 0 : i32
        %dma_wait3A_546 = tpu.memref_slice %arg27[%dma_wait3A_545] : memref<100352xi32, #tpu.memory_space<vmem_shared>> -> memref<100352xi32, #tpu.memory_space<vmem_shared>>
        tpu.wait_indirect_dma semaphore(%run_scoped3A : memref<!tpu.dma_semaphore, #tpu.memory_space<semaphore_mem>>) src(%dma_wait3A_546 : memref<100352xi32, #tpu.memory_space<vmem_shared>>) dst(%arg18 : memref<2048xi32, #tpu.memory_space<vmem>>)
        tpu.yield
      }) : () -> ()
      %scan3A_536 = arith.constant 0 : i32
      %scan3A_537 = arith.constant 0 : i32
      %scan3A_538 = arith.constant 128 : i32
      %scan3A_539 = arith.addi %scan3A_537, %scan3A_538 : i32
      %scan3A_540 = arith.constant 1 : i32
      %scan3A_541 = scf.for %scan3A_543 = %scan3A_537 to %scan3A_539 step %scan3A_540 iter_args(%scan3A_544 = %scan3A_536) -> (i32)  : i32 {
        %mul3A_545 = arith.constant 16 : i32
        %mul3A_546 = arith.muli %scan3A_543, %mul3A_545 : i32
        %get3A = arith.index_cast %mul3A_546 : i32 to index
        %get3A_547 = tpu.vector_load %arg13[%get3A] {strides = array<i32>} : memref<2048xi32, #tpu.memory_space<vmem>>, vector<16xi32>,
        %mul3A_548 = arith.constant 16 : i32
        %mul3A_549 = arith.muli %scan3A_543, %mul3A_548 : i32
        %get3A_550 = arith.index_cast %mul3A_549 : i32 to index
        %get3A_551 = tpu.vector_load %arg18[%get3A_550] {strides = array<i32>} : memref<2048xi32, #tpu.memory_space<vmem>>, vector<16xi32>,
        %sub3A = vector.broadcast %mul3A_50 : i32 to vector<16xi32>
        %sub3A_552 = arith.subi %get3A_547, %sub3A : vector<16xi32>
        %ge3A = arith.constant 0 : i32
        %ge3A_553 = vector.broadcast %ge3A : i32 to vector<16xi32>
        %ge3A_554 = arith.cmpi sge, %sub3A_552, %ge3A_553 : vector<16xi32>
        %lt3A_555 = arith.constant 500 : i32
        %lt3A_556 = vector.broadcast %lt3A_555 : i32 to vector<16xi32>
        %lt3A_557 = arith.cmpi slt, %sub3A_552, %lt3A_556 : vector<16xi32>
        %and3A = arith.andi %ge3A_554, %lt3A_557 : vector<16xi1>
        %jit3A = arith.constant 500 : i32
        %broadcast_in_dim3A = vector.broadcast %jit3A : i32 to vector<16xi32>
        %select_n3A = arith.select %and3A, %sub3A_552, %broadcast_in_dim3A : vector<16xi1>, vector<16xi32>
        %mul3A_558 = arith.constant 2052 : i32
        %mul3A_559 = vector.broadcast %mul3A_558 : i32 to vector<16xi32>
        %mul3A_560 = arith.muli %select_n3A, %mul3A_559 : vector<16xi32>
        %add3A_561 = arith.addi %mul3A_560, %get3A_551 : vector<16xi32>
        %mul3A_562 = arith.constant 16 : i32
        %mul3A_563 = arith.muli %scan3A_543, %mul3A_562 : i32
        %swap3A = arith.index_cast %mul3A_563 : i32 to index
        %swap3A_564 = tpu.vector_load %arg19[%swap3A] {strides = array<i32>} : memref<2048xi32, #tpu.memory_space<vmem>>, vector<16xi32>,
        tpu.vector_store %arg19[%swap3A], %add3A_561 {strides = array<i32>} : memref<2048xi32, #tpu.memory_space<vmem>>, vector<16xi32>,
        %mul3A_565 = arith.constant 2052 : i32
        %mul3A_566 = vector.broadcast %mul3A_565 : i32 to vector<16xi32>
        %mul3A_567 = arith.muli %select_n3A, %mul3A_566 : vector<16xi32>
        %add3A_568 = arith.constant 2048 : i32
        %add3A_569 = vector.broadcast %add3A_568 : i32 to vector<16xi32>
        %add3A_570 = arith.addi %mul3A_567, %add3A_569 : vector<16xi32>
        %add3A_571 = arith.constant 1026000 : i32
        %add3A_572 = vector.broadcast %add3A_571 : i32 to vector<16xi32>
        %add3A_573 = arith.addi %add3A_572, %get3A_551 : vector<16xi32>
        %select_n3A_574 = arith.select %and3A, %add3A_570, %add3A_573 : vector<16xi1>, vector<16xi32>
        %mul3A_575 = arith.constant 16 : i32
        %mul3A_576 = arith.muli %scan3A_543, %mul3A_575 : i32
        %swap3A_577 = arith.index_cast %mul3A_576 : i32 to index
        %swap3A_578 = tpu.vector_load %arg20[%swap3A_577] {strides = array<i32>} : memref<2048xi32, #tpu.memory_space<vmem>>, vector<16xi32>,
        tpu.vector_store %arg20[%swap3A_577], %select_n3A_574 {strides = array<i32>} : memref<2048xi32, #tpu.memory_space<vmem>>, vector<16xi32>,
        %scan3A_579 = arith.constant 0 : i32
        scf.yield %scan3A_579 : i32
      }
      %scan3A_542 = arith.constant 128 : i32
      "tpu.region"() ({
        %run_scoped3A = tpu.sem_alloc : memref<!tpu.dma_semaphore, #tpu.memory_space<semaphore_mem>>
        %dma_start3A_543 = arith.constant 0 : i32
        %dma_start3A_544 = tpu.memref_slice %arg26[%dma_start3A_543] : memref<1433600xf32, #tpu.memory_space<vmem_shared>> -> memref<1433600xf32, #tpu.memory_space<vmem_shared>>
        tpu.enqueue_indirect_dma source(%arg14 : memref<2048xf32, #tpu.memory_space<vmem>>) target(%dma_start3A_544 : memref<1433600xf32, #tpu.memory_space<vmem_shared>>) offsets(%arg19 : memref<2048xi32, #tpu.memory_space<vmem>>) semaphore(%run_scoped3A : memref<!tpu.dma_semaphore, #tpu.memory_space<semaphore_mem>>) {add = true}
        %dma_wait3A_545 = arith.constant 0 : i32
        %dma_wait3A_546 = tpu.memref_slice %arg26[%dma_wait3A_545] : memref<1433600xf32, #tpu.memory_space<vmem_shared>> -> memref<1433600xf32, #tpu.memory_space<vmem_shared>>
        tpu.wait_indirect_dma semaphore(%run_scoped3A : memref<!tpu.dma_semaphore, #tpu.memory_space<semaphore_mem>>) src(%arg14 : memref<2048xf32, #tpu.memory_space<vmem>>) dst(%dma_wait3A_546 : memref<1433600xf32, #tpu.memory_space<vmem_shared>>)
        tpu.yield
      }) : () -> ()
      "tpu.region"() ({
        %run_scoped3A = tpu.sem_alloc : memref<!tpu.dma_semaphore, #tpu.memory_space<semaphore_mem>>
        %dma_start3A_543 = arith.constant 0 : i32
        %dma_start3A_544 = tpu.memref_slice %arg26[%dma_start3A_543] : memref<1433600xf32, #tpu.memory_space<vmem_shared>> -> memref<1433600xf32, #tpu.memory_space<vmem_shared>>
        tpu.enqueue_indirect_dma source(%arg21 : memref<2048xf32, #tpu.memory_space<vmem>>) target(%dma_start3A_544 : memref<1433600xf32, #tpu.memory_space<vmem_shared>>) offsets(%arg20 : memref<2048xi32, #tpu.memory_space<vmem>>) semaphore(%run_scoped3A : memref<!tpu.dma_semaphore, #tpu.memory_space<semaphore_mem>>) {add = true}
        %dma_wait3A_545 = arith.constant 0 : i32
        %dma_wait3A_546 = tpu.memref_slice %arg26[%dma_wait3A_545] : memref<1433600xf32, #tpu.memory_space<vmem_shared>> -> memref<1433600xf32, #tpu.memory_space<vmem_shared>>
        tpu.wait_indirect_dma semaphore(%run_scoped3A : memref<!tpu.dma_semaphore, #tpu.memory_space<semaphore_mem>>) src(%arg21 : memref<2048xf32, #tpu.memory_space<vmem>>) dst(%dma_wait3A_546 : memref<1433600xf32, #tpu.memory_space<vmem_shared>>)
        tpu.yield
      }) : () -> ()
    } else {
    }
    %add3A_80 = arith.constant 32 : i32
    %add3A_81 = arith.addi %arg1, %add3A_80 : i32
    %min3A_82 = arith.constant 147 : i32
    %min3A_83 = arith.minsi %add3A_81, %min3A_82 : i32
    %mul3A_84 = arith.constant 2048 : i32
    %mul3A_85 = arith.muli %min3A_83, %mul3A_84 : i32
    %dma_start3A_86 = tpu.memref_slice %arg2[%mul3A_85] : memref<303104xi32, #tpu.memory_space<hbm>> -> memref<2048xi32, #tpu.memory_space<hbm>>
    %dma_start3A_87 = tpu.memref_slice %arg2[%mul3A_85] : memref<303104xi32, #tpu.memory_space<hbm>> -> memref<2048xi32, #tpu.memory_space<hbm>>
    tpu.enqueue_dma source(%dma_start3A_87 : memref<2048xi32, #tpu.memory_space<hbm>>) target(%arg12 : memref<2048xi32, #tpu.memory_space<vmem>>) target_semaphore(%arg24 : memref<!tpu.dma_semaphore, #tpu.memory_space<semaphore_mem>>)
    %dma_start3A_88 = tpu.memref_slice %arg3[%mul3A_85] : memref<303104xi32, #tpu.memory_space<hbm>> -> memref<2048xi32, #tpu.memory_space<hbm>>
    %dma_start3A_89 = tpu.memref_slice %arg3[%mul3A_85] : memref<303104xi32, #tpu.memory_space<hbm>> -> memref<2048xi32, #tpu.memory_space<hbm>>
    tpu.enqueue_dma source(%dma_start3A_89 : memref<2048xi32, #tpu.memory_space<hbm>>) target(%arg13 : memref<2048xi32, #tpu.memory_space<vmem>>) target_semaphore(%arg24 : memref<!tpu.dma_semaphore, #tpu.memory_space<semaphore_mem>>)
    %dma_start3A_90 = tpu.memref_slice %arg4[%mul3A_85] : memref<303104xf32, #tpu.memory_space<hbm>> -> memref<2048xf32, #tpu.memory_space<hbm>>
    %dma_start3A_91 = tpu.memref_slice %arg4[%mul3A_85] : memref<303104xf32, #tpu.memory_space<hbm>> -> memref<2048xf32, #tpu.memory_space<hbm>>
    tpu.enqueue_dma source(%dma_start3A_91 : memref<2048xf32, #tpu.memory_space<hbm>>) target(%arg14 : memref<2048xf32, #tpu.memory_space<vmem>>) target_semaphore(%arg24 : memref<!tpu.dma_semaphore, #tpu.memory_space<semaphore_mem>>)
    %dma_wait3A_92 = tpu.memref_slice %arg2[%mul3A_64] : memref<303104xi32, #tpu.memory_space<hbm>> -> memref<2048xi32, #tpu.memory_space<hbm>>
    %dma_wait3A_93 = tpu.memref_slice %arg2[%mul3A_64] : memref<303104xi32, #tpu.memory_space<hbm>> -> memref<2048xi32, #tpu.memory_space<hbm>>
    tpu.wait_dma2 semaphore(%arg25 : memref<!tpu.dma_semaphore, #tpu.memory_space<semaphore_mem>>) src(%dma_wait3A_93 : memref<2048xi32, #tpu.memory_space<hbm>>) dst(%arg15 : memref<2048xi32, #tpu.memory_space<vmem>>)
    %dma_wait3A_94 = tpu.memref_slice %arg3[%mul3A_64] : memref<303104xi32, #tpu.memory_space<hbm>> -> memref<2048xi32, #tpu.memory_space<hbm>>
    %dma_wait3A_95 = tpu.memref_slice %arg3[%mul3A_64] : memref<303104xi32, #tpu.memory_space<hbm>> -> memref<2048xi32, #tpu.memory_space<hbm>>
    tpu.wait_dma2 semaphore(%arg25 : memref<!tpu.dma_semaphore, #tpu.memory_space<semaphore_mem>>) src(%dma_wait3A_95 : memref<2048xi32, #tpu.memory_space<hbm>>) dst(%arg16 : memref<2048xi32, #tpu.memory_space<vmem>>)
    %dma_wait3A_96 = tpu.memref_slice %arg4[%mul3A_64] : memref<303104xf32, #tpu.memory_space<hbm>> -> memref<2048xf32, #tpu.memory_space<hbm>>
    %dma_wait3A_97 = tpu.memref_slice %arg4[%mul3A_64] : memref<303104xf32, #tpu.memory_space<hbm>> -> memref<2048xf32, #tpu.memory_space<hbm>>
    tpu.wait_dma2 semaphore(%arg25 : memref<!tpu.dma_semaphore, #tpu.memory_space<semaphore_mem>>) src(%dma_wait3A_97 : memref<2048xf32, #tpu.memory_space<hbm>>) dst(%arg17 : memref<2048xf32, #tpu.memory_space<vmem>>)
    %add3A_98 = arith.constant 16 : i32
    %add3A_99 = arith.addi %arg1, %add3A_98 : i32
    %lt3A_100 = arith.constant 148 : i32
    %lt3A_101 = arith.cmpi slt, %add3A_99, %lt3A_100 : i32
    %convert_element_type3A_102 = arith.extui %lt3A_101 : i1 to i32
    %cond3A_103 = arith.constant 0 : i32
    %cond3A_104 = arith.cmpi ne, %convert_element_type3A_102, %cond3A_103 : i32
    scf.if %cond3A_104 {
      "tpu.region"() ({
        %run_scoped3A = tpu.sem_alloc : memref<!tpu.dma_semaphore, #tpu.memory_space<semaphore_mem>>
        %dma_start3A_543 = arith.constant 0 : i32
        %dma_start3A_544 = tpu.memref_slice %arg27[%dma_start3A_543] : memref<100352xi32, #tpu.memory_space<vmem_shared>> -> memref<100352xi32, #tpu.memory_space<vmem_shared>>
        tpu.enqueue_indirect_dma source(%dma_start3A_544 : memref<100352xi32, #tpu.memory_space<vmem_shared>>) target(%arg18 : memref<2048xi32, #tpu.memory_space<vmem>>) offsets(%arg15 : memref<2048xi32, #tpu.memory_space<vmem>>) semaphore(%run_scoped3A : memref<!tpu.dma_semaphore, #tpu.memory_space<semaphore_mem>>)
        %dma_wait3A_545 = arith.constant 0 : i32
        %dma_wait3A_546 = tpu.memref_slice %arg27[%dma_wait3A_545] : memref<100352xi32, #tpu.memory_space<vmem_shared>> -> memref<100352xi32, #tpu.memory_space<vmem_shared>>
        tpu.wait_indirect_dma semaphore(%run_scoped3A : memref<!tpu.dma_semaphore, #tpu.memory_space<semaphore_mem>>) src(%dma_wait3A_546 : memref<100352xi32, #tpu.memory_space<vmem_shared>>) dst(%arg18 : memref<2048xi32, #tpu.memory_space<vmem>>)
        tpu.yield
      }) : () -> ()
      %scan3A_536 = arith.constant 0 : i32
      %scan3A_537 = arith.constant 0 : i32
      %scan3A_538 = arith.constant 128 : i32
      %scan3A_539 = arith.addi %scan3A_537, %scan3A_538 : i32
      %scan3A_540 = arith.constant 1 : i32
      %scan3A_541 = scf.for %scan3A_543 = %scan3A_537 to %scan3A_539 step %scan3A_540 iter_args(%scan3A_544 = %scan3A_536) -> (i32)  : i32 {
        %mul3A_545 = arith.constant 16 : i32
        %mul3A_546 = arith.muli %scan3A_543, %mul3A_545 : i32
        %get3A = arith.index_cast %mul3A_546 : i32 to index
        %get3A_547 = tpu.vector_load %arg16[%get3A] {strides = array<i32>} : memref<2048xi32, #tpu.memory_space<vmem>>, vector<16xi32>,
        %mul3A_548 = arith.constant 16 : i32
        %mul3A_549 = arith.muli %scan3A_543, %mul3A_548 : i32
        %get3A_550 = arith.index_cast %mul3A_549 : i32 to index
        %get3A_551 = tpu.vector_load %arg18[%get3A_550] {strides = array<i32>} : memref<2048xi32, #tpu.memory_space<vmem>>, vector<16xi32>,
        %sub3A = vector.broadcast %mul3A_50 : i32 to vector<16xi32>
        %sub3A_552 = arith.subi %get3A_547, %sub3A : vector<16xi32>
        %ge3A = arith.constant 0 : i32
        %ge3A_553 = vector.broadcast %ge3A : i32 to vector<16xi32>
        %ge3A_554 = arith.cmpi sge, %sub3A_552, %ge3A_553 : vector<16xi32>
        %lt3A_555 = arith.constant 500 : i32
        %lt3A_556 = vector.broadcast %lt3A_555 : i32 to vector<16xi32>
        %lt3A_557 = arith.cmpi slt, %sub3A_552, %lt3A_556 : vector<16xi32>
        %and3A = arith.andi %ge3A_554, %lt3A_557 : vector<16xi1>
        %jit3A = arith.constant 500 : i32
        %broadcast_in_dim3A = vector.broadcast %jit3A : i32 to vector<16xi32>
        %select_n3A = arith.select %and3A, %sub3A_552, %broadcast_in_dim3A : vector<16xi1>, vector<16xi32>
        %mul3A_558 = arith.constant 2052 : i32
        %mul3A_559 = vector.broadcast %mul3A_558 : i32 to vector<16xi32>
        %mul3A_560 = arith.muli %select_n3A, %mul3A_559 : vector<16xi32>
        %add3A_561 = arith.addi %mul3A_560, %get3A_551 : vector<16xi32>
        %mul3A_562 = arith.constant 16 : i32
        %mul3A_563 = arith.muli %scan3A_543, %mul3A_562 : i32
        %swap3A = arith.index_cast %mul3A_563 : i32 to index
        %swap3A_564 = tpu.vector_load %arg19[%swap3A] {strides = array<i32>} : memref<2048xi32, #tpu.memory_space<vmem>>, vector<16xi32>,
        tpu.vector_store %arg19[%swap3A], %add3A_561 {strides = array<i32>} : memref<2048xi32, #tpu.memory_space<vmem>>, vector<16xi32>,
        %mul3A_565 = arith.constant 2052 : i32
        %mul3A_566 = vector.broadcast %mul3A_565 : i32 to vector<16xi32>
        %mul3A_567 = arith.muli %select_n3A, %mul3A_566 : vector<16xi32>
        %add3A_568 = arith.constant 2048 : i32
        %add3A_569 = vector.broadcast %add3A_568 : i32 to vector<16xi32>
        %add3A_570 = arith.addi %mul3A_567, %add3A_569 : vector<16xi32>
        %add3A_571 = arith.constant 1026000 : i32
        %add3A_572 = vector.broadcast %add3A_571 : i32 to vector<16xi32>
        %add3A_573 = arith.addi %add3A_572, %get3A_551 : vector<16xi32>
        %select_n3A_574 = arith.select %and3A, %add3A_570, %add3A_573 : vector<16xi1>, vector<16xi32>
        %mul3A_575 = arith.constant 16 : i32
        %mul3A_576 = arith.muli %scan3A_543, %mul3A_575 : i32
        %swap3A_577 = arith.index_cast %mul3A_576 : i32 to index
        %swap3A_578 = tpu.vector_load %arg20[%swap3A_577] {strides = array<i32>} : memref<2048xi32, #tpu.memory_space<vmem>>, vector<16xi32>,
        tpu.vector_store %arg20[%swap3A_577], %select_n3A_574 {strides = array<i32>} : memref<2048xi32, #tpu.memory_space<vmem>>, vector<16xi32>,
        %scan3A_579 = arith.constant 0 : i32
        scf.yield %scan3A_579 : i32
      }
      %scan3A_542 = arith.constant 128 : i32
      "tpu.region"() ({
        %run_scoped3A = tpu.sem_alloc : memref<!tpu.dma_semaphore, #tpu.memory_space<semaphore_mem>>
        %dma_start3A_543 = arith.constant 0 : i32
        %dma_start3A_544 = tpu.memref_slice %arg26[%dma_start3A_543] : memref<1433600xf32, #tpu.memory_space<vmem_shared>> -> memref<1433600xf32, #tpu.memory_space<vmem_shared>>
        tpu.enqueue_indirect_dma source(%arg17 : memref<2048xf32, #tpu.memory_space<vmem>>) target(%dma_start3A_544 : memref<1433600xf32, #tpu.memory_space<vmem_shared>>) offsets(%arg19 : memref<2048xi32, #tpu.memory_space<vmem>>) semaphore(%run_scoped3A : memref<!tpu.dma_semaphore, #tpu.memory_space<semaphore_mem>>) {add = true}
        %dma_wait3A_545 = arith.constant 0 : i32
        %dma_wait3A_546 = tpu.memref_slice %arg26[%dma_wait3A_545] : memref<1433600xf32, #tpu.memory_space<vmem_shared>> -> memref<1433600xf32, #tpu.memory_space<vmem_shared>>
        tpu.wait_indirect_dma semaphore(%run_scoped3A : memref<!tpu.dma_semaphore, #tpu.memory_space<semaphore_mem>>) src(%arg17 : memref<2048xf32, #tpu.memory_space<vmem>>) dst(%dma_wait3A_546 : memref<1433600xf32, #tpu.memory_space<vmem_shared>>)
        tpu.yield
      }) : () -> ()
      "tpu.region"() ({
        %run_scoped3A = tpu.sem_alloc : memref<!tpu.dma_semaphore, #tpu.memory_space<semaphore_mem>>
        %dma_start3A_543 = arith.constant 0 : i32
        %dma_start3A_544 = tpu.memref_slice %arg26[%dma_start3A_543] : memref<1433600xf32, #tpu.memory_space<vmem_shared>> -> memref<1433600xf32, #tpu.memory_space<vmem_shared>>
        tpu.enqueue_indirect_dma source(%arg21 : memref<2048xf32, #tpu.memory_space<vmem>>) target(%dma_start3A_544 : memref<1433600xf32, #tpu.memory_space<vmem_shared>>) offsets(%arg20 : memref<2048xi32, #tpu.memory_space<vmem>>) semaphore(%run_scoped3A : memref<!tpu.dma_semaphore, #tpu.memory_space<semaphore_mem>>) {add = true}
        %dma_wait3A_545 = arith.constant 0 : i32
        %dma_wait3A_546 = tpu.memref_slice %arg26[%dma_wait3A_545] : memref<1433600xf32, #tpu.memory_space<vmem_shared>> -> memref<1433600xf32, #tpu.memory_space<vmem_shared>>
        tpu.wait_indirect_dma semaphore(%run_scoped3A : memref<!tpu.dma_semaphore, #tpu.memory_space<semaphore_mem>>) src(%arg21 : memref<2048xf32, #tpu.memory_space<vmem>>) dst(%dma_wait3A_546 : memref<1433600xf32, #tpu.memory_space<vmem_shared>>)
        tpu.yield
      }) : () -> ()
    } else {
    }
    %add3A_105 = arith.constant 48 : i32
    %add3A_106 = arith.addi %arg1, %add3A_105 : i32
    %min3A_107 = arith.constant 147 : i32
    %min3A_108 = arith.minsi %add3A_106, %min3A_107 : i32
    %mul3A_109 = arith.constant 2048 : i32
    %mul3A_110 = arith.muli %min3A_108, %mul3A_109 : i32
    %dma_start3A_111 = tpu.memref_slice %arg2[%mul3A_110] : memref<303104xi32, #tpu.memory_space<hbm>> -> memref<2048xi32, #tpu.memory_space<hbm>>
    %dma_start3A_112 = tpu.memref_slice %arg2[%mul3A_110] : memref<303104xi32, #tpu.memory_space<hbm>> -> memref<2048xi32, #tpu.memory_space<hbm>>
    tpu.enqueue_dma source(%dma_start3A_112 : memref<2048xi32, #tpu.memory_space<hbm>>) target(%arg15 : memref<2048xi32, #tpu.memory_space<vmem>>) target_semaphore(%arg25 : memref<!tpu.dma_semaphore, #tpu.memory_space<semaphore_mem>>)
    %dma_start3A_113 = tpu.memref_slice %arg3[%mul3A_110] : memref<303104xi32, #tpu.memory_space<hbm>> -> memref<2048xi32, #tpu.memory_space<hbm>>
    %dma_start3A_114 = tpu.memref_slice %arg3[%mul3A_110] : memref<303104xi32, #tpu.memory_space<hbm>> -> memref<2048xi32, #tpu.memory_space<hbm>>
    tpu.enqueue_dma source(%dma_start3A_114 : memref<2048xi32, #tpu.memory_space<hbm>>) target(%arg16 : memref<2048xi32, #tpu.memory_space<vmem>>) target_semaphore(%arg25 : memref<!tpu.dma_semaphore, #tpu.memory_space<semaphore_mem>>)
    %dma_start3A_115 = tpu.memref_slice %arg4[%mul3A_110] : memref<303104xf32, #tpu.memory_space<hbm>> -> memref<2048xf32, #tpu.memory_space<hbm>>
    %dma_start3A_116 = tpu.memref_slice %arg4[%mul3A_110] : memref<303104xf32, #tpu.memory_space<hbm>> -> memref<2048xf32, #tpu.memory_space<hbm>>
    tpu.enqueue_dma source(%dma_start3A_116 : memref<2048xf32, #tpu.memory_space<hbm>>) target(%arg17 : memref<2048xf32, #tpu.memory_space<vmem>>) target_semaphore(%arg25 : memref<!tpu.dma_semaphore, #tpu.memory_space<semaphore_mem>>)
    %dma_wait3A_117 = tpu.memref_slice %arg2[%mul3A_85] : memref<303104xi32, #tpu.memory_space<hbm>> -> memref<2048xi32, #tpu.memory_space<hbm>>
    %dma_wait3A_118 = tpu.memref_slice %arg2[%mul3A_85] : memref<303104xi32, #tpu.memory_space<hbm>> -> memref<2048xi32, #tpu.memory_space<hbm>>
    tpu.wait_dma2 semaphore(%arg24 : memref<!tpu.dma_semaphore, #tpu.memory_space<semaphore_mem>>) src(%dma_wait3A_118 : memref<2048xi32, #tpu.memory_space<hbm>>) dst(%arg12 : memref<2048xi32, #tpu.memory_space<vmem>>)
    %dma_wait3A_119 = tpu.memref_slice %arg3[%mul3A_85] : memref<303104xi32, #tpu.memory_space<hbm>> -> memref<2048xi32, #tpu.memory_space<hbm>>
    %dma_wait3A_120 = tpu.memref_slice %arg3[%mul3A_85] : memref<303104xi32, #tpu.memory_space<hbm>> -> memref<2048xi32, #tpu.memory_space<hbm>>
    tpu.wait_dma2 semaphore(%arg24 : memref<!tpu.dma_semaphore, #tpu.memory_space<semaphore_mem>>) src(%dma_wait3A_120 : memref<2048xi32, #tpu.memory_space<hbm>>) dst(%arg13 : memref<2048xi32, #tpu.memory_space<vmem>>)
    %dma_wait3A_121 = tpu.memref_slice %arg4[%mul3A_85] : memref<303104xf32, #tpu.memory_space<hbm>> -> memref<2048xf32, #tpu.memory_space<hbm>>
    %dma_wait3A_122 = tpu.memref_slice %arg4[%mul3A_85] : memref<303104xf32, #tpu.memory_space<hbm>> -> memref<2048xf32, #tpu.memory_space<hbm>>
    tpu.wait_dma2 semaphore(%arg24 : memref<!tpu.dma_semaphore, #tpu.memory_space<semaphore_mem>>) src(%dma_wait3A_122 : memref<2048xf32, #tpu.memory_space<hbm>>) dst(%arg14 : memref<2048xf32, #tpu.memory_space<vmem>>)
    %add3A_123 = arith.constant 32 : i32
    %add3A_124 = arith.addi %arg1, %add3A_123 : i32
    %lt3A_125 = arith.constant 148 : i32
    %lt3A_126 = arith.cmpi slt, %add3A_124, %lt3A_125 : i32
    %convert_element_type3A_127 = arith.extui %lt3A_126 : i1 to i32
    %cond3A_128 = arith.constant 0 : i32
    %cond3A_129 = arith.cmpi ne, %convert_element_type3A_127, %cond3A_128 : i32
    scf.if %cond3A_129 {
      "tpu.region"() ({
        %run_scoped3A = tpu.sem_alloc : memref<!tpu.dma_semaphore, #tpu.memory_space<semaphore_mem>>
        %dma_start3A_543 = arith.constant 0 : i32
        %dma_start3A_544 = tpu.memref_slice %arg27[%dma_start3A_543] : memref<100352xi32, #tpu.memory_space<vmem_shared>> -> memref<100352xi32, #tpu.memory_space<vmem_shared>>
        tpu.enqueue_indirect_dma source(%dma_start3A_544 : memref<100352xi32, #tpu.memory_space<vmem_shared>>) target(%arg18 : memref<2048xi32, #tpu.memory_space<vmem>>) offsets(%arg12 : memref<2048xi32, #tpu.memory_space<vmem>>) semaphore(%run_scoped3A : memref<!tpu.dma_semaphore, #tpu.memory_space<semaphore_mem>>)
        %dma_wait3A_545 = arith.constant 0 : i32
        %dma_wait3A_546 = tpu.memref_slice %arg27[%dma_wait3A_545] : memref<100352xi32, #tpu.memory_space<vmem_shared>> -> memref<100352xi32, #tpu.memory_space<vmem_shared>>
        tpu.wait_indirect_dma semaphore(%run_scoped3A : memref<!tpu.dma_semaphore, #tpu.memory_space<semaphore_mem>>) src(%dma_wait3A_546 : memref<100352xi32, #tpu.memory_space<vmem_shared>>) dst(%arg18 : memref<2048xi32, #tpu.memory_space<vmem>>)
        tpu.yield
      }) : () -> ()
      %scan3A_536 = arith.constant 0 : i32
      %scan3A_537 = arith.constant 0 : i32
      %scan3A_538 = arith.constant 128 : i32
      %scan3A_539 = arith.addi %scan3A_537, %scan3A_538 : i32
      %scan3A_540 = arith.constant 1 : i32
      %scan3A_541 = scf.for %scan3A_543 = %scan3A_537 to %scan3A_539 step %scan3A_540 iter_args(%scan3A_544 = %scan3A_536) -> (i32)  : i32 {
        %mul3A_545 = arith.constant 16 : i32
        %mul3A_546 = arith.muli %scan3A_543, %mul3A_545 : i32
        %get3A = arith.index_cast %mul3A_546 : i32 to index
        %get3A_547 = tpu.vector_load %arg13[%get3A] {strides = array<i32>} : memref<2048xi32, #tpu.memory_space<vmem>>, vector<16xi32>,
        %mul3A_548 = arith.constant 16 : i32
        %mul3A_549 = arith.muli %scan3A_543, %mul3A_548 : i32
        %get3A_550 = arith.index_cast %mul3A_549 : i32 to index
        %get3A_551 = tpu.vector_load %arg18[%get3A_550] {strides = array<i32>} : memref<2048xi32, #tpu.memory_space<vmem>>, vector<16xi32>,
        %sub3A = vector.broadcast %mul3A_50 : i32 to vector<16xi32>
        %sub3A_552 = arith.subi %get3A_547, %sub3A : vector<16xi32>
        %ge3A = arith.constant 0 : i32
        %ge3A_553 = vector.broadcast %ge3A : i32 to vector<16xi32>
        %ge3A_554 = arith.cmpi sge, %sub3A_552, %ge3A_553 : vector<16xi32>
        %lt3A_555 = arith.constant 500 : i32
        %lt3A_556 = vector.broadcast %lt3A_555 : i32 to vector<16xi32>
        %lt3A_557 = arith.cmpi slt, %sub3A_552, %lt3A_556 : vector<16xi32>
        %and3A = arith.andi %ge3A_554, %lt3A_557 : vector<16xi1>
        %jit3A = arith.constant 500 : i32
        %broadcast_in_dim3A = vector.broadcast %jit3A : i32 to vector<16xi32>
        %select_n3A = arith.select %and3A, %sub3A_552, %broadcast_in_dim3A : vector<16xi1>, vector<16xi32>
        %mul3A_558 = arith.constant 2052 : i32
        %mul3A_559 = vector.broadcast %mul3A_558 : i32 to vector<16xi32>
        %mul3A_560 = arith.muli %select_n3A, %mul3A_559 : vector<16xi32>
        %add3A_561 = arith.addi %mul3A_560, %get3A_551 : vector<16xi32>
        %mul3A_562 = arith.constant 16 : i32
        %mul3A_563 = arith.muli %scan3A_543, %mul3A_562 : i32
        %swap3A = arith.index_cast %mul3A_563 : i32 to index
        %swap3A_564 = tpu.vector_load %arg19[%swap3A] {strides = array<i32>} : memref<2048xi32, #tpu.memory_space<vmem>>, vector<16xi32>,
        tpu.vector_store %arg19[%swap3A], %add3A_561 {strides = array<i32>} : memref<2048xi32, #tpu.memory_space<vmem>>, vector<16xi32>,
        %mul3A_565 = arith.constant 2052 : i32
        %mul3A_566 = vector.broadcast %mul3A_565 : i32 to vector<16xi32>
        %mul3A_567 = arith.muli %select_n3A, %mul3A_566 : vector<16xi32>
        %add3A_568 = arith.constant 2048 : i32
        %add3A_569 = vector.broadcast %add3A_568 : i32 to vector<16xi32>
        %add3A_570 = arith.addi %mul3A_567, %add3A_569 : vector<16xi32>
        %add3A_571 = arith.constant 1026000 : i32
        %add3A_572 = vector.broadcast %add3A_571 : i32 to vector<16xi32>
        %add3A_573 = arith.addi %add3A_572, %get3A_551 : vector<16xi32>
        %select_n3A_574 = arith.select %and3A, %add3A_570, %add3A_573 : vector<16xi1>, vector<16xi32>
        %mul3A_575 = arith.constant 16 : i32
        %mul3A_576 = arith.muli %scan3A_543, %mul3A_575 : i32
        %swap3A_577 = arith.index_cast %mul3A_576 : i32 to index
        %swap3A_578 = tpu.vector_load %arg20[%swap3A_577] {strides = array<i32>} : memref<2048xi32, #tpu.memory_space<vmem>>, vector<16xi32>,
        tpu.vector_store %arg20[%swap3A_577], %select_n3A_574 {strides = array<i32>} : memref<2048xi32, #tpu.memory_space<vmem>>, vector<16xi32>,
        %scan3A_579 = arith.constant 0 : i32
        scf.yield %scan3A_579 : i32
      }
      %scan3A_542 = arith.constant 128 : i32
      "tpu.region"() ({
        %run_scoped3A = tpu.sem_alloc : memref<!tpu.dma_semaphore, #tpu.memory_space<semaphore_mem>>
        %dma_start3A_543 = arith.constant 0 : i32
        %dma_start3A_544 = tpu.memref_slice %arg26[%dma_start3A_543] : memref<1433600xf32, #tpu.memory_space<vmem_shared>> -> memref<1433600xf32, #tpu.memory_space<vmem_shared>>
        tpu.enqueue_indirect_dma source(%arg14 : memref<2048xf32, #tpu.memory_space<vmem>>) target(%dma_start3A_544 : memref<1433600xf32, #tpu.memory_space<vmem_shared>>) offsets(%arg19 : memref<2048xi32, #tpu.memory_space<vmem>>) semaphore(%run_scoped3A : memref<!tpu.dma_semaphore, #tpu.memory_space<semaphore_mem>>) {add = true}
        %dma_wait3A_545 = arith.constant 0 : i32
        %dma_wait3A_546 = tpu.memref_slice %arg26[%dma_wait3A_545] : memref<1433600xf32, #tpu.memory_space<vmem_shared>> -> memref<1433600xf32, #tpu.memory_space<vmem_shared>>
        tpu.wait_indirect_dma semaphore(%run_scoped3A : memref<!tpu.dma_semaphore, #tpu.memory_space<semaphore_mem>>) src(%arg14 : memref<2048xf32, #tpu.memory_space<vmem>>) dst(%dma_wait3A_546 : memref<1433600xf32, #tpu.memory_space<vmem_shared>>)
        tpu.yield
      }) : () -> ()
      "tpu.region"() ({
        %run_scoped3A = tpu.sem_alloc : memref<!tpu.dma_semaphore, #tpu.memory_space<semaphore_mem>>
        %dma_start3A_543 = arith.constant 0 : i32
        %dma_start3A_544 = tpu.memref_slice %arg26[%dma_start3A_543] : memref<1433600xf32, #tpu.memory_space<vmem_shared>> -> memref<1433600xf32, #tpu.memory_space<vmem_shared>>
        tpu.enqueue_indirect_dma source(%arg21 : memref<2048xf32, #tpu.memory_space<vmem>>) target(%dma_start3A_544 : memref<1433600xf32, #tpu.memory_space<vmem_shared>>) offsets(%arg20 : memref<2048xi32, #tpu.memory_space<vmem>>) semaphore(%run_scoped3A : memref<!tpu.dma_semaphore, #tpu.memory_space<semaphore_mem>>) {add = true}
        %dma_wait3A_545 = arith.constant 0 : i32
        %dma_wait3A_546 = tpu.memref_slice %arg26[%dma_wait3A_545] : memref<1433600xf32, #tpu.memory_space<vmem_shared>> -> memref<1433600xf32, #tpu.memory_space<vmem_shared>>
        tpu.wait_indirect_dma semaphore(%run_scoped3A : memref<!tpu.dma_semaphore, #tpu.memory_space<semaphore_mem>>) src(%arg21 : memref<2048xf32, #tpu.memory_space<vmem>>) dst(%dma_wait3A_546 : memref<1433600xf32, #tpu.memory_space<vmem_shared>>)
        tpu.yield
      }) : () -> ()
    } else {
    }
    %add3A_130 = arith.constant 64 : i32
    %add3A_131 = arith.addi %arg1, %add3A_130 : i32
    %min3A_132 = arith.constant 147 : i32
    %min3A_133 = arith.minsi %add3A_131, %min3A_132 : i32
    %mul3A_134 = arith.constant 2048 : i32
    %mul3A_135 = arith.muli %min3A_133, %mul3A_134 : i32
    %dma_start3A_136 = tpu.memref_slice %arg2[%mul3A_135] : memref<303104xi32, #tpu.memory_space<hbm>> -> memref<2048xi32, #tpu.memory_space<hbm>>
    %dma_start3A_137 = tpu.memref_slice %arg2[%mul3A_135] : memref<303104xi32, #tpu.memory_space<hbm>> -> memref<2048xi32, #tpu.memory_space<hbm>>
    tpu.enqueue_dma source(%dma_start3A_137 : memref<2048xi32, #tpu.memory_space<hbm>>) target(%arg12 : memref<2048xi32, #tpu.memory_space<vmem>>) target_semaphore(%arg24 : memref<!tpu.dma_semaphore, #tpu.memory_space<semaphore_mem>>)
    %dma_start3A_138 = tpu.memref_slice %arg3[%mul3A_135] : memref<303104xi32, #tpu.memory_space<hbm>> -> memref<2048xi32, #tpu.memory_space<hbm>>
    %dma_start3A_139 = tpu.memref_slice %arg3[%mul3A_135] : memref<303104xi32, #tpu.memory_space<hbm>> -> memref<2048xi32, #tpu.memory_space<hbm>>
    tpu.enqueue_dma source(%dma_start3A_139 : memref<2048xi32, #tpu.memory_space<hbm>>) target(%arg13 : memref<2048xi32, #tpu.memory_space<vmem>>) target_semaphore(%arg24 : memref<!tpu.dma_semaphore, #tpu.memory_space<semaphore_mem>>)
    %dma_start3A_140 = tpu.memref_slice %arg4[%mul3A_135] : memref<303104xf32, #tpu.memory_space<hbm>> -> memref<2048xf32, #tpu.memory_space<hbm>>
    %dma_start3A_141 = tpu.memref_slice %arg4[%mul3A_135] : memref<303104xf32, #tpu.memory_space<hbm>> -> memref<2048xf32, #tpu.memory_space<hbm>>
    tpu.enqueue_dma source(%dma_start3A_141 : memref<2048xf32, #tpu.memory_space<hbm>>) target(%arg14 : memref<2048xf32, #tpu.memory_space<vmem>>) target_semaphore(%arg24 : memref<!tpu.dma_semaphore, #tpu.memory_space<semaphore_mem>>)
    %dma_wait3A_142 = tpu.memref_slice %arg2[%mul3A_110] : memref<303104xi32, #tpu.memory_space<hbm>> -> memref<2048xi32, #tpu.memory_space<hbm>>
    %dma_wait3A_143 = tpu.memref_slice %arg2[%mul3A_110] : memref<303104xi32, #tpu.memory_space<hbm>> -> memref<2048xi32, #tpu.memory_space<hbm>>
    tpu.wait_dma2 semaphore(%arg25 : memref<!tpu.dma_semaphore, #tpu.memory_space<semaphore_mem>>) src(%dma_wait3A_143 : memref<2048xi32, #tpu.memory_space<hbm>>) dst(%arg15 : memref<2048xi32, #tpu.memory_space<vmem>>)
    %dma_wait3A_144 = tpu.memref_slice %arg3[%mul3A_110] : memref<303104xi32, #tpu.memory_space<hbm>> -> memref<2048xi32, #tpu.memory_space<hbm>>
    %dma_wait3A_145 = tpu.memref_slice %arg3[%mul3A_110] : memref<303104xi32, #tpu.memory_space<hbm>> -> memref<2048xi32, #tpu.memory_space<hbm>>
    tpu.wait_dma2 semaphore(%arg25 : memref<!tpu.dma_semaphore, #tpu.memory_space<semaphore_mem>>) src(%dma_wait3A_145 : memref<2048xi32, #tpu.memory_space<hbm>>) dst(%arg16 : memref<2048xi32, #tpu.memory_space<vmem>>)
    %dma_wait3A_146 = tpu.memref_slice %arg4[%mul3A_110] : memref<303104xf32, #tpu.memory_space<hbm>> -> memref<2048xf32, #tpu.memory_space<hbm>>
    %dma_wait3A_147 = tpu.memref_slice %arg4[%mul3A_110] : memref<303104xf32, #tpu.memory_space<hbm>> -> memref<2048xf32, #tpu.memory_space<hbm>>
    tpu.wait_dma2 semaphore(%arg25 : memref<!tpu.dma_semaphore, #tpu.memory_space<semaphore_mem>>) src(%dma_wait3A_147 : memref<2048xf32, #tpu.memory_space<hbm>>) dst(%arg17 : memref<2048xf32, #tpu.memory_space<vmem>>)
    %add3A_148 = arith.constant 48 : i32
    %add3A_149 = arith.addi %arg1, %add3A_148 : i32
    %lt3A_150 = arith.constant 148 : i32
    %lt3A_151 = arith.cmpi slt, %add3A_149, %lt3A_150 : i32
    %convert_element_type3A_152 = arith.extui %lt3A_151 : i1 to i32
    %cond3A_153 = arith.constant 0 : i32
    %cond3A_154 = arith.cmpi ne, %convert_element_type3A_152, %cond3A_153 : i32
    scf.if %cond3A_154 {
      "tpu.region"() ({
        %run_scoped3A = tpu.sem_alloc : memref<!tpu.dma_semaphore, #tpu.memory_space<semaphore_mem>>
        %dma_start3A_543 = arith.constant 0 : i32
        %dma_start3A_544 = tpu.memref_slice %arg27[%dma_start3A_543] : memref<100352xi32, #tpu.memory_space<vmem_shared>> -> memref<100352xi32, #tpu.memory_space<vmem_shared>>
        tpu.enqueue_indirect_dma source(%dma_start3A_544 : memref<100352xi32, #tpu.memory_space<vmem_shared>>) target(%arg18 : memref<2048xi32, #tpu.memory_space<vmem>>) offsets(%arg15 : memref<2048xi32, #tpu.memory_space<vmem>>) semaphore(%run_scoped3A : memref<!tpu.dma_semaphore, #tpu.memory_space<semaphore_mem>>)
        %dma_wait3A_545 = arith.constant 0 : i32
        %dma_wait3A_546 = tpu.memref_slice %arg27[%dma_wait3A_545] : memref<100352xi32, #tpu.memory_space<vmem_shared>> -> memref<100352xi32, #tpu.memory_space<vmem_shared>>
        tpu.wait_indirect_dma semaphore(%run_scoped3A : memref<!tpu.dma_semaphore, #tpu.memory_space<semaphore_mem>>) src(%dma_wait3A_546 : memref<100352xi32, #tpu.memory_space<vmem_shared>>) dst(%arg18 : memref<2048xi32, #tpu.memory_space<vmem>>)
        tpu.yield
      }) : () -> ()
      %scan3A_536 = arith.constant 0 : i32
      %scan3A_537 = arith.constant 0 : i32
      %scan3A_538 = arith.constant 128 : i32
      %scan3A_539 = arith.addi %scan3A_537, %scan3A_538 : i32
      %scan3A_540 = arith.constant 1 : i32
      %scan3A_541 = scf.for %scan3A_543 = %scan3A_537 to %scan3A_539 step %scan3A_540 iter_args(%scan3A_544 = %scan3A_536) -> (i32)  : i32 {
        %mul3A_545 = arith.constant 16 : i32
        %mul3A_546 = arith.muli %scan3A_543, %mul3A_545 : i32
        %get3A = arith.index_cast %mul3A_546 : i32 to index
        %get3A_547 = tpu.vector_load %arg16[%get3A] {strides = array<i32>} : memref<2048xi32, #tpu.memory_space<vmem>>, vector<16xi32>,
        %mul3A_548 = arith.constant 16 : i32
        %mul3A_549 = arith.muli %scan3A_543, %mul3A_548 : i32
        %get3A_550 = arith.index_cast %mul3A_549 : i32 to index
        %get3A_551 = tpu.vector_load %arg18[%get3A_550] {strides = array<i32>} : memref<2048xi32, #tpu.memory_space<vmem>>, vector<16xi32>,
        %sub3A = vector.broadcast %mul3A_50 : i32 to vector<16xi32>
        %sub3A_552 = arith.subi %get3A_547, %sub3A : vector<16xi32>
        %ge3A = arith.constant 0 : i32
        %ge3A_553 = vector.broadcast %ge3A : i32 to vector<16xi32>
        %ge3A_554 = arith.cmpi sge, %sub3A_552, %ge3A_553 : vector<16xi32>
        %lt3A_555 = arith.constant 500 : i32
        %lt3A_556 = vector.broadcast %lt3A_555 : i32 to vector<16xi32>
        %lt3A_557 = arith.cmpi slt, %sub3A_552, %lt3A_556 : vector<16xi32>
        %and3A = arith.andi %ge3A_554, %lt3A_557 : vector<16xi1>
        %jit3A = arith.constant 500 : i32
        %broadcast_in_dim3A = vector.broadcast %jit3A : i32 to vector<16xi32>
        %select_n3A = arith.select %and3A, %sub3A_552, %broadcast_in_dim3A : vector<16xi1>, vector<16xi32>
        %mul3A_558 = arith.constant 2052 : i32
        %mul3A_559 = vector.broadcast %mul3A_558 : i32 to vector<16xi32>
        %mul3A_560 = arith.muli %select_n3A, %mul3A_559 : vector<16xi32>
        %add3A_561 = arith.addi %mul3A_560, %get3A_551 : vector<16xi32>
        %mul3A_562 = arith.constant 16 : i32
        %mul3A_563 = arith.muli %scan3A_543, %mul3A_562 : i32
        %swap3A = arith.index_cast %mul3A_563 : i32 to index
        %swap3A_564 = tpu.vector_load %arg19[%swap3A] {strides = array<i32>} : memref<2048xi32, #tpu.memory_space<vmem>>, vector<16xi32>,
        tpu.vector_store %arg19[%swap3A], %add3A_561 {strides = array<i32>} : memref<2048xi32, #tpu.memory_space<vmem>>, vector<16xi32>,
        %mul3A_565 = arith.constant 2052 : i32
        %mul3A_566 = vector.broadcast %mul3A_565 : i32 to vector<16xi32>
        %mul3A_567 = arith.muli %select_n3A, %mul3A_566 : vector<16xi32>
        %add3A_568 = arith.constant 2048 : i32
        %add3A_569 = vector.broadcast %add3A_568 : i32 to vector<16xi32>
        %add3A_570 = arith.addi %mul3A_567, %add3A_569 : vector<16xi32>
        %add3A_571 = arith.constant 1026000 : i32
        %add3A_572 = vector.broadcast %add3A_571 : i32 to vector<16xi32>
        %add3A_573 = arith.addi %add3A_572, %get3A_551 : vector<16xi32>
        %select_n3A_574 = arith.select %and3A, %add3A_570, %add3A_573 : vector<16xi1>, vector<16xi32>
        %mul3A_575 = arith.constant 16 : i32
        %mul3A_576 = arith.muli %scan3A_543, %mul3A_575 : i32
        %swap3A_577 = arith.index_cast %mul3A_576 : i32 to index
        %swap3A_578 = tpu.vector_load %arg20[%swap3A_577] {strides = array<i32>} : memref<2048xi32, #tpu.memory_space<vmem>>, vector<16xi32>,
        tpu.vector_store %arg20[%swap3A_577], %select_n3A_574 {strides = array<i32>} : memref<2048xi32, #tpu.memory_space<vmem>>, vector<16xi32>,
        %scan3A_579 = arith.constant 0 : i32
        scf.yield %scan3A_579 : i32
      }
      %scan3A_542 = arith.constant 128 : i32
      "tpu.region"() ({
        %run_scoped3A = tpu.sem_alloc : memref<!tpu.dma_semaphore, #tpu.memory_space<semaphore_mem>>
        %dma_start3A_543 = arith.constant 0 : i32
        %dma_start3A_544 = tpu.memref_slice %arg26[%dma_start3A_543] : memref<1433600xf32, #tpu.memory_space<vmem_shared>> -> memref<1433600xf32, #tpu.memory_space<vmem_shared>>
        tpu.enqueue_indirect_dma source(%arg17 : memref<2048xf32, #tpu.memory_space<vmem>>) target(%dma_start3A_544 : memref<1433600xf32, #tpu.memory_space<vmem_shared>>) offsets(%arg19 : memref<2048xi32, #tpu.memory_space<vmem>>) semaphore(%run_scoped3A : memref<!tpu.dma_semaphore, #tpu.memory_space<semaphore_mem>>) {add = true}
        %dma_wait3A_545 = arith.constant 0 : i32
        %dma_wait3A_546 = tpu.memref_slice %arg26[%dma_wait3A_545] : memref<1433600xf32, #tpu.memory_space<vmem_shared>> -> memref<1433600xf32, #tpu.memory_space<vmem_shared>>
        tpu.wait_indirect_dma semaphore(%run_scoped3A : memref<!tpu.dma_semaphore, #tpu.memory_space<semaphore_mem>>) src(%arg17 : memref<2048xf32, #tpu.memory_space<vmem>>) dst(%dma_wait3A_546 : memref<1433600xf32, #tpu.memory_space<vmem_shared>>)
        tpu.yield
      }) : () -> ()
      "tpu.region"() ({
        %run_scoped3A = tpu.sem_alloc : memref<!tpu.dma_semaphore, #tpu.memory_space<semaphore_mem>>
        %dma_start3A_543 = arith.constant 0 : i32
        %dma_start3A_544 = tpu.memref_slice %arg26[%dma_start3A_543] : memref<1433600xf32, #tpu.memory_space<vmem_shared>> -> memref<1433600xf32, #tpu.memory_space<vmem_shared>>
        tpu.enqueue_indirect_dma source(%arg21 : memref<2048xf32, #tpu.memory_space<vmem>>) target(%dma_start3A_544 : memref<1433600xf32, #tpu.memory_space<vmem_shared>>) offsets(%arg20 : memref<2048xi32, #tpu.memory_space<vmem>>) semaphore(%run_scoped3A : memref<!tpu.dma_semaphore, #tpu.memory_space<semaphore_mem>>) {add = true}
        %dma_wait3A_545 = arith.constant 0 : i32
        %dma_wait3A_546 = tpu.memref_slice %arg26[%dma_wait3A_545] : memref<1433600xf32, #tpu.memory_space<vmem_shared>> -> memref<1433600xf32, #tpu.memory_space<vmem_shared>>
        tpu.wait_indirect_dma semaphore(%run_scoped3A : memref<!tpu.dma_semaphore, #tpu.memory_space<semaphore_mem>>) src(%arg21 : memref<2048xf32, #tpu.memory_space<vmem>>) dst(%dma_wait3A_546 : memref<1433600xf32, #tpu.memory_space<vmem_shared>>)
        tpu.yield
      }) : () -> ()
    } else {
    }
    %add3A_155 = arith.constant 80 : i32
    %add3A_156 = arith.addi %arg1, %add3A_155 : i32
    %min3A_157 = arith.constant 147 : i32
    %min3A_158 = arith.minsi %add3A_156, %min3A_157 : i32
    %mul3A_159 = arith.constant 2048 : i32
    %mul3A_160 = arith.muli %min3A_158, %mul3A_159 : i32
    %dma_start3A_161 = tpu.memref_slice %arg2[%mul3A_160] : memref<303104xi32, #tpu.memory_space<hbm>> -> memref<2048xi32, #tpu.memory_space<hbm>>
    %dma_start3A_162 = tpu.memref_slice %arg2[%mul3A_160] : memref<303104xi32, #tpu.memory_space<hbm>> -> memref<2048xi32, #tpu.memory_space<hbm>>
    tpu.enqueue_dma source(%dma_start3A_162 : memref<2048xi32, #tpu.memory_space<hbm>>) target(%arg15 : memref<2048xi32, #tpu.memory_space<vmem>>) target_semaphore(%arg25 : memref<!tpu.dma_semaphore, #tpu.memory_space<semaphore_mem>>)
    %dma_start3A_163 = tpu.memref_slice %arg3[%mul3A_160] : memref<303104xi32, #tpu.memory_space<hbm>> -> memref<2048xi32, #tpu.memory_space<hbm>>
    %dma_start3A_164 = tpu.memref_slice %arg3[%mul3A_160] : memref<303104xi32, #tpu.memory_space<hbm>> -> memref<2048xi32, #tpu.memory_space<hbm>>
    tpu.enqueue_dma source(%dma_start3A_164 : memref<2048xi32, #tpu.memory_space<hbm>>) target(%arg16 : memref<2048xi32, #tpu.memory_space<vmem>>) target_semaphore(%arg25 : memref<!tpu.dma_semaphore, #tpu.memory_space<semaphore_mem>>)
    %dma_start3A_165 = tpu.memref_slice %arg4[%mul3A_160] : memref<303104xf32, #tpu.memory_space<hbm>> -> memref<2048xf32, #tpu.memory_space<hbm>>
    %dma_start3A_166 = tpu.memref_slice %arg4[%mul3A_160] : memref<303104xf32, #tpu.memory_space<hbm>> -> memref<2048xf32, #tpu.memory_space<hbm>>
    tpu.enqueue_dma source(%dma_start3A_166 : memref<2048xf32, #tpu.memory_space<hbm>>) target(%arg17 : memref<2048xf32, #tpu.memory_space<vmem>>) target_semaphore(%arg25 : memref<!tpu.dma_semaphore, #tpu.memory_space<semaphore_mem>>)
    %dma_wait3A_167 = tpu.memref_slice %arg2[%mul3A_135] : memref<303104xi32, #tpu.memory_space<hbm>> -> memref<2048xi32, #tpu.memory_space<hbm>>
    %dma_wait3A_168 = tpu.memref_slice %arg2[%mul3A_135] : memref<303104xi32, #tpu.memory_space<hbm>> -> memref<2048xi32, #tpu.memory_space<hbm>>
    tpu.wait_dma2 semaphore(%arg24 : memref<!tpu.dma_semaphore, #tpu.memory_space<semaphore_mem>>) src(%dma_wait3A_168 : memref<2048xi32, #tpu.memory_space<hbm>>) dst(%arg12 : memref<2048xi32, #tpu.memory_space<vmem>>)
    %dma_wait3A_169 = tpu.memref_slice %arg3[%mul3A_135] : memref<303104xi32, #tpu.memory_space<hbm>> -> memref<2048xi32, #tpu.memory_space<hbm>>
    %dma_wait3A_170 = tpu.memref_slice %arg3[%mul3A_135] : memref<303104xi32, #tpu.memory_space<hbm>> -> memref<2048xi32, #tpu.memory_space<hbm>>
    tpu.wait_dma2 semaphore(%arg24 : memref<!tpu.dma_semaphore, #tpu.memory_space<semaphore_mem>>) src(%dma_wait3A_170 : memref<2048xi32, #tpu.memory_space<hbm>>) dst(%arg13 : memref<2048xi32, #tpu.memory_space<vmem>>)
    %dma_wait3A_171 = tpu.memref_slice %arg4[%mul3A_135] : memref<303104xf32, #tpu.memory_space<hbm>> -> memref<2048xf32, #tpu.memory_space<hbm>>
    %dma_wait3A_172 = tpu.memref_slice %arg4[%mul3A_135] : memref<303104xf32, #tpu.memory_space<hbm>> -> memref<2048xf32, #tpu.memory_space<hbm>>
    tpu.wait_dma2 semaphore(%arg24 : memref<!tpu.dma_semaphore, #tpu.memory_space<semaphore_mem>>) src(%dma_wait3A_172 : memref<2048xf32, #tpu.memory_space<hbm>>) dst(%arg14 : memref<2048xf32, #tpu.memory_space<vmem>>)
    %add3A_173 = arith.constant 64 : i32
    %add3A_174 = arith.addi %arg1, %add3A_173 : i32
    %lt3A_175 = arith.constant 148 : i32
    %lt3A_176 = arith.cmpi slt, %add3A_174, %lt3A_175 : i32
    %convert_element_type3A_177 = arith.extui %lt3A_176 : i1 to i32
    %cond3A_178 = arith.constant 0 : i32
    %cond3A_179 = arith.cmpi ne, %convert_element_type3A_177, %cond3A_178 : i32
    scf.if %cond3A_179 {
      "tpu.region"() ({
        %run_scoped3A = tpu.sem_alloc : memref<!tpu.dma_semaphore, #tpu.memory_space<semaphore_mem>>
        %dma_start3A_543 = arith.constant 0 : i32
        %dma_start3A_544 = tpu.memref_slice %arg27[%dma_start3A_543] : memref<100352xi32, #tpu.memory_space<vmem_shared>> -> memref<100352xi32, #tpu.memory_space<vmem_shared>>
        tpu.enqueue_indirect_dma source(%dma_start3A_544 : memref<100352xi32, #tpu.memory_space<vmem_shared>>) target(%arg18 : memref<2048xi32, #tpu.memory_space<vmem>>) offsets(%arg12 : memref<2048xi32, #tpu.memory_space<vmem>>) semaphore(%run_scoped3A : memref<!tpu.dma_semaphore, #tpu.memory_space<semaphore_mem>>)
        %dma_wait3A_545 = arith.constant 0 : i32
        %dma_wait3A_546 = tpu.memref_slice %arg27[%dma_wait3A_545] : memref<100352xi32, #tpu.memory_space<vmem_shared>> -> memref<100352xi32, #tpu.memory_space<vmem_shared>>
        tpu.wait_indirect_dma semaphore(%run_scoped3A : memref<!tpu.dma_semaphore, #tpu.memory_space<semaphore_mem>>) src(%dma_wait3A_546 : memref<100352xi32, #tpu.memory_space<vmem_shared>>) dst(%arg18 : memref<2048xi32, #tpu.memory_space<vmem>>)
        tpu.yield
      }) : () -> ()
      %scan3A_536 = arith.constant 0 : i32
      %scan3A_537 = arith.constant 0 : i32
      %scan3A_538 = arith.constant 128 : i32
      %scan3A_539 = arith.addi %scan3A_537, %scan3A_538 : i32
      %scan3A_540 = arith.constant 1 : i32
      %scan3A_541 = scf.for %scan3A_543 = %scan3A_537 to %scan3A_539 step %scan3A_540 iter_args(%scan3A_544 = %scan3A_536) -> (i32)  : i32 {
        %mul3A_545 = arith.constant 16 : i32
        %mul3A_546 = arith.muli %scan3A_543, %mul3A_545 : i32
        %get3A = arith.index_cast %mul3A_546 : i32 to index
        %get3A_547 = tpu.vector_load %arg13[%get3A] {strides = array<i32>} : memref<2048xi32, #tpu.memory_space<vmem>>, vector<16xi32>,
        %mul3A_548 = arith.constant 16 : i32
        %mul3A_549 = arith.muli %scan3A_543, %mul3A_548 : i32
        %get3A_550 = arith.index_cast %mul3A_549 : i32 to index
        %get3A_551 = tpu.vector_load %arg18[%get3A_550] {strides = array<i32>} : memref<2048xi32, #tpu.memory_space<vmem>>, vector<16xi32>,
        %sub3A = vector.broadcast %mul3A_50 : i32 to vector<16xi32>
        %sub3A_552 = arith.subi %get3A_547, %sub3A : vector<16xi32>
        %ge3A = arith.constant 0 : i32
        %ge3A_553 = vector.broadcast %ge3A : i32 to vector<16xi32>
        %ge3A_554 = arith.cmpi sge, %sub3A_552, %ge3A_553 : vector<16xi32>
        %lt3A_555 = arith.constant 500 : i32
        %lt3A_556 = vector.broadcast %lt3A_555 : i32 to vector<16xi32>
        %lt3A_557 = arith.cmpi slt, %sub3A_552, %lt3A_556 : vector<16xi32>
        %and3A = arith.andi %ge3A_554, %lt3A_557 : vector<16xi1>
        %jit3A = arith.constant 500 : i32
        %broadcast_in_dim3A = vector.broadcast %jit3A : i32 to vector<16xi32>
        %select_n3A = arith.select %and3A, %sub3A_552, %broadcast_in_dim3A : vector<16xi1>, vector<16xi32>
        %mul3A_558 = arith.constant 2052 : i32
        %mul3A_559 = vector.broadcast %mul3A_558 : i32 to vector<16xi32>
        %mul3A_560 = arith.muli %select_n3A, %mul3A_559 : vector<16xi32>
        %add3A_561 = arith.addi %mul3A_560, %get3A_551 : vector<16xi32>
        %mul3A_562 = arith.constant 16 : i32
        %mul3A_563 = arith.muli %scan3A_543, %mul3A_562 : i32
        %swap3A = arith.index_cast %mul3A_563 : i32 to index
        %swap3A_564 = tpu.vector_load %arg19[%swap3A] {strides = array<i32>} : memref<2048xi32, #tpu.memory_space<vmem>>, vector<16xi32>,
        tpu.vector_store %arg19[%swap3A], %add3A_561 {strides = array<i32>} : memref<2048xi32, #tpu.memory_space<vmem>>, vector<16xi32>,
        %mul3A_565 = arith.constant 2052 : i32
        %mul3A_566 = vector.broadcast %mul3A_565 : i32 to vector<16xi32>
        %mul3A_567 = arith.muli %select_n3A, %mul3A_566 : vector<16xi32>
        %add3A_568 = arith.constant 2048 : i32
        %add3A_569 = vector.broadcast %add3A_568 : i32 to vector<16xi32>
        %add3A_570 = arith.addi %mul3A_567, %add3A_569 : vector<16xi32>
        %add3A_571 = arith.constant 1026000 : i32
        %add3A_572 = vector.broadcast %add3A_571 : i32 to vector<16xi32>
        %add3A_573 = arith.addi %add3A_572, %get3A_551 : vector<16xi32>
        %select_n3A_574 = arith.select %and3A, %add3A_570, %add3A_573 : vector<16xi1>, vector<16xi32>
        %mul3A_575 = arith.constant 16 : i32
        %mul3A_576 = arith.muli %scan3A_543, %mul3A_575 : i32
        %swap3A_577 = arith.index_cast %mul3A_576 : i32 to index
        %swap3A_578 = tpu.vector_load %arg20[%swap3A_577] {strides = array<i32>} : memref<2048xi32, #tpu.memory_space<vmem>>, vector<16xi32>,
        tpu.vector_store %arg20[%swap3A_577], %select_n3A_574 {strides = array<i32>} : memref<2048xi32, #tpu.memory_space<vmem>>, vector<16xi32>,
        %scan3A_579 = arith.constant 0 : i32
        scf.yield %scan3A_579 : i32
      }
      %scan3A_542 = arith.constant 128 : i32
      "tpu.region"() ({
        %run_scoped3A = tpu.sem_alloc : memref<!tpu.dma_semaphore, #tpu.memory_space<semaphore_mem>>
        %dma_start3A_543 = arith.constant 0 : i32
        %dma_start3A_544 = tpu.memref_slice %arg26[%dma_start3A_543] : memref<1433600xf32, #tpu.memory_space<vmem_shared>> -> memref<1433600xf32, #tpu.memory_space<vmem_shared>>
        tpu.enqueue_indirect_dma source(%arg14 : memref<2048xf32, #tpu.memory_space<vmem>>) target(%dma_start3A_544 : memref<1433600xf32, #tpu.memory_space<vmem_shared>>) offsets(%arg19 : memref<2048xi32, #tpu.memory_space<vmem>>) semaphore(%run_scoped3A : memref<!tpu.dma_semaphore, #tpu.memory_space<semaphore_mem>>) {add = true}
        %dma_wait3A_545 = arith.constant 0 : i32
        %dma_wait3A_546 = tpu.memref_slice %arg26[%dma_wait3A_545] : memref<1433600xf32, #tpu.memory_space<vmem_shared>> -> memref<1433600xf32, #tpu.memory_space<vmem_shared>>
        tpu.wait_indirect_dma semaphore(%run_scoped3A : memref<!tpu.dma_semaphore, #tpu.memory_space<semaphore_mem>>) src(%arg14 : memref<2048xf32, #tpu.memory_space<vmem>>) dst(%dma_wait3A_546 : memref<1433600xf32, #tpu.memory_space<vmem_shared>>)
        tpu.yield
      }) : () -> ()
      "tpu.region"() ({
        %run_scoped3A = tpu.sem_alloc : memref<!tpu.dma_semaphore, #tpu.memory_space<semaphore_mem>>
        %dma_start3A_543 = arith.constant 0 : i32
        %dma_start3A_544 = tpu.memref_slice %arg26[%dma_start3A_543] : memref<1433600xf32, #tpu.memory_space<vmem_shared>> -> memref<1433600xf32, #tpu.memory_space<vmem_shared>>
        tpu.enqueue_indirect_dma source(%arg21 : memref<2048xf32, #tpu.memory_space<vmem>>) target(%dma_start3A_544 : memref<1433600xf32, #tpu.memory_space<vmem_shared>>) offsets(%arg20 : memref<2048xi32, #tpu.memory_space<vmem>>) semaphore(%run_scoped3A : memref<!tpu.dma_semaphore, #tpu.memory_space<semaphore_mem>>) {add = true}
        %dma_wait3A_545 = arith.constant 0 : i32
        %dma_wait3A_546 = tpu.memref_slice %arg26[%dma_wait3A_545] : memref<1433600xf32, #tpu.memory_space<vmem_shared>> -> memref<1433600xf32, #tpu.memory_space<vmem_shared>>
        tpu.wait_indirect_dma semaphore(%run_scoped3A : memref<!tpu.dma_semaphore, #tpu.memory_space<semaphore_mem>>) src(%arg21 : memref<2048xf32, #tpu.memory_space<vmem>>) dst(%dma_wait3A_546 : memref<1433600xf32, #tpu.memory_space<vmem_shared>>)
        tpu.yield
      }) : () -> ()
    } else {
    }
    %add3A_180 = arith.constant 96 : i32
    %add3A_181 = arith.addi %arg1, %add3A_180 : i32
    %min3A_182 = arith.constant 147 : i32
    %min3A_183 = arith.minsi %add3A_181, %min3A_182 : i32
    %mul3A_184 = arith.constant 2048 : i32
    %mul3A_185 = arith.muli %min3A_183, %mul3A_184 : i32
    %dma_start3A_186 = tpu.memref_slice %arg2[%mul3A_185] : memref<303104xi32, #tpu.memory_space<hbm>> -> memref<2048xi32, #tpu.memory_space<hbm>>
    %dma_start3A_187 = tpu.memref_slice %arg2[%mul3A_185] : memref<303104xi32, #tpu.memory_space<hbm>> -> memref<2048xi32, #tpu.memory_space<hbm>>
    tpu.enqueue_dma source(%dma_start3A_187 : memref<2048xi32, #tpu.memory_space<hbm>>) target(%arg12 : memref<2048xi32, #tpu.memory_space<vmem>>) target_semaphore(%arg24 : memref<!tpu.dma_semaphore, #tpu.memory_space<semaphore_mem>>)
    %dma_start3A_188 = tpu.memref_slice %arg3[%mul3A_185] : memref<303104xi32, #tpu.memory_space<hbm>> -> memref<2048xi32, #tpu.memory_space<hbm>>
    %dma_start3A_189 = tpu.memref_slice %arg3[%mul3A_185] : memref<303104xi32, #tpu.memory_space<hbm>> -> memref<2048xi32, #tpu.memory_space<hbm>>
    tpu.enqueue_dma source(%dma_start3A_189 : memref<2048xi32, #tpu.memory_space<hbm>>) target(%arg13 : memref<2048xi32, #tpu.memory_space<vmem>>) target_semaphore(%arg24 : memref<!tpu.dma_semaphore, #tpu.memory_space<semaphore_mem>>)
    %dma_start3A_190 = tpu.memref_slice %arg4[%mul3A_185] : memref<303104xf32, #tpu.memory_space<hbm>> -> memref<2048xf32, #tpu.memory_space<hbm>>
    %dma_start3A_191 = tpu.memref_slice %arg4[%mul3A_185] : memref<303104xf32, #tpu.memory_space<hbm>> -> memref<2048xf32, #tpu.memory_space<hbm>>
    tpu.enqueue_dma source(%dma_start3A_191 : memref<2048xf32, #tpu.memory_space<hbm>>) target(%arg14 : memref<2048xf32, #tpu.memory_space<vmem>>) target_semaphore(%arg24 : memref<!tpu.dma_semaphore, #tpu.memory_space<semaphore_mem>>)
    %dma_wait3A_192 = tpu.memref_slice %arg2[%mul3A_160] : memref<303104xi32, #tpu.memory_space<hbm>> -> memref<2048xi32, #tpu.memory_space<hbm>>
    %dma_wait3A_193 = tpu.memref_slice %arg2[%mul3A_160] : memref<303104xi32, #tpu.memory_space<hbm>> -> memref<2048xi32, #tpu.memory_space<hbm>>
    tpu.wait_dma2 semaphore(%arg25 : memref<!tpu.dma_semaphore, #tpu.memory_space<semaphore_mem>>) src(%dma_wait3A_193 : memref<2048xi32, #tpu.memory_space<hbm>>) dst(%arg15 : memref<2048xi32, #tpu.memory_space<vmem>>)
    %dma_wait3A_194 = tpu.memref_slice %arg3[%mul3A_160] : memref<303104xi32, #tpu.memory_space<hbm>> -> memref<2048xi32, #tpu.memory_space<hbm>>
    %dma_wait3A_195 = tpu.memref_slice %arg3[%mul3A_160] : memref<303104xi32, #tpu.memory_space<hbm>> -> memref<2048xi32, #tpu.memory_space<hbm>>
    tpu.wait_dma2 semaphore(%arg25 : memref<!tpu.dma_semaphore, #tpu.memory_space<semaphore_mem>>) src(%dma_wait3A_195 : memref<2048xi32, #tpu.memory_space<hbm>>) dst(%arg16 : memref<2048xi32, #tpu.memory_space<vmem>>)
    %dma_wait3A_196 = tpu.memref_slice %arg4[%mul3A_160] : memref<303104xf32, #tpu.memory_space<hbm>> -> memref<2048xf32, #tpu.memory_space<hbm>>
    %dma_wait3A_197 = tpu.memref_slice %arg4[%mul3A_160] : memref<303104xf32, #tpu.memory_space<hbm>> -> memref<2048xf32, #tpu.memory_space<hbm>>
    tpu.wait_dma2 semaphore(%arg25 : memref<!tpu.dma_semaphore, #tpu.memory_space<semaphore_mem>>) src(%dma_wait3A_197 : memref<2048xf32, #tpu.memory_space<hbm>>) dst(%arg17 : memref<2048xf32, #tpu.memory_space<vmem>>)
    %add3A_198 = arith.constant 80 : i32
    %add3A_199 = arith.addi %arg1, %add3A_198 : i32
    %lt3A_200 = arith.constant 148 : i32
    %lt3A_201 = arith.cmpi slt, %add3A_199, %lt3A_200 : i32
    %convert_element_type3A_202 = arith.extui %lt3A_201 : i1 to i32
    %cond3A_203 = arith.constant 0 : i32
    %cond3A_204 = arith.cmpi ne, %convert_element_type3A_202, %cond3A_203 : i32
    scf.if %cond3A_204 {
      "tpu.region"() ({
        %run_scoped3A = tpu.sem_alloc : memref<!tpu.dma_semaphore, #tpu.memory_space<semaphore_mem>>
        %dma_start3A_543 = arith.constant 0 : i32
        %dma_start3A_544 = tpu.memref_slice %arg27[%dma_start3A_543] : memref<100352xi32, #tpu.memory_space<vmem_shared>> -> memref<100352xi32, #tpu.memory_space<vmem_shared>>
        tpu.enqueue_indirect_dma source(%dma_start3A_544 : memref<100352xi32, #tpu.memory_space<vmem_shared>>) target(%arg18 : memref<2048xi32, #tpu.memory_space<vmem>>) offsets(%arg15 : memref<2048xi32, #tpu.memory_space<vmem>>) semaphore(%run_scoped3A : memref<!tpu.dma_semaphore, #tpu.memory_space<semaphore_mem>>)
        %dma_wait3A_545 = arith.constant 0 : i32
        %dma_wait3A_546 = tpu.memref_slice %arg27[%dma_wait3A_545] : memref<100352xi32, #tpu.memory_space<vmem_shared>> -> memref<100352xi32, #tpu.memory_space<vmem_shared>>
        tpu.wait_indirect_dma semaphore(%run_scoped3A : memref<!tpu.dma_semaphore, #tpu.memory_space<semaphore_mem>>) src(%dma_wait3A_546 : memref<100352xi32, #tpu.memory_space<vmem_shared>>) dst(%arg18 : memref<2048xi32, #tpu.memory_space<vmem>>)
        tpu.yield
      }) : () -> ()
      %scan3A_536 = arith.constant 0 : i32
      %scan3A_537 = arith.constant 0 : i32
      %scan3A_538 = arith.constant 128 : i32
      %scan3A_539 = arith.addi %scan3A_537, %scan3A_538 : i32
      %scan3A_540 = arith.constant 1 : i32
      %scan3A_541 = scf.for %scan3A_543 = %scan3A_537 to %scan3A_539 step %scan3A_540 iter_args(%scan3A_544 = %scan3A_536) -> (i32)  : i32 {
        %mul3A_545 = arith.constant 16 : i32
        %mul3A_546 = arith.muli %scan3A_543, %mul3A_545 : i32
        %get3A = arith.index_cast %mul3A_546 : i32 to index
        %get3A_547 = tpu.vector_load %arg16[%get3A] {strides = array<i32>} : memref<2048xi32, #tpu.memory_space<vmem>>, vector<16xi32>,
        %mul3A_548 = arith.constant 16 : i32
        %mul3A_549 = arith.muli %scan3A_543, %mul3A_548 : i32
        %get3A_550 = arith.index_cast %mul3A_549 : i32 to index
        %get3A_551 = tpu.vector_load %arg18[%get3A_550] {strides = array<i32>} : memref<2048xi32, #tpu.memory_space<vmem>>, vector<16xi32>,
        %sub3A = vector.broadcast %mul3A_50 : i32 to vector<16xi32>
        %sub3A_552 = arith.subi %get3A_547, %sub3A : vector<16xi32>
        %ge3A = arith.constant 0 : i32
        %ge3A_553 = vector.broadcast %ge3A : i32 to vector<16xi32>
        %ge3A_554 = arith.cmpi sge, %sub3A_552, %ge3A_553 : vector<16xi32>
        %lt3A_555 = arith.constant 500 : i32
        %lt3A_556 = vector.broadcast %lt3A_555 : i32 to vector<16xi32>
        %lt3A_557 = arith.cmpi slt, %sub3A_552, %lt3A_556 : vector<16xi32>
        %and3A = arith.andi %ge3A_554, %lt3A_557 : vector<16xi1>
        %jit3A = arith.constant 500 : i32
        %broadcast_in_dim3A = vector.broadcast %jit3A : i32 to vector<16xi32>
        %select_n3A = arith.select %and3A, %sub3A_552, %broadcast_in_dim3A : vector<16xi1>, vector<16xi32>
        %mul3A_558 = arith.constant 2052 : i32
        %mul3A_559 = vector.broadcast %mul3A_558 : i32 to vector<16xi32>
        %mul3A_560 = arith.muli %select_n3A, %mul3A_559 : vector<16xi32>
        %add3A_561 = arith.addi %mul3A_560, %get3A_551 : vector<16xi32>
        %mul3A_562 = arith.constant 16 : i32
        %mul3A_563 = arith.muli %scan3A_543, %mul3A_562 : i32
        %swap3A = arith.index_cast %mul3A_563 : i32 to index
        %swap3A_564 = tpu.vector_load %arg19[%swap3A] {strides = array<i32>} : memref<2048xi32, #tpu.memory_space<vmem>>, vector<16xi32>,
        tpu.vector_store %arg19[%swap3A], %add3A_561 {strides = array<i32>} : memref<2048xi32, #tpu.memory_space<vmem>>, vector<16xi32>,
        %mul3A_565 = arith.constant 2052 : i32
        %mul3A_566 = vector.broadcast %mul3A_565 : i32 to vector<16xi32>
        %mul3A_567 = arith.muli %select_n3A, %mul3A_566 : vector<16xi32>
        %add3A_568 = arith.constant 2048 : i32
        %add3A_569 = vector.broadcast %add3A_568 : i32 to vector<16xi32>
        %add3A_570 = arith.addi %mul3A_567, %add3A_569 : vector<16xi32>
        %add3A_571 = arith.constant 1026000 : i32
        %add3A_572 = vector.broadcast %add3A_571 : i32 to vector<16xi32>
        %add3A_573 = arith.addi %add3A_572, %get3A_551 : vector<16xi32>
        %select_n3A_574 = arith.select %and3A, %add3A_570, %add3A_573 : vector<16xi1>, vector<16xi32>
        %mul3A_575 = arith.constant 16 : i32
        %mul3A_576 = arith.muli %scan3A_543, %mul3A_575 : i32
        %swap3A_577 = arith.index_cast %mul3A_576 : i32 to index
        %swap3A_578 = tpu.vector_load %arg20[%swap3A_577] {strides = array<i32>} : memref<2048xi32, #tpu.memory_space<vmem>>, vector<16xi32>,
        tpu.vector_store %arg20[%swap3A_577], %select_n3A_574 {strides = array<i32>} : memref<2048xi32, #tpu.memory_space<vmem>>, vector<16xi32>,
        %scan3A_579 = arith.constant 0 : i32
        scf.yield %scan3A_579 : i32
      }
      %scan3A_542 = arith.constant 128 : i32
      "tpu.region"() ({
        %run_scoped3A = tpu.sem_alloc : memref<!tpu.dma_semaphore, #tpu.memory_space<semaphore_mem>>
        %dma_start3A_543 = arith.constant 0 : i32
        %dma_start3A_544 = tpu.memref_slice %arg26[%dma_start3A_543] : memref<1433600xf32, #tpu.memory_space<vmem_shared>> -> memref<1433600xf32, #tpu.memory_space<vmem_shared>>
        tpu.enqueue_indirect_dma source(%arg17 : memref<2048xf32, #tpu.memory_space<vmem>>) target(%dma_start3A_544 : memref<1433600xf32, #tpu.memory_space<vmem_shared>>) offsets(%arg19 : memref<2048xi32, #tpu.memory_space<vmem>>) semaphore(%run_scoped3A : memref<!tpu.dma_semaphore, #tpu.memory_space<semaphore_mem>>) {add = true}
        %dma_wait3A_545 = arith.constant 0 : i32
        %dma_wait3A_546 = tpu.memref_slice %arg26[%dma_wait3A_545] : memref<1433600xf32, #tpu.memory_space<vmem_shared>> -> memref<1433600xf32, #tpu.memory_space<vmem_shared>>
        tpu.wait_indirect_dma semaphore(%run_scoped3A : memref<!tpu.dma_semaphore, #tpu.memory_space<semaphore_mem>>) src(%arg17 : memref<2048xf32, #tpu.memory_space<vmem>>) dst(%dma_wait3A_546 : memref<1433600xf32, #tpu.memory_space<vmem_shared>>)
        tpu.yield
      }) : () -> ()
      "tpu.region"() ({
        %run_scoped3A = tpu.sem_alloc : memref<!tpu.dma_semaphore, #tpu.memory_space<semaphore_mem>>
        %dma_start3A_543 = arith.constant 0 : i32
        %dma_start3A_544 = tpu.memref_slice %arg26[%dma_start3A_543] : memref<1433600xf32, #tpu.memory_space<vmem_shared>> -> memref<1433600xf32, #tpu.memory_space<vmem_shared>>
        tpu.enqueue_indirect_dma source(%arg21 : memref<2048xf32, #tpu.memory_space<vmem>>) target(%dma_start3A_544 : memref<1433600xf32, #tpu.memory_space<vmem_shared>>) offsets(%arg20 : memref<2048xi32, #tpu.memory_space<vmem>>) semaphore(%run_scoped3A : memref<!tpu.dma_semaphore, #tpu.memory_space<semaphore_mem>>) {add = true}
        %dma_wait3A_545 = arith.constant 0 : i32
        %dma_wait3A_546 = tpu.memref_slice %arg26[%dma_wait3A_545] : memref<1433600xf32, #tpu.memory_space<vmem_shared>> -> memref<1433600xf32, #tpu.memory_space<vmem_shared>>
        tpu.wait_indirect_dma semaphore(%run_scoped3A : memref<!tpu.dma_semaphore, #tpu.memory_space<semaphore_mem>>) src(%arg21 : memref<2048xf32, #tpu.memory_space<vmem>>) dst(%dma_wait3A_546 : memref<1433600xf32, #tpu.memory_space<vmem_shared>>)
        tpu.yield
      }) : () -> ()
    } else {
    }
    %add3A_205 = arith.constant 112 : i32
    %add3A_206 = arith.addi %arg1, %add3A_205 : i32
    %min3A_207 = arith.constant 147 : i32
    %min3A_208 = arith.minsi %add3A_206, %min3A_207 : i32
    %mul3A_209 = arith.constant 2048 : i32
    %mul3A_210 = arith.muli %min3A_208, %mul3A_209 : i32
    %dma_start3A_211 = tpu.memref_slice %arg2[%mul3A_210] : memref<303104xi32, #tpu.memory_space<hbm>> -> memref<2048xi32, #tpu.memory_space<hbm>>
    %dma_start3A_212 = tpu.memref_slice %arg2[%mul3A_210] : memref<303104xi32, #tpu.memory_space<hbm>> -> memref<2048xi32, #tpu.memory_space<hbm>>
    tpu.enqueue_dma source(%dma_start3A_212 : memref<2048xi32, #tpu.memory_space<hbm>>) target(%arg15 : memref<2048xi32, #tpu.memory_space<vmem>>) target_semaphore(%arg25 : memref<!tpu.dma_semaphore, #tpu.memory_space<semaphore_mem>>)
    %dma_start3A_213 = tpu.memref_slice %arg3[%mul3A_210] : memref<303104xi32, #tpu.memory_space<hbm>> -> memref<2048xi32, #tpu.memory_space<hbm>>
    %dma_start3A_214 = tpu.memref_slice %arg3[%mul3A_210] : memref<303104xi32, #tpu.memory_space<hbm>> -> memref<2048xi32, #tpu.memory_space<hbm>>
    tpu.enqueue_dma source(%dma_start3A_214 : memref<2048xi32, #tpu.memory_space<hbm>>) target(%arg16 : memref<2048xi32, #tpu.memory_space<vmem>>) target_semaphore(%arg25 : memref<!tpu.dma_semaphore, #tpu.memory_space<semaphore_mem>>)
    %dma_start3A_215 = tpu.memref_slice %arg4[%mul3A_210] : memref<303104xf32, #tpu.memory_space<hbm>> -> memref<2048xf32, #tpu.memory_space<hbm>>
    %dma_start3A_216 = tpu.memref_slice %arg4[%mul3A_210] : memref<303104xf32, #tpu.memory_space<hbm>> -> memref<2048xf32, #tpu.memory_space<hbm>>
    tpu.enqueue_dma source(%dma_start3A_216 : memref<2048xf32, #tpu.memory_space<hbm>>) target(%arg17 : memref<2048xf32, #tpu.memory_space<vmem>>) target_semaphore(%arg25 : memref<!tpu.dma_semaphore, #tpu.memory_space<semaphore_mem>>)
    %dma_wait3A_217 = tpu.memref_slice %arg2[%mul3A_185] : memref<303104xi32, #tpu.memory_space<hbm>> -> memref<2048xi32, #tpu.memory_space<hbm>>
    %dma_wait3A_218 = tpu.memref_slice %arg2[%mul3A_185] : memref<303104xi32, #tpu.memory_space<hbm>> -> memref<2048xi32, #tpu.memory_space<hbm>>
    tpu.wait_dma2 semaphore(%arg24 : memref<!tpu.dma_semaphore, #tpu.memory_space<semaphore_mem>>) src(%dma_wait3A_218 : memref<2048xi32, #tpu.memory_space<hbm>>) dst(%arg12 : memref<2048xi32, #tpu.memory_space<vmem>>)
    %dma_wait3A_219 = tpu.memref_slice %arg3[%mul3A_185] : memref<303104xi32, #tpu.memory_space<hbm>> -> memref<2048xi32, #tpu.memory_space<hbm>>
    %dma_wait3A_220 = tpu.memref_slice %arg3[%mul3A_185] : memref<303104xi32, #tpu.memory_space<hbm>> -> memref<2048xi32, #tpu.memory_space<hbm>>
    tpu.wait_dma2 semaphore(%arg24 : memref<!tpu.dma_semaphore, #tpu.memory_space<semaphore_mem>>) src(%dma_wait3A_220 : memref<2048xi32, #tpu.memory_space<hbm>>) dst(%arg13 : memref<2048xi32, #tpu.memory_space<vmem>>)
    %dma_wait3A_221 = tpu.memref_slice %arg4[%mul3A_185] : memref<303104xf32, #tpu.memory_space<hbm>> -> memref<2048xf32, #tpu.memory_space<hbm>>
    %dma_wait3A_222 = tpu.memref_slice %arg4[%mul3A_185] : memref<303104xf32, #tpu.memory_space<hbm>> -> memref<2048xf32, #tpu.memory_space<hbm>>
    tpu.wait_dma2 semaphore(%arg24 : memref<!tpu.dma_semaphore, #tpu.memory_space<semaphore_mem>>) src(%dma_wait3A_222 : memref<2048xf32, #tpu.memory_space<hbm>>) dst(%arg14 : memref<2048xf32, #tpu.memory_space<vmem>>)
    %add3A_223 = arith.constant 96 : i32
    %add3A_224 = arith.addi %arg1, %add3A_223 : i32
    %lt3A_225 = arith.constant 148 : i32
    %lt3A_226 = arith.cmpi slt, %add3A_224, %lt3A_225 : i32
    %convert_element_type3A_227 = arith.extui %lt3A_226 : i1 to i32
    %cond3A_228 = arith.constant 0 : i32
    %cond3A_229 = arith.cmpi ne, %convert_element_type3A_227, %cond3A_228 : i32
    scf.if %cond3A_229 {
      "tpu.region"() ({
        %run_scoped3A = tpu.sem_alloc : memref<!tpu.dma_semaphore, #tpu.memory_space<semaphore_mem>>
        %dma_start3A_543 = arith.constant 0 : i32
        %dma_start3A_544 = tpu.memref_slice %arg27[%dma_start3A_543] : memref<100352xi32, #tpu.memory_space<vmem_shared>> -> memref<100352xi32, #tpu.memory_space<vmem_shared>>
        tpu.enqueue_indirect_dma source(%dma_start3A_544 : memref<100352xi32, #tpu.memory_space<vmem_shared>>) target(%arg18 : memref<2048xi32, #tpu.memory_space<vmem>>) offsets(%arg12 : memref<2048xi32, #tpu.memory_space<vmem>>) semaphore(%run_scoped3A : memref<!tpu.dma_semaphore, #tpu.memory_space<semaphore_mem>>)
        %dma_wait3A_545 = arith.constant 0 : i32
        %dma_wait3A_546 = tpu.memref_slice %arg27[%dma_wait3A_545] : memref<100352xi32, #tpu.memory_space<vmem_shared>> -> memref<100352xi32, #tpu.memory_space<vmem_shared>>
        tpu.wait_indirect_dma semaphore(%run_scoped3A : memref<!tpu.dma_semaphore, #tpu.memory_space<semaphore_mem>>) src(%dma_wait3A_546 : memref<100352xi32, #tpu.memory_space<vmem_shared>>) dst(%arg18 : memref<2048xi32, #tpu.memory_space<vmem>>)
        tpu.yield
      }) : () -> ()
      %scan3A_536 = arith.constant 0 : i32
      %scan3A_537 = arith.constant 0 : i32
      %scan3A_538 = arith.constant 128 : i32
      %scan3A_539 = arith.addi %scan3A_537, %scan3A_538 : i32
      %scan3A_540 = arith.constant 1 : i32
      %scan3A_541 = scf.for %scan3A_543 = %scan3A_537 to %scan3A_539 step %scan3A_540 iter_args(%scan3A_544 = %scan3A_536) -> (i32)  : i32 {
        %mul3A_545 = arith.constant 16 : i32
        %mul3A_546 = arith.muli %scan3A_543, %mul3A_545 : i32
        %get3A = arith.index_cast %mul3A_546 : i32 to index
        %get3A_547 = tpu.vector_load %arg13[%get3A] {strides = array<i32>} : memref<2048xi32, #tpu.memory_space<vmem>>, vector<16xi32>,
        %mul3A_548 = arith.constant 16 : i32
        %mul3A_549 = arith.muli %scan3A_543, %mul3A_548 : i32
        %get3A_550 = arith.index_cast %mul3A_549 : i32 to index
        %get3A_551 = tpu.vector_load %arg18[%get3A_550] {strides = array<i32>} : memref<2048xi32, #tpu.memory_space<vmem>>, vector<16xi32>,
        %sub3A = vector.broadcast %mul3A_50 : i32 to vector<16xi32>
        %sub3A_552 = arith.subi %get3A_547, %sub3A : vector<16xi32>
        %ge3A = arith.constant 0 : i32
        %ge3A_553 = vector.broadcast %ge3A : i32 to vector<16xi32>
        %ge3A_554 = arith.cmpi sge, %sub3A_552, %ge3A_553 : vector<16xi32>
        %lt3A_555 = arith.constant 500 : i32
        %lt3A_556 = vector.broadcast %lt3A_555 : i32 to vector<16xi32>
        %lt3A_557 = arith.cmpi slt, %sub3A_552, %lt3A_556 : vector<16xi32>
        %and3A = arith.andi %ge3A_554, %lt3A_557 : vector<16xi1>
        %jit3A = arith.constant 500 : i32
        %broadcast_in_dim3A = vector.broadcast %jit3A : i32 to vector<16xi32>
        %select_n3A = arith.select %and3A, %sub3A_552, %broadcast_in_dim3A : vector<16xi1>, vector<16xi32>
        %mul3A_558 = arith.constant 2052 : i32
        %mul3A_559 = vector.broadcast %mul3A_558 : i32 to vector<16xi32>
        %mul3A_560 = arith.muli %select_n3A, %mul3A_559 : vector<16xi32>
        %add3A_561 = arith.addi %mul3A_560, %get3A_551 : vector<16xi32>
        %mul3A_562 = arith.constant 16 : i32
        %mul3A_563 = arith.muli %scan3A_543, %mul3A_562 : i32
        %swap3A = arith.index_cast %mul3A_563 : i32 to index
        %swap3A_564 = tpu.vector_load %arg19[%swap3A] {strides = array<i32>} : memref<2048xi32, #tpu.memory_space<vmem>>, vector<16xi32>,
        tpu.vector_store %arg19[%swap3A], %add3A_561 {strides = array<i32>} : memref<2048xi32, #tpu.memory_space<vmem>>, vector<16xi32>,
        %mul3A_565 = arith.constant 2052 : i32
        %mul3A_566 = vector.broadcast %mul3A_565 : i32 to vector<16xi32>
        %mul3A_567 = arith.muli %select_n3A, %mul3A_566 : vector<16xi32>
        %add3A_568 = arith.constant 2048 : i32
        %add3A_569 = vector.broadcast %add3A_568 : i32 to vector<16xi32>
        %add3A_570 = arith.addi %mul3A_567, %add3A_569 : vector<16xi32>
        %add3A_571 = arith.constant 1026000 : i32
        %add3A_572 = vector.broadcast %add3A_571 : i32 to vector<16xi32>
        %add3A_573 = arith.addi %add3A_572, %get3A_551 : vector<16xi32>
        %select_n3A_574 = arith.select %and3A, %add3A_570, %add3A_573 : vector<16xi1>, vector<16xi32>
        %mul3A_575 = arith.constant 16 : i32
        %mul3A_576 = arith.muli %scan3A_543, %mul3A_575 : i32
        %swap3A_577 = arith.index_cast %mul3A_576 : i32 to index
        %swap3A_578 = tpu.vector_load %arg20[%swap3A_577] {strides = array<i32>} : memref<2048xi32, #tpu.memory_space<vmem>>, vector<16xi32>,
        tpu.vector_store %arg20[%swap3A_577], %select_n3A_574 {strides = array<i32>} : memref<2048xi32, #tpu.memory_space<vmem>>, vector<16xi32>,
        %scan3A_579 = arith.constant 0 : i32
        scf.yield %scan3A_579 : i32
      }
      %scan3A_542 = arith.constant 128 : i32
      "tpu.region"() ({
        %run_scoped3A = tpu.sem_alloc : memref<!tpu.dma_semaphore, #tpu.memory_space<semaphore_mem>>
        %dma_start3A_543 = arith.constant 0 : i32
        %dma_start3A_544 = tpu.memref_slice %arg26[%dma_start3A_543] : memref<1433600xf32, #tpu.memory_space<vmem_shared>> -> memref<1433600xf32, #tpu.memory_space<vmem_shared>>
        tpu.enqueue_indirect_dma source(%arg14 : memref<2048xf32, #tpu.memory_space<vmem>>) target(%dma_start3A_544 : memref<1433600xf32, #tpu.memory_space<vmem_shared>>) offsets(%arg19 : memref<2048xi32, #tpu.memory_space<vmem>>) semaphore(%run_scoped3A : memref<!tpu.dma_semaphore, #tpu.memory_space<semaphore_mem>>) {add = true}
        %dma_wait3A_545 = arith.constant 0 : i32
        %dma_wait3A_546 = tpu.memref_slice %arg26[%dma_wait3A_545] : memref<1433600xf32, #tpu.memory_space<vmem_shared>> -> memref<1433600xf32, #tpu.memory_space<vmem_shared>>
        tpu.wait_indirect_dma semaphore(%run_scoped3A : memref<!tpu.dma_semaphore, #tpu.memory_space<semaphore_mem>>) src(%arg14 : memref<2048xf32, #tpu.memory_space<vmem>>) dst(%dma_wait3A_546 : memref<1433600xf32, #tpu.memory_space<vmem_shared>>)
        tpu.yield
      }) : () -> ()
      "tpu.region"() ({
        %run_scoped3A = tpu.sem_alloc : memref<!tpu.dma_semaphore, #tpu.memory_space<semaphore_mem>>
        %dma_start3A_543 = arith.constant 0 : i32
        %dma_start3A_544 = tpu.memref_slice %arg26[%dma_start3A_543] : memref<1433600xf32, #tpu.memory_space<vmem_shared>> -> memref<1433600xf32, #tpu.memory_space<vmem_shared>>
        tpu.enqueue_indirect_dma source(%arg21 : memref<2048xf32, #tpu.memory_space<vmem>>) target(%dma_start3A_544 : memref<1433600xf32, #tpu.memory_space<vmem_shared>>) offsets(%arg20 : memref<2048xi32, #tpu.memory_space<vmem>>) semaphore(%run_scoped3A : memref<!tpu.dma_semaphore, #tpu.memory_space<semaphore_mem>>) {add = true}
        %dma_wait3A_545 = arith.constant 0 : i32
        %dma_wait3A_546 = tpu.memref_slice %arg26[%dma_wait3A_545] : memref<1433600xf32, #tpu.memory_space<vmem_shared>> -> memref<1433600xf32, #tpu.memory_space<vmem_shared>>
        tpu.wait_indirect_dma semaphore(%run_scoped3A : memref<!tpu.dma_semaphore, #tpu.memory_space<semaphore_mem>>) src(%arg21 : memref<2048xf32, #tpu.memory_space<vmem>>) dst(%dma_wait3A_546 : memref<1433600xf32, #tpu.memory_space<vmem_shared>>)
        tpu.yield
      }) : () -> ()
    } else {
    }
    %add3A_230 = arith.constant 128 : i32
    %add3A_231 = arith.addi %arg1, %add3A_230 : i32
    %min3A_232 = arith.constant 147 : i32
    %min3A_233 = arith.minsi %add3A_231, %min3A_232 : i32
    %mul3A_234 = arith.constant 2048 : i32
    %mul3A_235 = arith.muli %min3A_233, %mul3A_234 : i32
    %dma_start3A_236 = tpu.memref_slice %arg2[%mul3A_235] : memref<303104xi32, #tpu.memory_space<hbm>> -> memref<2048xi32, #tpu.memory_space<hbm>>
    %dma_start3A_237 = tpu.memref_slice %arg2[%mul3A_235] : memref<303104xi32, #tpu.memory_space<hbm>> -> memref<2048xi32, #tpu.memory_space<hbm>>
    tpu.enqueue_dma source(%dma_start3A_237 : memref<2048xi32, #tpu.memory_space<hbm>>) target(%arg12 : memref<2048xi32, #tpu.memory_space<vmem>>) target_semaphore(%arg24 : memref<!tpu.dma_semaphore, #tpu.memory_space<semaphore_mem>>)
    %dma_start3A_238 = tpu.memref_slice %arg3[%mul3A_235] : memref<303104xi32, #tpu.memory_space<hbm>> -> memref<2048xi32, #tpu.memory_space<hbm>>
    %dma_start3A_239 = tpu.memref_slice %arg3[%mul3A_235] : memref<303104xi32, #tpu.memory_space<hbm>> -> memref<2048xi32, #tpu.memory_space<hbm>>
    tpu.enqueue_dma source(%dma_start3A_239 : memref<2048xi32, #tpu.memory_space<hbm>>) target(%arg13 : memref<2048xi32, #tpu.memory_space<vmem>>) target_semaphore(%arg24 : memref<!tpu.dma_semaphore, #tpu.memory_space<semaphore_mem>>)
    %dma_start3A_240 = tpu.memref_slice %arg4[%mul3A_235] : memref<303104xf32, #tpu.memory_space<hbm>> -> memref<2048xf32, #tpu.memory_space<hbm>>
    %dma_start3A_241 = tpu.memref_slice %arg4[%mul3A_235] : memref<303104xf32, #tpu.memory_space<hbm>> -> memref<2048xf32, #tpu.memory_space<hbm>>
    tpu.enqueue_dma source(%dma_start3A_241 : memref<2048xf32, #tpu.memory_space<hbm>>) target(%arg14 : memref<2048xf32, #tpu.memory_space<vmem>>) target_semaphore(%arg24 : memref<!tpu.dma_semaphore, #tpu.memory_space<semaphore_mem>>)
    %dma_wait3A_242 = tpu.memref_slice %arg2[%mul3A_210] : memref<303104xi32, #tpu.memory_space<hbm>> -> memref<2048xi32, #tpu.memory_space<hbm>>
    %dma_wait3A_243 = tpu.memref_slice %arg2[%mul3A_210] : memref<303104xi32, #tpu.memory_space<hbm>> -> memref<2048xi32, #tpu.memory_space<hbm>>
    tpu.wait_dma2 semaphore(%arg25 : memref<!tpu.dma_semaphore, #tpu.memory_space<semaphore_mem>>) src(%dma_wait3A_243 : memref<2048xi32, #tpu.memory_space<hbm>>) dst(%arg15 : memref<2048xi32, #tpu.memory_space<vmem>>)
    %dma_wait3A_244 = tpu.memref_slice %arg3[%mul3A_210] : memref<303104xi32, #tpu.memory_space<hbm>> -> memref<2048xi32, #tpu.memory_space<hbm>>
    %dma_wait3A_245 = tpu.memref_slice %arg3[%mul3A_210] : memref<303104xi32, #tpu.memory_space<hbm>> -> memref<2048xi32, #tpu.memory_space<hbm>>
    tpu.wait_dma2 semaphore(%arg25 : memref<!tpu.dma_semaphore, #tpu.memory_space<semaphore_mem>>) src(%dma_wait3A_245 : memref<2048xi32, #tpu.memory_space<hbm>>) dst(%arg16 : memref<2048xi32, #tpu.memory_space<vmem>>)
    %dma_wait3A_246 = tpu.memref_slice %arg4[%mul3A_210] : memref<303104xf32, #tpu.memory_space<hbm>> -> memref<2048xf32, #tpu.memory_space<hbm>>
    %dma_wait3A_247 = tpu.memref_slice %arg4[%mul3A_210] : memref<303104xf32, #tpu.memory_space<hbm>> -> memref<2048xf32, #tpu.memory_space<hbm>>
    tpu.wait_dma2 semaphore(%arg25 : memref<!tpu.dma_semaphore, #tpu.memory_space<semaphore_mem>>) src(%dma_wait3A_247 : memref<2048xf32, #tpu.memory_space<hbm>>) dst(%arg17 : memref<2048xf32, #tpu.memory_space<vmem>>)
    %add3A_248 = arith.constant 112 : i32
    %add3A_249 = arith.addi %arg1, %add3A_248 : i32
    %lt3A_250 = arith.constant 148 : i32
    %lt3A_251 = arith.cmpi slt, %add3A_249, %lt3A_250 : i32
    %convert_element_type3A_252 = arith.extui %lt3A_251 : i1 to i32
    %cond3A_253 = arith.constant 0 : i32
    %cond3A_254 = arith.cmpi ne, %convert_element_type3A_252, %cond3A_253 : i32
    scf.if %cond3A_254 {
      "tpu.region"() ({
        %run_scoped3A = tpu.sem_alloc : memref<!tpu.dma_semaphore, #tpu.memory_space<semaphore_mem>>
        %dma_start3A_543 = arith.constant 0 : i32
        %dma_start3A_544 = tpu.memref_slice %arg27[%dma_start3A_543] : memref<100352xi32, #tpu.memory_space<vmem_shared>> -> memref<100352xi32, #tpu.memory_space<vmem_shared>>
        tpu.enqueue_indirect_dma source(%dma_start3A_544 : memref<100352xi32, #tpu.memory_space<vmem_shared>>) target(%arg18 : memref<2048xi32, #tpu.memory_space<vmem>>) offsets(%arg15 : memref<2048xi32, #tpu.memory_space<vmem>>) semaphore(%run_scoped3A : memref<!tpu.dma_semaphore, #tpu.memory_space<semaphore_mem>>)
        %dma_wait3A_545 = arith.constant 0 : i32
        %dma_wait3A_546 = tpu.memref_slice %arg27[%dma_wait3A_545] : memref<100352xi32, #tpu.memory_space<vmem_shared>> -> memref<100352xi32, #tpu.memory_space<vmem_shared>>
        tpu.wait_indirect_dma semaphore(%run_scoped3A : memref<!tpu.dma_semaphore, #tpu.memory_space<semaphore_mem>>) src(%dma_wait3A_546 : memref<100352xi32, #tpu.memory_space<vmem_shared>>) dst(%arg18 : memref<2048xi32, #tpu.memory_space<vmem>>)
        tpu.yield
      }) : () -> ()
      %scan3A_536 = arith.constant 0 : i32
      %scan3A_537 = arith.constant 0 : i32
      %scan3A_538 = arith.constant 128 : i32
      %scan3A_539 = arith.addi %scan3A_537, %scan3A_538 : i32
      %scan3A_540 = arith.constant 1 : i32
      %scan3A_541 = scf.for %scan3A_543 = %scan3A_537 to %scan3A_539 step %scan3A_540 iter_args(%scan3A_544 = %scan3A_536) -> (i32)  : i32 {
        %mul3A_545 = arith.constant 16 : i32
        %mul3A_546 = arith.muli %scan3A_543, %mul3A_545 : i32
        %get3A = arith.index_cast %mul3A_546 : i32 to index
        %get3A_547 = tpu.vector_load %arg16[%get3A] {strides = array<i32>} : memref<2048xi32, #tpu.memory_space<vmem>>, vector<16xi32>,
        %mul3A_548 = arith.constant 16 : i32
        %mul3A_549 = arith.muli %scan3A_543, %mul3A_548 : i32
        %get3A_550 = arith.index_cast %mul3A_549 : i32 to index
        %get3A_551 = tpu.vector_load %arg18[%get3A_550] {strides = array<i32>} : memref<2048xi32, #tpu.memory_space<vmem>>, vector<16xi32>,
        %sub3A = vector.broadcast %mul3A_50 : i32 to vector<16xi32>
        %sub3A_552 = arith.subi %get3A_547, %sub3A : vector<16xi32>
        %ge3A = arith.constant 0 : i32
        %ge3A_553 = vector.broadcast %ge3A : i32 to vector<16xi32>
        %ge3A_554 = arith.cmpi sge, %sub3A_552, %ge3A_553 : vector<16xi32>
        %lt3A_555 = arith.constant 500 : i32
        %lt3A_556 = vector.broadcast %lt3A_555 : i32 to vector<16xi32>
        %lt3A_557 = arith.cmpi slt, %sub3A_552, %lt3A_556 : vector<16xi32>
        %and3A = arith.andi %ge3A_554, %lt3A_557 : vector<16xi1>
        %jit3A = arith.constant 500 : i32
        %broadcast_in_dim3A = vector.broadcast %jit3A : i32 to vector<16xi32>
        %select_n3A = arith.select %and3A, %sub3A_552, %broadcast_in_dim3A : vector<16xi1>, vector<16xi32>
        %mul3A_558 = arith.constant 2052 : i32
        %mul3A_559 = vector.broadcast %mul3A_558 : i32 to vector<16xi32>
        %mul3A_560 = arith.muli %select_n3A, %mul3A_559 : vector<16xi32>
        %add3A_561 = arith.addi %mul3A_560, %get3A_551 : vector<16xi32>
        %mul3A_562 = arith.constant 16 : i32
        %mul3A_563 = arith.muli %scan3A_543, %mul3A_562 : i32
        %swap3A = arith.index_cast %mul3A_563 : i32 to index
        %swap3A_564 = tpu.vector_load %arg19[%swap3A] {strides = array<i32>} : memref<2048xi32, #tpu.memory_space<vmem>>, vector<16xi32>,
        tpu.vector_store %arg19[%swap3A], %add3A_561 {strides = array<i32>} : memref<2048xi32, #tpu.memory_space<vmem>>, vector<16xi32>,
        %mul3A_565 = arith.constant 2052 : i32
        %mul3A_566 = vector.broadcast %mul3A_565 : i32 to vector<16xi32>
        %mul3A_567 = arith.muli %select_n3A, %mul3A_566 : vector<16xi32>
        %add3A_568 = arith.constant 2048 : i32
        %add3A_569 = vector.broadcast %add3A_568 : i32 to vector<16xi32>
        %add3A_570 = arith.addi %mul3A_567, %add3A_569 : vector<16xi32>
        %add3A_571 = arith.constant 1026000 : i32
        %add3A_572 = vector.broadcast %add3A_571 : i32 to vector<16xi32>
        %add3A_573 = arith.addi %add3A_572, %get3A_551 : vector<16xi32>
        %select_n3A_574 = arith.select %and3A, %add3A_570, %add3A_573 : vector<16xi1>, vector<16xi32>
        %mul3A_575 = arith.constant 16 : i32
        %mul3A_576 = arith.muli %scan3A_543, %mul3A_575 : i32
        %swap3A_577 = arith.index_cast %mul3A_576 : i32 to index
        %swap3A_578 = tpu.vector_load %arg20[%swap3A_577] {strides = array<i32>} : memref<2048xi32, #tpu.memory_space<vmem>>, vector<16xi32>,
        tpu.vector_store %arg20[%swap3A_577], %select_n3A_574 {strides = array<i32>} : memref<2048xi32, #tpu.memory_space<vmem>>, vector<16xi32>,
        %scan3A_579 = arith.constant 0 : i32
        scf.yield %scan3A_579 : i32
      }
      %scan3A_542 = arith.constant 128 : i32
      "tpu.region"() ({
        %run_scoped3A = tpu.sem_alloc : memref<!tpu.dma_semaphore, #tpu.memory_space<semaphore_mem>>
        %dma_start3A_543 = arith.constant 0 : i32
        %dma_start3A_544 = tpu.memref_slice %arg26[%dma_start3A_543] : memref<1433600xf32, #tpu.memory_space<vmem_shared>> -> memref<1433600xf32, #tpu.memory_space<vmem_shared>>
        tpu.enqueue_indirect_dma source(%arg17 : memref<2048xf32, #tpu.memory_space<vmem>>) target(%dma_start3A_544 : memref<1433600xf32, #tpu.memory_space<vmem_shared>>) offsets(%arg19 : memref<2048xi32, #tpu.memory_space<vmem>>) semaphore(%run_scoped3A : memref<!tpu.dma_semaphore, #tpu.memory_space<semaphore_mem>>) {add = true}
        %dma_wait3A_545 = arith.constant 0 : i32
        %dma_wait3A_546 = tpu.memref_slice %arg26[%dma_wait3A_545] : memref<1433600xf32, #tpu.memory_space<vmem_shared>> -> memref<1433600xf32, #tpu.memory_space<vmem_shared>>
        tpu.wait_indirect_dma semaphore(%run_scoped3A : memref<!tpu.dma_semaphore, #tpu.memory_space<semaphore_mem>>) src(%arg17 : memref<2048xf32, #tpu.memory_space<vmem>>) dst(%dma_wait3A_546 : memref<1433600xf32, #tpu.memory_space<vmem_shared>>)
        tpu.yield
      }) : () -> ()
      "tpu.region"() ({
        %run_scoped3A = tpu.sem_alloc : memref<!tpu.dma_semaphore, #tpu.memory_space<semaphore_mem>>
        %dma_start3A_543 = arith.constant 0 : i32
        %dma_start3A_544 = tpu.memref_slice %arg26[%dma_start3A_543] : memref<1433600xf32, #tpu.memory_space<vmem_shared>> -> memref<1433600xf32, #tpu.memory_space<vmem_shared>>
        tpu.enqueue_indirect_dma source(%arg21 : memref<2048xf32, #tpu.memory_space<vmem>>) target(%dma_start3A_544 : memref<1433600xf32, #tpu.memory_space<vmem_shared>>) offsets(%arg20 : memref<2048xi32, #tpu.memory_space<vmem>>) semaphore(%run_scoped3A : memref<!tpu.dma_semaphore, #tpu.memory_space<semaphore_mem>>) {add = true}
        %dma_wait3A_545 = arith.constant 0 : i32
        %dma_wait3A_546 = tpu.memref_slice %arg26[%dma_wait3A_545] : memref<1433600xf32, #tpu.memory_space<vmem_shared>> -> memref<1433600xf32, #tpu.memory_space<vmem_shared>>
        tpu.wait_indirect_dma semaphore(%run_scoped3A : memref<!tpu.dma_semaphore, #tpu.memory_space<semaphore_mem>>) src(%arg21 : memref<2048xf32, #tpu.memory_space<vmem>>) dst(%dma_wait3A_546 : memref<1433600xf32, #tpu.memory_space<vmem_shared>>)
        tpu.yield
      }) : () -> ()
    } else {
    }
    %add3A_255 = arith.constant 144 : i32
    %add3A_256 = arith.addi %arg1, %add3A_255 : i32
    %min3A_257 = arith.constant 147 : i32
    %min3A_258 = arith.minsi %add3A_256, %min3A_257 : i32
    %mul3A_259 = arith.constant 2048 : i32
    %mul3A_260 = arith.muli %min3A_258, %mul3A_259 : i32
    %dma_start3A_261 = tpu.memref_slice %arg2[%mul3A_260] : memref<303104xi32, #tpu.memory_space<hbm>> -> memref<2048xi32, #tpu.memory_space<hbm>>
    %dma_start3A_262 = tpu.memref_slice %arg2[%mul3A_260] : memref<303104xi32, #tpu.memory_space<hbm>> -> memref<2048xi32, #tpu.memory_space<hbm>>
    tpu.enqueue_dma source(%dma_start3A_262 : memref<2048xi32, #tpu.memory_space<hbm>>) target(%arg15 : memref<2048xi32, #tpu.memory_space<vmem>>) target_semaphore(%arg25 : memref<!tpu.dma_semaphore, #tpu.memory_space<semaphore_mem>>)
    %dma_start3A_263 = tpu.memref_slice %arg3[%mul3A_260] : memref<303104xi32, #tpu.memory_space<hbm>> -> memref<2048xi32, #tpu.memory_space<hbm>>
    %dma_start3A_264 = tpu.memref_slice %arg3[%mul3A_260] : memref<303104xi32, #tpu.memory_space<hbm>> -> memref<2048xi32, #tpu.memory_space<hbm>>
    tpu.enqueue_dma source(%dma_start3A_264 : memref<2048xi32, #tpu.memory_space<hbm>>) target(%arg16 : memref<2048xi32, #tpu.memory_space<vmem>>) target_semaphore(%arg25 : memref<!tpu.dma_semaphore, #tpu.memory_space<semaphore_mem>>)
    %dma_start3A_265 = tpu.memref_slice %arg4[%mul3A_260] : memref<303104xf32, #tpu.memory_space<hbm>> -> memref<2048xf32, #tpu.memory_space<hbm>>
    %dma_start3A_266 = tpu.memref_slice %arg4[%mul3A_260] : memref<303104xf32, #tpu.memory_space<hbm>> -> memref<2048xf32, #tpu.memory_space<hbm>>
    tpu.enqueue_dma source(%dma_start3A_266 : memref<2048xf32, #tpu.memory_space<hbm>>) target(%arg17 : memref<2048xf32, #tpu.memory_space<vmem>>) target_semaphore(%arg25 : memref<!tpu.dma_semaphore, #tpu.memory_space<semaphore_mem>>)
    %dma_wait3A_267 = tpu.memref_slice %arg2[%mul3A_235] : memref<303104xi32, #tpu.memory_space<hbm>> -> memref<2048xi32, #tpu.memory_space<hbm>>
    %dma_wait3A_268 = tpu.memref_slice %arg2[%mul3A_235] : memref<303104xi32, #tpu.memory_space<hbm>> -> memref<2048xi32, #tpu.memory_space<hbm>>
    tpu.wait_dma2 semaphore(%arg24 : memref<!tpu.dma_semaphore, #tpu.memory_space<semaphore_mem>>) src(%dma_wait3A_268 : memref<2048xi32, #tpu.memory_space<hbm>>) dst(%arg12 : memref<2048xi32, #tpu.memory_space<vmem>>)
    %dma_wait3A_269 = tpu.memref_slice %arg3[%mul3A_235] : memref<303104xi32, #tpu.memory_space<hbm>> -> memref<2048xi32, #tpu.memory_space<hbm>>
    %dma_wait3A_270 = tpu.memref_slice %arg3[%mul3A_235] : memref<303104xi32, #tpu.memory_space<hbm>> -> memref<2048xi32, #tpu.memory_space<hbm>>
    tpu.wait_dma2 semaphore(%arg24 : memref<!tpu.dma_semaphore, #tpu.memory_space<semaphore_mem>>) src(%dma_wait3A_270 : memref<2048xi32, #tpu.memory_space<hbm>>) dst(%arg13 : memref<2048xi32, #tpu.memory_space<vmem>>)
    %dma_wait3A_271 = tpu.memref_slice %arg4[%mul3A_235] : memref<303104xf32, #tpu.memory_space<hbm>> -> memref<2048xf32, #tpu.memory_space<hbm>>
    %dma_wait3A_272 = tpu.memref_slice %arg4[%mul3A_235] : memref<303104xf32, #tpu.memory_space<hbm>> -> memref<2048xf32, #tpu.memory_space<hbm>>
    tpu.wait_dma2 semaphore(%arg24 : memref<!tpu.dma_semaphore, #tpu.memory_space<semaphore_mem>>) src(%dma_wait3A_272 : memref<2048xf32, #tpu.memory_space<hbm>>) dst(%arg14 : memref<2048xf32, #tpu.memory_space<vmem>>)
    %add3A_273 = arith.constant 128 : i32
    %add3A_274 = arith.addi %arg1, %add3A_273 : i32
    %lt3A_275 = arith.constant 148 : i32
    %lt3A_276 = arith.cmpi slt, %add3A_274, %lt3A_275 : i32
    %convert_element_type3A_277 = arith.extui %lt3A_276 : i1 to i32
    %cond3A_278 = arith.constant 0 : i32
    %cond3A_279 = arith.cmpi ne, %convert_element_type3A_277, %cond3A_278 : i32
    scf.if %cond3A_279 {
      "tpu.region"() ({
        %run_scoped3A = tpu.sem_alloc : memref<!tpu.dma_semaphore, #tpu.memory_space<semaphore_mem>>
        %dma_start3A_543 = arith.constant 0 : i32
        %dma_start3A_544 = tpu.memref_slice %arg27[%dma_start3A_543] : memref<100352xi32, #tpu.memory_space<vmem_shared>> -> memref<100352xi32, #tpu.memory_space<vmem_shared>>
        tpu.enqueue_indirect_dma source(%dma_start3A_544 : memref<100352xi32, #tpu.memory_space<vmem_shared>>) target(%arg18 : memref<2048xi32, #tpu.memory_space<vmem>>) offsets(%arg12 : memref<2048xi32, #tpu.memory_space<vmem>>) semaphore(%run_scoped3A : memref<!tpu.dma_semaphore, #tpu.memory_space<semaphore_mem>>)
        %dma_wait3A_545 = arith.constant 0 : i32
        %dma_wait3A_546 = tpu.memref_slice %arg27[%dma_wait3A_545] : memref<100352xi32, #tpu.memory_space<vmem_shared>> -> memref<100352xi32, #tpu.memory_space<vmem_shared>>
        tpu.wait_indirect_dma semaphore(%run_scoped3A : memref<!tpu.dma_semaphore, #tpu.memory_space<semaphore_mem>>) src(%dma_wait3A_546 : memref<100352xi32, #tpu.memory_space<vmem_shared>>) dst(%arg18 : memref<2048xi32, #tpu.memory_space<vmem>>)
        tpu.yield
      }) : () -> ()
      %scan3A_536 = arith.constant 0 : i32
      %scan3A_537 = arith.constant 0 : i32
      %scan3A_538 = arith.constant 128 : i32
      %scan3A_539 = arith.addi %scan3A_537, %scan3A_538 : i32
      %scan3A_540 = arith.constant 1 : i32
      %scan3A_541 = scf.for %scan3A_543 = %scan3A_537 to %scan3A_539 step %scan3A_540 iter_args(%scan3A_544 = %scan3A_536) -> (i32)  : i32 {
        %mul3A_545 = arith.constant 16 : i32
        %mul3A_546 = arith.muli %scan3A_543, %mul3A_545 : i32
        %get3A = arith.index_cast %mul3A_546 : i32 to index
        %get3A_547 = tpu.vector_load %arg13[%get3A] {strides = array<i32>} : memref<2048xi32, #tpu.memory_space<vmem>>, vector<16xi32>,
        %mul3A_548 = arith.constant 16 : i32
        %mul3A_549 = arith.muli %scan3A_543, %mul3A_548 : i32
        %get3A_550 = arith.index_cast %mul3A_549 : i32 to index
        %get3A_551 = tpu.vector_load %arg18[%get3A_550] {strides = array<i32>} : memref<2048xi32, #tpu.memory_space<vmem>>, vector<16xi32>,
        %sub3A = vector.broadcast %mul3A_50 : i32 to vector<16xi32>
        %sub3A_552 = arith.subi %get3A_547, %sub3A : vector<16xi32>
        %ge3A = arith.constant 0 : i32
        %ge3A_553 = vector.broadcast %ge3A : i32 to vector<16xi32>
        %ge3A_554 = arith.cmpi sge, %sub3A_552, %ge3A_553 : vector<16xi32>
        %lt3A_555 = arith.constant 500 : i32
        %lt3A_556 = vector.broadcast %lt3A_555 : i32 to vector<16xi32>
        %lt3A_557 = arith.cmpi slt, %sub3A_552, %lt3A_556 : vector<16xi32>
        %and3A = arith.andi %ge3A_554, %lt3A_557 : vector<16xi1>
        %jit3A = arith.constant 500 : i32
        %broadcast_in_dim3A = vector.broadcast %jit3A : i32 to vector<16xi32>
        %select_n3A = arith.select %and3A, %sub3A_552, %broadcast_in_dim3A : vector<16xi1>, vector<16xi32>
        %mul3A_558 = arith.constant 2052 : i32
        %mul3A_559 = vector.broadcast %mul3A_558 : i32 to vector<16xi32>
        %mul3A_560 = arith.muli %select_n3A, %mul3A_559 : vector<16xi32>
        %add3A_561 = arith.addi %mul3A_560, %get3A_551 : vector<16xi32>
        %mul3A_562 = arith.constant 16 : i32
        %mul3A_563 = arith.muli %scan3A_543, %mul3A_562 : i32
        %swap3A = arith.index_cast %mul3A_563 : i32 to index
        %swap3A_564 = tpu.vector_load %arg19[%swap3A] {strides = array<i32>} : memref<2048xi32, #tpu.memory_space<vmem>>, vector<16xi32>,
        tpu.vector_store %arg19[%swap3A], %add3A_561 {strides = array<i32>} : memref<2048xi32, #tpu.memory_space<vmem>>, vector<16xi32>,
        %mul3A_565 = arith.constant 2052 : i32
        %mul3A_566 = vector.broadcast %mul3A_565 : i32 to vector<16xi32>
        %mul3A_567 = arith.muli %select_n3A, %mul3A_566 : vector<16xi32>
        %add3A_568 = arith.constant 2048 : i32
        %add3A_569 = vector.broadcast %add3A_568 : i32 to vector<16xi32>
        %add3A_570 = arith.addi %mul3A_567, %add3A_569 : vector<16xi32>
        %add3A_571 = arith.constant 1026000 : i32
        %add3A_572 = vector.broadcast %add3A_571 : i32 to vector<16xi32>
        %add3A_573 = arith.addi %add3A_572, %get3A_551 : vector<16xi32>
        %select_n3A_574 = arith.select %and3A, %add3A_570, %add3A_573 : vector<16xi1>, vector<16xi32>
        %mul3A_575 = arith.constant 16 : i32
        %mul3A_576 = arith.muli %scan3A_543, %mul3A_575 : i32
        %swap3A_577 = arith.index_cast %mul3A_576 : i32 to index
        %swap3A_578 = tpu.vector_load %arg20[%swap3A_577] {strides = array<i32>} : memref<2048xi32, #tpu.memory_space<vmem>>, vector<16xi32>,
        tpu.vector_store %arg20[%swap3A_577], %select_n3A_574 {strides = array<i32>} : memref<2048xi32, #tpu.memory_space<vmem>>, vector<16xi32>,
        %scan3A_579 = arith.constant 0 : i32
        scf.yield %scan3A_579 : i32
      }
      %scan3A_542 = arith.constant 128 : i32
      "tpu.region"() ({
        %run_scoped3A = tpu.sem_alloc : memref<!tpu.dma_semaphore, #tpu.memory_space<semaphore_mem>>
        %dma_start3A_543 = arith.constant 0 : i32
        %dma_start3A_544 = tpu.memref_slice %arg26[%dma_start3A_543] : memref<1433600xf32, #tpu.memory_space<vmem_shared>> -> memref<1433600xf32, #tpu.memory_space<vmem_shared>>
        tpu.enqueue_indirect_dma source(%arg14 : memref<2048xf32, #tpu.memory_space<vmem>>) target(%dma_start3A_544 : memref<1433600xf32, #tpu.memory_space<vmem_shared>>) offsets(%arg19 : memref<2048xi32, #tpu.memory_space<vmem>>) semaphore(%run_scoped3A : memref<!tpu.dma_semaphore, #tpu.memory_space<semaphore_mem>>) {add = true}
        %dma_wait3A_545 = arith.constant 0 : i32
        %dma_wait3A_546 = tpu.memref_slice %arg26[%dma_wait3A_545] : memref<1433600xf32, #tpu.memory_space<vmem_shared>> -> memref<1433600xf32, #tpu.memory_space<vmem_shared>>
        tpu.wait_indirect_dma semaphore(%run_scoped3A : memref<!tpu.dma_semaphore, #tpu.memory_space<semaphore_mem>>) src(%arg14 : memref<2048xf32, #tpu.memory_space<vmem>>) dst(%dma_wait3A_546 : memref<1433600xf32, #tpu.memory_space<vmem_shared>>)
        tpu.yield
      }) : () -> ()
      "tpu.region"() ({
        %run_scoped3A = tpu.sem_alloc : memref<!tpu.dma_semaphore, #tpu.memory_space<semaphore_mem>>
        %dma_start3A_543 = arith.constant 0 : i32
        %dma_start3A_544 = tpu.memref_slice %arg26[%dma_start3A_543] : memref<1433600xf32, #tpu.memory_space<vmem_shared>> -> memref<1433600xf32, #tpu.memory_space<vmem_shared>>
        tpu.enqueue_indirect_dma source(%arg21 : memref<2048xf32, #tpu.memory_space<vmem>>) target(%dma_start3A_544 : memref<1433600xf32, #tpu.memory_space<vmem_shared>>) offsets(%arg20 : memref<2048xi32, #tpu.memory_space<vmem>>) semaphore(%run_scoped3A : memref<!tpu.dma_semaphore, #tpu.memory_space<semaphore_mem>>) {add = true}
        %dma_wait3A_545 = arith.constant 0 : i32
        %dma_wait3A_546 = tpu.memref_slice %arg26[%dma_wait3A_545] : memref<1433600xf32, #tpu.memory_space<vmem_shared>> -> memref<1433600xf32, #tpu.memory_space<vmem_shared>>
        tpu.wait_indirect_dma semaphore(%run_scoped3A : memref<!tpu.dma_semaphore, #tpu.memory_space<semaphore_mem>>) src(%arg21 : memref<2048xf32, #tpu.memory_space<vmem>>) dst(%dma_wait3A_546 : memref<1433600xf32, #tpu.memory_space<vmem_shared>>)
        tpu.yield
      }) : () -> ()
    } else {
    }
    %dma_wait3A_280 = tpu.memref_slice %arg2[%mul3A_260] : memref<303104xi32, #tpu.memory_space<hbm>> -> memref<2048xi32, #tpu.memory_space<hbm>>
    %dma_wait3A_281 = tpu.memref_slice %arg2[%mul3A_260] : memref<303104xi32, #tpu.memory_space<hbm>> -> memref<2048xi32, #tpu.memory_space<hbm>>
    tpu.wait_dma2 semaphore(%arg25 : memref<!tpu.dma_semaphore, #tpu.memory_space<semaphore_mem>>) src(%dma_wait3A_281 : memref<2048xi32, #tpu.memory_space<hbm>>) dst(%arg15 : memref<2048xi32, #tpu.memory_space<vmem>>)
    %dma_wait3A_282 = tpu.memref_slice %arg3[%mul3A_260] : memref<303104xi32, #tpu.memory_space<hbm>> -> memref<2048xi32, #tpu.memory_space<hbm>>
    %dma_wait3A_283 = tpu.memref_slice %arg3[%mul3A_260] : memref<303104xi32, #tpu.memory_space<hbm>> -> memref<2048xi32, #tpu.memory_space<hbm>>
    tpu.wait_dma2 semaphore(%arg25 : memref<!tpu.dma_semaphore, #tpu.memory_space<semaphore_mem>>) src(%dma_wait3A_283 : memref<2048xi32, #tpu.memory_space<hbm>>) dst(%arg16 : memref<2048xi32, #tpu.memory_space<vmem>>)
    %dma_wait3A_284 = tpu.memref_slice %arg4[%mul3A_260] : memref<303104xf32, #tpu.memory_space<hbm>> -> memref<2048xf32, #tpu.memory_space<hbm>>
    %dma_wait3A_285 = tpu.memref_slice %arg4[%mul3A_260] : memref<303104xf32, #tpu.memory_space<hbm>> -> memref<2048xf32, #tpu.memory_space<hbm>>
    tpu.wait_dma2 semaphore(%arg25 : memref<!tpu.dma_semaphore, #tpu.memory_space<semaphore_mem>>) src(%dma_wait3A_285 : memref<2048xf32, #tpu.memory_space<hbm>>) dst(%arg17 : memref<2048xf32, #tpu.memory_space<vmem>>)
    %add3A_286 = arith.constant 144 : i32
    %add3A_287 = arith.addi %arg1, %add3A_286 : i32
    %lt3A_288 = arith.constant 148 : i32
    %lt3A_289 = arith.cmpi slt, %add3A_287, %lt3A_288 : i32
    %convert_element_type3A_290 = arith.extui %lt3A_289 : i1 to i32
    %cond3A_291 = arith.constant 0 : i32
    %cond3A_292 = arith.cmpi ne, %convert_element_type3A_290, %cond3A_291 : i32
    scf.if %cond3A_292 {
      "tpu.region"() ({
        %run_scoped3A = tpu.sem_alloc : memref<!tpu.dma_semaphore, #tpu.memory_space<semaphore_mem>>
        %dma_start3A_543 = arith.constant 0 : i32
        %dma_start3A_544 = tpu.memref_slice %arg27[%dma_start3A_543] : memref<100352xi32, #tpu.memory_space<vmem_shared>> -> memref<100352xi32, #tpu.memory_space<vmem_shared>>
        tpu.enqueue_indirect_dma source(%dma_start3A_544 : memref<100352xi32, #tpu.memory_space<vmem_shared>>) target(%arg18 : memref<2048xi32, #tpu.memory_space<vmem>>) offsets(%arg15 : memref<2048xi32, #tpu.memory_space<vmem>>) semaphore(%run_scoped3A : memref<!tpu.dma_semaphore, #tpu.memory_space<semaphore_mem>>)
        %dma_wait3A_545 = arith.constant 0 : i32
        %dma_wait3A_546 = tpu.memref_slice %arg27[%dma_wait3A_545] : memref<100352xi32, #tpu.memory_space<vmem_shared>> -> memref<100352xi32, #tpu.memory_space<vmem_shared>>
        tpu.wait_indirect_dma semaphore(%run_scoped3A : memref<!tpu.dma_semaphore, #tpu.memory_space<semaphore_mem>>) src(%dma_wait3A_546 : memref<100352xi32, #tpu.memory_space<vmem_shared>>) dst(%arg18 : memref<2048xi32, #tpu.memory_space<vmem>>)
        tpu.yield
      }) : () -> ()
      %scan3A_536 = arith.constant 0 : i32
      %scan3A_537 = arith.constant 0 : i32
      %scan3A_538 = arith.constant 128 : i32
      %scan3A_539 = arith.addi %scan3A_537, %scan3A_538 : i32
      %scan3A_540 = arith.constant 1 : i32
      %scan3A_541 = scf.for %scan3A_543 = %scan3A_537 to %scan3A_539 step %scan3A_540 iter_args(%scan3A_544 = %scan3A_536) -> (i32)  : i32 {
        %mul3A_545 = arith.constant 16 : i32
        %mul3A_546 = arith.muli %scan3A_543, %mul3A_545 : i32
        %get3A = arith.index_cast %mul3A_546 : i32 to index
        %get3A_547 = tpu.vector_load %arg16[%get3A] {strides = array<i32>} : memref<2048xi32, #tpu.memory_space<vmem>>, vector<16xi32>,
        %mul3A_548 = arith.constant 16 : i32
        %mul3A_549 = arith.muli %scan3A_543, %mul3A_548 : i32
        %get3A_550 = arith.index_cast %mul3A_549 : i32 to index
        %get3A_551 = tpu.vector_load %arg18[%get3A_550] {strides = array<i32>} : memref<2048xi32, #tpu.memory_space<vmem>>, vector<16xi32>,
        %sub3A = vector.broadcast %mul3A_50 : i32 to vector<16xi32>
        %sub3A_552 = arith.subi %get3A_547, %sub3A : vector<16xi32>
        %ge3A = arith.constant 0 : i32
        %ge3A_553 = vector.broadcast %ge3A : i32 to vector<16xi32>
        %ge3A_554 = arith.cmpi sge, %sub3A_552, %ge3A_553 : vector<16xi32>
        %lt3A_555 = arith.constant 500 : i32
        %lt3A_556 = vector.broadcast %lt3A_555 : i32 to vector<16xi32>
        %lt3A_557 = arith.cmpi slt, %sub3A_552, %lt3A_556 : vector<16xi32>
        %and3A = arith.andi %ge3A_554, %lt3A_557 : vector<16xi1>
        %jit3A = arith.constant 500 : i32
        %broadcast_in_dim3A = vector.broadcast %jit3A : i32 to vector<16xi32>
        %select_n3A = arith.select %and3A, %sub3A_552, %broadcast_in_dim3A : vector<16xi1>, vector<16xi32>
        %mul3A_558 = arith.constant 2052 : i32
        %mul3A_559 = vector.broadcast %mul3A_558 : i32 to vector<16xi32>
        %mul3A_560 = arith.muli %select_n3A, %mul3A_559 : vector<16xi32>
        %add3A_561 = arith.addi %mul3A_560, %get3A_551 : vector<16xi32>
        %mul3A_562 = arith.constant 16 : i32
        %mul3A_563 = arith.muli %scan3A_543, %mul3A_562 : i32
        %swap3A = arith.index_cast %mul3A_563 : i32 to index
        %swap3A_564 = tpu.vector_load %arg19[%swap3A] {strides = array<i32>} : memref<2048xi32, #tpu.memory_space<vmem>>, vector<16xi32>,
        tpu.vector_store %arg19[%swap3A], %add3A_561 {strides = array<i32>} : memref<2048xi32, #tpu.memory_space<vmem>>, vector<16xi32>,
        %mul3A_565 = arith.constant 2052 : i32
        %mul3A_566 = vector.broadcast %mul3A_565 : i32 to vector<16xi32>
        %mul3A_567 = arith.muli %select_n3A, %mul3A_566 : vector<16xi32>
        %add3A_568 = arith.constant 2048 : i32
        %add3A_569 = vector.broadcast %add3A_568 : i32 to vector<16xi32>
        %add3A_570 = arith.addi %mul3A_567, %add3A_569 : vector<16xi32>
        %add3A_571 = arith.constant 1026000 : i32
        %add3A_572 = vector.broadcast %add3A_571 : i32 to vector<16xi32>
        %add3A_573 = arith.addi %add3A_572, %get3A_551 : vector<16xi32>
        %select_n3A_574 = arith.select %and3A, %add3A_570, %add3A_573 : vector<16xi1>, vector<16xi32>
        %mul3A_575 = arith.constant 16 : i32
        %mul3A_576 = arith.muli %scan3A_543, %mul3A_575 : i32
        %swap3A_577 = arith.index_cast %mul3A_576 : i32 to index
        %swap3A_578 = tpu.vector_load %arg20[%swap3A_577] {strides = array<i32>} : memref<2048xi32, #tpu.memory_space<vmem>>, vector<16xi32>,
        tpu.vector_store %arg20[%swap3A_577], %select_n3A_574 {strides = array<i32>} : memref<2048xi32, #tpu.memory_space<vmem>>, vector<16xi32>,
        %scan3A_579 = arith.constant 0 : i32
        scf.yield %scan3A_579 : i32
      }
      %scan3A_542 = arith.constant 128 : i32
      "tpu.region"() ({
        %run_scoped3A = tpu.sem_alloc : memref<!tpu.dma_semaphore, #tpu.memory_space<semaphore_mem>>
        %dma_start3A_543 = arith.constant 0 : i32
        %dma_start3A_544 = tpu.memref_slice %arg26[%dma_start3A_543] : memref<1433600xf32, #tpu.memory_space<vmem_shared>> -> memref<1433600xf32, #tpu.memory_space<vmem_shared>>
        tpu.enqueue_indirect_dma source(%arg17 : memref<2048xf32, #tpu.memory_space<vmem>>) target(%dma_start3A_544 : memref<1433600xf32, #tpu.memory_space<vmem_shared>>) offsets(%arg19 : memref<2048xi32, #tpu.memory_space<vmem>>) semaphore(%run_scoped3A : memref<!tpu.dma_semaphore, #tpu.memory_space<semaphore_mem>>) {add = true}
        %dma_wait3A_545 = arith.constant 0 : i32
        %dma_wait3A_546 = tpu.memref_slice %arg26[%dma_wait3A_545] : memref<1433600xf32, #tpu.memory_space<vmem_shared>> -> memref<1433600xf32, #tpu.memory_space<vmem_shared>>
        tpu.wait_indirect_dma semaphore(%run_scoped3A : memref<!tpu.dma_semaphore, #tpu.memory_space<semaphore_mem>>) src(%arg17 : memref<2048xf32, #tpu.memory_space<vmem>>) dst(%dma_wait3A_546 : memref<1433600xf32, #tpu.memory_space<vmem_shared>>)
        tpu.yield
      }) : () -> ()
      "tpu.region"() ({
        %run_scoped3A = tpu.sem_alloc : memref<!tpu.dma_semaphore, #tpu.memory_space<semaphore_mem>>
        %dma_start3A_543 = arith.constant 0 : i32
        %dma_start3A_544 = tpu.memref_slice %arg26[%dma_start3A_543] : memref<1433600xf32, #tpu.memory_space<vmem_shared>> -> memref<1433600xf32, #tpu.memory_space<vmem_shared>>
        tpu.enqueue_indirect_dma source(%arg21 : memref<2048xf32, #tpu.memory_space<vmem>>) target(%dma_start3A_544 : memref<1433600xf32, #tpu.memory_space<vmem_shared>>) offsets(%arg20 : memref<2048xi32, #tpu.memory_space<vmem>>) semaphore(%run_scoped3A : memref<!tpu.dma_semaphore, #tpu.memory_space<semaphore_mem>>) {add = true}
        %dma_wait3A_545 = arith.constant 0 : i32
        %dma_wait3A_546 = tpu.memref_slice %arg26[%dma_wait3A_545] : memref<1433600xf32, #tpu.memory_space<vmem_shared>> -> memref<1433600xf32, #tpu.memory_space<vmem_shared>>
        tpu.wait_indirect_dma semaphore(%run_scoped3A : memref<!tpu.dma_semaphore, #tpu.memory_space<semaphore_mem>>) src(%arg21 : memref<2048xf32, #tpu.memory_space<vmem>>) dst(%dma_wait3A_546 : memref<1433600xf32, #tpu.memory_space<vmem_shared>>)
        tpu.yield
      }) : () -> ()
    } else {
    }
    %mul3A_293 = arith.constant 74 : i32
    %mul3A_294 = arith.muli %arg0, %mul3A_293 : i32
    %min3A_295 = arith.constant 73 : i32
    %min3A_296 = arith.minsi %arg1, %min3A_295 : i32
    %add3A_297 = arith.addi %mul3A_294, %min3A_296 : i32
    %mul3A_298 = arith.constant 2048 : i32
    %mul3A_299 = arith.muli %add3A_297, %mul3A_298 : i32
    %dma_start3A_300 = tpu.memref_slice %arg5[%mul3A_299] : memref<303104xi32, #tpu.memory_space<hbm>> -> memref<2048xi32, #tpu.memory_space<hbm>>
    %dma_start3A_301 = tpu.memref_slice %arg5[%mul3A_299] : memref<303104xi32, #tpu.memory_space<hbm>> -> memref<2048xi32, #tpu.memory_space<hbm>>
    tpu.enqueue_dma source(%dma_start3A_301 : memref<2048xi32, #tpu.memory_space<hbm>>) target(%arg12 : memref<2048xi32, #tpu.memory_space<vmem>>) target_semaphore(%arg24 : memref<!tpu.dma_semaphore, #tpu.memory_space<semaphore_mem>>)
    %dma_start3A_302 = tpu.memref_slice %arg6[%mul3A_299] : memref<303104xi32, #tpu.memory_space<hbm>> -> memref<2048xi32, #tpu.memory_space<hbm>>
    %dma_start3A_303 = tpu.memref_slice %arg6[%mul3A_299] : memref<303104xi32, #tpu.memory_space<hbm>> -> memref<2048xi32, #tpu.memory_space<hbm>>
    tpu.enqueue_dma source(%dma_start3A_303 : memref<2048xi32, #tpu.memory_space<hbm>>) target(%arg13 : memref<2048xi32, #tpu.memory_space<vmem>>) target_semaphore(%arg24 : memref<!tpu.dma_semaphore, #tpu.memory_space<semaphore_mem>>)
    %dma_start3A_304 = tpu.memref_slice %arg7[%mul3A_299] : memref<303104xf32, #tpu.memory_space<hbm>> -> memref<2048xf32, #tpu.memory_space<hbm>>
    %dma_start3A_305 = tpu.memref_slice %arg7[%mul3A_299] : memref<303104xf32, #tpu.memory_space<hbm>> -> memref<2048xf32, #tpu.memory_space<hbm>>
    tpu.enqueue_dma source(%dma_start3A_305 : memref<2048xf32, #tpu.memory_space<hbm>>) target(%arg14 : memref<2048xf32, #tpu.memory_space<vmem>>) target_semaphore(%arg24 : memref<!tpu.dma_semaphore, #tpu.memory_space<semaphore_mem>>)
    %add3A_306 = arith.constant 16 : i32
    %add3A_307 = arith.addi %arg1, %add3A_306 : i32
    %min3A_308 = arith.constant 73 : i32
    %min3A_309 = arith.minsi %add3A_307, %min3A_308 : i32
    %add3A_310 = arith.addi %mul3A_294, %min3A_309 : i32
    %mul3A_311 = arith.constant 2048 : i32
    %mul3A_312 = arith.muli %add3A_310, %mul3A_311 : i32
    %dma_start3A_313 = tpu.memref_slice %arg5[%mul3A_312] : memref<303104xi32, #tpu.memory_space<hbm>> -> memref<2048xi32, #tpu.memory_space<hbm>>
    %dma_start3A_314 = tpu.memref_slice %arg5[%mul3A_312] : memref<303104xi32, #tpu.memory_space<hbm>> -> memref<2048xi32, #tpu.memory_space<hbm>>
    tpu.enqueue_dma source(%dma_start3A_314 : memref<2048xi32, #tpu.memory_space<hbm>>) target(%arg15 : memref<2048xi32, #tpu.memory_space<vmem>>) target_semaphore(%arg25 : memref<!tpu.dma_semaphore, #tpu.memory_space<semaphore_mem>>)
    %dma_start3A_315 = tpu.memref_slice %arg6[%mul3A_312] : memref<303104xi32, #tpu.memory_space<hbm>> -> memref<2048xi32, #tpu.memory_space<hbm>>
    %dma_start3A_316 = tpu.memref_slice %arg6[%mul3A_312] : memref<303104xi32, #tpu.memory_space<hbm>> -> memref<2048xi32, #tpu.memory_space<hbm>>
    tpu.enqueue_dma source(%dma_start3A_316 : memref<2048xi32, #tpu.memory_space<hbm>>) target(%arg16 : memref<2048xi32, #tpu.memory_space<vmem>>) target_semaphore(%arg25 : memref<!tpu.dma_semaphore, #tpu.memory_space<semaphore_mem>>)
    %dma_start3A_317 = tpu.memref_slice %arg7[%mul3A_312] : memref<303104xf32, #tpu.memory_space<hbm>> -> memref<2048xf32, #tpu.memory_space<hbm>>
    %dma_start3A_318 = tpu.memref_slice %arg7[%mul3A_312] : memref<303104xf32, #tpu.memory_space<hbm>> -> memref<2048xf32, #tpu.memory_space<hbm>>
    tpu.enqueue_dma source(%dma_start3A_318 : memref<2048xf32, #tpu.memory_space<hbm>>) target(%arg17 : memref<2048xf32, #tpu.memory_space<vmem>>) target_semaphore(%arg25 : memref<!tpu.dma_semaphore, #tpu.memory_space<semaphore_mem>>)
    %dma_wait3A_319 = tpu.memref_slice %arg5[%mul3A_299] : memref<303104xi32, #tpu.memory_space<hbm>> -> memref<2048xi32, #tpu.memory_space<hbm>>
    %dma_wait3A_320 = tpu.memref_slice %arg5[%mul3A_299] : memref<303104xi32, #tpu.memory_space<hbm>> -> memref<2048xi32, #tpu.memory_space<hbm>>
    tpu.wait_dma2 semaphore(%arg24 : memref<!tpu.dma_semaphore, #tpu.memory_space<semaphore_mem>>) src(%dma_wait3A_320 : memref<2048xi32, #tpu.memory_space<hbm>>) dst(%arg12 : memref<2048xi32, #tpu.memory_space<vmem>>)
    %dma_wait3A_321 = tpu.memref_slice %arg6[%mul3A_299] : memref<303104xi32, #tpu.memory_space<hbm>> -> memref<2048xi32, #tpu.memory_space<hbm>>
    %dma_wait3A_322 = tpu.memref_slice %arg6[%mul3A_299] : memref<303104xi32, #tpu.memory_space<hbm>> -> memref<2048xi32, #tpu.memory_space<hbm>>
    tpu.wait_dma2 semaphore(%arg24 : memref<!tpu.dma_semaphore, #tpu.memory_space<semaphore_mem>>) src(%dma_wait3A_322 : memref<2048xi32, #tpu.memory_space<hbm>>) dst(%arg13 : memref<2048xi32, #tpu.memory_space<vmem>>)
    %dma_wait3A_323 = tpu.memref_slice %arg7[%mul3A_299] : memref<303104xf32, #tpu.memory_space<hbm>> -> memref<2048xf32, #tpu.memory_space<hbm>>
    %dma_wait3A_324 = tpu.memref_slice %arg7[%mul3A_299] : memref<303104xf32, #tpu.memory_space<hbm>> -> memref<2048xf32, #tpu.memory_space<hbm>>
    tpu.wait_dma2 semaphore(%arg24 : memref<!tpu.dma_semaphore, #tpu.memory_space<semaphore_mem>>) src(%dma_wait3A_324 : memref<2048xf32, #tpu.memory_space<hbm>>) dst(%arg14 : memref<2048xf32, #tpu.memory_space<vmem>>)
    %add3A_325 = arith.constant 0 : i32
    %add3A_326 = arith.addi %arg1, %add3A_325 : i32
    %lt3A_327 = arith.constant 74 : i32
    %lt3A_328 = arith.cmpi slt, %add3A_326, %lt3A_327 : i32
    %convert_element_type3A_329 = arith.extui %lt3A_328 : i1 to i32
    %cond3A_330 = arith.constant 0 : i32
    %cond3A_331 = arith.cmpi ne, %convert_element_type3A_329, %cond3A_330 : i32
    scf.if %cond3A_331 {
      %scan3A_536 = arith.constant 0 : i32
      %scan3A_537 = arith.constant 0 : i32
      %scan3A_538 = arith.constant 128 : i32
      %scan3A_539 = arith.addi %scan3A_537, %scan3A_538 : i32
      %scan3A_540 = arith.constant 1 : i32
      %scan3A_541 = scf.for %scan3A_543 = %scan3A_537 to %scan3A_539 step %scan3A_540 iter_args(%scan3A_544 = %scan3A_536) -> (i32)  : i32 {
        %mul3A_545 = arith.constant 16 : i32
        %mul3A_546 = arith.muli %scan3A_543, %mul3A_545 : i32
        %get3A = arith.index_cast %mul3A_546 : i32 to index
        %get3A_547 = tpu.vector_load %arg12[%get3A] {strides = array<i32>} : memref<2048xi32, #tpu.memory_space<vmem>>, vector<16xi32>,
        %mul3A_548 = arith.constant 16 : i32
        %mul3A_549 = arith.muli %scan3A_543, %mul3A_548 : i32
        %get3A_550 = arith.index_cast %mul3A_549 : i32 to index
        %get3A_551 = tpu.vector_load %arg13[%get3A_550] {strides = array<i32>} : memref<2048xi32, #tpu.memory_space<vmem>>, vector<16xi32>,
        %gather3A = tpu.vector_load_idx %arg11[%get3A_547] : memref<1000xi32, #tpu.memory_space<vmem>>[vector<16xi32>], vector<16xi32>,
        %mul3A_552 = arith.constant 4 : i32
        %mul3A_553 = vector.broadcast %mul3A_552 : i32 to vector<16xi32>
        %mul3A_554 = arith.muli %get3A_551, %mul3A_553 : vector<16xi32>
        %add3A_555 = arith.constant 1028096 : i32
        %add3A_556 = vector.broadcast %add3A_555 : i32 to vector<16xi32>
        %add3A_557 = arith.addi %add3A_556, %mul3A_554 : vector<16xi32>
        %add3A_558 = arith.addi %add3A_557, %gather3A : vector<16xi32>
        %mul3A_559 = arith.constant 16 : i32
        %mul3A_560 = arith.muli %scan3A_543, %mul3A_559 : i32
        %swap3A = arith.index_cast %mul3A_560 : i32 to index
        %swap3A_561 = tpu.vector_load %arg19[%swap3A] {strides = array<i32>} : memref<2048xi32, #tpu.memory_space<vmem>>, vector<16xi32>,
        tpu.vector_store %arg19[%swap3A], %add3A_558 {strides = array<i32>} : memref<2048xi32, #tpu.memory_space<vmem>>, vector<16xi32>,
        %mul3A_562 = arith.constant 4 : i32
        %mul3A_563 = vector.broadcast %mul3A_562 : i32 to vector<16xi32>
        %mul3A_564 = arith.muli %get3A_551, %mul3A_563 : vector<16xi32>
        %add3A_565 = arith.constant 1028096 : i32
        %add3A_566 = vector.broadcast %add3A_565 : i32 to vector<16xi32>
        %add3A_567 = arith.addi %add3A_566, %mul3A_564 : vector<16xi32>
        %add3A_568 = arith.constant 2 : i32
        %add3A_569 = vector.broadcast %add3A_568 : i32 to vector<16xi32>
        %add3A_570 = arith.addi %add3A_567, %add3A_569 : vector<16xi32>
        %mul3A_571 = arith.constant 16 : i32
        %mul3A_572 = arith.muli %scan3A_543, %mul3A_571 : i32
        %swap3A_573 = arith.index_cast %mul3A_572 : i32 to index
        %swap3A_574 = tpu.vector_load %arg20[%swap3A_573] {strides = array<i32>} : memref<2048xi32, #tpu.memory_space<vmem>>, vector<16xi32>,
        tpu.vector_store %arg20[%swap3A_573], %add3A_570 {strides = array<i32>} : memref<2048xi32, #tpu.memory_space<vmem>>, vector<16xi32>,
        %scan3A_575 = arith.constant 0 : i32
        scf.yield %scan3A_575 : i32
      }
      %scan3A_542 = arith.constant 128 : i32
      "tpu.region"() ({
        %run_scoped3A = tpu.sem_alloc : memref<!tpu.dma_semaphore, #tpu.memory_space<semaphore_mem>>
        %dma_start3A_543 = arith.constant 0 : i32
        %dma_start3A_544 = tpu.memref_slice %arg26[%dma_start3A_543] : memref<1433600xf32, #tpu.memory_space<vmem_shared>> -> memref<1433600xf32, #tpu.memory_space<vmem_shared>>
        tpu.enqueue_indirect_dma source(%arg14 : memref<2048xf32, #tpu.memory_space<vmem>>) target(%dma_start3A_544 : memref<1433600xf32, #tpu.memory_space<vmem_shared>>) offsets(%arg19 : memref<2048xi32, #tpu.memory_space<vmem>>) semaphore(%run_scoped3A : memref<!tpu.dma_semaphore, #tpu.memory_space<semaphore_mem>>) {add = true}
        %dma_wait3A_545 = arith.constant 0 : i32
        %dma_wait3A_546 = tpu.memref_slice %arg26[%dma_wait3A_545] : memref<1433600xf32, #tpu.memory_space<vmem_shared>> -> memref<1433600xf32, #tpu.memory_space<vmem_shared>>
        tpu.wait_indirect_dma semaphore(%run_scoped3A : memref<!tpu.dma_semaphore, #tpu.memory_space<semaphore_mem>>) src(%arg14 : memref<2048xf32, #tpu.memory_space<vmem>>) dst(%dma_wait3A_546 : memref<1433600xf32, #tpu.memory_space<vmem_shared>>)
        tpu.yield
      }) : () -> ()
      "tpu.region"() ({
        %run_scoped3A = tpu.sem_alloc : memref<!tpu.dma_semaphore, #tpu.memory_space<semaphore_mem>>
        %dma_start3A_543 = arith.constant 0 : i32
        %dma_start3A_544 = tpu.memref_slice %arg26[%dma_start3A_543] : memref<1433600xf32, #tpu.memory_space<vmem_shared>> -> memref<1433600xf32, #tpu.memory_space<vmem_shared>>
        tpu.enqueue_indirect_dma source(%arg21 : memref<2048xf32, #tpu.memory_space<vmem>>) target(%dma_start3A_544 : memref<1433600xf32, #tpu.memory_space<vmem_shared>>) offsets(%arg20 : memref<2048xi32, #tpu.memory_space<vmem>>) semaphore(%run_scoped3A : memref<!tpu.dma_semaphore, #tpu.memory_space<semaphore_mem>>) {add = true}
        %dma_wait3A_545 = arith.constant 0 : i32
        %dma_wait3A_546 = tpu.memref_slice %arg26[%dma_wait3A_545] : memref<1433600xf32, #tpu.memory_space<vmem_shared>> -> memref<1433600xf32, #tpu.memory_space<vmem_shared>>
        tpu.wait_indirect_dma semaphore(%run_scoped3A : memref<!tpu.dma_semaphore, #tpu.memory_space<semaphore_mem>>) src(%arg21 : memref<2048xf32, #tpu.memory_space<vmem>>) dst(%dma_wait3A_546 : memref<1433600xf32, #tpu.memory_space<vmem_shared>>)
        tpu.yield
      }) : () -> ()
    } else {
    }
    %add3A_332 = arith.constant 32 : i32
    %add3A_333 = arith.addi %arg1, %add3A_332 : i32
    %min3A_334 = arith.constant 73 : i32
    %min3A_335 = arith.minsi %add3A_333, %min3A_334 : i32
    %add3A_336 = arith.addi %mul3A_294, %min3A_335 : i32
    %mul3A_337 = arith.constant 2048 : i32
    %mul3A_338 = arith.muli %add3A_336, %mul3A_337 : i32
    %dma_start3A_339 = tpu.memref_slice %arg5[%mul3A_338] : memref<303104xi32, #tpu.memory_space<hbm>> -> memref<2048xi32, #tpu.memory_space<hbm>>
    %dma_start3A_340 = tpu.memref_slice %arg5[%mul3A_338] : memref<303104xi32, #tpu.memory_space<hbm>> -> memref<2048xi32, #tpu.memory_space<hbm>>
    tpu.enqueue_dma source(%dma_start3A_340 : memref<2048xi32, #tpu.memory_space<hbm>>) target(%arg12 : memref<2048xi32, #tpu.memory_space<vmem>>) target_semaphore(%arg24 : memref<!tpu.dma_semaphore, #tpu.memory_space<semaphore_mem>>)
    %dma_start3A_341 = tpu.memref_slice %arg6[%mul3A_338] : memref<303104xi32, #tpu.memory_space<hbm>> -> memref<2048xi32, #tpu.memory_space<hbm>>
    %dma_start3A_342 = tpu.memref_slice %arg6[%mul3A_338] : memref<303104xi32, #tpu.memory_space<hbm>> -> memref<2048xi32, #tpu.memory_space<hbm>>
    tpu.enqueue_dma source(%dma_start3A_342 : memref<2048xi32, #tpu.memory_space<hbm>>) target(%arg13 : memref<2048xi32, #tpu.memory_space<vmem>>) target_semaphore(%arg24 : memref<!tpu.dma_semaphore, #tpu.memory_space<semaphore_mem>>)
    %dma_start3A_343 = tpu.memref_slice %arg7[%mul3A_338] : memref<303104xf32, #tpu.memory_space<hbm>> -> memref<2048xf32, #tpu.memory_space<hbm>>
    %dma_start3A_344 = tpu.memref_slice %arg7[%mul3A_338] : memref<303104xf32, #tpu.memory_space<hbm>> -> memref<2048xf32, #tpu.memory_space<hbm>>
    tpu.enqueue_dma source(%dma_start3A_344 : memref<2048xf32, #tpu.memory_space<hbm>>) target(%arg14 : memref<2048xf32, #tpu.memory_space<vmem>>) target_semaphore(%arg24 : memref<!tpu.dma_semaphore, #tpu.memory_space<semaphore_mem>>)
    %dma_wait3A_345 = tpu.memref_slice %arg5[%mul3A_312] : memref<303104xi32, #tpu.memory_space<hbm>> -> memref<2048xi32, #tpu.memory_space<hbm>>
    %dma_wait3A_346 = tpu.memref_slice %arg5[%mul3A_312] : memref<303104xi32, #tpu.memory_space<hbm>> -> memref<2048xi32, #tpu.memory_space<hbm>>
    tpu.wait_dma2 semaphore(%arg25 : memref<!tpu.dma_semaphore, #tpu.memory_space<semaphore_mem>>) src(%dma_wait3A_346 : memref<2048xi32, #tpu.memory_space<hbm>>) dst(%arg15 : memref<2048xi32, #tpu.memory_space<vmem>>)
    %dma_wait3A_347 = tpu.memref_slice %arg6[%mul3A_312] : memref<303104xi32, #tpu.memory_space<hbm>> -> memref<2048xi32, #tpu.memory_space<hbm>>
    %dma_wait3A_348 = tpu.memref_slice %arg6[%mul3A_312] : memref<303104xi32, #tpu.memory_space<hbm>> -> memref<2048xi32, #tpu.memory_space<hbm>>
    tpu.wait_dma2 semaphore(%arg25 : memref<!tpu.dma_semaphore, #tpu.memory_space<semaphore_mem>>) src(%dma_wait3A_348 : memref<2048xi32, #tpu.memory_space<hbm>>) dst(%arg16 : memref<2048xi32, #tpu.memory_space<vmem>>)
    %dma_wait3A_349 = tpu.memref_slice %arg7[%mul3A_312] : memref<303104xf32, #tpu.memory_space<hbm>> -> memref<2048xf32, #tpu.memory_space<hbm>>
    %dma_wait3A_350 = tpu.memref_slice %arg7[%mul3A_312] : memref<303104xf32, #tpu.memory_space<hbm>> -> memref<2048xf32, #tpu.memory_space<hbm>>
    tpu.wait_dma2 semaphore(%arg25 : memref<!tpu.dma_semaphore, #tpu.memory_space<semaphore_mem>>) src(%dma_wait3A_350 : memref<2048xf32, #tpu.memory_space<hbm>>) dst(%arg17 : memref<2048xf32, #tpu.memory_space<vmem>>)
    %add3A_351 = arith.constant 16 : i32
    %add3A_352 = arith.addi %arg1, %add3A_351 : i32
    %lt3A_353 = arith.constant 74 : i32
    %lt3A_354 = arith.cmpi slt, %add3A_352, %lt3A_353 : i32
    %convert_element_type3A_355 = arith.extui %lt3A_354 : i1 to i32
    %cond3A_356 = arith.constant 0 : i32
    %cond3A_357 = arith.cmpi ne, %convert_element_type3A_355, %cond3A_356 : i32
    scf.if %cond3A_357 {
      %scan3A_536 = arith.constant 0 : i32
      %scan3A_537 = arith.constant 0 : i32
      %scan3A_538 = arith.constant 128 : i32
      %scan3A_539 = arith.addi %scan3A_537, %scan3A_538 : i32
      %scan3A_540 = arith.constant 1 : i32
      %scan3A_541 = scf.for %scan3A_543 = %scan3A_537 to %scan3A_539 step %scan3A_540 iter_args(%scan3A_544 = %scan3A_536) -> (i32)  : i32 {
        %mul3A_545 = arith.constant 16 : i32
        %mul3A_546 = arith.muli %scan3A_543, %mul3A_545 : i32
        %get3A = arith.index_cast %mul3A_546 : i32 to index
        %get3A_547 = tpu.vector_load %arg15[%get3A] {strides = array<i32>} : memref<2048xi32, #tpu.memory_space<vmem>>, vector<16xi32>,
        %mul3A_548 = arith.constant 16 : i32
        %mul3A_549 = arith.muli %scan3A_543, %mul3A_548 : i32
        %get3A_550 = arith.index_cast %mul3A_549 : i32 to index
        %get3A_551 = tpu.vector_load %arg16[%get3A_550] {strides = array<i32>} : memref<2048xi32, #tpu.memory_space<vmem>>, vector<16xi32>,
        %gather3A = tpu.vector_load_idx %arg11[%get3A_547] : memref<1000xi32, #tpu.memory_space<vmem>>[vector<16xi32>], vector<16xi32>,
        %mul3A_552 = arith.constant 4 : i32
        %mul3A_553 = vector.broadcast %mul3A_552 : i32 to vector<16xi32>
        %mul3A_554 = arith.muli %get3A_551, %mul3A_553 : vector<16xi32>
        %add3A_555 = arith.constant 1028096 : i32
        %add3A_556 = vector.broadcast %add3A_555 : i32 to vector<16xi32>
        %add3A_557 = arith.addi %add3A_556, %mul3A_554 : vector<16xi32>
        %add3A_558 = arith.addi %add3A_557, %gather3A : vector<16xi32>
        %mul3A_559 = arith.constant 16 : i32
        %mul3A_560 = arith.muli %scan3A_543, %mul3A_559 : i32
        %swap3A = arith.index_cast %mul3A_560 : i32 to index
        %swap3A_561 = tpu.vector_load %arg19[%swap3A] {strides = array<i32>} : memref<2048xi32, #tpu.memory_space<vmem>>, vector<16xi32>,
        tpu.vector_store %arg19[%swap3A], %add3A_558 {strides = array<i32>} : memref<2048xi32, #tpu.memory_space<vmem>>, vector<16xi32>,
        %mul3A_562 = arith.constant 4 : i32
        %mul3A_563 = vector.broadcast %mul3A_562 : i32 to vector<16xi32>
        %mul3A_564 = arith.muli %get3A_551, %mul3A_563 : vector<16xi32>
        %add3A_565 = arith.constant 1028096 : i32
        %add3A_566 = vector.broadcast %add3A_565 : i32 to vector<16xi32>
        %add3A_567 = arith.addi %add3A_566, %mul3A_564 : vector<16xi32>
        %add3A_568 = arith.constant 2 : i32
        %add3A_569 = vector.broadcast %add3A_568 : i32 to vector<16xi32>
        %add3A_570 = arith.addi %add3A_567, %add3A_569 : vector<16xi32>
        %mul3A_571 = arith.constant 16 : i32
        %mul3A_572 = arith.muli %scan3A_543, %mul3A_571 : i32
        %swap3A_573 = arith.index_cast %mul3A_572 : i32 to index
        %swap3A_574 = tpu.vector_load %arg20[%swap3A_573] {strides = array<i32>} : memref<2048xi32, #tpu.memory_space<vmem>>, vector<16xi32>,
        tpu.vector_store %arg20[%swap3A_573], %add3A_570 {strides = array<i32>} : memref<2048xi32, #tpu.memory_space<vmem>>, vector<16xi32>,
        %scan3A_575 = arith.constant 0 : i32
        scf.yield %scan3A_575 : i32
      }
      %scan3A_542 = arith.constant 128 : i32
      "tpu.region"() ({
        %run_scoped3A = tpu.sem_alloc : memref<!tpu.dma_semaphore, #tpu.memory_space<semaphore_mem>>
        %dma_start3A_543 = arith.constant 0 : i32
        %dma_start3A_544 = tpu.memref_slice %arg26[%dma_start3A_543] : memref<1433600xf32, #tpu.memory_space<vmem_shared>> -> memref<1433600xf32, #tpu.memory_space<vmem_shared>>
        tpu.enqueue_indirect_dma source(%arg17 : memref<2048xf32, #tpu.memory_space<vmem>>) target(%dma_start3A_544 : memref<1433600xf32, #tpu.memory_space<vmem_shared>>) offsets(%arg19 : memref<2048xi32, #tpu.memory_space<vmem>>) semaphore(%run_scoped3A : memref<!tpu.dma_semaphore, #tpu.memory_space<semaphore_mem>>) {add = true}
        %dma_wait3A_545 = arith.constant 0 : i32
        %dma_wait3A_546 = tpu.memref_slice %arg26[%dma_wait3A_545] : memref<1433600xf32, #tpu.memory_space<vmem_shared>> -> memref<1433600xf32, #tpu.memory_space<vmem_shared>>
        tpu.wait_indirect_dma semaphore(%run_scoped3A : memref<!tpu.dma_semaphore, #tpu.memory_space<semaphore_mem>>) src(%arg17 : memref<2048xf32, #tpu.memory_space<vmem>>) dst(%dma_wait3A_546 : memref<1433600xf32, #tpu.memory_space<vmem_shared>>)
        tpu.yield
      }) : () -> ()
      "tpu.region"() ({
        %run_scoped3A = tpu.sem_alloc : memref<!tpu.dma_semaphore, #tpu.memory_space<semaphore_mem>>
        %dma_start3A_543 = arith.constant 0 : i32
        %dma_start3A_544 = tpu.memref_slice %arg26[%dma_start3A_543] : memref<1433600xf32, #tpu.memory_space<vmem_shared>> -> memref<1433600xf32, #tpu.memory_space<vmem_shared>>
        tpu.enqueue_indirect_dma source(%arg21 : memref<2048xf32, #tpu.memory_space<vmem>>) target(%dma_start3A_544 : memref<1433600xf32, #tpu.memory_space<vmem_shared>>) offsets(%arg20 : memref<2048xi32, #tpu.memory_space<vmem>>) semaphore(%run_scoped3A : memref<!tpu.dma_semaphore, #tpu.memory_space<semaphore_mem>>) {add = true}
        %dma_wait3A_545 = arith.constant 0 : i32
        %dma_wait3A_546 = tpu.memref_slice %arg26[%dma_wait3A_545] : memref<1433600xf32, #tpu.memory_space<vmem_shared>> -> memref<1433600xf32, #tpu.memory_space<vmem_shared>>
        tpu.wait_indirect_dma semaphore(%run_scoped3A : memref<!tpu.dma_semaphore, #tpu.memory_space<semaphore_mem>>) src(%arg21 : memref<2048xf32, #tpu.memory_space<vmem>>) dst(%dma_wait3A_546 : memref<1433600xf32, #tpu.memory_space<vmem_shared>>)
        tpu.yield
      }) : () -> ()
    } else {
    }
    %add3A_358 = arith.constant 48 : i32
    %add3A_359 = arith.addi %arg1, %add3A_358 : i32
    %min3A_360 = arith.constant 73 : i32
    %min3A_361 = arith.minsi %add3A_359, %min3A_360 : i32
    %add3A_362 = arith.addi %mul3A_294, %min3A_361 : i32
    %mul3A_363 = arith.constant 2048 : i32
    %mul3A_364 = arith.muli %add3A_362, %mul3A_363 : i32
    %dma_start3A_365 = tpu.memref_slice %arg5[%mul3A_364] : memref<303104xi32, #tpu.memory_space<hbm>> -> memref<2048xi32, #tpu.memory_space<hbm>>
    %dma_start3A_366 = tpu.memref_slice %arg5[%mul3A_364] : memref<303104xi32, #tpu.memory_space<hbm>> -> memref<2048xi32, #tpu.memory_space<hbm>>
    tpu.enqueue_dma source(%dma_start3A_366 : memref<2048xi32, #tpu.memory_space<hbm>>) target(%arg15 : memref<2048xi32, #tpu.memory_space<vmem>>) target_semaphore(%arg25 : memref<!tpu.dma_semaphore, #tpu.memory_space<semaphore_mem>>)
    %dma_start3A_367 = tpu.memref_slice %arg6[%mul3A_364] : memref<303104xi32, #tpu.memory_space<hbm>> -> memref<2048xi32, #tpu.memory_space<hbm>>
    %dma_start3A_368 = tpu.memref_slice %arg6[%mul3A_364] : memref<303104xi32, #tpu.memory_space<hbm>> -> memref<2048xi32, #tpu.memory_space<hbm>>
    tpu.enqueue_dma source(%dma_start3A_368 : memref<2048xi32, #tpu.memory_space<hbm>>) target(%arg16 : memref<2048xi32, #tpu.memory_space<vmem>>) target_semaphore(%arg25 : memref<!tpu.dma_semaphore, #tpu.memory_space<semaphore_mem>>)
    %dma_start3A_369 = tpu.memref_slice %arg7[%mul3A_364] : memref<303104xf32, #tpu.memory_space<hbm>> -> memref<2048xf32, #tpu.memory_space<hbm>>
    %dma_start3A_370 = tpu.memref_slice %arg7[%mul3A_364] : memref<303104xf32, #tpu.memory_space<hbm>> -> memref<2048xf32, #tpu.memory_space<hbm>>
    tpu.enqueue_dma source(%dma_start3A_370 : memref<2048xf32, #tpu.memory_space<hbm>>) target(%arg17 : memref<2048xf32, #tpu.memory_space<vmem>>) target_semaphore(%arg25 : memref<!tpu.dma_semaphore, #tpu.memory_space<semaphore_mem>>)
    %dma_wait3A_371 = tpu.memref_slice %arg5[%mul3A_338] : memref<303104xi32, #tpu.memory_space<hbm>> -> memref<2048xi32, #tpu.memory_space<hbm>>
    %dma_wait3A_372 = tpu.memref_slice %arg5[%mul3A_338] : memref<303104xi32, #tpu.memory_space<hbm>> -> memref<2048xi32, #tpu.memory_space<hbm>>
    tpu.wait_dma2 semaphore(%arg24 : memref<!tpu.dma_semaphore, #tpu.memory_space<semaphore_mem>>) src(%dma_wait3A_372 : memref<2048xi32, #tpu.memory_space<hbm>>) dst(%arg12 : memref<2048xi32, #tpu.memory_space<vmem>>)
    %dma_wait3A_373 = tpu.memref_slice %arg6[%mul3A_338] : memref<303104xi32, #tpu.memory_space<hbm>> -> memref<2048xi32, #tpu.memory_space<hbm>>
    %dma_wait3A_374 = tpu.memref_slice %arg6[%mul3A_338] : memref<303104xi32, #tpu.memory_space<hbm>> -> memref<2048xi32, #tpu.memory_space<hbm>>
    tpu.wait_dma2 semaphore(%arg24 : memref<!tpu.dma_semaphore, #tpu.memory_space<semaphore_mem>>) src(%dma_wait3A_374 : memref<2048xi32, #tpu.memory_space<hbm>>) dst(%arg13 : memref<2048xi32, #tpu.memory_space<vmem>>)
    %dma_wait3A_375 = tpu.memref_slice %arg7[%mul3A_338] : memref<303104xf32, #tpu.memory_space<hbm>> -> memref<2048xf32, #tpu.memory_space<hbm>>
    %dma_wait3A_376 = tpu.memref_slice %arg7[%mul3A_338] : memref<303104xf32, #tpu.memory_space<hbm>> -> memref<2048xf32, #tpu.memory_space<hbm>>
    tpu.wait_dma2 semaphore(%arg24 : memref<!tpu.dma_semaphore, #tpu.memory_space<semaphore_mem>>) src(%dma_wait3A_376 : memref<2048xf32, #tpu.memory_space<hbm>>) dst(%arg14 : memref<2048xf32, #tpu.memory_space<vmem>>)
    %add3A_377 = arith.constant 32 : i32
    %add3A_378 = arith.addi %arg1, %add3A_377 : i32
    %lt3A_379 = arith.constant 74 : i32
    %lt3A_380 = arith.cmpi slt, %add3A_378, %lt3A_379 : i32
    %convert_element_type3A_381 = arith.extui %lt3A_380 : i1 to i32
    %cond3A_382 = arith.constant 0 : i32
    %cond3A_383 = arith.cmpi ne, %convert_element_type3A_381, %cond3A_382 : i32
    scf.if %cond3A_383 {
      %scan3A_536 = arith.constant 0 : i32
      %scan3A_537 = arith.constant 0 : i32
      %scan3A_538 = arith.constant 128 : i32
      %scan3A_539 = arith.addi %scan3A_537, %scan3A_538 : i32
      %scan3A_540 = arith.constant 1 : i32
      %scan3A_541 = scf.for %scan3A_543 = %scan3A_537 to %scan3A_539 step %scan3A_540 iter_args(%scan3A_544 = %scan3A_536) -> (i32)  : i32 {
        %mul3A_545 = arith.constant 16 : i32
        %mul3A_546 = arith.muli %scan3A_543, %mul3A_545 : i32
        %get3A = arith.index_cast %mul3A_546 : i32 to index
        %get3A_547 = tpu.vector_load %arg12[%get3A] {strides = array<i32>} : memref<2048xi32, #tpu.memory_space<vmem>>, vector<16xi32>,
        %mul3A_548 = arith.constant 16 : i32
        %mul3A_549 = arith.muli %scan3A_543, %mul3A_548 : i32
        %get3A_550 = arith.index_cast %mul3A_549 : i32 to index
        %get3A_551 = tpu.vector_load %arg13[%get3A_550] {strides = array<i32>} : memref<2048xi32, #tpu.memory_space<vmem>>, vector<16xi32>,
        %gather3A = tpu.vector_load_idx %arg11[%get3A_547] : memref<1000xi32, #tpu.memory_space<vmem>>[vector<16xi32>], vector<16xi32>,
        %mul3A_552 = arith.constant 4 : i32
        %mul3A_553 = vector.broadcast %mul3A_552 : i32 to vector<16xi32>
        %mul3A_554 = arith.muli %get3A_551, %mul3A_553 : vector<16xi32>
        %add3A_555 = arith.constant 1028096 : i32
        %add3A_556 = vector.broadcast %add3A_555 : i32 to vector<16xi32>
        %add3A_557 = arith.addi %add3A_556, %mul3A_554 : vector<16xi32>
        %add3A_558 = arith.addi %add3A_557, %gather3A : vector<16xi32>
        %mul3A_559 = arith.constant 16 : i32
        %mul3A_560 = arith.muli %scan3A_543, %mul3A_559 : i32
        %swap3A = arith.index_cast %mul3A_560 : i32 to index
        %swap3A_561 = tpu.vector_load %arg19[%swap3A] {strides = array<i32>} : memref<2048xi32, #tpu.memory_space<vmem>>, vector<16xi32>,
        tpu.vector_store %arg19[%swap3A], %add3A_558 {strides = array<i32>} : memref<2048xi32, #tpu.memory_space<vmem>>, vector<16xi32>,
        %mul3A_562 = arith.constant 4 : i32
        %mul3A_563 = vector.broadcast %mul3A_562 : i32 to vector<16xi32>
        %mul3A_564 = arith.muli %get3A_551, %mul3A_563 : vector<16xi32>
        %add3A_565 = arith.constant 1028096 : i32
        %add3A_566 = vector.broadcast %add3A_565 : i32 to vector<16xi32>
        %add3A_567 = arith.addi %add3A_566, %mul3A_564 : vector<16xi32>
        %add3A_568 = arith.constant 2 : i32
        %add3A_569 = vector.broadcast %add3A_568 : i32 to vector<16xi32>
        %add3A_570 = arith.addi %add3A_567, %add3A_569 : vector<16xi32>
        %mul3A_571 = arith.constant 16 : i32
        %mul3A_572 = arith.muli %scan3A_543, %mul3A_571 : i32
        %swap3A_573 = arith.index_cast %mul3A_572 : i32 to index
        %swap3A_574 = tpu.vector_load %arg20[%swap3A_573] {strides = array<i32>} : memref<2048xi32, #tpu.memory_space<vmem>>, vector<16xi32>,
        tpu.vector_store %arg20[%swap3A_573], %add3A_570 {strides = array<i32>} : memref<2048xi32, #tpu.memory_space<vmem>>, vector<16xi32>,
        %scan3A_575 = arith.constant 0 : i32
        scf.yield %scan3A_575 : i32
      }
      %scan3A_542 = arith.constant 128 : i32
      "tpu.region"() ({
        %run_scoped3A = tpu.sem_alloc : memref<!tpu.dma_semaphore, #tpu.memory_space<semaphore_mem>>
        %dma_start3A_543 = arith.constant 0 : i32
        %dma_start3A_544 = tpu.memref_slice %arg26[%dma_start3A_543] : memref<1433600xf32, #tpu.memory_space<vmem_shared>> -> memref<1433600xf32, #tpu.memory_space<vmem_shared>>
        tpu.enqueue_indirect_dma source(%arg14 : memref<2048xf32, #tpu.memory_space<vmem>>) target(%dma_start3A_544 : memref<1433600xf32, #tpu.memory_space<vmem_shared>>) offsets(%arg19 : memref<2048xi32, #tpu.memory_space<vmem>>) semaphore(%run_scoped3A : memref<!tpu.dma_semaphore, #tpu.memory_space<semaphore_mem>>) {add = true}
        %dma_wait3A_545 = arith.constant 0 : i32
        %dma_wait3A_546 = tpu.memref_slice %arg26[%dma_wait3A_545] : memref<1433600xf32, #tpu.memory_space<vmem_shared>> -> memref<1433600xf32, #tpu.memory_space<vmem_shared>>
        tpu.wait_indirect_dma semaphore(%run_scoped3A : memref<!tpu.dma_semaphore, #tpu.memory_space<semaphore_mem>>) src(%arg14 : memref<2048xf32, #tpu.memory_space<vmem>>) dst(%dma_wait3A_546 : memref<1433600xf32, #tpu.memory_space<vmem_shared>>)
        tpu.yield
      }) : () -> ()
      "tpu.region"() ({
        %run_scoped3A = tpu.sem_alloc : memref<!tpu.dma_semaphore, #tpu.memory_space<semaphore_mem>>
        %dma_start3A_543 = arith.constant 0 : i32
        %dma_start3A_544 = tpu.memref_slice %arg26[%dma_start3A_543] : memref<1433600xf32, #tpu.memory_space<vmem_shared>> -> memref<1433600xf32, #tpu.memory_space<vmem_shared>>
        tpu.enqueue_indirect_dma source(%arg21 : memref<2048xf32, #tpu.memory_space<vmem>>) target(%dma_start3A_544 : memref<1433600xf32, #tpu.memory_space<vmem_shared>>) offsets(%arg20 : memref<2048xi32, #tpu.memory_space<vmem>>) semaphore(%run_scoped3A : memref<!tpu.dma_semaphore, #tpu.memory_space<semaphore_mem>>) {add = true}
        %dma_wait3A_545 = arith.constant 0 : i32
        %dma_wait3A_546 = tpu.memref_slice %arg26[%dma_wait3A_545] : memref<1433600xf32, #tpu.memory_space<vmem_shared>> -> memref<1433600xf32, #tpu.memory_space<vmem_shared>>
        tpu.wait_indirect_dma semaphore(%run_scoped3A : memref<!tpu.dma_semaphore, #tpu.memory_space<semaphore_mem>>) src(%arg21 : memref<2048xf32, #tpu.memory_space<vmem>>) dst(%dma_wait3A_546 : memref<1433600xf32, #tpu.memory_space<vmem_shared>>)
        tpu.yield
      }) : () -> ()
    } else {
    }
    %add3A_384 = arith.constant 64 : i32
    %add3A_385 = arith.addi %arg1, %add3A_384 : i32
    %min3A_386 = arith.constant 73 : i32
    %min3A_387 = arith.minsi %add3A_385, %min3A_386 : i32
    %add3A_388 = arith.addi %mul3A_294, %min3A_387 : i32
    %mul3A_389 = arith.constant 2048 : i32
    %mul3A_390 = arith.muli %add3A_388, %mul3A_389 : i32
    %dma_start3A_391 = tpu.memref_slice %arg5[%mul3A_390] : memref<303104xi32, #tpu.memory_space<hbm>> -> memref<2048xi32, #tpu.memory_space<hbm>>
    %dma_start3A_392 = tpu.memref_slice %arg5[%mul3A_390] : memref<303104xi32, #tpu.memory_space<hbm>> -> memref<2048xi32, #tpu.memory_space<hbm>>
    tpu.enqueue_dma source(%dma_start3A_392 : memref<2048xi32, #tpu.memory_space<hbm>>) target(%arg12 : memref<2048xi32, #tpu.memory_space<vmem>>) target_semaphore(%arg24 : memref<!tpu.dma_semaphore, #tpu.memory_space<semaphore_mem>>)
    %dma_start3A_393 = tpu.memref_slice %arg6[%mul3A_390] : memref<303104xi32, #tpu.memory_space<hbm>> -> memref<2048xi32, #tpu.memory_space<hbm>>
    %dma_start3A_394 = tpu.memref_slice %arg6[%mul3A_390] : memref<303104xi32, #tpu.memory_space<hbm>> -> memref<2048xi32, #tpu.memory_space<hbm>>
    tpu.enqueue_dma source(%dma_start3A_394 : memref<2048xi32, #tpu.memory_space<hbm>>) target(%arg13 : memref<2048xi32, #tpu.memory_space<vmem>>) target_semaphore(%arg24 : memref<!tpu.dma_semaphore, #tpu.memory_space<semaphore_mem>>)
    %dma_start3A_395 = tpu.memref_slice %arg7[%mul3A_390] : memref<303104xf32, #tpu.memory_space<hbm>> -> memref<2048xf32, #tpu.memory_space<hbm>>
    %dma_start3A_396 = tpu.memref_slice %arg7[%mul3A_390] : memref<303104xf32, #tpu.memory_space<hbm>> -> memref<2048xf32, #tpu.memory_space<hbm>>
    tpu.enqueue_dma source(%dma_start3A_396 : memref<2048xf32, #tpu.memory_space<hbm>>) target(%arg14 : memref<2048xf32, #tpu.memory_space<vmem>>) target_semaphore(%arg24 : memref<!tpu.dma_semaphore, #tpu.memory_space<semaphore_mem>>)
    %dma_wait3A_397 = tpu.memref_slice %arg5[%mul3A_364] : memref<303104xi32, #tpu.memory_space<hbm>> -> memref<2048xi32, #tpu.memory_space<hbm>>
    %dma_wait3A_398 = tpu.memref_slice %arg5[%mul3A_364] : memref<303104xi32, #tpu.memory_space<hbm>> -> memref<2048xi32, #tpu.memory_space<hbm>>
    tpu.wait_dma2 semaphore(%arg25 : memref<!tpu.dma_semaphore, #tpu.memory_space<semaphore_mem>>) src(%dma_wait3A_398 : memref<2048xi32, #tpu.memory_space<hbm>>) dst(%arg15 : memref<2048xi32, #tpu.memory_space<vmem>>)
    %dma_wait3A_399 = tpu.memref_slice %arg6[%mul3A_364] : memref<303104xi32, #tpu.memory_space<hbm>> -> memref<2048xi32, #tpu.memory_space<hbm>>
    %dma_wait3A_400 = tpu.memref_slice %arg6[%mul3A_364] : memref<303104xi32, #tpu.memory_space<hbm>> -> memref<2048xi32, #tpu.memory_space<hbm>>
    tpu.wait_dma2 semaphore(%arg25 : memref<!tpu.dma_semaphore, #tpu.memory_space<semaphore_mem>>) src(%dma_wait3A_400 : memref<2048xi32, #tpu.memory_space<hbm>>) dst(%arg16 : memref<2048xi32, #tpu.memory_space<vmem>>)
    %dma_wait3A_401 = tpu.memref_slice %arg7[%mul3A_364] : memref<303104xf32, #tpu.memory_space<hbm>> -> memref<2048xf32, #tpu.memory_space<hbm>>
    %dma_wait3A_402 = tpu.memref_slice %arg7[%mul3A_364] : memref<303104xf32, #tpu.memory_space<hbm>> -> memref<2048xf32, #tpu.memory_space<hbm>>
    tpu.wait_dma2 semaphore(%arg25 : memref<!tpu.dma_semaphore, #tpu.memory_space<semaphore_mem>>) src(%dma_wait3A_402 : memref<2048xf32, #tpu.memory_space<hbm>>) dst(%arg17 : memref<2048xf32, #tpu.memory_space<vmem>>)
    %add3A_403 = arith.constant 48 : i32
    %add3A_404 = arith.addi %arg1, %add3A_403 : i32
    %lt3A_405 = arith.constant 74 : i32
    %lt3A_406 = arith.cmpi slt, %add3A_404, %lt3A_405 : i32
    %convert_element_type3A_407 = arith.extui %lt3A_406 : i1 to i32
    %cond3A_408 = arith.constant 0 : i32
    %cond3A_409 = arith.cmpi ne, %convert_element_type3A_407, %cond3A_408 : i32
    scf.if %cond3A_409 {
      %scan3A_536 = arith.constant 0 : i32
      %scan3A_537 = arith.constant 0 : i32
      %scan3A_538 = arith.constant 128 : i32
      %scan3A_539 = arith.addi %scan3A_537, %scan3A_538 : i32
      %scan3A_540 = arith.constant 1 : i32
      %scan3A_541 = scf.for %scan3A_543 = %scan3A_537 to %scan3A_539 step %scan3A_540 iter_args(%scan3A_544 = %scan3A_536) -> (i32)  : i32 {
        %mul3A_545 = arith.constant 16 : i32
        %mul3A_546 = arith.muli %scan3A_543, %mul3A_545 : i32
        %get3A = arith.index_cast %mul3A_546 : i32 to index
        %get3A_547 = tpu.vector_load %arg15[%get3A] {strides = array<i32>} : memref<2048xi32, #tpu.memory_space<vmem>>, vector<16xi32>,
        %mul3A_548 = arith.constant 16 : i32
        %mul3A_549 = arith.muli %scan3A_543, %mul3A_548 : i32
        %get3A_550 = arith.index_cast %mul3A_549 : i32 to index
        %get3A_551 = tpu.vector_load %arg16[%get3A_550] {strides = array<i32>} : memref<2048xi32, #tpu.memory_space<vmem>>, vector<16xi32>,
        %gather3A = tpu.vector_load_idx %arg11[%get3A_547] : memref<1000xi32, #tpu.memory_space<vmem>>[vector<16xi32>], vector<16xi32>,
        %mul3A_552 = arith.constant 4 : i32
        %mul3A_553 = vector.broadcast %mul3A_552 : i32 to vector<16xi32>
        %mul3A_554 = arith.muli %get3A_551, %mul3A_553 : vector<16xi32>
        %add3A_555 = arith.constant 1028096 : i32
        %add3A_556 = vector.broadcast %add3A_555 : i32 to vector<16xi32>
        %add3A_557 = arith.addi %add3A_556, %mul3A_554 : vector<16xi32>
        %add3A_558 = arith.addi %add3A_557, %gather3A : vector<16xi32>
        %mul3A_559 = arith.constant 16 : i32
        %mul3A_560 = arith.muli %scan3A_543, %mul3A_559 : i32
        %swap3A = arith.index_cast %mul3A_560 : i32 to index
        %swap3A_561 = tpu.vector_load %arg19[%swap3A] {strides = array<i32>} : memref<2048xi32, #tpu.memory_space<vmem>>, vector<16xi32>,
        tpu.vector_store %arg19[%swap3A], %add3A_558 {strides = array<i32>} : memref<2048xi32, #tpu.memory_space<vmem>>, vector<16xi32>,
        %mul3A_562 = arith.constant 4 : i32
        %mul3A_563 = vector.broadcast %mul3A_562 : i32 to vector<16xi32>
        %mul3A_564 = arith.muli %get3A_551, %mul3A_563 : vector<16xi32>
        %add3A_565 = arith.constant 1028096 : i32
        %add3A_566 = vector.broadcast %add3A_565 : i32 to vector<16xi32>
        %add3A_567 = arith.addi %add3A_566, %mul3A_564 : vector<16xi32>
        %add3A_568 = arith.constant 2 : i32
        %add3A_569 = vector.broadcast %add3A_568 : i32 to vector<16xi32>
        %add3A_570 = arith.addi %add3A_567, %add3A_569 : vector<16xi32>
        %mul3A_571 = arith.constant 16 : i32
        %mul3A_572 = arith.muli %scan3A_543, %mul3A_571 : i32
        %swap3A_573 = arith.index_cast %mul3A_572 : i32 to index
        %swap3A_574 = tpu.vector_load %arg20[%swap3A_573] {strides = array<i32>} : memref<2048xi32, #tpu.memory_space<vmem>>, vector<16xi32>,
        tpu.vector_store %arg20[%swap3A_573], %add3A_570 {strides = array<i32>} : memref<2048xi32, #tpu.memory_space<vmem>>, vector<16xi32>,
        %scan3A_575 = arith.constant 0 : i32
        scf.yield %scan3A_575 : i32
      }
      %scan3A_542 = arith.constant 128 : i32
      "tpu.region"() ({
        %run_scoped3A = tpu.sem_alloc : memref<!tpu.dma_semaphore, #tpu.memory_space<semaphore_mem>>
        %dma_start3A_543 = arith.constant 0 : i32
        %dma_start3A_544 = tpu.memref_slice %arg26[%dma_start3A_543] : memref<1433600xf32, #tpu.memory_space<vmem_shared>> -> memref<1433600xf32, #tpu.memory_space<vmem_shared>>
        tpu.enqueue_indirect_dma source(%arg17 : memref<2048xf32, #tpu.memory_space<vmem>>) target(%dma_start3A_544 : memref<1433600xf32, #tpu.memory_space<vmem_shared>>) offsets(%arg19 : memref<2048xi32, #tpu.memory_space<vmem>>) semaphore(%run_scoped3A : memref<!tpu.dma_semaphore, #tpu.memory_space<semaphore_mem>>) {add = true}
        %dma_wait3A_545 = arith.constant 0 : i32
        %dma_wait3A_546 = tpu.memref_slice %arg26[%dma_wait3A_545] : memref<1433600xf32, #tpu.memory_space<vmem_shared>> -> memref<1433600xf32, #tpu.memory_space<vmem_shared>>
        tpu.wait_indirect_dma semaphore(%run_scoped3A : memref<!tpu.dma_semaphore, #tpu.memory_space<semaphore_mem>>) src(%arg17 : memref<2048xf32, #tpu.memory_space<vmem>>) dst(%dma_wait3A_546 : memref<1433600xf32, #tpu.memory_space<vmem_shared>>)
        tpu.yield
      }) : () -> ()
      "tpu.region"() ({
        %run_scoped3A = tpu.sem_alloc : memref<!tpu.dma_semaphore, #tpu.memory_space<semaphore_mem>>
        %dma_start3A_543 = arith.constant 0 : i32
        %dma_start3A_544 = tpu.memref_slice %arg26[%dma_start3A_543] : memref<1433600xf32, #tpu.memory_space<vmem_shared>> -> memref<1433600xf32, #tpu.memory_space<vmem_shared>>
        tpu.enqueue_indirect_dma source(%arg21 : memref<2048xf32, #tpu.memory_space<vmem>>) target(%dma_start3A_544 : memref<1433600xf32, #tpu.memory_space<vmem_shared>>) offsets(%arg20 : memref<2048xi32, #tpu.memory_space<vmem>>) semaphore(%run_scoped3A : memref<!tpu.dma_semaphore, #tpu.memory_space<semaphore_mem>>) {add = true}
        %dma_wait3A_545 = arith.constant 0 : i32
        %dma_wait3A_546 = tpu.memref_slice %arg26[%dma_wait3A_545] : memref<1433600xf32, #tpu.memory_space<vmem_shared>> -> memref<1433600xf32, #tpu.memory_space<vmem_shared>>
        tpu.wait_indirect_dma semaphore(%run_scoped3A : memref<!tpu.dma_semaphore, #tpu.memory_space<semaphore_mem>>) src(%arg21 : memref<2048xf32, #tpu.memory_space<vmem>>) dst(%dma_wait3A_546 : memref<1433600xf32, #tpu.memory_space<vmem_shared>>)
        tpu.yield
      }) : () -> ()
    } else {
    }
    %dma_wait3A_410 = tpu.memref_slice %arg5[%mul3A_390] : memref<303104xi32, #tpu.memory_space<hbm>> -> memref<2048xi32, #tpu.memory_space<hbm>>
    %dma_wait3A_411 = tpu.memref_slice %arg5[%mul3A_390] : memref<303104xi32, #tpu.memory_space<hbm>> -> memref<2048xi32, #tpu.memory_space<hbm>>
    tpu.wait_dma2 semaphore(%arg24 : memref<!tpu.dma_semaphore, #tpu.memory_space<semaphore_mem>>) src(%dma_wait3A_411 : memref<2048xi32, #tpu.memory_space<hbm>>) dst(%arg12 : memref<2048xi32, #tpu.memory_space<vmem>>)
    %dma_wait3A_412 = tpu.memref_slice %arg6[%mul3A_390] : memref<303104xi32, #tpu.memory_space<hbm>> -> memref<2048xi32, #tpu.memory_space<hbm>>
    %dma_wait3A_413 = tpu.memref_slice %arg6[%mul3A_390] : memref<303104xi32, #tpu.memory_space<hbm>> -> memref<2048xi32, #tpu.memory_space<hbm>>
    tpu.wait_dma2 semaphore(%arg24 : memref<!tpu.dma_semaphore, #tpu.memory_space<semaphore_mem>>) src(%dma_wait3A_413 : memref<2048xi32, #tpu.memory_space<hbm>>) dst(%arg13 : memref<2048xi32, #tpu.memory_space<vmem>>)
    %dma_wait3A_414 = tpu.memref_slice %arg7[%mul3A_390] : memref<303104xf32, #tpu.memory_space<hbm>> -> memref<2048xf32, #tpu.memory_space<hbm>>
    %dma_wait3A_415 = tpu.memref_slice %arg7[%mul3A_390] : memref<303104xf32, #tpu.memory_space<hbm>> -> memref<2048xf32, #tpu.memory_space<hbm>>
    tpu.wait_dma2 semaphore(%arg24 : memref<!tpu.dma_semaphore, #tpu.memory_space<semaphore_mem>>) src(%dma_wait3A_415 : memref<2048xf32, #tpu.memory_space<hbm>>) dst(%arg14 : memref<2048xf32, #tpu.memory_space<vmem>>)
    %add3A_416 = arith.constant 64 : i32
    %add3A_417 = arith.addi %arg1, %add3A_416 : i32
    %lt3A_418 = arith.constant 74 : i32
    %lt3A_419 = arith.cmpi slt, %add3A_417, %lt3A_418 : i32
    %convert_element_type3A_420 = arith.extui %lt3A_419 : i1 to i32
    %cond3A_421 = arith.constant 0 : i32
    %cond3A_422 = arith.cmpi ne, %convert_element_type3A_420, %cond3A_421 : i32
    scf.if %cond3A_422 {
      %scan3A_536 = arith.constant 0 : i32
      %scan3A_537 = arith.constant 0 : i32
      %scan3A_538 = arith.constant 128 : i32
      %scan3A_539 = arith.addi %scan3A_537, %scan3A_538 : i32
      %scan3A_540 = arith.constant 1 : i32
      %scan3A_541 = scf.for %scan3A_543 = %scan3A_537 to %scan3A_539 step %scan3A_540 iter_args(%scan3A_544 = %scan3A_536) -> (i32)  : i32 {
        %mul3A_545 = arith.constant 16 : i32
        %mul3A_546 = arith.muli %scan3A_543, %mul3A_545 : i32
        %get3A = arith.index_cast %mul3A_546 : i32 to index
        %get3A_547 = tpu.vector_load %arg12[%get3A] {strides = array<i32>} : memref<2048xi32, #tpu.memory_space<vmem>>, vector<16xi32>,
        %mul3A_548 = arith.constant 16 : i32
        %mul3A_549 = arith.muli %scan3A_543, %mul3A_548 : i32
        %get3A_550 = arith.index_cast %mul3A_549 : i32 to index
        %get3A_551 = tpu.vector_load %arg13[%get3A_550] {strides = array<i32>} : memref<2048xi32, #tpu.memory_space<vmem>>, vector<16xi32>,
        %gather3A = tpu.vector_load_idx %arg11[%get3A_547] : memref<1000xi32, #tpu.memory_space<vmem>>[vector<16xi32>], vector<16xi32>,
        %mul3A_552 = arith.constant 4 : i32
        %mul3A_553 = vector.broadcast %mul3A_552 : i32 to vector<16xi32>
        %mul3A_554 = arith.muli %get3A_551, %mul3A_553 : vector<16xi32>
        %add3A_555 = arith.constant 1028096 : i32
        %add3A_556 = vector.broadcast %add3A_555 : i32 to vector<16xi32>
        %add3A_557 = arith.addi %add3A_556, %mul3A_554 : vector<16xi32>
        %add3A_558 = arith.addi %add3A_557, %gather3A : vector<16xi32>
        %mul3A_559 = arith.constant 16 : i32
        %mul3A_560 = arith.muli %scan3A_543, %mul3A_559 : i32
        %swap3A = arith.index_cast %mul3A_560 : i32 to index
        %swap3A_561 = tpu.vector_load %arg19[%swap3A] {strides = array<i32>} : memref<2048xi32, #tpu.memory_space<vmem>>, vector<16xi32>,
        tpu.vector_store %arg19[%swap3A], %add3A_558 {strides = array<i32>} : memref<2048xi32, #tpu.memory_space<vmem>>, vector<16xi32>,
        %mul3A_562 = arith.constant 4 : i32
        %mul3A_563 = vector.broadcast %mul3A_562 : i32 to vector<16xi32>
        %mul3A_564 = arith.muli %get3A_551, %mul3A_563 : vector<16xi32>
        %add3A_565 = arith.constant 1028096 : i32
        %add3A_566 = vector.broadcast %add3A_565 : i32 to vector<16xi32>
        %add3A_567 = arith.addi %add3A_566, %mul3A_564 : vector<16xi32>
        %add3A_568 = arith.constant 2 : i32
        %add3A_569 = vector.broadcast %add3A_568 : i32 to vector<16xi32>
        %add3A_570 = arith.addi %add3A_567, %add3A_569 : vector<16xi32>
        %mul3A_571 = arith.constant 16 : i32
        %mul3A_572 = arith.muli %scan3A_543, %mul3A_571 : i32
        %swap3A_573 = arith.index_cast %mul3A_572 : i32 to index
        %swap3A_574 = tpu.vector_load %arg20[%swap3A_573] {strides = array<i32>} : memref<2048xi32, #tpu.memory_space<vmem>>, vector<16xi32>,
        tpu.vector_store %arg20[%swap3A_573], %add3A_570 {strides = array<i32>} : memref<2048xi32, #tpu.memory_space<vmem>>, vector<16xi32>,
        %scan3A_575 = arith.constant 0 : i32
        scf.yield %scan3A_575 : i32
      }
      %scan3A_542 = arith.constant 128 : i32
      "tpu.region"() ({
        %run_scoped3A = tpu.sem_alloc : memref<!tpu.dma_semaphore, #tpu.memory_space<semaphore_mem>>
        %dma_start3A_543 = arith.constant 0 : i32
        %dma_start3A_544 = tpu.memref_slice %arg26[%dma_start3A_543] : memref<1433600xf32, #tpu.memory_space<vmem_shared>> -> memref<1433600xf32, #tpu.memory_space<vmem_shared>>
        tpu.enqueue_indirect_dma source(%arg14 : memref<2048xf32, #tpu.memory_space<vmem>>) target(%dma_start3A_544 : memref<1433600xf32, #tpu.memory_space<vmem_shared>>) offsets(%arg19 : memref<2048xi32, #tpu.memory_space<vmem>>) semaphore(%run_scoped3A : memref<!tpu.dma_semaphore, #tpu.memory_space<semaphore_mem>>) {add = true}
        %dma_wait3A_545 = arith.constant 0 : i32
        %dma_wait3A_546 = tpu.memref_slice %arg26[%dma_wait3A_545] : memref<1433600xf32, #tpu.memory_space<vmem_shared>> -> memref<1433600xf32, #tpu.memory_space<vmem_shared>>
        tpu.wait_indirect_dma semaphore(%run_scoped3A : memref<!tpu.dma_semaphore, #tpu.memory_space<semaphore_mem>>) src(%arg14 : memref<2048xf32, #tpu.memory_space<vmem>>) dst(%dma_wait3A_546 : memref<1433600xf32, #tpu.memory_space<vmem_shared>>)
        tpu.yield
      }) : () -> ()
      "tpu.region"() ({
        %run_scoped3A = tpu.sem_alloc : memref<!tpu.dma_semaphore, #tpu.memory_space<semaphore_mem>>
        %dma_start3A_543 = arith.constant 0 : i32
        %dma_start3A_544 = tpu.memref_slice %arg26[%dma_start3A_543] : memref<1433600xf32, #tpu.memory_space<vmem_shared>> -> memref<1433600xf32, #tpu.memory_space<vmem_shared>>
        tpu.enqueue_indirect_dma source(%arg21 : memref<2048xf32, #tpu.memory_space<vmem>>) target(%dma_start3A_544 : memref<1433600xf32, #tpu.memory_space<vmem_shared>>) offsets(%arg20 : memref<2048xi32, #tpu.memory_space<vmem>>) semaphore(%run_scoped3A : memref<!tpu.dma_semaphore, #tpu.memory_space<semaphore_mem>>) {add = true}
        %dma_wait3A_545 = arith.constant 0 : i32
        %dma_wait3A_546 = tpu.memref_slice %arg26[%dma_wait3A_545] : memref<1433600xf32, #tpu.memory_space<vmem_shared>> -> memref<1433600xf32, #tpu.memory_space<vmem_shared>>
        tpu.wait_indirect_dma semaphore(%run_scoped3A : memref<!tpu.dma_semaphore, #tpu.memory_space<semaphore_mem>>) src(%arg21 : memref<2048xf32, #tpu.memory_space<vmem>>) dst(%dma_wait3A_546 : memref<1433600xf32, #tpu.memory_space<vmem_shared>>)
        tpu.yield
      }) : () -> ()
    } else {
    }
    %barrier3A_423 = arith.constant 0 : index
    tpu.barrier barrier_id(%barrier3A_423)
    %mul3A_424 = arith.constant 89600 : i32
    %mul3A_425 = arith.muli %arg1, %mul3A_424 : i32
    %add3A_426 = arith.constant 0 : i32
    %add3A_427 = arith.addi %mul3A_425, %add3A_426 : i32
    "tpu.region"() ({
      %run_scoped3A = tpu.sem_alloc : memref<!tpu.dma_semaphore, #tpu.memory_space<semaphore_mem>>
      %dma_start3A_536 = tpu.memref_slice %arg26[%add3A_427] : memref<1433600xf32, #tpu.memory_space<vmem_shared>> -> memref<5600xf32, #tpu.memory_space<vmem_shared>>
      %dma_start3A_537 = tpu.memref_slice %arg26[%add3A_427] : memref<1433600xf32, #tpu.memory_space<vmem_shared>> -> memref<5600xf32, #tpu.memory_space<vmem_shared>>
      tpu.enqueue_dma source(%dma_start3A_537 : memref<5600xf32, #tpu.memory_space<vmem_shared>>) target(%arg22 : memref<5600xf32, #tpu.memory_space<vmem>>) target_semaphore(%run_scoped3A : memref<!tpu.dma_semaphore, #tpu.memory_space<semaphore_mem>>)
      %dma_wait3A_538 = tpu.memref_slice %arg26[%add3A_427] : memref<1433600xf32, #tpu.memory_space<vmem_shared>> -> memref<5600xf32, #tpu.memory_space<vmem_shared>>
      %dma_wait3A_539 = tpu.memref_slice %arg26[%add3A_427] : memref<1433600xf32, #tpu.memory_space<vmem_shared>> -> memref<5600xf32, #tpu.memory_space<vmem_shared>>
      tpu.wait_dma2 semaphore(%run_scoped3A : memref<!tpu.dma_semaphore, #tpu.memory_space<semaphore_mem>>) src(%dma_wait3A_539 : memref<5600xf32, #tpu.memory_space<vmem_shared>>) dst(%arg22 : memref<5600xf32, #tpu.memory_space<vmem>>)
      tpu.yield
    }) : () -> ()
    %mul3A_428 = arith.constant 1433600 : i32
    %mul3A_429 = arith.muli %arg0, %mul3A_428 : i32
    %add3A_430 = arith.addi %mul3A_429, %add3A_427 : i32
    "tpu.region"() ({
      %run_scoped3A = tpu.sem_alloc : memref<!tpu.dma_semaphore, #tpu.memory_space<semaphore_mem>>
      %dma_start3A_536 = tpu.memref_slice %arg10[%add3A_430] : memref<2867200xf32, #tpu.memory_space<hbm>> -> memref<5600xf32, #tpu.memory_space<hbm>>
      %dma_start3A_537 = tpu.memref_slice %arg10[%add3A_430] : memref<2867200xf32, #tpu.memory_space<hbm>> -> memref<5600xf32, #tpu.memory_space<hbm>>
      tpu.enqueue_dma source(%arg22 : memref<5600xf32, #tpu.memory_space<vmem>>) target(%dma_start3A_537 : memref<5600xf32, #tpu.memory_space<hbm>>) target_semaphore(%run_scoped3A : memref<!tpu.dma_semaphore, #tpu.memory_space<semaphore_mem>>)
      %dma_wait3A_538 = tpu.memref_slice %arg10[%add3A_430] : memref<2867200xf32, #tpu.memory_space<hbm>> -> memref<5600xf32, #tpu.memory_space<hbm>>
      %dma_wait3A_539 = tpu.memref_slice %arg10[%add3A_430] : memref<2867200xf32, #tpu.memory_space<hbm>> -> memref<5600xf32, #tpu.memory_space<hbm>>
      tpu.wait_dma2 semaphore(%run_scoped3A : memref<!tpu.dma_semaphore, #tpu.memory_space<semaphore_mem>>) src(%arg22 : memref<5600xf32, #tpu.memory_space<vmem>>) dst(%dma_wait3A_539 : memref<5600xf32, #tpu.memory_space<hbm>>)
      tpu.yield
    }) : () -> ()
    %mul3A_431 = arith.constant 89600 : i32
    %mul3A_432 = arith.muli %arg1, %mul3A_431 : i32
    %add3A_433 = arith.constant 5600 : i32
    %add3A_434 = arith.addi %mul3A_432, %add3A_433 : i32
    "tpu.region"() ({
      %run_scoped3A = tpu.sem_alloc : memref<!tpu.dma_semaphore, #tpu.memory_space<semaphore_mem>>
      %dma_start3A_536 = tpu.memref_slice %arg26[%add3A_434] : memref<1433600xf32, #tpu.memory_space<vmem_shared>> -> memref<5600xf32, #tpu.memory_space<vmem_shared>>
      %dma_start3A_537 = tpu.memref_slice %arg26[%add3A_434] : memref<1433600xf32, #tpu.memory_space<vmem_shared>> -> memref<5600xf32, #tpu.memory_space<vmem_shared>>
      tpu.enqueue_dma source(%dma_start3A_537 : memref<5600xf32, #tpu.memory_space<vmem_shared>>) target(%arg22 : memref<5600xf32, #tpu.memory_space<vmem>>) target_semaphore(%run_scoped3A : memref<!tpu.dma_semaphore, #tpu.memory_space<semaphore_mem>>)
      %dma_wait3A_538 = tpu.memref_slice %arg26[%add3A_434] : memref<1433600xf32, #tpu.memory_space<vmem_shared>> -> memref<5600xf32, #tpu.memory_space<vmem_shared>>
      %dma_wait3A_539 = tpu.memref_slice %arg26[%add3A_434] : memref<1433600xf32, #tpu.memory_space<vmem_shared>> -> memref<5600xf32, #tpu.memory_space<vmem_shared>>
      tpu.wait_dma2 semaphore(%run_scoped3A : memref<!tpu.dma_semaphore, #tpu.memory_space<semaphore_mem>>) src(%dma_wait3A_539 : memref<5600xf32, #tpu.memory_space<vmem_shared>>) dst(%arg22 : memref<5600xf32, #tpu.memory_space<vmem>>)
      tpu.yield
    }) : () -> ()
    %mul3A_435 = arith.constant 1433600 : i32
    %mul3A_436 = arith.muli %arg0, %mul3A_435 : i32
    %add3A_437 = arith.addi %mul3A_436, %add3A_434 : i32
    "tpu.region"() ({
      %run_scoped3A = tpu.sem_alloc : memref<!tpu.dma_semaphore, #tpu.memory_space<semaphore_mem>>
      %dma_start3A_536 = tpu.memref_slice %arg10[%add3A_437] : memref<2867200xf32, #tpu.memory_space<hbm>> -> memref<5600xf32, #tpu.memory_space<hbm>>
      %dma_start3A_537 = tpu.memref_slice %arg10[%add3A_437] : memref<2867200xf32, #tpu.memory_space<hbm>> -> memref<5600xf32, #tpu.memory_space<hbm>>
      tpu.enqueue_dma source(%arg22 : memref<5600xf32, #tpu.memory_space<vmem>>) target(%dma_start3A_537 : memref<5600xf32, #tpu.memory_space<hbm>>) target_semaphore(%run_scoped3A : memref<!tpu.dma_semaphore, #tpu.memory_space<semaphore_mem>>)
      %dma_wait3A_538 = tpu.memref_slice %arg10[%add3A_437] : memref<2867200xf32, #tpu.memory_space<hbm>> -> memref<5600xf32, #tpu.memory_space<hbm>>
      %dma_wait3A_539 = tpu.memref_slice %arg10[%add3A_437] : memref<2867200xf32, #tpu.memory_space<hbm>> -> memref<5600xf32, #tpu.memory_space<hbm>>
      tpu.wait_dma2 semaphore(%run_scoped3A : memref<!tpu.dma_semaphore, #tpu.memory_space<semaphore_mem>>) src(%arg22 : memref<5600xf32, #tpu.memory_space<vmem>>) dst(%dma_wait3A_539 : memref<5600xf32, #tpu.memory_space<hbm>>)
      tpu.yield
    }) : () -> ()
    %mul3A_438 = arith.constant 89600 : i32
    %mul3A_439 = arith.muli %arg1, %mul3A_438 : i32
    %add3A_440 = arith.constant 11200 : i32
    %add3A_441 = arith.addi %mul3A_439, %add3A_440 : i32
    "tpu.region"() ({
      %run_scoped3A = tpu.sem_alloc : memref<!tpu.dma_semaphore, #tpu.memory_space<semaphore_mem>>
      %dma_start3A_536 = tpu.memref_slice %arg26[%add3A_441] : memref<1433600xf32, #tpu.memory_space<vmem_shared>> -> memref<5600xf32, #tpu.memory_space<vmem_shared>>
      %dma_start3A_537 = tpu.memref_slice %arg26[%add3A_441] : memref<1433600xf32, #tpu.memory_space<vmem_shared>> -> memref<5600xf32, #tpu.memory_space<vmem_shared>>
      tpu.enqueue_dma source(%dma_start3A_537 : memref<5600xf32, #tpu.memory_space<vmem_shared>>) target(%arg22 : memref<5600xf32, #tpu.memory_space<vmem>>) target_semaphore(%run_scoped3A : memref<!tpu.dma_semaphore, #tpu.memory_space<semaphore_mem>>)
      %dma_wait3A_538 = tpu.memref_slice %arg26[%add3A_441] : memref<1433600xf32, #tpu.memory_space<vmem_shared>> -> memref<5600xf32, #tpu.memory_space<vmem_shared>>
      %dma_wait3A_539 = tpu.memref_slice %arg26[%add3A_441] : memref<1433600xf32, #tpu.memory_space<vmem_shared>> -> memref<5600xf32, #tpu.memory_space<vmem_shared>>
      tpu.wait_dma2 semaphore(%run_scoped3A : memref<!tpu.dma_semaphore, #tpu.memory_space<semaphore_mem>>) src(%dma_wait3A_539 : memref<5600xf32, #tpu.memory_space<vmem_shared>>) dst(%arg22 : memref<5600xf32, #tpu.memory_space<vmem>>)
      tpu.yield
    }) : () -> ()
    %mul3A_442 = arith.constant 1433600 : i32
    %mul3A_443 = arith.muli %arg0, %mul3A_442 : i32
    %add3A_444 = arith.addi %mul3A_443, %add3A_441 : i32
    "tpu.region"() ({
      %run_scoped3A = tpu.sem_alloc : memref<!tpu.dma_semaphore, #tpu.memory_space<semaphore_mem>>
      %dma_start3A_536 = tpu.memref_slice %arg10[%add3A_444] : memref<2867200xf32, #tpu.memory_space<hbm>> -> memref<5600xf32, #tpu.memory_space<hbm>>
      %dma_start3A_537 = tpu.memref_slice %arg10[%add3A_444] : memref<2867200xf32, #tpu.memory_space<hbm>> -> memref<5600xf32, #tpu.memory_space<hbm>>
      tpu.enqueue_dma source(%arg22 : memref<5600xf32, #tpu.memory_space<vmem>>) target(%dma_start3A_537 : memref<5600xf32, #tpu.memory_space<hbm>>) target_semaphore(%run_scoped3A : memref<!tpu.dma_semaphore, #tpu.memory_space<semaphore_mem>>)
      %dma_wait3A_538 = tpu.memref_slice %arg10[%add3A_444] : memref<2867200xf32, #tpu.memory_space<hbm>> -> memref<5600xf32, #tpu.memory_space<hbm>>
      %dma_wait3A_539 = tpu.memref_slice %arg10[%add3A_444] : memref<2867200xf32, #tpu.memory_space<hbm>> -> memref<5600xf32, #tpu.memory_space<hbm>>
      tpu.wait_dma2 semaphore(%run_scoped3A : memref<!tpu.dma_semaphore, #tpu.memory_space<semaphore_mem>>) src(%arg22 : memref<5600xf32, #tpu.memory_space<vmem>>) dst(%dma_wait3A_539 : memref<5600xf32, #tpu.memory_space<hbm>>)
      tpu.yield
    }) : () -> ()
    %mul3A_445 = arith.constant 89600 : i32
    %mul3A_446 = arith.muli %arg1, %mul3A_445 : i32
    %add3A_447 = arith.constant 16800 : i32
    %add3A_448 = arith.addi %mul3A_446, %add3A_447 : i32
    "tpu.region"() ({
      %run_scoped3A = tpu.sem_alloc : memref<!tpu.dma_semaphore, #tpu.memory_space<semaphore_mem>>
      %dma_start3A_536 = tpu.memref_slice %arg26[%add3A_448] : memref<1433600xf32, #tpu.memory_space<vmem_shared>> -> memref<5600xf32, #tpu.memory_space<vmem_shared>>
      %dma_start3A_537 = tpu.memref_slice %arg26[%add3A_448] : memref<1433600xf32, #tpu.memory_space<vmem_shared>> -> memref<5600xf32, #tpu.memory_space<vmem_shared>>
      tpu.enqueue_dma source(%dma_start3A_537 : memref<5600xf32, #tpu.memory_space<vmem_shared>>) target(%arg22 : memref<5600xf32, #tpu.memory_space<vmem>>) target_semaphore(%run_scoped3A : memref<!tpu.dma_semaphore, #tpu.memory_space<semaphore_mem>>)
      %dma_wait3A_538 = tpu.memref_slice %arg26[%add3A_448] : memref<1433600xf32, #tpu.memory_space<vmem_shared>> -> memref<5600xf32, #tpu.memory_space<vmem_shared>>
      %dma_wait3A_539 = tpu.memref_slice %arg26[%add3A_448] : memref<1433600xf32, #tpu.memory_space<vmem_shared>> -> memref<5600xf32, #tpu.memory_space<vmem_shared>>
      tpu.wait_dma2 semaphore(%run_scoped3A : memref<!tpu.dma_semaphore, #tpu.memory_space<semaphore_mem>>) src(%dma_wait3A_539 : memref<5600xf32, #tpu.memory_space<vmem_shared>>) dst(%arg22 : memref<5600xf32, #tpu.memory_space<vmem>>)
      tpu.yield
    }) : () -> ()
    %mul3A_449 = arith.constant 1433600 : i32
    %mul3A_450 = arith.muli %arg0, %mul3A_449 : i32
    %add3A_451 = arith.addi %mul3A_450, %add3A_448 : i32
    "tpu.region"() ({
      %run_scoped3A = tpu.sem_alloc : memref<!tpu.dma_semaphore, #tpu.memory_space<semaphore_mem>>
      %dma_start3A_536 = tpu.memref_slice %arg10[%add3A_451] : memref<2867200xf32, #tpu.memory_space<hbm>> -> memref<5600xf32, #tpu.memory_space<hbm>>
      %dma_start3A_537 = tpu.memref_slice %arg10[%add3A_451] : memref<2867200xf32, #tpu.memory_space<hbm>> -> memref<5600xf32, #tpu.memory_space<hbm>>
      tpu.enqueue_dma source(%arg22 : memref<5600xf32, #tpu.memory_space<vmem>>) target(%dma_start3A_537 : memref<5600xf32, #tpu.memory_space<hbm>>) target_semaphore(%run_scoped3A : memref<!tpu.dma_semaphore, #tpu.memory_space<semaphore_mem>>)
      %dma_wait3A_538 = tpu.memref_slice %arg10[%add3A_451] : memref<2867200xf32, #tpu.memory_space<hbm>> -> memref<5600xf32, #tpu.memory_space<hbm>>
      %dma_wait3A_539 = tpu.memref_slice %arg10[%add3A_451] : memref<2867200xf32, #tpu.memory_space<hbm>> -> memref<5600xf32, #tpu.memory_space<hbm>>
      tpu.wait_dma2 semaphore(%run_scoped3A : memref<!tpu.dma_semaphore, #tpu.memory_space<semaphore_mem>>) src(%arg22 : memref<5600xf32, #tpu.memory_space<vmem>>) dst(%dma_wait3A_539 : memref<5600xf32, #tpu.memory_space<hbm>>)
      tpu.yield
    }) : () -> ()
    %mul3A_452 = arith.constant 89600 : i32
    %mul3A_453 = arith.muli %arg1, %mul3A_452 : i32
    %add3A_454 = arith.constant 22400 : i32
    %add3A_455 = arith.addi %mul3A_453, %add3A_454 : i32
    "tpu.region"() ({
      %run_scoped3A = tpu.sem_alloc : memref<!tpu.dma_semaphore, #tpu.memory_space<semaphore_mem>>
      %dma_start3A_536 = tpu.memref_slice %arg26[%add3A_455] : memref<1433600xf32, #tpu.memory_space<vmem_shared>> -> memref<5600xf32, #tpu.memory_space<vmem_shared>>
      %dma_start3A_537 = tpu.memref_slice %arg26[%add3A_455] : memref<1433600xf32, #tpu.memory_space<vmem_shared>> -> memref<5600xf32, #tpu.memory_space<vmem_shared>>
      tpu.enqueue_dma source(%dma_start3A_537 : memref<5600xf32, #tpu.memory_space<vmem_shared>>) target(%arg22 : memref<5600xf32, #tpu.memory_space<vmem>>) target_semaphore(%run_scoped3A : memref<!tpu.dma_semaphore, #tpu.memory_space<semaphore_mem>>)
      %dma_wait3A_538 = tpu.memref_slice %arg26[%add3A_455] : memref<1433600xf32, #tpu.memory_space<vmem_shared>> -> memref<5600xf32, #tpu.memory_space<vmem_shared>>
      %dma_wait3A_539 = tpu.memref_slice %arg26[%add3A_455] : memref<1433600xf32, #tpu.memory_space<vmem_shared>> -> memref<5600xf32, #tpu.memory_space<vmem_shared>>
      tpu.wait_dma2 semaphore(%run_scoped3A : memref<!tpu.dma_semaphore, #tpu.memory_space<semaphore_mem>>) src(%dma_wait3A_539 : memref<5600xf32, #tpu.memory_space<vmem_shared>>) dst(%arg22 : memref<5600xf32, #tpu.memory_space<vmem>>)
      tpu.yield
    }) : () -> ()
    %mul3A_456 = arith.constant 1433600 : i32
    %mul3A_457 = arith.muli %arg0, %mul3A_456 : i32
    %add3A_458 = arith.addi %mul3A_457, %add3A_455 : i32
    "tpu.region"() ({
      %run_scoped3A = tpu.sem_alloc : memref<!tpu.dma_semaphore, #tpu.memory_space<semaphore_mem>>
      %dma_start3A_536 = tpu.memref_slice %arg10[%add3A_458] : memref<2867200xf32, #tpu.memory_space<hbm>> -> memref<5600xf32, #tpu.memory_space<hbm>>
      %dma_start3A_537 = tpu.memref_slice %arg10[%add3A_458] : memref<2867200xf32, #tpu.memory_space<hbm>> -> memref<5600xf32, #tpu.memory_space<hbm>>
      tpu.enqueue_dma source(%arg22 : memref<5600xf32, #tpu.memory_space<vmem>>) target(%dma_start3A_537 : memref<5600xf32, #tpu.memory_space<hbm>>) target_semaphore(%run_scoped3A : memref<!tpu.dma_semaphore, #tpu.memory_space<semaphore_mem>>)
      %dma_wait3A_538 = tpu.memref_slice %arg10[%add3A_458] : memref<2867200xf32, #tpu.memory_space<hbm>> -> memref<5600xf32, #tpu.memory_space<hbm>>
      %dma_wait3A_539 = tpu.memref_slice %arg10[%add3A_458] : memref<2867200xf32, #tpu.memory_space<hbm>> -> memref<5600xf32, #tpu.memory_space<hbm>>
      tpu.wait_dma2 semaphore(%run_scoped3A : memref<!tpu.dma_semaphore, #tpu.memory_space<semaphore_mem>>) src(%arg22 : memref<5600xf32, #tpu.memory_space<vmem>>) dst(%dma_wait3A_539 : memref<5600xf32, #tpu.memory_space<hbm>>)
      tpu.yield
    }) : () -> ()
    %mul3A_459 = arith.constant 89600 : i32
    %mul3A_460 = arith.muli %arg1, %mul3A_459 : i32
    %add3A_461 = arith.constant 28000 : i32
    %add3A_462 = arith.addi %mul3A_460, %add3A_461 : i32
    "tpu.region"() ({
      %run_scoped3A = tpu.sem_alloc : memref<!tpu.dma_semaphore, #tpu.memory_space<semaphore_mem>>
      %dma_start3A_536 = tpu.memref_slice %arg26[%add3A_462] : memref<1433600xf32, #tpu.memory_space<vmem_shared>> -> memref<5600xf32, #tpu.memory_space<vmem_shared>>
      %dma_start3A_537 = tpu.memref_slice %arg26[%add3A_462] : memref<1433600xf32, #tpu.memory_space<vmem_shared>> -> memref<5600xf32, #tpu.memory_space<vmem_shared>>
      tpu.enqueue_dma source(%dma_start3A_537 : memref<5600xf32, #tpu.memory_space<vmem_shared>>) target(%arg22 : memref<5600xf32, #tpu.memory_space<vmem>>) target_semaphore(%run_scoped3A : memref<!tpu.dma_semaphore, #tpu.memory_space<semaphore_mem>>)
      %dma_wait3A_538 = tpu.memref_slice %arg26[%add3A_462] : memref<1433600xf32, #tpu.memory_space<vmem_shared>> -> memref<5600xf32, #tpu.memory_space<vmem_shared>>
      %dma_wait3A_539 = tpu.memref_slice %arg26[%add3A_462] : memref<1433600xf32, #tpu.memory_space<vmem_shared>> -> memref<5600xf32, #tpu.memory_space<vmem_shared>>
      tpu.wait_dma2 semaphore(%run_scoped3A : memref<!tpu.dma_semaphore, #tpu.memory_space<semaphore_mem>>) src(%dma_wait3A_539 : memref<5600xf32, #tpu.memory_space<vmem_shared>>) dst(%arg22 : memref<5600xf32, #tpu.memory_space<vmem>>)
      tpu.yield
    }) : () -> ()
    %mul3A_463 = arith.constant 1433600 : i32
    %mul3A_464 = arith.muli %arg0, %mul3A_463 : i32
    %add3A_465 = arith.addi %mul3A_464, %add3A_462 : i32
    "tpu.region"() ({
      %run_scoped3A = tpu.sem_alloc : memref<!tpu.dma_semaphore, #tpu.memory_space<semaphore_mem>>
      %dma_start3A_536 = tpu.memref_slice %arg10[%add3A_465] : memref<2867200xf32, #tpu.memory_space<hbm>> -> memref<5600xf32, #tpu.memory_space<hbm>>
      %dma_start3A_537 = tpu.memref_slice %arg10[%add3A_465] : memref<2867200xf32, #tpu.memory_space<hbm>> -> memref<5600xf32, #tpu.memory_space<hbm>>
      tpu.enqueue_dma source(%arg22 : memref<5600xf32, #tpu.memory_space<vmem>>) target(%dma_start3A_537 : memref<5600xf32, #tpu.memory_space<hbm>>) target_semaphore(%run_scoped3A : memref<!tpu.dma_semaphore, #tpu.memory_space<semaphore_mem>>)
      %dma_wait3A_538 = tpu.memref_slice %arg10[%add3A_465] : memref<2867200xf32, #tpu.memory_space<hbm>> -> memref<5600xf32, #tpu.memory_space<hbm>>
      %dma_wait3A_539 = tpu.memref_slice %arg10[%add3A_465] : memref<2867200xf32, #tpu.memory_space<hbm>> -> memref<5600xf32, #tpu.memory_space<hbm>>
      tpu.wait_dma2 semaphore(%run_scoped3A : memref<!tpu.dma_semaphore, #tpu.memory_space<semaphore_mem>>) src(%arg22 : memref<5600xf32, #tpu.memory_space<vmem>>) dst(%dma_wait3A_539 : memref<5600xf32, #tpu.memory_space<hbm>>)
      tpu.yield
    }) : () -> ()
    %mul3A_466 = arith.constant 89600 : i32
    %mul3A_467 = arith.muli %arg1, %mul3A_466 : i32
    %add3A_468 = arith.constant 33600 : i32
    %add3A_469 = arith.addi %mul3A_467, %add3A_468 : i32
    "tpu.region"() ({
      %run_scoped3A = tpu.sem_alloc : memref<!tpu.dma_semaphore, #tpu.memory_space<semaphore_mem>>
      %dma_start3A_536 = tpu.memref_slice %arg26[%add3A_469] : memref<1433600xf32, #tpu.memory_space<vmem_shared>> -> memref<5600xf32, #tpu.memory_space<vmem_shared>>
      %dma_start3A_537 = tpu.memref_slice %arg26[%add3A_469] : memref<1433600xf32, #tpu.memory_space<vmem_shared>> -> memref<5600xf32, #tpu.memory_space<vmem_shared>>
      tpu.enqueue_dma source(%dma_start3A_537 : memref<5600xf32, #tpu.memory_space<vmem_shared>>) target(%arg22 : memref<5600xf32, #tpu.memory_space<vmem>>) target_semaphore(%run_scoped3A : memref<!tpu.dma_semaphore, #tpu.memory_space<semaphore_mem>>)
      %dma_wait3A_538 = tpu.memref_slice %arg26[%add3A_469] : memref<1433600xf32, #tpu.memory_space<vmem_shared>> -> memref<5600xf32, #tpu.memory_space<vmem_shared>>
      %dma_wait3A_539 = tpu.memref_slice %arg26[%add3A_469] : memref<1433600xf32, #tpu.memory_space<vmem_shared>> -> memref<5600xf32, #tpu.memory_space<vmem_shared>>
      tpu.wait_dma2 semaphore(%run_scoped3A : memref<!tpu.dma_semaphore, #tpu.memory_space<semaphore_mem>>) src(%dma_wait3A_539 : memref<5600xf32, #tpu.memory_space<vmem_shared>>) dst(%arg22 : memref<5600xf32, #tpu.memory_space<vmem>>)
      tpu.yield
    }) : () -> ()
    %mul3A_470 = arith.constant 1433600 : i32
    %mul3A_471 = arith.muli %arg0, %mul3A_470 : i32
    %add3A_472 = arith.addi %mul3A_471, %add3A_469 : i32
    "tpu.region"() ({
      %run_scoped3A = tpu.sem_alloc : memref<!tpu.dma_semaphore, #tpu.memory_space<semaphore_mem>>
      %dma_start3A_536 = tpu.memref_slice %arg10[%add3A_472] : memref<2867200xf32, #tpu.memory_space<hbm>> -> memref<5600xf32, #tpu.memory_space<hbm>>
      %dma_start3A_537 = tpu.memref_slice %arg10[%add3A_472] : memref<2867200xf32, #tpu.memory_space<hbm>> -> memref<5600xf32, #tpu.memory_space<hbm>>
      tpu.enqueue_dma source(%arg22 : memref<5600xf32, #tpu.memory_space<vmem>>) target(%dma_start3A_537 : memref<5600xf32, #tpu.memory_space<hbm>>) target_semaphore(%run_scoped3A : memref<!tpu.dma_semaphore, #tpu.memory_space<semaphore_mem>>)
      %dma_wait3A_538 = tpu.memref_slice %arg10[%add3A_472] : memref<2867200xf32, #tpu.memory_space<hbm>> -> memref<5600xf32, #tpu.memory_space<hbm>>
      %dma_wait3A_539 = tpu.memref_slice %arg10[%add3A_472] : memref<2867200xf32, #tpu.memory_space<hbm>> -> memref<5600xf32, #tpu.memory_space<hbm>>
      tpu.wait_dma2 semaphore(%run_scoped3A : memref<!tpu.dma_semaphore, #tpu.memory_space<semaphore_mem>>) src(%arg22 : memref<5600xf32, #tpu.memory_space<vmem>>) dst(%dma_wait3A_539 : memref<5600xf32, #tpu.memory_space<hbm>>)
      tpu.yield
    }) : () -> ()
    %mul3A_473 = arith.constant 89600 : i32
    %mul3A_474 = arith.muli %arg1, %mul3A_473 : i32
    %add3A_475 = arith.constant 39200 : i32
    %add3A_476 = arith.addi %mul3A_474, %add3A_475 : i32
    "tpu.region"() ({
      %run_scoped3A = tpu.sem_alloc : memref<!tpu.dma_semaphore, #tpu.memory_space<semaphore_mem>>
      %dma_start3A_536 = tpu.memref_slice %arg26[%add3A_476] : memref<1433600xf32, #tpu.memory_space<vmem_shared>> -> memref<5600xf32, #tpu.memory_space<vmem_shared>>
      %dma_start3A_537 = tpu.memref_slice %arg26[%add3A_476] : memref<1433600xf32, #tpu.memory_space<vmem_shared>> -> memref<5600xf32, #tpu.memory_space<vmem_shared>>
      tpu.enqueue_dma source(%dma_start3A_537 : memref<5600xf32, #tpu.memory_space<vmem_shared>>) target(%arg22 : memref<5600xf32, #tpu.memory_space<vmem>>) target_semaphore(%run_scoped3A : memref<!tpu.dma_semaphore, #tpu.memory_space<semaphore_mem>>)
      %dma_wait3A_538 = tpu.memref_slice %arg26[%add3A_476] : memref<1433600xf32, #tpu.memory_space<vmem_shared>> -> memref<5600xf32, #tpu.memory_space<vmem_shared>>
      %dma_wait3A_539 = tpu.memref_slice %arg26[%add3A_476] : memref<1433600xf32, #tpu.memory_space<vmem_shared>> -> memref<5600xf32, #tpu.memory_space<vmem_shared>>
      tpu.wait_dma2 semaphore(%run_scoped3A : memref<!tpu.dma_semaphore, #tpu.memory_space<semaphore_mem>>) src(%dma_wait3A_539 : memref<5600xf32, #tpu.memory_space<vmem_shared>>) dst(%arg22 : memref<5600xf32, #tpu.memory_space<vmem>>)
      tpu.yield
    }) : () -> ()
    %mul3A_477 = arith.constant 1433600 : i32
    %mul3A_478 = arith.muli %arg0, %mul3A_477 : i32
    %add3A_479 = arith.addi %mul3A_478, %add3A_476 : i32
    "tpu.region"() ({
      %run_scoped3A = tpu.sem_alloc : memref<!tpu.dma_semaphore, #tpu.memory_space<semaphore_mem>>
      %dma_start3A_536 = tpu.memref_slice %arg10[%add3A_479] : memref<2867200xf32, #tpu.memory_space<hbm>> -> memref<5600xf32, #tpu.memory_space<hbm>>
      %dma_start3A_537 = tpu.memref_slice %arg10[%add3A_479] : memref<2867200xf32, #tpu.memory_space<hbm>> -> memref<5600xf32, #tpu.memory_space<hbm>>
      tpu.enqueue_dma source(%arg22 : memref<5600xf32, #tpu.memory_space<vmem>>) target(%dma_start3A_537 : memref<5600xf32, #tpu.memory_space<hbm>>) target_semaphore(%run_scoped3A : memref<!tpu.dma_semaphore, #tpu.memory_space<semaphore_mem>>)
      %dma_wait3A_538 = tpu.memref_slice %arg10[%add3A_479] : memref<2867200xf32, #tpu.memory_space<hbm>> -> memref<5600xf32, #tpu.memory_space<hbm>>
      %dma_wait3A_539 = tpu.memref_slice %arg10[%add3A_479] : memref<2867200xf32, #tpu.memory_space<hbm>> -> memref<5600xf32, #tpu.memory_space<hbm>>
      tpu.wait_dma2 semaphore(%run_scoped3A : memref<!tpu.dma_semaphore, #tpu.memory_space<semaphore_mem>>) src(%arg22 : memref<5600xf32, #tpu.memory_space<vmem>>) dst(%dma_wait3A_539 : memref<5600xf32, #tpu.memory_space<hbm>>)
      tpu.yield
    }) : () -> ()
    %mul3A_480 = arith.constant 89600 : i32
    %mul3A_481 = arith.muli %arg1, %mul3A_480 : i32
    %add3A_482 = arith.constant 44800 : i32
    %add3A_483 = arith.addi %mul3A_481, %add3A_482 : i32
    "tpu.region"() ({
      %run_scoped3A = tpu.sem_alloc : memref<!tpu.dma_semaphore, #tpu.memory_space<semaphore_mem>>
      %dma_start3A_536 = tpu.memref_slice %arg26[%add3A_483] : memref<1433600xf32, #tpu.memory_space<vmem_shared>> -> memref<5600xf32, #tpu.memory_space<vmem_shared>>
      %dma_start3A_537 = tpu.memref_slice %arg26[%add3A_483] : memref<1433600xf32, #tpu.memory_space<vmem_shared>> -> memref<5600xf32, #tpu.memory_space<vmem_shared>>
      tpu.enqueue_dma source(%dma_start3A_537 : memref<5600xf32, #tpu.memory_space<vmem_shared>>) target(%arg22 : memref<5600xf32, #tpu.memory_space<vmem>>) target_semaphore(%run_scoped3A : memref<!tpu.dma_semaphore, #tpu.memory_space<semaphore_mem>>)
      %dma_wait3A_538 = tpu.memref_slice %arg26[%add3A_483] : memref<1433600xf32, #tpu.memory_space<vmem_shared>> -> memref<5600xf32, #tpu.memory_space<vmem_shared>>
      %dma_wait3A_539 = tpu.memref_slice %arg26[%add3A_483] : memref<1433600xf32, #tpu.memory_space<vmem_shared>> -> memref<5600xf32, #tpu.memory_space<vmem_shared>>
      tpu.wait_dma2 semaphore(%run_scoped3A : memref<!tpu.dma_semaphore, #tpu.memory_space<semaphore_mem>>) src(%dma_wait3A_539 : memref<5600xf32, #tpu.memory_space<vmem_shared>>) dst(%arg22 : memref<5600xf32, #tpu.memory_space<vmem>>)
      tpu.yield
    }) : () -> ()
    %mul3A_484 = arith.constant 1433600 : i32
    %mul3A_485 = arith.muli %arg0, %mul3A_484 : i32
    %add3A_486 = arith.addi %mul3A_485, %add3A_483 : i32
    "tpu.region"() ({
      %run_scoped3A = tpu.sem_alloc : memref<!tpu.dma_semaphore, #tpu.memory_space<semaphore_mem>>
      %dma_start3A_536 = tpu.memref_slice %arg10[%add3A_486] : memref<2867200xf32, #tpu.memory_space<hbm>> -> memref<5600xf32, #tpu.memory_space<hbm>>
      %dma_start3A_537 = tpu.memref_slice %arg10[%add3A_486] : memref<2867200xf32, #tpu.memory_space<hbm>> -> memref<5600xf32, #tpu.memory_space<hbm>>
      tpu.enqueue_dma source(%arg22 : memref<5600xf32, #tpu.memory_space<vmem>>) target(%dma_start3A_537 : memref<5600xf32, #tpu.memory_space<hbm>>) target_semaphore(%run_scoped3A : memref<!tpu.dma_semaphore, #tpu.memory_space<semaphore_mem>>)
      %dma_wait3A_538 = tpu.memref_slice %arg10[%add3A_486] : memref<2867200xf32, #tpu.memory_space<hbm>> -> memref<5600xf32, #tpu.memory_space<hbm>>
      %dma_wait3A_539 = tpu.memref_slice %arg10[%add3A_486] : memref<2867200xf32, #tpu.memory_space<hbm>> -> memref<5600xf32, #tpu.memory_space<hbm>>
      tpu.wait_dma2 semaphore(%run_scoped3A : memref<!tpu.dma_semaphore, #tpu.memory_space<semaphore_mem>>) src(%arg22 : memref<5600xf32, #tpu.memory_space<vmem>>) dst(%dma_wait3A_539 : memref<5600xf32, #tpu.memory_space<hbm>>)
      tpu.yield
    }) : () -> ()
    %mul3A_487 = arith.constant 89600 : i32
    %mul3A_488 = arith.muli %arg1, %mul3A_487 : i32
    %add3A_489 = arith.constant 50400 : i32
    %add3A_490 = arith.addi %mul3A_488, %add3A_489 : i32
    "tpu.region"() ({
      %run_scoped3A = tpu.sem_alloc : memref<!tpu.dma_semaphore, #tpu.memory_space<semaphore_mem>>
      %dma_start3A_536 = tpu.memref_slice %arg26[%add3A_490] : memref<1433600xf32, #tpu.memory_space<vmem_shared>> -> memref<5600xf32, #tpu.memory_space<vmem_shared>>
      %dma_start3A_537 = tpu.memref_slice %arg26[%add3A_490] : memref<1433600xf32, #tpu.memory_space<vmem_shared>> -> memref<5600xf32, #tpu.memory_space<vmem_shared>>
      tpu.enqueue_dma source(%dma_start3A_537 : memref<5600xf32, #tpu.memory_space<vmem_shared>>) target(%arg22 : memref<5600xf32, #tpu.memory_space<vmem>>) target_semaphore(%run_scoped3A : memref<!tpu.dma_semaphore, #tpu.memory_space<semaphore_mem>>)
      %dma_wait3A_538 = tpu.memref_slice %arg26[%add3A_490] : memref<1433600xf32, #tpu.memory_space<vmem_shared>> -> memref<5600xf32, #tpu.memory_space<vmem_shared>>
      %dma_wait3A_539 = tpu.memref_slice %arg26[%add3A_490] : memref<1433600xf32, #tpu.memory_space<vmem_shared>> -> memref<5600xf32, #tpu.memory_space<vmem_shared>>
      tpu.wait_dma2 semaphore(%run_scoped3A : memref<!tpu.dma_semaphore, #tpu.memory_space<semaphore_mem>>) src(%dma_wait3A_539 : memref<5600xf32, #tpu.memory_space<vmem_shared>>) dst(%arg22 : memref<5600xf32, #tpu.memory_space<vmem>>)
      tpu.yield
    }) : () -> ()
    %mul3A_491 = arith.constant 1433600 : i32
    %mul3A_492 = arith.muli %arg0, %mul3A_491 : i32
    %add3A_493 = arith.addi %mul3A_492, %add3A_490 : i32
    "tpu.region"() ({
      %run_scoped3A = tpu.sem_alloc : memref<!tpu.dma_semaphore, #tpu.memory_space<semaphore_mem>>
      %dma_start3A_536 = tpu.memref_slice %arg10[%add3A_493] : memref<2867200xf32, #tpu.memory_space<hbm>> -> memref<5600xf32, #tpu.memory_space<hbm>>
      %dma_start3A_537 = tpu.memref_slice %arg10[%add3A_493] : memref<2867200xf32, #tpu.memory_space<hbm>> -> memref<5600xf32, #tpu.memory_space<hbm>>
      tpu.enqueue_dma source(%arg22 : memref<5600xf32, #tpu.memory_space<vmem>>) target(%dma_start3A_537 : memref<5600xf32, #tpu.memory_space<hbm>>) target_semaphore(%run_scoped3A : memref<!tpu.dma_semaphore, #tpu.memory_space<semaphore_mem>>)
      %dma_wait3A_538 = tpu.memref_slice %arg10[%add3A_493] : memref<2867200xf32, #tpu.memory_space<hbm>> -> memref<5600xf32, #tpu.memory_space<hbm>>
      %dma_wait3A_539 = tpu.memref_slice %arg10[%add3A_493] : memref<2867200xf32, #tpu.memory_space<hbm>> -> memref<5600xf32, #tpu.memory_space<hbm>>
      tpu.wait_dma2 semaphore(%run_scoped3A : memref<!tpu.dma_semaphore, #tpu.memory_space<semaphore_mem>>) src(%arg22 : memref<5600xf32, #tpu.memory_space<vmem>>) dst(%dma_wait3A_539 : memref<5600xf32, #tpu.memory_space<hbm>>)
      tpu.yield
    }) : () -> ()
    %mul3A_494 = arith.constant 89600 : i32
    %mul3A_495 = arith.muli %arg1, %mul3A_494 : i32
    %add3A_496 = arith.constant 56000 : i32
    %add3A_497 = arith.addi %mul3A_495, %add3A_496 : i32
    "tpu.region"() ({
      %run_scoped3A = tpu.sem_alloc : memref<!tpu.dma_semaphore, #tpu.memory_space<semaphore_mem>>
      %dma_start3A_536 = tpu.memref_slice %arg26[%add3A_497] : memref<1433600xf32, #tpu.memory_space<vmem_shared>> -> memref<5600xf32, #tpu.memory_space<vmem_shared>>
      %dma_start3A_537 = tpu.memref_slice %arg26[%add3A_497] : memref<1433600xf32, #tpu.memory_space<vmem_shared>> -> memref<5600xf32, #tpu.memory_space<vmem_shared>>
      tpu.enqueue_dma source(%dma_start3A_537 : memref<5600xf32, #tpu.memory_space<vmem_shared>>) target(%arg22 : memref<5600xf32, #tpu.memory_space<vmem>>) target_semaphore(%run_scoped3A : memref<!tpu.dma_semaphore, #tpu.memory_space<semaphore_mem>>)
      %dma_wait3A_538 = tpu.memref_slice %arg26[%add3A_497] : memref<1433600xf32, #tpu.memory_space<vmem_shared>> -> memref<5600xf32, #tpu.memory_space<vmem_shared>>
      %dma_wait3A_539 = tpu.memref_slice %arg26[%add3A_497] : memref<1433600xf32, #tpu.memory_space<vmem_shared>> -> memref<5600xf32, #tpu.memory_space<vmem_shared>>
      tpu.wait_dma2 semaphore(%run_scoped3A : memref<!tpu.dma_semaphore, #tpu.memory_space<semaphore_mem>>) src(%dma_wait3A_539 : memref<5600xf32, #tpu.memory_space<vmem_shared>>) dst(%arg22 : memref<5600xf32, #tpu.memory_space<vmem>>)
      tpu.yield
    }) : () -> ()
    %mul3A_498 = arith.constant 1433600 : i32
    %mul3A_499 = arith.muli %arg0, %mul3A_498 : i32
    %add3A_500 = arith.addi %mul3A_499, %add3A_497 : i32
    "tpu.region"() ({
      %run_scoped3A = tpu.sem_alloc : memref<!tpu.dma_semaphore, #tpu.memory_space<semaphore_mem>>
      %dma_start3A_536 = tpu.memref_slice %arg10[%add3A_500] : memref<2867200xf32, #tpu.memory_space<hbm>> -> memref<5600xf32, #tpu.memory_space<hbm>>
      %dma_start3A_537 = tpu.memref_slice %arg10[%add3A_500] : memref<2867200xf32, #tpu.memory_space<hbm>> -> memref<5600xf32, #tpu.memory_space<hbm>>
      tpu.enqueue_dma source(%arg22 : memref<5600xf32, #tpu.memory_space<vmem>>) target(%dma_start3A_537 : memref<5600xf32, #tpu.memory_space<hbm>>) target_semaphore(%run_scoped3A : memref<!tpu.dma_semaphore, #tpu.memory_space<semaphore_mem>>)
      %dma_wait3A_538 = tpu.memref_slice %arg10[%add3A_500] : memref<2867200xf32, #tpu.memory_space<hbm>> -> memref<5600xf32, #tpu.memory_space<hbm>>
      %dma_wait3A_539 = tpu.memref_slice %arg10[%add3A_500] : memref<2867200xf32, #tpu.memory_space<hbm>> -> memref<5600xf32, #tpu.memory_space<hbm>>
      tpu.wait_dma2 semaphore(%run_scoped3A : memref<!tpu.dma_semaphore, #tpu.memory_space<semaphore_mem>>) src(%arg22 : memref<5600xf32, #tpu.memory_space<vmem>>) dst(%dma_wait3A_539 : memref<5600xf32, #tpu.memory_space<hbm>>)
      tpu.yield
    }) : () -> ()
    %mul3A_501 = arith.constant 89600 : i32
    %mul3A_502 = arith.muli %arg1, %mul3A_501 : i32
    %add3A_503 = arith.constant 61600 : i32
    %add3A_504 = arith.addi %mul3A_502, %add3A_503 : i32
    "tpu.region"() ({
      %run_scoped3A = tpu.sem_alloc : memref<!tpu.dma_semaphore, #tpu.memory_space<semaphore_mem>>
      %dma_start3A_536 = tpu.memref_slice %arg26[%add3A_504] : memref<1433600xf32, #tpu.memory_space<vmem_shared>> -> memref<5600xf32, #tpu.memory_space<vmem_shared>>
      %dma_start3A_537 = tpu.memref_slice %arg26[%add3A_504] : memref<1433600xf32, #tpu.memory_space<vmem_shared>> -> memref<5600xf32, #tpu.memory_space<vmem_shared>>
      tpu.enqueue_dma source(%dma_start3A_537 : memref<5600xf32, #tpu.memory_space<vmem_shared>>) target(%arg22 : memref<5600xf32, #tpu.memory_space<vmem>>) target_semaphore(%run_scoped3A : memref<!tpu.dma_semaphore, #tpu.memory_space<semaphore_mem>>)
      %dma_wait3A_538 = tpu.memref_slice %arg26[%add3A_504] : memref<1433600xf32, #tpu.memory_space<vmem_shared>> -> memref<5600xf32, #tpu.memory_space<vmem_shared>>
      %dma_wait3A_539 = tpu.memref_slice %arg26[%add3A_504] : memref<1433600xf32, #tpu.memory_space<vmem_shared>> -> memref<5600xf32, #tpu.memory_space<vmem_shared>>
      tpu.wait_dma2 semaphore(%run_scoped3A : memref<!tpu.dma_semaphore, #tpu.memory_space<semaphore_mem>>) src(%dma_wait3A_539 : memref<5600xf32, #tpu.memory_space<vmem_shared>>) dst(%arg22 : memref<5600xf32, #tpu.memory_space<vmem>>)
      tpu.yield
    }) : () -> ()
    %mul3A_505 = arith.constant 1433600 : i32
    %mul3A_506 = arith.muli %arg0, %mul3A_505 : i32
    %add3A_507 = arith.addi %mul3A_506, %add3A_504 : i32
    "tpu.region"() ({
      %run_scoped3A = tpu.sem_alloc : memref<!tpu.dma_semaphore, #tpu.memory_space<semaphore_mem>>
      %dma_start3A_536 = tpu.memref_slice %arg10[%add3A_507] : memref<2867200xf32, #tpu.memory_space<hbm>> -> memref<5600xf32, #tpu.memory_space<hbm>>
      %dma_start3A_537 = tpu.memref_slice %arg10[%add3A_507] : memref<2867200xf32, #tpu.memory_space<hbm>> -> memref<5600xf32, #tpu.memory_space<hbm>>
      tpu.enqueue_dma source(%arg22 : memref<5600xf32, #tpu.memory_space<vmem>>) target(%dma_start3A_537 : memref<5600xf32, #tpu.memory_space<hbm>>) target_semaphore(%run_scoped3A : memref<!tpu.dma_semaphore, #tpu.memory_space<semaphore_mem>>)
      %dma_wait3A_538 = tpu.memref_slice %arg10[%add3A_507] : memref<2867200xf32, #tpu.memory_space<hbm>> -> memref<5600xf32, #tpu.memory_space<hbm>>
      %dma_wait3A_539 = tpu.memref_slice %arg10[%add3A_507] : memref<2867200xf32, #tpu.memory_space<hbm>> -> memref<5600xf32, #tpu.memory_space<hbm>>
      tpu.wait_dma2 semaphore(%run_scoped3A : memref<!tpu.dma_semaphore, #tpu.memory_space<semaphore_mem>>) src(%arg22 : memref<5600xf32, #tpu.memory_space<vmem>>) dst(%dma_wait3A_539 : memref<5600xf32, #tpu.memory_space<hbm>>)
      tpu.yield
    }) : () -> ()
    %mul3A_508 = arith.constant 89600 : i32
    %mul3A_509 = arith.muli %arg1, %mul3A_508 : i32
    %add3A_510 = arith.constant 67200 : i32
    %add3A_511 = arith.addi %mul3A_509, %add3A_510 : i32
    "tpu.region"() ({
      %run_scoped3A = tpu.sem_alloc : memref<!tpu.dma_semaphore, #tpu.memory_space<semaphore_mem>>
      %dma_start3A_536 = tpu.memref_slice %arg26[%add3A_511] : memref<1433600xf32, #tpu.memory_space<vmem_shared>> -> memref<5600xf32, #tpu.memory_space<vmem_shared>>
      %dma_start3A_537 = tpu.memref_slice %arg26[%add3A_511] : memref<1433600xf32, #tpu.memory_space<vmem_shared>> -> memref<5600xf32, #tpu.memory_space<vmem_shared>>
      tpu.enqueue_dma source(%dma_start3A_537 : memref<5600xf32, #tpu.memory_space<vmem_shared>>) target(%arg22 : memref<5600xf32, #tpu.memory_space<vmem>>) target_semaphore(%run_scoped3A : memref<!tpu.dma_semaphore, #tpu.memory_space<semaphore_mem>>)
      %dma_wait3A_538 = tpu.memref_slice %arg26[%add3A_511] : memref<1433600xf32, #tpu.memory_space<vmem_shared>> -> memref<5600xf32, #tpu.memory_space<vmem_shared>>
      %dma_wait3A_539 = tpu.memref_slice %arg26[%add3A_511] : memref<1433600xf32, #tpu.memory_space<vmem_shared>> -> memref<5600xf32, #tpu.memory_space<vmem_shared>>
      tpu.wait_dma2 semaphore(%run_scoped3A : memref<!tpu.dma_semaphore, #tpu.memory_space<semaphore_mem>>) src(%dma_wait3A_539 : memref<5600xf32, #tpu.memory_space<vmem_shared>>) dst(%arg22 : memref<5600xf32, #tpu.memory_space<vmem>>)
      tpu.yield
    }) : () -> ()
    %mul3A_512 = arith.constant 1433600 : i32
    %mul3A_513 = arith.muli %arg0, %mul3A_512 : i32
    %add3A_514 = arith.addi %mul3A_513, %add3A_511 : i32
    "tpu.region"() ({
      %run_scoped3A = tpu.sem_alloc : memref<!tpu.dma_semaphore, #tpu.memory_space<semaphore_mem>>
      %dma_start3A_536 = tpu.memref_slice %arg10[%add3A_514] : memref<2867200xf32, #tpu.memory_space<hbm>> -> memref<5600xf32, #tpu.memory_space<hbm>>
      %dma_start3A_537 = tpu.memref_slice %arg10[%add3A_514] : memref<2867200xf32, #tpu.memory_space<hbm>> -> memref<5600xf32, #tpu.memory_space<hbm>>
      tpu.enqueue_dma source(%arg22 : memref<5600xf32, #tpu.memory_space<vmem>>) target(%dma_start3A_537 : memref<5600xf32, #tpu.memory_space<hbm>>) target_semaphore(%run_scoped3A : memref<!tpu.dma_semaphore, #tpu.memory_space<semaphore_mem>>)
      %dma_wait3A_538 = tpu.memref_slice %arg10[%add3A_514] : memref<2867200xf32, #tpu.memory_space<hbm>> -> memref<5600xf32, #tpu.memory_space<hbm>>
      %dma_wait3A_539 = tpu.memref_slice %arg10[%add3A_514] : memref<2867200xf32, #tpu.memory_space<hbm>> -> memref<5600xf32, #tpu.memory_space<hbm>>
      tpu.wait_dma2 semaphore(%run_scoped3A : memref<!tpu.dma_semaphore, #tpu.memory_space<semaphore_mem>>) src(%arg22 : memref<5600xf32, #tpu.memory_space<vmem>>) dst(%dma_wait3A_539 : memref<5600xf32, #tpu.memory_space<hbm>>)
      tpu.yield
    }) : () -> ()
    %mul3A_515 = arith.constant 89600 : i32
    %mul3A_516 = arith.muli %arg1, %mul3A_515 : i32
    %add3A_517 = arith.constant 72800 : i32
    %add3A_518 = arith.addi %mul3A_516, %add3A_517 : i32
    "tpu.region"() ({
      %run_scoped3A = tpu.sem_alloc : memref<!tpu.dma_semaphore, #tpu.memory_space<semaphore_mem>>
      %dma_start3A_536 = tpu.memref_slice %arg26[%add3A_518] : memref<1433600xf32, #tpu.memory_space<vmem_shared>> -> memref<5600xf32, #tpu.memory_space<vmem_shared>>
      %dma_start3A_537 = tpu.memref_slice %arg26[%add3A_518] : memref<1433600xf32, #tpu.memory_space<vmem_shared>> -> memref<5600xf32, #tpu.memory_space<vmem_shared>>
      tpu.enqueue_dma source(%dma_start3A_537 : memref<5600xf32, #tpu.memory_space<vmem_shared>>) target(%arg22 : memref<5600xf32, #tpu.memory_space<vmem>>) target_semaphore(%run_scoped3A : memref<!tpu.dma_semaphore, #tpu.memory_space<semaphore_mem>>)
      %dma_wait3A_538 = tpu.memref_slice %arg26[%add3A_518] : memref<1433600xf32, #tpu.memory_space<vmem_shared>> -> memref<5600xf32, #tpu.memory_space<vmem_shared>>
      %dma_wait3A_539 = tpu.memref_slice %arg26[%add3A_518] : memref<1433600xf32, #tpu.memory_space<vmem_shared>> -> memref<5600xf32, #tpu.memory_space<vmem_shared>>
      tpu.wait_dma2 semaphore(%run_scoped3A : memref<!tpu.dma_semaphore, #tpu.memory_space<semaphore_mem>>) src(%dma_wait3A_539 : memref<5600xf32, #tpu.memory_space<vmem_shared>>) dst(%arg22 : memref<5600xf32, #tpu.memory_space<vmem>>)
      tpu.yield
    }) : () -> ()
    %mul3A_519 = arith.constant 1433600 : i32
    %mul3A_520 = arith.muli %arg0, %mul3A_519 : i32
    %add3A_521 = arith.addi %mul3A_520, %add3A_518 : i32
    "tpu.region"() ({
      %run_scoped3A = tpu.sem_alloc : memref<!tpu.dma_semaphore, #tpu.memory_space<semaphore_mem>>
      %dma_start3A_536 = tpu.memref_slice %arg10[%add3A_521] : memref<2867200xf32, #tpu.memory_space<hbm>> -> memref<5600xf32, #tpu.memory_space<hbm>>
      %dma_start3A_537 = tpu.memref_slice %arg10[%add3A_521] : memref<2867200xf32, #tpu.memory_space<hbm>> -> memref<5600xf32, #tpu.memory_space<hbm>>
      tpu.enqueue_dma source(%arg22 : memref<5600xf32, #tpu.memory_space<vmem>>) target(%dma_start3A_537 : memref<5600xf32, #tpu.memory_space<hbm>>) target_semaphore(%run_scoped3A : memref<!tpu.dma_semaphore, #tpu.memory_space<semaphore_mem>>)
      %dma_wait3A_538 = tpu.memref_slice %arg10[%add3A_521] : memref<2867200xf32, #tpu.memory_space<hbm>> -> memref<5600xf32, #tpu.memory_space<hbm>>
      %dma_wait3A_539 = tpu.memref_slice %arg10[%add3A_521] : memref<2867200xf32, #tpu.memory_space<hbm>> -> memref<5600xf32, #tpu.memory_space<hbm>>
      tpu.wait_dma2 semaphore(%run_scoped3A : memref<!tpu.dma_semaphore, #tpu.memory_space<semaphore_mem>>) src(%arg22 : memref<5600xf32, #tpu.memory_space<vmem>>) dst(%dma_wait3A_539 : memref<5600xf32, #tpu.memory_space<hbm>>)
      tpu.yield
    }) : () -> ()
    %mul3A_522 = arith.constant 89600 : i32
    %mul3A_523 = arith.muli %arg1, %mul3A_522 : i32
    %add3A_524 = arith.constant 78400 : i32
    %add3A_525 = arith.addi %mul3A_523, %add3A_524 : i32
    "tpu.region"() ({
      %run_scoped3A = tpu.sem_alloc : memref<!tpu.dma_semaphore, #tpu.memory_space<semaphore_mem>>
      %dma_start3A_536 = tpu.memref_slice %arg26[%add3A_525] : memref<1433600xf32, #tpu.memory_space<vmem_shared>> -> memref<5600xf32, #tpu.memory_space<vmem_shared>>
      %dma_start3A_537 = tpu.memref_slice %arg26[%add3A_525] : memref<1433600xf32, #tpu.memory_space<vmem_shared>> -> memref<5600xf32, #tpu.memory_space<vmem_shared>>
      tpu.enqueue_dma source(%dma_start3A_537 : memref<5600xf32, #tpu.memory_space<vmem_shared>>) target(%arg22 : memref<5600xf32, #tpu.memory_space<vmem>>) target_semaphore(%run_scoped3A : memref<!tpu.dma_semaphore, #tpu.memory_space<semaphore_mem>>)
      %dma_wait3A_538 = tpu.memref_slice %arg26[%add3A_525] : memref<1433600xf32, #tpu.memory_space<vmem_shared>> -> memref<5600xf32, #tpu.memory_space<vmem_shared>>
      %dma_wait3A_539 = tpu.memref_slice %arg26[%add3A_525] : memref<1433600xf32, #tpu.memory_space<vmem_shared>> -> memref<5600xf32, #tpu.memory_space<vmem_shared>>
      tpu.wait_dma2 semaphore(%run_scoped3A : memref<!tpu.dma_semaphore, #tpu.memory_space<semaphore_mem>>) src(%dma_wait3A_539 : memref<5600xf32, #tpu.memory_space<vmem_shared>>) dst(%arg22 : memref<5600xf32, #tpu.memory_space<vmem>>)
      tpu.yield
    }) : () -> ()
    %mul3A_526 = arith.constant 1433600 : i32
    %mul3A_527 = arith.muli %arg0, %mul3A_526 : i32
    %add3A_528 = arith.addi %mul3A_527, %add3A_525 : i32
    "tpu.region"() ({
      %run_scoped3A = tpu.sem_alloc : memref<!tpu.dma_semaphore, #tpu.memory_space<semaphore_mem>>
      %dma_start3A_536 = tpu.memref_slice %arg10[%add3A_528] : memref<2867200xf32, #tpu.memory_space<hbm>> -> memref<5600xf32, #tpu.memory_space<hbm>>
      %dma_start3A_537 = tpu.memref_slice %arg10[%add3A_528] : memref<2867200xf32, #tpu.memory_space<hbm>> -> memref<5600xf32, #tpu.memory_space<hbm>>
      tpu.enqueue_dma source(%arg22 : memref<5600xf32, #tpu.memory_space<vmem>>) target(%dma_start3A_537 : memref<5600xf32, #tpu.memory_space<hbm>>) target_semaphore(%run_scoped3A : memref<!tpu.dma_semaphore, #tpu.memory_space<semaphore_mem>>)
      %dma_wait3A_538 = tpu.memref_slice %arg10[%add3A_528] : memref<2867200xf32, #tpu.memory_space<hbm>> -> memref<5600xf32, #tpu.memory_space<hbm>>
      %dma_wait3A_539 = tpu.memref_slice %arg10[%add3A_528] : memref<2867200xf32, #tpu.memory_space<hbm>> -> memref<5600xf32, #tpu.memory_space<hbm>>
      tpu.wait_dma2 semaphore(%run_scoped3A : memref<!tpu.dma_semaphore, #tpu.memory_space<semaphore_mem>>) src(%arg22 : memref<5600xf32, #tpu.memory_space<vmem>>) dst(%dma_wait3A_539 : memref<5600xf32, #tpu.memory_space<hbm>>)
      tpu.yield
    }) : () -> ()
    %mul3A_529 = arith.constant 89600 : i32
    %mul3A_530 = arith.muli %arg1, %mul3A_529 : i32
    %add3A_531 = arith.constant 84000 : i32
    %add3A_532 = arith.addi %mul3A_530, %add3A_531 : i32
    "tpu.region"() ({
      %run_scoped3A = tpu.sem_alloc : memref<!tpu.dma_semaphore, #tpu.memory_space<semaphore_mem>>
      %dma_start3A_536 = tpu.memref_slice %arg26[%add3A_532] : memref<1433600xf32, #tpu.memory_space<vmem_shared>> -> memref<5600xf32, #tpu.memory_space<vmem_shared>>
      %dma_start3A_537 = tpu.memref_slice %arg26[%add3A_532] : memref<1433600xf32, #tpu.memory_space<vmem_shared>> -> memref<5600xf32, #tpu.memory_space<vmem_shared>>
      tpu.enqueue_dma source(%dma_start3A_537 : memref<5600xf32, #tpu.memory_space<vmem_shared>>) target(%arg22 : memref<5600xf32, #tpu.memory_space<vmem>>) target_semaphore(%run_scoped3A : memref<!tpu.dma_semaphore, #tpu.memory_space<semaphore_mem>>)
      %dma_wait3A_538 = tpu.memref_slice %arg26[%add3A_532] : memref<1433600xf32, #tpu.memory_space<vmem_shared>> -> memref<5600xf32, #tpu.memory_space<vmem_shared>>
      %dma_wait3A_539 = tpu.memref_slice %arg26[%add3A_532] : memref<1433600xf32, #tpu.memory_space<vmem_shared>> -> memref<5600xf32, #tpu.memory_space<vmem_shared>>
      tpu.wait_dma2 semaphore(%run_scoped3A : memref<!tpu.dma_semaphore, #tpu.memory_space<semaphore_mem>>) src(%dma_wait3A_539 : memref<5600xf32, #tpu.memory_space<vmem_shared>>) dst(%arg22 : memref<5600xf32, #tpu.memory_space<vmem>>)
      tpu.yield
    }) : () -> ()
    %mul3A_533 = arith.constant 1433600 : i32
    %mul3A_534 = arith.muli %arg0, %mul3A_533 : i32
    %add3A_535 = arith.addi %mul3A_534, %add3A_532 : i32
    "tpu.region"() ({
      %run_scoped3A = tpu.sem_alloc : memref<!tpu.dma_semaphore, #tpu.memory_space<semaphore_mem>>
      %dma_start3A_536 = tpu.memref_slice %arg10[%add3A_535] : memref<2867200xf32, #tpu.memory_space<hbm>> -> memref<5600xf32, #tpu.memory_space<hbm>>
      %dma_start3A_537 = tpu.memref_slice %arg10[%add3A_535] : memref<2867200xf32, #tpu.memory_space<hbm>> -> memref<5600xf32, #tpu.memory_space<hbm>>
      tpu.enqueue_dma source(%arg22 : memref<5600xf32, #tpu.memory_space<vmem>>) target(%dma_start3A_537 : memref<5600xf32, #tpu.memory_space<hbm>>) target_semaphore(%run_scoped3A : memref<!tpu.dma_semaphore, #tpu.memory_space<semaphore_mem>>)
      %dma_wait3A_538 = tpu.memref_slice %arg10[%add3A_535] : memref<2867200xf32, #tpu.memory_space<hbm>> -> memref<5600xf32, #tpu.memory_space<hbm>>
      %dma_wait3A_539 = tpu.memref_slice %arg10[%add3A_535] : memref<2867200xf32, #tpu.memory_space<hbm>> -> memref<5600xf32, #tpu.memory_space<hbm>>
      tpu.wait_dma2 semaphore(%run_scoped3A : memref<!tpu.dma_semaphore, #tpu.memory_space<semaphore_mem>>) src(%arg22 : memref<5600xf32, #tpu.memory_space<vmem>>) dst(%dma_wait3A_539 : memref<5600xf32, #tpu.memory_space<hbm>>)
      tpu.yield
    }) : () -> ()
    return
  }
}

#map = affine_map<(d0, d1) -> (0)>
#map1 = affine_map<(d0, d1) -> (0, 0)>
module attributes {stable_mosaic.version = 14 : i64} {
  func.func @_p3_body(%arg0: i32, %arg1: i32, %arg2: memref<102400xi32, #tpu.memory_space<hbm>>, %arg3: memref<2048x128xf32, #tpu.memory_space<hbm>>, %arg4: memref<102400x128xf32, #tpu.memory_space<hbm>>, %arg5: memref<320xi32, #tpu.memory_space<vmem>>, %arg6: memref<320xi32, #tpu.memory_space<vmem>>, %arg7: memref<320x128xf32, #tpu.memory_space<vmem>>, %arg8: memref<320x128xf32, #tpu.memory_space<vmem>>, %arg9: memref<!tpu.dma_semaphore, #tpu.memory_space<semaphore_mem>>, %arg10: memref<!tpu.dma_semaphore, #tpu.memory_space<semaphore_mem>>, %arg11: memref<2048x128xf32, #tpu.memory_space<vmem_shared>>) attributes {dimension_semantics = [#tpu.dimension_semantics<core_parallel>, #tpu.dimension_semantics<subcore_parallel>], iteration_bounds = array<i64: 2, 16>, scalar_prefetch = 0 : i64, scratch_operands = 7 : i64, tpu.core_type = #tpu.core_type<sc_vector_subcore>, window_params = [{transform_indices = #map}, {transform_indices = #map1}, {transform_indices = #map1}]} {
    %mul3A = arith.constant 2 : i32
    %mul3A_0 = arith.muli %arg1, %mul3A : i32
    %add3A = arith.addi %mul3A_0, %arg0 : i32
    %mul3A_1 = arith.constant 128 : i32
    %mul3A_2 = arith.muli %arg1, %mul3A_1 : i32
    "tpu.region"() ({
      %run_scoped3A = tpu.sem_alloc : memref<!tpu.dma_semaphore, #tpu.memory_space<semaphore_mem>>
      %dma_start3A_143 = arith.constant 0 : i32
      %dma_start3A_144 = arith.constant 0 : i32
      %dma_start3A_145 = tpu.memref_slice %arg7[%dma_start3A_143, %dma_start3A_144] : memref<320x128xf32, #tpu.memory_space<vmem>> -> memref<128x128xf32, #tpu.memory_space<vmem>>
      %dma_start3A_146 = arith.constant 0 : i32
      %dma_start3A_147 = tpu.memref_slice %arg3[%mul3A_2, %dma_start3A_146] : memref<2048x128xf32, #tpu.memory_space<hbm>> -> memref<128x128xf32, #tpu.memory_space<hbm>>
      %dma_start3A_148 = arith.constant 0 : i32
      %dma_start3A_149 = arith.constant 0 : i32
      %dma_start3A_150 = tpu.memref_slice %arg7[%dma_start3A_148, %dma_start3A_149] : memref<320x128xf32, #tpu.memory_space<vmem>> -> memref<128x128xf32, #tpu.memory_space<vmem>>
      %dma_start3A_151 = arith.constant 0 : i32
      %dma_start3A_152 = tpu.memref_slice %arg3[%mul3A_2, %dma_start3A_151] : memref<2048x128xf32, #tpu.memory_space<hbm>> -> memref<128x128xf32, #tpu.memory_space<hbm>>
      tpu.enqueue_dma source(%dma_start3A_152 : memref<128x128xf32, #tpu.memory_space<hbm>>) target(%dma_start3A_150 : memref<128x128xf32, #tpu.memory_space<vmem>>) target_semaphore(%run_scoped3A : memref<!tpu.dma_semaphore, #tpu.memory_space<semaphore_mem>>)
      %dma_wait3A_153 = arith.constant 0 : i32
      %dma_wait3A_154 = arith.constant 0 : i32
      %dma_wait3A_155 = tpu.memref_slice %arg7[%dma_wait3A_153, %dma_wait3A_154] : memref<320x128xf32, #tpu.memory_space<vmem>> -> memref<128x128xf32, #tpu.memory_space<vmem>>
      %dma_wait3A_156 = arith.constant 0 : i32
      %dma_wait3A_157 = tpu.memref_slice %arg3[%mul3A_2, %dma_wait3A_156] : memref<2048x128xf32, #tpu.memory_space<hbm>> -> memref<128x128xf32, #tpu.memory_space<hbm>>
      %dma_wait3A_158 = arith.constant 0 : i32
      %dma_wait3A_159 = arith.constant 0 : i32
      %dma_wait3A_160 = tpu.memref_slice %arg7[%dma_wait3A_158, %dma_wait3A_159] : memref<320x128xf32, #tpu.memory_space<vmem>> -> memref<128x128xf32, #tpu.memory_space<vmem>>
      %dma_wait3A_161 = arith.constant 0 : i32
      %dma_wait3A_162 = tpu.memref_slice %arg3[%mul3A_2, %dma_wait3A_161] : memref<2048x128xf32, #tpu.memory_space<hbm>> -> memref<128x128xf32, #tpu.memory_space<hbm>>
      tpu.wait_dma2 semaphore(%run_scoped3A : memref<!tpu.dma_semaphore, #tpu.memory_space<semaphore_mem>>) src(%dma_wait3A_162 : memref<128x128xf32, #tpu.memory_space<hbm>>) dst(%dma_wait3A_160 : memref<128x128xf32, #tpu.memory_space<vmem>>)
      tpu.yield
    }) : () -> ()
    %mul3A_3 = arith.constant 128 : i32
    %mul3A_4 = arith.muli %arg1, %mul3A_3 : i32
    "tpu.region"() ({
      %run_scoped3A = tpu.sem_alloc : memref<!tpu.dma_semaphore, #tpu.memory_space<semaphore_mem>>
      %dma_start3A_143 = arith.constant 0 : i32
      %dma_start3A_144 = arith.constant 0 : i32
      %dma_start3A_145 = tpu.memref_slice %arg7[%dma_start3A_143, %dma_start3A_144] : memref<320x128xf32, #tpu.memory_space<vmem>> -> memref<128x128xf32, #tpu.memory_space<vmem>>
      %dma_start3A_146 = arith.constant 0 : i32
      %dma_start3A_147 = tpu.memref_slice %arg11[%mul3A_4, %dma_start3A_146] : memref<2048x128xf32, #tpu.memory_space<vmem_shared>> -> memref<128x128xf32, #tpu.memory_space<vmem_shared>>
      %dma_start3A_148 = arith.constant 0 : i32
      %dma_start3A_149 = tpu.memref_slice %arg11[%mul3A_4, %dma_start3A_148] : memref<2048x128xf32, #tpu.memory_space<vmem_shared>> -> memref<128x128xf32, #tpu.memory_space<vmem_shared>>
      %dma_start3A_150 = arith.constant 0 : i32
      %dma_start3A_151 = arith.constant 0 : i32
      %dma_start3A_152 = tpu.memref_slice %arg7[%dma_start3A_150, %dma_start3A_151] : memref<320x128xf32, #tpu.memory_space<vmem>> -> memref<128x128xf32, #tpu.memory_space<vmem>>
      tpu.enqueue_dma source(%dma_start3A_152 : memref<128x128xf32, #tpu.memory_space<vmem>>) target(%dma_start3A_149 : memref<128x128xf32, #tpu.memory_space<vmem_shared>>) target_semaphore(%run_scoped3A : memref<!tpu.dma_semaphore, #tpu.memory_space<semaphore_mem>>)
      %dma_wait3A_153 = arith.constant 0 : i32
      %dma_wait3A_154 = arith.constant 0 : i32
      %dma_wait3A_155 = tpu.memref_slice %arg7[%dma_wait3A_153, %dma_wait3A_154] : memref<320x128xf32, #tpu.memory_space<vmem>> -> memref<128x128xf32, #tpu.memory_space<vmem>>
      %dma_wait3A_156 = arith.constant 0 : i32
      %dma_wait3A_157 = tpu.memref_slice %arg11[%mul3A_4, %dma_wait3A_156] : memref<2048x128xf32, #tpu.memory_space<vmem_shared>> -> memref<128x128xf32, #tpu.memory_space<vmem_shared>>
      %dma_wait3A_158 = arith.constant 0 : i32
      %dma_wait3A_159 = tpu.memref_slice %arg11[%mul3A_4, %dma_wait3A_158] : memref<2048x128xf32, #tpu.memory_space<vmem_shared>> -> memref<128x128xf32, #tpu.memory_space<vmem_shared>>
      %dma_wait3A_160 = arith.constant 0 : i32
      %dma_wait3A_161 = arith.constant 0 : i32
      %dma_wait3A_162 = tpu.memref_slice %arg7[%dma_wait3A_160, %dma_wait3A_161] : memref<320x128xf32, #tpu.memory_space<vmem>> -> memref<128x128xf32, #tpu.memory_space<vmem>>
      tpu.wait_dma2 semaphore(%run_scoped3A : memref<!tpu.dma_semaphore, #tpu.memory_space<semaphore_mem>>) src(%dma_wait3A_162 : memref<128x128xf32, #tpu.memory_space<vmem>>) dst(%dma_wait3A_159 : memref<128x128xf32, #tpu.memory_space<vmem_shared>>)
      tpu.yield
    }) : () -> ()
    %barrier3A = arith.constant 0 : index
    tpu.barrier barrier_id(%barrier3A)
    %add3A_5 = arith.constant 0 : i32
    %add3A_6 = arith.addi %add3A, %add3A_5 : i32
    %mul3A_7 = arith.constant 320 : i32
    %mul3A_8 = arith.muli %add3A_6, %mul3A_7 : i32
    "tpu.region"() ({
      %run_scoped3A = tpu.sem_alloc : memref<!tpu.dma_semaphore, #tpu.memory_space<semaphore_mem>>
      %dma_start3A_143 = tpu.memref_slice %arg2[%mul3A_8] : memref<102400xi32, #tpu.memory_space<hbm>> -> memref<320xi32, #tpu.memory_space<hbm>>
      %dma_start3A_144 = tpu.memref_slice %arg2[%mul3A_8] : memref<102400xi32, #tpu.memory_space<hbm>> -> memref<320xi32, #tpu.memory_space<hbm>>
      tpu.enqueue_dma source(%dma_start3A_144 : memref<320xi32, #tpu.memory_space<hbm>>) target(%arg5 : memref<320xi32, #tpu.memory_space<vmem>>) target_semaphore(%run_scoped3A : memref<!tpu.dma_semaphore, #tpu.memory_space<semaphore_mem>>)
      %dma_wait3A_145 = tpu.memref_slice %arg2[%mul3A_8] : memref<102400xi32, #tpu.memory_space<hbm>> -> memref<320xi32, #tpu.memory_space<hbm>>
      %dma_wait3A_146 = tpu.memref_slice %arg2[%mul3A_8] : memref<102400xi32, #tpu.memory_space<hbm>> -> memref<320xi32, #tpu.memory_space<hbm>>
      tpu.wait_dma2 semaphore(%run_scoped3A : memref<!tpu.dma_semaphore, #tpu.memory_space<semaphore_mem>>) src(%dma_wait3A_146 : memref<320xi32, #tpu.memory_space<hbm>>) dst(%arg5 : memref<320xi32, #tpu.memory_space<vmem>>)
      tpu.yield
    }) : () -> ()
    %dma_start3A = arith.constant 0 : i32
    %dma_start3A_9 = arith.constant 0 : i32
    %dma_start3A_10 = tpu.memref_slice %arg11[%dma_start3A, %dma_start3A_9] : memref<2048x128xf32, #tpu.memory_space<vmem_shared>> -> memref<2048x128xf32, #tpu.memory_space<vmem_shared>>
    tpu.enqueue_indirect_dma source(%dma_start3A_10 : memref<2048x128xf32, #tpu.memory_space<vmem_shared>>) target(%arg7 : memref<320x128xf32, #tpu.memory_space<vmem>>) offsets(%arg5 : memref<320xi32, #tpu.memory_space<vmem>>) semaphore(%arg9 : memref<!tpu.dma_semaphore, #tpu.memory_space<semaphore_mem>>)
    %add3A_11 = arith.constant 32 : i32
    %add3A_12 = arith.addi %add3A, %add3A_11 : i32
    %mul3A_13 = arith.constant 320 : i32
    %mul3A_14 = arith.muli %add3A_12, %mul3A_13 : i32
    "tpu.region"() ({
      %run_scoped3A = tpu.sem_alloc : memref<!tpu.dma_semaphore, #tpu.memory_space<semaphore_mem>>
      %dma_start3A_143 = tpu.memref_slice %arg2[%mul3A_14] : memref<102400xi32, #tpu.memory_space<hbm>> -> memref<320xi32, #tpu.memory_space<hbm>>
      %dma_start3A_144 = tpu.memref_slice %arg2[%mul3A_14] : memref<102400xi32, #tpu.memory_space<hbm>> -> memref<320xi32, #tpu.memory_space<hbm>>
      tpu.enqueue_dma source(%dma_start3A_144 : memref<320xi32, #tpu.memory_space<hbm>>) target(%arg6 : memref<320xi32, #tpu.memory_space<vmem>>) target_semaphore(%run_scoped3A : memref<!tpu.dma_semaphore, #tpu.memory_space<semaphore_mem>>)
      %dma_wait3A_145 = tpu.memref_slice %arg2[%mul3A_14] : memref<102400xi32, #tpu.memory_space<hbm>> -> memref<320xi32, #tpu.memory_space<hbm>>
      %dma_wait3A_146 = tpu.memref_slice %arg2[%mul3A_14] : memref<102400xi32, #tpu.memory_space<hbm>> -> memref<320xi32, #tpu.memory_space<hbm>>
      tpu.wait_dma2 semaphore(%run_scoped3A : memref<!tpu.dma_semaphore, #tpu.memory_space<semaphore_mem>>) src(%dma_wait3A_146 : memref<320xi32, #tpu.memory_space<hbm>>) dst(%arg6 : memref<320xi32, #tpu.memory_space<vmem>>)
      tpu.yield
    }) : () -> ()
    %dma_start3A_15 = arith.constant 0 : i32
    %dma_start3A_16 = arith.constant 0 : i32
    %dma_start3A_17 = tpu.memref_slice %arg11[%dma_start3A_15, %dma_start3A_16] : memref<2048x128xf32, #tpu.memory_space<vmem_shared>> -> memref<2048x128xf32, #tpu.memory_space<vmem_shared>>
    tpu.enqueue_indirect_dma source(%dma_start3A_17 : memref<2048x128xf32, #tpu.memory_space<vmem_shared>>) target(%arg8 : memref<320x128xf32, #tpu.memory_space<vmem>>) offsets(%arg6 : memref<320xi32, #tpu.memory_space<vmem>>) semaphore(%arg10 : memref<!tpu.dma_semaphore, #tpu.memory_space<semaphore_mem>>)
    %dma_wait3A = arith.constant 0 : i32
    %dma_wait3A_18 = arith.constant 0 : i32
    %dma_wait3A_19 = tpu.memref_slice %arg11[%dma_wait3A, %dma_wait3A_18] : memref<2048x128xf32, #tpu.memory_space<vmem_shared>> -> memref<2048x128xf32, #tpu.memory_space<vmem_shared>>
    tpu.wait_indirect_dma semaphore(%arg9 : memref<!tpu.dma_semaphore, #tpu.memory_space<semaphore_mem>>) src(%dma_wait3A_19 : memref<2048x128xf32, #tpu.memory_space<vmem_shared>>) dst(%arg7 : memref<320x128xf32, #tpu.memory_space<vmem>>)
    %add3A_20 = arith.constant 0 : i32
    %add3A_21 = arith.addi %add3A, %add3A_20 : i32
    %mul3A_22 = arith.constant 320 : i32
    %mul3A_23 = arith.muli %add3A_21, %mul3A_22 : i32
    "tpu.region"() ({
      %run_scoped3A = tpu.sem_alloc : memref<!tpu.dma_semaphore, #tpu.memory_space<semaphore_mem>>
      %dma_start3A_143 = arith.constant 0 : i32
      %dma_start3A_144 = tpu.memref_slice %arg4[%mul3A_23, %dma_start3A_143] : memref<102400x128xf32, #tpu.memory_space<hbm>> -> memref<320x128xf32, #tpu.memory_space<hbm>>
      %dma_start3A_145 = arith.constant 0 : i32
      %dma_start3A_146 = tpu.memref_slice %arg4[%mul3A_23, %dma_start3A_145] : memref<102400x128xf32, #tpu.memory_space<hbm>> -> memref<320x128xf32, #tpu.memory_space<hbm>>
      tpu.enqueue_dma source(%arg7 : memref<320x128xf32, #tpu.memory_space<vmem>>) target(%dma_start3A_146 : memref<320x128xf32, #tpu.memory_space<hbm>>) target_semaphore(%run_scoped3A : memref<!tpu.dma_semaphore, #tpu.memory_space<semaphore_mem>>)
      %dma_wait3A_147 = arith.constant 0 : i32
      %dma_wait3A_148 = tpu.memref_slice %arg4[%mul3A_23, %dma_wait3A_147] : memref<102400x128xf32, #tpu.memory_space<hbm>> -> memref<320x128xf32, #tpu.memory_space<hbm>>
      %dma_wait3A_149 = arith.constant 0 : i32
      %dma_wait3A_150 = tpu.memref_slice %arg4[%mul3A_23, %dma_wait3A_149] : memref<102400x128xf32, #tpu.memory_space<hbm>> -> memref<320x128xf32, #tpu.memory_space<hbm>>
      tpu.wait_dma2 semaphore(%run_scoped3A : memref<!tpu.dma_semaphore, #tpu.memory_space<semaphore_mem>>) src(%arg7 : memref<320x128xf32, #tpu.memory_space<vmem>>) dst(%dma_wait3A_150 : memref<320x128xf32, #tpu.memory_space<hbm>>)
      tpu.yield
    }) : () -> ()
    %add3A_24 = arith.constant 64 : i32
    %add3A_25 = arith.addi %add3A, %add3A_24 : i32
    %mul3A_26 = arith.constant 320 : i32
    %mul3A_27 = arith.muli %add3A_25, %mul3A_26 : i32
    "tpu.region"() ({
      %run_scoped3A = tpu.sem_alloc : memref<!tpu.dma_semaphore, #tpu.memory_space<semaphore_mem>>
      %dma_start3A_143 = tpu.memref_slice %arg2[%mul3A_27] : memref<102400xi32, #tpu.memory_space<hbm>> -> memref<320xi32, #tpu.memory_space<hbm>>
      %dma_start3A_144 = tpu.memref_slice %arg2[%mul3A_27] : memref<102400xi32, #tpu.memory_space<hbm>> -> memref<320xi32, #tpu.memory_space<hbm>>
      tpu.enqueue_dma source(%dma_start3A_144 : memref<320xi32, #tpu.memory_space<hbm>>) target(%arg5 : memref<320xi32, #tpu.memory_space<vmem>>) target_semaphore(%run_scoped3A : memref<!tpu.dma_semaphore, #tpu.memory_space<semaphore_mem>>)
      %dma_wait3A_145 = tpu.memref_slice %arg2[%mul3A_27] : memref<102400xi32, #tpu.memory_space<hbm>> -> memref<320xi32, #tpu.memory_space<hbm>>
      %dma_wait3A_146 = tpu.memref_slice %arg2[%mul3A_27] : memref<102400xi32, #tpu.memory_space<hbm>> -> memref<320xi32, #tpu.memory_space<hbm>>
      tpu.wait_dma2 semaphore(%run_scoped3A : memref<!tpu.dma_semaphore, #tpu.memory_space<semaphore_mem>>) src(%dma_wait3A_146 : memref<320xi32, #tpu.memory_space<hbm>>) dst(%arg5 : memref<320xi32, #tpu.memory_space<vmem>>)
      tpu.yield
    }) : () -> ()
    %dma_start3A_28 = arith.constant 0 : i32
    %dma_start3A_29 = arith.constant 0 : i32
    %dma_start3A_30 = tpu.memref_slice %arg11[%dma_start3A_28, %dma_start3A_29] : memref<2048x128xf32, #tpu.memory_space<vmem_shared>> -> memref<2048x128xf32, #tpu.memory_space<vmem_shared>>
    tpu.enqueue_indirect_dma source(%dma_start3A_30 : memref<2048x128xf32, #tpu.memory_space<vmem_shared>>) target(%arg7 : memref<320x128xf32, #tpu.memory_space<vmem>>) offsets(%arg5 : memref<320xi32, #tpu.memory_space<vmem>>) semaphore(%arg9 : memref<!tpu.dma_semaphore, #tpu.memory_space<semaphore_mem>>)
    %dma_wait3A_31 = arith.constant 0 : i32
    %dma_wait3A_32 = arith.constant 0 : i32
    %dma_wait3A_33 = tpu.memref_slice %arg11[%dma_wait3A_31, %dma_wait3A_32] : memref<2048x128xf32, #tpu.memory_space<vmem_shared>> -> memref<2048x128xf32, #tpu.memory_space<vmem_shared>>
    tpu.wait_indirect_dma semaphore(%arg10 : memref<!tpu.dma_semaphore, #tpu.memory_space<semaphore_mem>>) src(%dma_wait3A_33 : memref<2048x128xf32, #tpu.memory_space<vmem_shared>>) dst(%arg8 : memref<320x128xf32, #tpu.memory_space<vmem>>)
    %add3A_34 = arith.constant 32 : i32
    %add3A_35 = arith.addi %add3A, %add3A_34 : i32
    %mul3A_36 = arith.constant 320 : i32
    %mul3A_37 = arith.muli %add3A_35, %mul3A_36 : i32
    "tpu.region"() ({
      %run_scoped3A = tpu.sem_alloc : memref<!tpu.dma_semaphore, #tpu.memory_space<semaphore_mem>>
      %dma_start3A_143 = arith.constant 0 : i32
      %dma_start3A_144 = tpu.memref_slice %arg4[%mul3A_37, %dma_start3A_143] : memref<102400x128xf32, #tpu.memory_space<hbm>> -> memref<320x128xf32, #tpu.memory_space<hbm>>
      %dma_start3A_145 = arith.constant 0 : i32
      %dma_start3A_146 = tpu.memref_slice %arg4[%mul3A_37, %dma_start3A_145] : memref<102400x128xf32, #tpu.memory_space<hbm>> -> memref<320x128xf32, #tpu.memory_space<hbm>>
      tpu.enqueue_dma source(%arg8 : memref<320x128xf32, #tpu.memory_space<vmem>>) target(%dma_start3A_146 : memref<320x128xf32, #tpu.memory_space<hbm>>) target_semaphore(%run_scoped3A : memref<!tpu.dma_semaphore, #tpu.memory_space<semaphore_mem>>)
      %dma_wait3A_147 = arith.constant 0 : i32
      %dma_wait3A_148 = tpu.memref_slice %arg4[%mul3A_37, %dma_wait3A_147] : memref<102400x128xf32, #tpu.memory_space<hbm>> -> memref<320x128xf32, #tpu.memory_space<hbm>>
      %dma_wait3A_149 = arith.constant 0 : i32
      %dma_wait3A_150 = tpu.memref_slice %arg4[%mul3A_37, %dma_wait3A_149] : memref<102400x128xf32, #tpu.memory_space<hbm>> -> memref<320x128xf32, #tpu.memory_space<hbm>>
      tpu.wait_dma2 semaphore(%run_scoped3A : memref<!tpu.dma_semaphore, #tpu.memory_space<semaphore_mem>>) src(%arg8 : memref<320x128xf32, #tpu.memory_space<vmem>>) dst(%dma_wait3A_150 : memref<320x128xf32, #tpu.memory_space<hbm>>)
      tpu.yield
    }) : () -> ()
    %add3A_38 = arith.constant 96 : i32
    %add3A_39 = arith.addi %add3A, %add3A_38 : i32
    %mul3A_40 = arith.constant 320 : i32
    %mul3A_41 = arith.muli %add3A_39, %mul3A_40 : i32
    "tpu.region"() ({
      %run_scoped3A = tpu.sem_alloc : memref<!tpu.dma_semaphore, #tpu.memory_space<semaphore_mem>>
      %dma_start3A_143 = tpu.memref_slice %arg2[%mul3A_41] : memref<102400xi32, #tpu.memory_space<hbm>> -> memref<320xi32, #tpu.memory_space<hbm>>
      %dma_start3A_144 = tpu.memref_slice %arg2[%mul3A_41] : memref<102400xi32, #tpu.memory_space<hbm>> -> memref<320xi32, #tpu.memory_space<hbm>>
      tpu.enqueue_dma source(%dma_start3A_144 : memref<320xi32, #tpu.memory_space<hbm>>) target(%arg6 : memref<320xi32, #tpu.memory_space<vmem>>) target_semaphore(%run_scoped3A : memref<!tpu.dma_semaphore, #tpu.memory_space<semaphore_mem>>)
      %dma_wait3A_145 = tpu.memref_slice %arg2[%mul3A_41] : memref<102400xi32, #tpu.memory_space<hbm>> -> memref<320xi32, #tpu.memory_space<hbm>>
      %dma_wait3A_146 = tpu.memref_slice %arg2[%mul3A_41] : memref<102400xi32, #tpu.memory_space<hbm>> -> memref<320xi32, #tpu.memory_space<hbm>>
      tpu.wait_dma2 semaphore(%run_scoped3A : memref<!tpu.dma_semaphore, #tpu.memory_space<semaphore_mem>>) src(%dma_wait3A_146 : memref<320xi32, #tpu.memory_space<hbm>>) dst(%arg6 : memref<320xi32, #tpu.memory_space<vmem>>)
      tpu.yield
    }) : () -> ()
    %dma_start3A_42 = arith.constant 0 : i32
    %dma_start3A_43 = arith.constant 0 : i32
    %dma_start3A_44 = tpu.memref_slice %arg11[%dma_start3A_42, %dma_start3A_43] : memref<2048x128xf32, #tpu.memory_space<vmem_shared>> -> memref<2048x128xf32, #tpu.memory_space<vmem_shared>>
    tpu.enqueue_indirect_dma source(%dma_start3A_44 : memref<2048x128xf32, #tpu.memory_space<vmem_shared>>) target(%arg8 : memref<320x128xf32, #tpu.memory_space<vmem>>) offsets(%arg6 : memref<320xi32, #tpu.memory_space<vmem>>) semaphore(%arg10 : memref<!tpu.dma_semaphore, #tpu.memory_space<semaphore_mem>>)
    %dma_wait3A_45 = arith.constant 0 : i32
    %dma_wait3A_46 = arith.constant 0 : i32
    %dma_wait3A_47 = tpu.memref_slice %arg11[%dma_wait3A_45, %dma_wait3A_46] : memref<2048x128xf32, #tpu.memory_space<vmem_shared>> -> memref<2048x128xf32, #tpu.memory_space<vmem_shared>>
    tpu.wait_indirect_dma semaphore(%arg9 : memref<!tpu.dma_semaphore, #tpu.memory_space<semaphore_mem>>) src(%dma_wait3A_47 : memref<2048x128xf32, #tpu.memory_space<vmem_shared>>) dst(%arg7 : memref<320x128xf32, #tpu.memory_space<vmem>>)
    %add3A_48 = arith.constant 64 : i32
    %add3A_49 = arith.addi %add3A, %add3A_48 : i32
    %mul3A_50 = arith.constant 320 : i32
    %mul3A_51 = arith.muli %add3A_49, %mul3A_50 : i32
    "tpu.region"() ({
      %run_scoped3A = tpu.sem_alloc : memref<!tpu.dma_semaphore, #tpu.memory_space<semaphore_mem>>
      %dma_start3A_143 = arith.constant 0 : i32
      %dma_start3A_144 = tpu.memref_slice %arg4[%mul3A_51, %dma_start3A_143] : memref<102400x128xf32, #tpu.memory_space<hbm>> -> memref<320x128xf32, #tpu.memory_space<hbm>>
      %dma_start3A_145 = arith.constant 0 : i32
      %dma_start3A_146 = tpu.memref_slice %arg4[%mul3A_51, %dma_start3A_145] : memref<102400x128xf32, #tpu.memory_space<hbm>> -> memref<320x128xf32, #tpu.memory_space<hbm>>
      tpu.enqueue_dma source(%arg7 : memref<320x128xf32, #tpu.memory_space<vmem>>) target(%dma_start3A_146 : memref<320x128xf32, #tpu.memory_space<hbm>>) target_semaphore(%run_scoped3A : memref<!tpu.dma_semaphore, #tpu.memory_space<semaphore_mem>>)
      %dma_wait3A_147 = arith.constant 0 : i32
      %dma_wait3A_148 = tpu.memref_slice %arg4[%mul3A_51, %dma_wait3A_147] : memref<102400x128xf32, #tpu.memory_space<hbm>> -> memref<320x128xf32, #tpu.memory_space<hbm>>
      %dma_wait3A_149 = arith.constant 0 : i32
      %dma_wait3A_150 = tpu.memref_slice %arg4[%mul3A_51, %dma_wait3A_149] : memref<102400x128xf32, #tpu.memory_space<hbm>> -> memref<320x128xf32, #tpu.memory_space<hbm>>
      tpu.wait_dma2 semaphore(%run_scoped3A : memref<!tpu.dma_semaphore, #tpu.memory_space<semaphore_mem>>) src(%arg7 : memref<320x128xf32, #tpu.memory_space<vmem>>) dst(%dma_wait3A_150 : memref<320x128xf32, #tpu.memory_space<hbm>>)
      tpu.yield
    }) : () -> ()
    %add3A_52 = arith.constant 128 : i32
    %add3A_53 = arith.addi %add3A, %add3A_52 : i32
    %mul3A_54 = arith.constant 320 : i32
    %mul3A_55 = arith.muli %add3A_53, %mul3A_54 : i32
    "tpu.region"() ({
      %run_scoped3A = tpu.sem_alloc : memref<!tpu.dma_semaphore, #tpu.memory_space<semaphore_mem>>
      %dma_start3A_143 = tpu.memref_slice %arg2[%mul3A_55] : memref<102400xi32, #tpu.memory_space<hbm>> -> memref<320xi32, #tpu.memory_space<hbm>>
      %dma_start3A_144 = tpu.memref_slice %arg2[%mul3A_55] : memref<102400xi32, #tpu.memory_space<hbm>> -> memref<320xi32, #tpu.memory_space<hbm>>
      tpu.enqueue_dma source(%dma_start3A_144 : memref<320xi32, #tpu.memory_space<hbm>>) target(%arg5 : memref<320xi32, #tpu.memory_space<vmem>>) target_semaphore(%run_scoped3A : memref<!tpu.dma_semaphore, #tpu.memory_space<semaphore_mem>>)
      %dma_wait3A_145 = tpu.memref_slice %arg2[%mul3A_55] : memref<102400xi32, #tpu.memory_space<hbm>> -> memref<320xi32, #tpu.memory_space<hbm>>
      %dma_wait3A_146 = tpu.memref_slice %arg2[%mul3A_55] : memref<102400xi32, #tpu.memory_space<hbm>> -> memref<320xi32, #tpu.memory_space<hbm>>
      tpu.wait_dma2 semaphore(%run_scoped3A : memref<!tpu.dma_semaphore, #tpu.memory_space<semaphore_mem>>) src(%dma_wait3A_146 : memref<320xi32, #tpu.memory_space<hbm>>) dst(%arg5 : memref<320xi32, #tpu.memory_space<vmem>>)
      tpu.yield
    }) : () -> ()
    %dma_start3A_56 = arith.constant 0 : i32
    %dma_start3A_57 = arith.constant 0 : i32
    %dma_start3A_58 = tpu.memref_slice %arg11[%dma_start3A_56, %dma_start3A_57] : memref<2048x128xf32, #tpu.memory_space<vmem_shared>> -> memref<2048x128xf32, #tpu.memory_space<vmem_shared>>
    tpu.enqueue_indirect_dma source(%dma_start3A_58 : memref<2048x128xf32, #tpu.memory_space<vmem_shared>>) target(%arg7 : memref<320x128xf32, #tpu.memory_space<vmem>>) offsets(%arg5 : memref<320xi32, #tpu.memory_space<vmem>>) semaphore(%arg9 : memref<!tpu.dma_semaphore, #tpu.memory_space<semaphore_mem>>)
    %dma_wait3A_59 = arith.constant 0 : i32
    %dma_wait3A_60 = arith.constant 0 : i32
    %dma_wait3A_61 = tpu.memref_slice %arg11[%dma_wait3A_59, %dma_wait3A_60] : memref<2048x128xf32, #tpu.memory_space<vmem_shared>> -> memref<2048x128xf32, #tpu.memory_space<vmem_shared>>
    tpu.wait_indirect_dma semaphore(%arg10 : memref<!tpu.dma_semaphore, #tpu.memory_space<semaphore_mem>>) src(%dma_wait3A_61 : memref<2048x128xf32, #tpu.memory_space<vmem_shared>>) dst(%arg8 : memref<320x128xf32, #tpu.memory_space<vmem>>)
    %add3A_62 = arith.constant 96 : i32
    %add3A_63 = arith.addi %add3A, %add3A_62 : i32
    %mul3A_64 = arith.constant 320 : i32
    %mul3A_65 = arith.muli %add3A_63, %mul3A_64 : i32
    "tpu.region"() ({
      %run_scoped3A = tpu.sem_alloc : memref<!tpu.dma_semaphore, #tpu.memory_space<semaphore_mem>>
      %dma_start3A_143 = arith.constant 0 : i32
      %dma_start3A_144 = tpu.memref_slice %arg4[%mul3A_65, %dma_start3A_143] : memref<102400x128xf32, #tpu.memory_space<hbm>> -> memref<320x128xf32, #tpu.memory_space<hbm>>
      %dma_start3A_145 = arith.constant 0 : i32
      %dma_start3A_146 = tpu.memref_slice %arg4[%mul3A_65, %dma_start3A_145] : memref<102400x128xf32, #tpu.memory_space<hbm>> -> memref<320x128xf32, #tpu.memory_space<hbm>>
      tpu.enqueue_dma source(%arg8 : memref<320x128xf32, #tpu.memory_space<vmem>>) target(%dma_start3A_146 : memref<320x128xf32, #tpu.memory_space<hbm>>) target_semaphore(%run_scoped3A : memref<!tpu.dma_semaphore, #tpu.memory_space<semaphore_mem>>)
      %dma_wait3A_147 = arith.constant 0 : i32
      %dma_wait3A_148 = tpu.memref_slice %arg4[%mul3A_65, %dma_wait3A_147] : memref<102400x128xf32, #tpu.memory_space<hbm>> -> memref<320x128xf32, #tpu.memory_space<hbm>>
      %dma_wait3A_149 = arith.constant 0 : i32
      %dma_wait3A_150 = tpu.memref_slice %arg4[%mul3A_65, %dma_wait3A_149] : memref<102400x128xf32, #tpu.memory_space<hbm>> -> memref<320x128xf32, #tpu.memory_space<hbm>>
      tpu.wait_dma2 semaphore(%run_scoped3A : memref<!tpu.dma_semaphore, #tpu.memory_space<semaphore_mem>>) src(%arg8 : memref<320x128xf32, #tpu.memory_space<vmem>>) dst(%dma_wait3A_150 : memref<320x128xf32, #tpu.memory_space<hbm>>)
      tpu.yield
    }) : () -> ()
    %add3A_66 = arith.constant 160 : i32
    %add3A_67 = arith.addi %add3A, %add3A_66 : i32
    %mul3A_68 = arith.constant 320 : i32
    %mul3A_69 = arith.muli %add3A_67, %mul3A_68 : i32
    "tpu.region"() ({
      %run_scoped3A = tpu.sem_alloc : memref<!tpu.dma_semaphore, #tpu.memory_space<semaphore_mem>>
      %dma_start3A_143 = tpu.memref_slice %arg2[%mul3A_69] : memref<102400xi32, #tpu.memory_space<hbm>> -> memref<320xi32, #tpu.memory_space<hbm>>
      %dma_start3A_144 = tpu.memref_slice %arg2[%mul3A_69] : memref<102400xi32, #tpu.memory_space<hbm>> -> memref<320xi32, #tpu.memory_space<hbm>>
      tpu.enqueue_dma source(%dma_start3A_144 : memref<320xi32, #tpu.memory_space<hbm>>) target(%arg6 : memref<320xi32, #tpu.memory_space<vmem>>) target_semaphore(%run_scoped3A : memref<!tpu.dma_semaphore, #tpu.memory_space<semaphore_mem>>)
      %dma_wait3A_145 = tpu.memref_slice %arg2[%mul3A_69] : memref<102400xi32, #tpu.memory_space<hbm>> -> memref<320xi32, #tpu.memory_space<hbm>>
      %dma_wait3A_146 = tpu.memref_slice %arg2[%mul3A_69] : memref<102400xi32, #tpu.memory_space<hbm>> -> memref<320xi32, #tpu.memory_space<hbm>>
      tpu.wait_dma2 semaphore(%run_scoped3A : memref<!tpu.dma_semaphore, #tpu.memory_space<semaphore_mem>>) src(%dma_wait3A_146 : memref<320xi32, #tpu.memory_space<hbm>>) dst(%arg6 : memref<320xi32, #tpu.memory_space<vmem>>)
      tpu.yield
    }) : () -> ()
    %dma_start3A_70 = arith.constant 0 : i32
    %dma_start3A_71 = arith.constant 0 : i32
    %dma_start3A_72 = tpu.memref_slice %arg11[%dma_start3A_70, %dma_start3A_71] : memref<2048x128xf32, #tpu.memory_space<vmem_shared>> -> memref<2048x128xf32, #tpu.memory_space<vmem_shared>>
    tpu.enqueue_indirect_dma source(%dma_start3A_72 : memref<2048x128xf32, #tpu.memory_space<vmem_shared>>) target(%arg8 : memref<320x128xf32, #tpu.memory_space<vmem>>) offsets(%arg6 : memref<320xi32, #tpu.memory_space<vmem>>) semaphore(%arg10 : memref<!tpu.dma_semaphore, #tpu.memory_space<semaphore_mem>>)
    %dma_wait3A_73 = arith.constant 0 : i32
    %dma_wait3A_74 = arith.constant 0 : i32
    %dma_wait3A_75 = tpu.memref_slice %arg11[%dma_wait3A_73, %dma_wait3A_74] : memref<2048x128xf32, #tpu.memory_space<vmem_shared>> -> memref<2048x128xf32, #tpu.memory_space<vmem_shared>>
    tpu.wait_indirect_dma semaphore(%arg9 : memref<!tpu.dma_semaphore, #tpu.memory_space<semaphore_mem>>) src(%dma_wait3A_75 : memref<2048x128xf32, #tpu.memory_space<vmem_shared>>) dst(%arg7 : memref<320x128xf32, #tpu.memory_space<vmem>>)
    %add3A_76 = arith.constant 128 : i32
    %add3A_77 = arith.addi %add3A, %add3A_76 : i32
    %mul3A_78 = arith.constant 320 : i32
    %mul3A_79 = arith.muli %add3A_77, %mul3A_78 : i32
    "tpu.region"() ({
      %run_scoped3A = tpu.sem_alloc : memref<!tpu.dma_semaphore, #tpu.memory_space<semaphore_mem>>
      %dma_start3A_143 = arith.constant 0 : i32
      %dma_start3A_144 = tpu.memref_slice %arg4[%mul3A_79, %dma_start3A_143] : memref<102400x128xf32, #tpu.memory_space<hbm>> -> memref<320x128xf32, #tpu.memory_space<hbm>>
      %dma_start3A_145 = arith.constant 0 : i32
      %dma_start3A_146 = tpu.memref_slice %arg4[%mul3A_79, %dma_start3A_145] : memref<102400x128xf32, #tpu.memory_space<hbm>> -> memref<320x128xf32, #tpu.memory_space<hbm>>
      tpu.enqueue_dma source(%arg7 : memref<320x128xf32, #tpu.memory_space<vmem>>) target(%dma_start3A_146 : memref<320x128xf32, #tpu.memory_space<hbm>>) target_semaphore(%run_scoped3A : memref<!tpu.dma_semaphore, #tpu.memory_space<semaphore_mem>>)
      %dma_wait3A_147 = arith.constant 0 : i32
      %dma_wait3A_148 = tpu.memref_slice %arg4[%mul3A_79, %dma_wait3A_147] : memref<102400x128xf32, #tpu.memory_space<hbm>> -> memref<320x128xf32, #tpu.memory_space<hbm>>
      %dma_wait3A_149 = arith.constant 0 : i32
      %dma_wait3A_150 = tpu.memref_slice %arg4[%mul3A_79, %dma_wait3A_149] : memref<102400x128xf32, #tpu.memory_space<hbm>> -> memref<320x128xf32, #tpu.memory_space<hbm>>
      tpu.wait_dma2 semaphore(%run_scoped3A : memref<!tpu.dma_semaphore, #tpu.memory_space<semaphore_mem>>) src(%arg7 : memref<320x128xf32, #tpu.memory_space<vmem>>) dst(%dma_wait3A_150 : memref<320x128xf32, #tpu.memory_space<hbm>>)
      tpu.yield
    }) : () -> ()
    %add3A_80 = arith.constant 192 : i32
    %add3A_81 = arith.addi %add3A, %add3A_80 : i32
    %mul3A_82 = arith.constant 320 : i32
    %mul3A_83 = arith.muli %add3A_81, %mul3A_82 : i32
    "tpu.region"() ({
      %run_scoped3A = tpu.sem_alloc : memref<!tpu.dma_semaphore, #tpu.memory_space<semaphore_mem>>
      %dma_start3A_143 = tpu.memref_slice %arg2[%mul3A_83] : memref<102400xi32, #tpu.memory_space<hbm>> -> memref<320xi32, #tpu.memory_space<hbm>>
      %dma_start3A_144 = tpu.memref_slice %arg2[%mul3A_83] : memref<102400xi32, #tpu.memory_space<hbm>> -> memref<320xi32, #tpu.memory_space<hbm>>
      tpu.enqueue_dma source(%dma_start3A_144 : memref<320xi32, #tpu.memory_space<hbm>>) target(%arg5 : memref<320xi32, #tpu.memory_space<vmem>>) target_semaphore(%run_scoped3A : memref<!tpu.dma_semaphore, #tpu.memory_space<semaphore_mem>>)
      %dma_wait3A_145 = tpu.memref_slice %arg2[%mul3A_83] : memref<102400xi32, #tpu.memory_space<hbm>> -> memref<320xi32, #tpu.memory_space<hbm>>
      %dma_wait3A_146 = tpu.memref_slice %arg2[%mul3A_83] : memref<102400xi32, #tpu.memory_space<hbm>> -> memref<320xi32, #tpu.memory_space<hbm>>
      tpu.wait_dma2 semaphore(%run_scoped3A : memref<!tpu.dma_semaphore, #tpu.memory_space<semaphore_mem>>) src(%dma_wait3A_146 : memref<320xi32, #tpu.memory_space<hbm>>) dst(%arg5 : memref<320xi32, #tpu.memory_space<vmem>>)
      tpu.yield
    }) : () -> ()
    %dma_start3A_84 = arith.constant 0 : i32
    %dma_start3A_85 = arith.constant 0 : i32
    %dma_start3A_86 = tpu.memref_slice %arg11[%dma_start3A_84, %dma_start3A_85] : memref<2048x128xf32, #tpu.memory_space<vmem_shared>> -> memref<2048x128xf32, #tpu.memory_space<vmem_shared>>
    tpu.enqueue_indirect_dma source(%dma_start3A_86 : memref<2048x128xf32, #tpu.memory_space<vmem_shared>>) target(%arg7 : memref<320x128xf32, #tpu.memory_space<vmem>>) offsets(%arg5 : memref<320xi32, #tpu.memory_space<vmem>>) semaphore(%arg9 : memref<!tpu.dma_semaphore, #tpu.memory_space<semaphore_mem>>)
    %dma_wait3A_87 = arith.constant 0 : i32
    %dma_wait3A_88 = arith.constant 0 : i32
    %dma_wait3A_89 = tpu.memref_slice %arg11[%dma_wait3A_87, %dma_wait3A_88] : memref<2048x128xf32, #tpu.memory_space<vmem_shared>> -> memref<2048x128xf32, #tpu.memory_space<vmem_shared>>
    tpu.wait_indirect_dma semaphore(%arg10 : memref<!tpu.dma_semaphore, #tpu.memory_space<semaphore_mem>>) src(%dma_wait3A_89 : memref<2048x128xf32, #tpu.memory_space<vmem_shared>>) dst(%arg8 : memref<320x128xf32, #tpu.memory_space<vmem>>)
    %add3A_90 = arith.constant 160 : i32
    %add3A_91 = arith.addi %add3A, %add3A_90 : i32
    %mul3A_92 = arith.constant 320 : i32
    %mul3A_93 = arith.muli %add3A_91, %mul3A_92 : i32
    "tpu.region"() ({
      %run_scoped3A = tpu.sem_alloc : memref<!tpu.dma_semaphore, #tpu.memory_space<semaphore_mem>>
      %dma_start3A_143 = arith.constant 0 : i32
      %dma_start3A_144 = tpu.memref_slice %arg4[%mul3A_93, %dma_start3A_143] : memref<102400x128xf32, #tpu.memory_space<hbm>> -> memref<320x128xf32, #tpu.memory_space<hbm>>
      %dma_start3A_145 = arith.constant 0 : i32
      %dma_start3A_146 = tpu.memref_slice %arg4[%mul3A_93, %dma_start3A_145] : memref<102400x128xf32, #tpu.memory_space<hbm>> -> memref<320x128xf32, #tpu.memory_space<hbm>>
      tpu.enqueue_dma source(%arg8 : memref<320x128xf32, #tpu.memory_space<vmem>>) target(%dma_start3A_146 : memref<320x128xf32, #tpu.memory_space<hbm>>) target_semaphore(%run_scoped3A : memref<!tpu.dma_semaphore, #tpu.memory_space<semaphore_mem>>)
      %dma_wait3A_147 = arith.constant 0 : i32
      %dma_wait3A_148 = tpu.memref_slice %arg4[%mul3A_93, %dma_wait3A_147] : memref<102400x128xf32, #tpu.memory_space<hbm>> -> memref<320x128xf32, #tpu.memory_space<hbm>>
      %dma_wait3A_149 = arith.constant 0 : i32
      %dma_wait3A_150 = tpu.memref_slice %arg4[%mul3A_93, %dma_wait3A_149] : memref<102400x128xf32, #tpu.memory_space<hbm>> -> memref<320x128xf32, #tpu.memory_space<hbm>>
      tpu.wait_dma2 semaphore(%run_scoped3A : memref<!tpu.dma_semaphore, #tpu.memory_space<semaphore_mem>>) src(%arg8 : memref<320x128xf32, #tpu.memory_space<vmem>>) dst(%dma_wait3A_150 : memref<320x128xf32, #tpu.memory_space<hbm>>)
      tpu.yield
    }) : () -> ()
    %add3A_94 = arith.constant 224 : i32
    %add3A_95 = arith.addi %add3A, %add3A_94 : i32
    %mul3A_96 = arith.constant 320 : i32
    %mul3A_97 = arith.muli %add3A_95, %mul3A_96 : i32
    "tpu.region"() ({
      %run_scoped3A = tpu.sem_alloc : memref<!tpu.dma_semaphore, #tpu.memory_space<semaphore_mem>>
      %dma_start3A_143 = tpu.memref_slice %arg2[%mul3A_97] : memref<102400xi32, #tpu.memory_space<hbm>> -> memref<320xi32, #tpu.memory_space<hbm>>
      %dma_start3A_144 = tpu.memref_slice %arg2[%mul3A_97] : memref<102400xi32, #tpu.memory_space<hbm>> -> memref<320xi32, #tpu.memory_space<hbm>>
      tpu.enqueue_dma source(%dma_start3A_144 : memref<320xi32, #tpu.memory_space<hbm>>) target(%arg6 : memref<320xi32, #tpu.memory_space<vmem>>) target_semaphore(%run_scoped3A : memref<!tpu.dma_semaphore, #tpu.memory_space<semaphore_mem>>)
      %dma_wait3A_145 = tpu.memref_slice %arg2[%mul3A_97] : memref<102400xi32, #tpu.memory_space<hbm>> -> memref<320xi32, #tpu.memory_space<hbm>>
      %dma_wait3A_146 = tpu.memref_slice %arg2[%mul3A_97] : memref<102400xi32, #tpu.memory_space<hbm>> -> memref<320xi32, #tpu.memory_space<hbm>>
      tpu.wait_dma2 semaphore(%run_scoped3A : memref<!tpu.dma_semaphore, #tpu.memory_space<semaphore_mem>>) src(%dma_wait3A_146 : memref<320xi32, #tpu.memory_space<hbm>>) dst(%arg6 : memref<320xi32, #tpu.memory_space<vmem>>)
      tpu.yield
    }) : () -> ()
    %dma_start3A_98 = arith.constant 0 : i32
    %dma_start3A_99 = arith.constant 0 : i32
    %dma_start3A_100 = tpu.memref_slice %arg11[%dma_start3A_98, %dma_start3A_99] : memref<2048x128xf32, #tpu.memory_space<vmem_shared>> -> memref<2048x128xf32, #tpu.memory_space<vmem_shared>>
    tpu.enqueue_indirect_dma source(%dma_start3A_100 : memref<2048x128xf32, #tpu.memory_space<vmem_shared>>) target(%arg8 : memref<320x128xf32, #tpu.memory_space<vmem>>) offsets(%arg6 : memref<320xi32, #tpu.memory_space<vmem>>) semaphore(%arg10 : memref<!tpu.dma_semaphore, #tpu.memory_space<semaphore_mem>>)
    %dma_wait3A_101 = arith.constant 0 : i32
    %dma_wait3A_102 = arith.constant 0 : i32
    %dma_wait3A_103 = tpu.memref_slice %arg11[%dma_wait3A_101, %dma_wait3A_102] : memref<2048x128xf32, #tpu.memory_space<vmem_shared>> -> memref<2048x128xf32, #tpu.memory_space<vmem_shared>>
    tpu.wait_indirect_dma semaphore(%arg9 : memref<!tpu.dma_semaphore, #tpu.memory_space<semaphore_mem>>) src(%dma_wait3A_103 : memref<2048x128xf32, #tpu.memory_space<vmem_shared>>) dst(%arg7 : memref<320x128xf32, #tpu.memory_space<vmem>>)
    %add3A_104 = arith.constant 192 : i32
    %add3A_105 = arith.addi %add3A, %add3A_104 : i32
    %mul3A_106 = arith.constant 320 : i32
    %mul3A_107 = arith.muli %add3A_105, %mul3A_106 : i32
    "tpu.region"() ({
      %run_scoped3A = tpu.sem_alloc : memref<!tpu.dma_semaphore, #tpu.memory_space<semaphore_mem>>
      %dma_start3A_143 = arith.constant 0 : i32
      %dma_start3A_144 = tpu.memref_slice %arg4[%mul3A_107, %dma_start3A_143] : memref<102400x128xf32, #tpu.memory_space<hbm>> -> memref<320x128xf32, #tpu.memory_space<hbm>>
      %dma_start3A_145 = arith.constant 0 : i32
      %dma_start3A_146 = tpu.memref_slice %arg4[%mul3A_107, %dma_start3A_145] : memref<102400x128xf32, #tpu.memory_space<hbm>> -> memref<320x128xf32, #tpu.memory_space<hbm>>
      tpu.enqueue_dma source(%arg7 : memref<320x128xf32, #tpu.memory_space<vmem>>) target(%dma_start3A_146 : memref<320x128xf32, #tpu.memory_space<hbm>>) target_semaphore(%run_scoped3A : memref<!tpu.dma_semaphore, #tpu.memory_space<semaphore_mem>>)
      %dma_wait3A_147 = arith.constant 0 : i32
      %dma_wait3A_148 = tpu.memref_slice %arg4[%mul3A_107, %dma_wait3A_147] : memref<102400x128xf32, #tpu.memory_space<hbm>> -> memref<320x128xf32, #tpu.memory_space<hbm>>
      %dma_wait3A_149 = arith.constant 0 : i32
      %dma_wait3A_150 = tpu.memref_slice %arg4[%mul3A_107, %dma_wait3A_149] : memref<102400x128xf32, #tpu.memory_space<hbm>> -> memref<320x128xf32, #tpu.memory_space<hbm>>
      tpu.wait_dma2 semaphore(%run_scoped3A : memref<!tpu.dma_semaphore, #tpu.memory_space<semaphore_mem>>) src(%arg7 : memref<320x128xf32, #tpu.memory_space<vmem>>) dst(%dma_wait3A_150 : memref<320x128xf32, #tpu.memory_space<hbm>>)
      tpu.yield
    }) : () -> ()
    %add3A_108 = arith.constant 256 : i32
    %add3A_109 = arith.addi %add3A, %add3A_108 : i32
    %mul3A_110 = arith.constant 320 : i32
    %mul3A_111 = arith.muli %add3A_109, %mul3A_110 : i32
    "tpu.region"() ({
      %run_scoped3A = tpu.sem_alloc : memref<!tpu.dma_semaphore, #tpu.memory_space<semaphore_mem>>
      %dma_start3A_143 = tpu.memref_slice %arg2[%mul3A_111] : memref<102400xi32, #tpu.memory_space<hbm>> -> memref<320xi32, #tpu.memory_space<hbm>>
      %dma_start3A_144 = tpu.memref_slice %arg2[%mul3A_111] : memref<102400xi32, #tpu.memory_space<hbm>> -> memref<320xi32, #tpu.memory_space<hbm>>
      tpu.enqueue_dma source(%dma_start3A_144 : memref<320xi32, #tpu.memory_space<hbm>>) target(%arg5 : memref<320xi32, #tpu.memory_space<vmem>>) target_semaphore(%run_scoped3A : memref<!tpu.dma_semaphore, #tpu.memory_space<semaphore_mem>>)
      %dma_wait3A_145 = tpu.memref_slice %arg2[%mul3A_111] : memref<102400xi32, #tpu.memory_space<hbm>> -> memref<320xi32, #tpu.memory_space<hbm>>
      %dma_wait3A_146 = tpu.memref_slice %arg2[%mul3A_111] : memref<102400xi32, #tpu.memory_space<hbm>> -> memref<320xi32, #tpu.memory_space<hbm>>
      tpu.wait_dma2 semaphore(%run_scoped3A : memref<!tpu.dma_semaphore, #tpu.memory_space<semaphore_mem>>) src(%dma_wait3A_146 : memref<320xi32, #tpu.memory_space<hbm>>) dst(%arg5 : memref<320xi32, #tpu.memory_space<vmem>>)
      tpu.yield
    }) : () -> ()
    %dma_start3A_112 = arith.constant 0 : i32
    %dma_start3A_113 = arith.constant 0 : i32
    %dma_start3A_114 = tpu.memref_slice %arg11[%dma_start3A_112, %dma_start3A_113] : memref<2048x128xf32, #tpu.memory_space<vmem_shared>> -> memref<2048x128xf32, #tpu.memory_space<vmem_shared>>
    tpu.enqueue_indirect_dma source(%dma_start3A_114 : memref<2048x128xf32, #tpu.memory_space<vmem_shared>>) target(%arg7 : memref<320x128xf32, #tpu.memory_space<vmem>>) offsets(%arg5 : memref<320xi32, #tpu.memory_space<vmem>>) semaphore(%arg9 : memref<!tpu.dma_semaphore, #tpu.memory_space<semaphore_mem>>)
    %dma_wait3A_115 = arith.constant 0 : i32
    %dma_wait3A_116 = arith.constant 0 : i32
    %dma_wait3A_117 = tpu.memref_slice %arg11[%dma_wait3A_115, %dma_wait3A_116] : memref<2048x128xf32, #tpu.memory_space<vmem_shared>> -> memref<2048x128xf32, #tpu.memory_space<vmem_shared>>
    tpu.wait_indirect_dma semaphore(%arg10 : memref<!tpu.dma_semaphore, #tpu.memory_space<semaphore_mem>>) src(%dma_wait3A_117 : memref<2048x128xf32, #tpu.memory_space<vmem_shared>>) dst(%arg8 : memref<320x128xf32, #tpu.memory_space<vmem>>)
    %add3A_118 = arith.constant 224 : i32
    %add3A_119 = arith.addi %add3A, %add3A_118 : i32
    %mul3A_120 = arith.constant 320 : i32
    %mul3A_121 = arith.muli %add3A_119, %mul3A_120 : i32
    "tpu.region"() ({
      %run_scoped3A = tpu.sem_alloc : memref<!tpu.dma_semaphore, #tpu.memory_space<semaphore_mem>>
      %dma_start3A_143 = arith.constant 0 : i32
      %dma_start3A_144 = tpu.memref_slice %arg4[%mul3A_121, %dma_start3A_143] : memref<102400x128xf32, #tpu.memory_space<hbm>> -> memref<320x128xf32, #tpu.memory_space<hbm>>
      %dma_start3A_145 = arith.constant 0 : i32
      %dma_start3A_146 = tpu.memref_slice %arg4[%mul3A_121, %dma_start3A_145] : memref<102400x128xf32, #tpu.memory_space<hbm>> -> memref<320x128xf32, #tpu.memory_space<hbm>>
      tpu.enqueue_dma source(%arg8 : memref<320x128xf32, #tpu.memory_space<vmem>>) target(%dma_start3A_146 : memref<320x128xf32, #tpu.memory_space<hbm>>) target_semaphore(%run_scoped3A : memref<!tpu.dma_semaphore, #tpu.memory_space<semaphore_mem>>)
      %dma_wait3A_147 = arith.constant 0 : i32
      %dma_wait3A_148 = tpu.memref_slice %arg4[%mul3A_121, %dma_wait3A_147] : memref<102400x128xf32, #tpu.memory_space<hbm>> -> memref<320x128xf32, #tpu.memory_space<hbm>>
      %dma_wait3A_149 = arith.constant 0 : i32
      %dma_wait3A_150 = tpu.memref_slice %arg4[%mul3A_121, %dma_wait3A_149] : memref<102400x128xf32, #tpu.memory_space<hbm>> -> memref<320x128xf32, #tpu.memory_space<hbm>>
      tpu.wait_dma2 semaphore(%run_scoped3A : memref<!tpu.dma_semaphore, #tpu.memory_space<semaphore_mem>>) src(%arg8 : memref<320x128xf32, #tpu.memory_space<vmem>>) dst(%dma_wait3A_150 : memref<320x128xf32, #tpu.memory_space<hbm>>)
      tpu.yield
    }) : () -> ()
    %add3A_122 = arith.constant 288 : i32
    %add3A_123 = arith.addi %add3A, %add3A_122 : i32
    %mul3A_124 = arith.constant 320 : i32
    %mul3A_125 = arith.muli %add3A_123, %mul3A_124 : i32
    "tpu.region"() ({
      %run_scoped3A = tpu.sem_alloc : memref<!tpu.dma_semaphore, #tpu.memory_space<semaphore_mem>>
      %dma_start3A_143 = tpu.memref_slice %arg2[%mul3A_125] : memref<102400xi32, #tpu.memory_space<hbm>> -> memref<320xi32, #tpu.memory_space<hbm>>
      %dma_start3A_144 = tpu.memref_slice %arg2[%mul3A_125] : memref<102400xi32, #tpu.memory_space<hbm>> -> memref<320xi32, #tpu.memory_space<hbm>>
      tpu.enqueue_dma source(%dma_start3A_144 : memref<320xi32, #tpu.memory_space<hbm>>) target(%arg6 : memref<320xi32, #tpu.memory_space<vmem>>) target_semaphore(%run_scoped3A : memref<!tpu.dma_semaphore, #tpu.memory_space<semaphore_mem>>)
      %dma_wait3A_145 = tpu.memref_slice %arg2[%mul3A_125] : memref<102400xi32, #tpu.memory_space<hbm>> -> memref<320xi32, #tpu.memory_space<hbm>>
      %dma_wait3A_146 = tpu.memref_slice %arg2[%mul3A_125] : memref<102400xi32, #tpu.memory_space<hbm>> -> memref<320xi32, #tpu.memory_space<hbm>>
      tpu.wait_dma2 semaphore(%run_scoped3A : memref<!tpu.dma_semaphore, #tpu.memory_space<semaphore_mem>>) src(%dma_wait3A_146 : memref<320xi32, #tpu.memory_space<hbm>>) dst(%arg6 : memref<320xi32, #tpu.memory_space<vmem>>)
      tpu.yield
    }) : () -> ()
    %dma_start3A_126 = arith.constant 0 : i32
    %dma_start3A_127 = arith.constant 0 : i32
    %dma_start3A_128 = tpu.memref_slice %arg11[%dma_start3A_126, %dma_start3A_127] : memref<2048x128xf32, #tpu.memory_space<vmem_shared>> -> memref<2048x128xf32, #tpu.memory_space<vmem_shared>>
    tpu.enqueue_indirect_dma source(%dma_start3A_128 : memref<2048x128xf32, #tpu.memory_space<vmem_shared>>) target(%arg8 : memref<320x128xf32, #tpu.memory_space<vmem>>) offsets(%arg6 : memref<320xi32, #tpu.memory_space<vmem>>) semaphore(%arg10 : memref<!tpu.dma_semaphore, #tpu.memory_space<semaphore_mem>>)
    %dma_wait3A_129 = arith.constant 0 : i32
    %dma_wait3A_130 = arith.constant 0 : i32
    %dma_wait3A_131 = tpu.memref_slice %arg11[%dma_wait3A_129, %dma_wait3A_130] : memref<2048x128xf32, #tpu.memory_space<vmem_shared>> -> memref<2048x128xf32, #tpu.memory_space<vmem_shared>>
    tpu.wait_indirect_dma semaphore(%arg9 : memref<!tpu.dma_semaphore, #tpu.memory_space<semaphore_mem>>) src(%dma_wait3A_131 : memref<2048x128xf32, #tpu.memory_space<vmem_shared>>) dst(%arg7 : memref<320x128xf32, #tpu.memory_space<vmem>>)
    %add3A_132 = arith.constant 256 : i32
    %add3A_133 = arith.addi %add3A, %add3A_132 : i32
    %mul3A_134 = arith.constant 320 : i32
    %mul3A_135 = arith.muli %add3A_133, %mul3A_134 : i32
    "tpu.region"() ({
      %run_scoped3A = tpu.sem_alloc : memref<!tpu.dma_semaphore, #tpu.memory_space<semaphore_mem>>
      %dma_start3A_143 = arith.constant 0 : i32
      %dma_start3A_144 = tpu.memref_slice %arg4[%mul3A_135, %dma_start3A_143] : memref<102400x128xf32, #tpu.memory_space<hbm>> -> memref<320x128xf32, #tpu.memory_space<hbm>>
      %dma_start3A_145 = arith.constant 0 : i32
      %dma_start3A_146 = tpu.memref_slice %arg4[%mul3A_135, %dma_start3A_145] : memref<102400x128xf32, #tpu.memory_space<hbm>> -> memref<320x128xf32, #tpu.memory_space<hbm>>
      tpu.enqueue_dma source(%arg7 : memref<320x128xf32, #tpu.memory_space<vmem>>) target(%dma_start3A_146 : memref<320x128xf32, #tpu.memory_space<hbm>>) target_semaphore(%run_scoped3A : memref<!tpu.dma_semaphore, #tpu.memory_space<semaphore_mem>>)
      %dma_wait3A_147 = arith.constant 0 : i32
      %dma_wait3A_148 = tpu.memref_slice %arg4[%mul3A_135, %dma_wait3A_147] : memref<102400x128xf32, #tpu.memory_space<hbm>> -> memref<320x128xf32, #tpu.memory_space<hbm>>
      %dma_wait3A_149 = arith.constant 0 : i32
      %dma_wait3A_150 = tpu.memref_slice %arg4[%mul3A_135, %dma_wait3A_149] : memref<102400x128xf32, #tpu.memory_space<hbm>> -> memref<320x128xf32, #tpu.memory_space<hbm>>
      tpu.wait_dma2 semaphore(%run_scoped3A : memref<!tpu.dma_semaphore, #tpu.memory_space<semaphore_mem>>) src(%arg7 : memref<320x128xf32, #tpu.memory_space<vmem>>) dst(%dma_wait3A_150 : memref<320x128xf32, #tpu.memory_space<hbm>>)
      tpu.yield
    }) : () -> ()
    %dma_wait3A_136 = arith.constant 0 : i32
    %dma_wait3A_137 = arith.constant 0 : i32
    %dma_wait3A_138 = tpu.memref_slice %arg11[%dma_wait3A_136, %dma_wait3A_137] : memref<2048x128xf32, #tpu.memory_space<vmem_shared>> -> memref<2048x128xf32, #tpu.memory_space<vmem_shared>>
    tpu.wait_indirect_dma semaphore(%arg10 : memref<!tpu.dma_semaphore, #tpu.memory_space<semaphore_mem>>) src(%dma_wait3A_138 : memref<2048x128xf32, #tpu.memory_space<vmem_shared>>) dst(%arg8 : memref<320x128xf32, #tpu.memory_space<vmem>>)
    %add3A_139 = arith.constant 288 : i32
    %add3A_140 = arith.addi %add3A, %add3A_139 : i32
    %mul3A_141 = arith.constant 320 : i32
    %mul3A_142 = arith.muli %add3A_140, %mul3A_141 : i32
    "tpu.region"() ({
      %run_scoped3A = tpu.sem_alloc : memref<!tpu.dma_semaphore, #tpu.memory_space<semaphore_mem>>
      %dma_start3A_143 = arith.constant 0 : i32
      %dma_start3A_144 = tpu.memref_slice %arg4[%mul3A_142, %dma_start3A_143] : memref<102400x128xf32, #tpu.memory_space<hbm>> -> memref<320x128xf32, #tpu.memory_space<hbm>>
      %dma_start3A_145 = arith.constant 0 : i32
      %dma_start3A_146 = tpu.memref_slice %arg4[%mul3A_142, %dma_start3A_145] : memref<102400x128xf32, #tpu.memory_space<hbm>> -> memref<320x128xf32, #tpu.memory_space<hbm>>
      tpu.enqueue_dma source(%arg8 : memref<320x128xf32, #tpu.memory_space<vmem>>) target(%dma_start3A_146 : memref<320x128xf32, #tpu.memory_space<hbm>>) target_semaphore(%run_scoped3A : memref<!tpu.dma_semaphore, #tpu.memory_space<semaphore_mem>>)
      %dma_wait3A_147 = arith.constant 0 : i32
      %dma_wait3A_148 = tpu.memref_slice %arg4[%mul3A_142, %dma_wait3A_147] : memref<102400x128xf32, #tpu.memory_space<hbm>> -> memref<320x128xf32, #tpu.memory_space<hbm>>
      %dma_wait3A_149 = arith.constant 0 : i32
      %dma_wait3A_150 = tpu.memref_slice %arg4[%mul3A_142, %dma_wait3A_149] : memref<102400x128xf32, #tpu.memory_space<hbm>> -> memref<320x128xf32, #tpu.memory_space<hbm>>
      tpu.wait_dma2 semaphore(%run_scoped3A : memref<!tpu.dma_semaphore, #tpu.memory_space<semaphore_mem>>) src(%arg8 : memref<320x128xf32, #tpu.memory_space<vmem>>) dst(%dma_wait3A_150 : memref<320x128xf32, #tpu.memory_space<hbm>>)
      tpu.yield
    }) : () -> ()
    return
  }
}

module attributes {stable_mosaic.version = 14 : i64} {
  func.func @_p1_body(%arg0: memref<2048x128xf32, #tpu.memory_space<vmem>>, %arg1: memref<8x128xf32, #tpu.memory_space<vmem>>, %arg2: memref<128x128xf32, #tpu.memory_space<vmem>>, %arg3: memref<1x128xf32, #tpu.memory_space<vmem>>, %arg4: memref<1x128xf32, #tpu.memory_space<vmem>>, %arg5: memref<1x128xf32, #tpu.memory_space<vmem>>, %arg6: memref<128x128xf32, #tpu.memory_space<vmem>>, %arg7: memref<1x128xf32, #tpu.memory_space<vmem>>, %arg8: memref<1x128xf32, #tpu.memory_space<vmem>>, %arg9: memref<1x128xf32, #tpu.memory_space<vmem>>, %arg10: memref<128x128xf32, #tpu.memory_space<vmem>>, %arg11: memref<1x128xf32, #tpu.memory_space<vmem>>, %arg12: memref<128x128xf32, #tpu.memory_space<vmem>>, %arg13: memref<128x128xf32, #tpu.memory_space<vmem>>, %arg14: memref<1x128xf32, #tpu.memory_space<vmem>>, %arg15: memref<128x128xf32, #tpu.memory_space<vmem>>, %arg16: memref<2048x128xf32, #tpu.memory_space<vmem>>, %arg17: memref<2048x128xf32, #tpu.memory_space<vmem>>, %arg18: memref<8x128xf32, #tpu.memory_space<vmem>>, %arg19: memref<8x128xf32, #tpu.memory_space<vmem>>) attributes {dimension_semantics = [], scalar_prefetch = 0 : i64, scratch_operands = 0 : i64, tpu.core_type = #tpu.core_type<tc>} {
    %get3A = arith.constant 0 : index
    %get3A_0 = arith.constant 0 : index
    %get3A_1 = vector.load %arg0[%get3A, %get3A_0] : memref<2048x128xf32, #tpu.memory_space<vmem>>, vector<2048x128xf32>
    %ge3A = arith.constant 0.000000e+00 : f32
    %ge3A_2 = vector.broadcast %ge3A : f32 to vector<2048x128xf32>
    %ge3A_3 = arith.cmpf oge, %get3A_1, %ge3A_2 : vector<2048x128xf32>
    %mul3A = arith.constant 0.00999999977 : f32
    %mul3A_4 = vector.broadcast %mul3A : f32 to vector<2048x128xf32>
    %mul3A_5 = arith.mulf %mul3A_4, %get3A_1 : vector<2048x128xf32>
    %select_n3A = arith.select %ge3A_3, %get3A_1, %mul3A_5 : vector<2048x128xi1>, vector<2048x128xf32>
    %get3A_6 = arith.constant 0 : index
    %get3A_7 = arith.constant 0 : index
    %get3A_8 = vector.load %arg2[%get3A_6, %get3A_7] : memref<128x128xf32, #tpu.memory_space<vmem>>, vector<128x128xf32>
    %dot_general3A = arith.constant dense<0.000000e+00> : vector<2048x128xf32>
    %dot_general3A_9 = tpu.matmul %select_n3A, %get3A_8, %dot_general3A {dimension_numbers = #tpu.dot_dimension_numbers<[1], [1], [0], [0], [0, 0, 1, 0], [], []>, transpose_lhs_hint = false} : vector<2048x128xf32>, vector<128x128xf32>, vector<2048x128xf32> -> vector<2048x128xf32>
    %get3A_10 = arith.constant 0 : index
    %get3A_11 = arith.constant 0 : index
    %get3A_12 = vector.load %arg3[%get3A_10, %get3A_11] : memref<1x128xf32, #tpu.memory_space<vmem>>, vector<1x128xf32>
    %add3A = vector.broadcast %get3A_12 : vector<1x128xf32> to vector<2048x128xf32>
    %add3A_13 = arith.addf %dot_general3A_9, %add3A : vector<2048x128xf32>
    %mul3A_14 = arith.constant 5.000000e-01 : f32
    %mul3A_15 = vector.broadcast %mul3A_14 : f32 to vector<2048x128xf32>
    %mul3A_16 = arith.mulf %mul3A_15, %add3A_13 : vector<2048x128xf32>
    %mul3A_17 = arith.constant 0.707106769 : f32
    %mul3A_18 = vector.broadcast %mul3A_17 : f32 to vector<2048x128xf32>
    %mul3A_19 = arith.mulf %add3A_13, %mul3A_18 : vector<2048x128xf32>
    %erf3A = math.erf %mul3A_19 : vector<2048x128xf32>
    %add3A_20 = arith.constant 1.000000e+00 : f32
    %add3A_21 = vector.broadcast %add3A_20 : f32 to vector<2048x128xf32>
    %add3A_22 = arith.addf %add3A_21, %erf3A : vector<2048x128xf32>
    %mul3A_23 = arith.mulf %mul3A_16, %add3A_22 : vector<2048x128xf32>
    %get3A_24 = arith.constant 0 : index
    %get3A_25 = arith.constant 0 : index
    %get3A_26 = vector.load %arg4[%get3A_24, %get3A_25] : memref<1x128xf32, #tpu.memory_space<vmem>>, vector<1x128xf32>
    %get3A_27 = arith.constant 0 : index
    %get3A_28 = arith.constant 0 : index
    %get3A_29 = vector.load %arg5[%get3A_27, %get3A_28] : memref<1x128xf32, #tpu.memory_space<vmem>>, vector<1x128xf32>
    %iota3A = tpu.iota {dimensions = array<i32: 0>} : vector<128x128xi32>
    %jit3A = arith.constant 32 : i32
    %div3A = vector.broadcast %jit3A : i32 to vector<128x128xi32>
    %div3A_30 = arith.divsi %iota3A, %div3A : vector<128x128xi32>
    %sign3A = arith.constant 0 : i32
    %sign3A_31 = vector.broadcast %sign3A : i32 to vector<128x128xi32>
    %sign3A_32 = arith.cmpi sgt, %iota3A, %sign3A_31 : vector<128x128xi32>
    %sign3A_33 = arith.extui %sign3A_32 : vector<128x128xi1> to vector<128x128xi32>
    %sign3A_34 = arith.constant 0 : i32
    %sign3A_35 = vector.broadcast %sign3A_34 : i32 to vector<128x128xi32>
    %sign3A_36 = arith.cmpi slt, %iota3A, %sign3A_35 : vector<128x128xi32>
    %sign3A_37 = arith.extui %sign3A_36 : vector<128x128xi1> to vector<128x128xi32>
    %sign3A_38 = arith.subi %sign3A_33, %sign3A_37 : vector<128x128xi32>
    %sign3A_39 = arith.constant 0 : i32
    %sign3A_40 = arith.cmpi sgt, %jit3A, %sign3A_39 : i32
    %sign3A_41 = arith.extui %sign3A_40 : i1 to i32
    %sign3A_42 = arith.constant 0 : i32
    %sign3A_43 = arith.cmpi slt, %jit3A, %sign3A_42 : i32
    %sign3A_44 = arith.extui %sign3A_43 : i1 to i32
    %sign3A_45 = arith.subi %sign3A_41, %sign3A_44 : i32
    %ne3A = vector.broadcast %sign3A_45 : i32 to vector<128x128xi32>
    %ne3A_46 = arith.cmpi ne, %sign3A_38, %ne3A : vector<128x128xi32>
    %rem3A = vector.broadcast %jit3A : i32 to vector<128x128xi32>
    %rem3A_47 = arith.remsi %iota3A, %rem3A : vector<128x128xi32>
    %ne3A_48 = arith.constant 0 : i32
    %ne3A_49 = vector.broadcast %ne3A_48 : i32 to vector<128x128xi32>
    %ne3A_50 = arith.cmpi ne, %rem3A_47, %ne3A_49 : vector<128x128xi32>
    %and3A = arith.andi %ne3A_46, %ne3A_50 : vector<128x128xi1>
    %sub3A = arith.constant 1 : i32
    %sub3A_51 = vector.broadcast %sub3A : i32 to vector<128x128xi32>
    %sub3A_52 = arith.subi %div3A_30, %sub3A_51 : vector<128x128xi32>
    %select_n3A_53 = arith.select %and3A, %sub3A_52, %div3A_30 : vector<128x128xi1>, vector<128x128xi32>
    %iota3A_54 = tpu.iota {dimensions = array<i32: 1>} : vector<128x128xi32>
    %jit3A_55 = arith.constant 32 : i32
    %div3A_56 = vector.broadcast %jit3A_55 : i32 to vector<128x128xi32>
    %div3A_57 = arith.divsi %iota3A_54, %div3A_56 : vector<128x128xi32>
    %sign3A_58 = arith.constant 0 : i32
    %sign3A_59 = vector.broadcast %sign3A_58 : i32 to vector<128x128xi32>
    %sign3A_60 = arith.cmpi sgt, %iota3A_54, %sign3A_59 : vector<128x128xi32>
    %sign3A_61 = arith.extui %sign3A_60 : vector<128x128xi1> to vector<128x128xi32>
    %sign3A_62 = arith.constant 0 : i32
    %sign3A_63 = vector.broadcast %sign3A_62 : i32 to vector<128x128xi32>
    %sign3A_64 = arith.cmpi slt, %iota3A_54, %sign3A_63 : vector<128x128xi32>
    %sign3A_65 = arith.extui %sign3A_64 : vector<128x128xi1> to vector<128x128xi32>
    %sign3A_66 = arith.subi %sign3A_61, %sign3A_65 : vector<128x128xi32>
    %sign3A_67 = arith.constant 0 : i32
    %sign3A_68 = arith.cmpi sgt, %jit3A_55, %sign3A_67 : i32
    %sign3A_69 = arith.extui %sign3A_68 : i1 to i32
    %sign3A_70 = arith.constant 0 : i32
    %sign3A_71 = arith.cmpi slt, %jit3A_55, %sign3A_70 : i32
    %sign3A_72 = arith.extui %sign3A_71 : i1 to i32
    %sign3A_73 = arith.subi %sign3A_69, %sign3A_72 : i32
    %ne3A_74 = vector.broadcast %sign3A_73 : i32 to vector<128x128xi32>
    %ne3A_75 = arith.cmpi ne, %sign3A_66, %ne3A_74 : vector<128x128xi32>
    %rem3A_76 = vector.broadcast %jit3A_55 : i32 to vector<128x128xi32>
    %rem3A_77 = arith.remsi %iota3A_54, %rem3A_76 : vector<128x128xi32>
    %ne3A_78 = arith.constant 0 : i32
    %ne3A_79 = vector.broadcast %ne3A_78 : i32 to vector<128x128xi32>
    %ne3A_80 = arith.cmpi ne, %rem3A_77, %ne3A_79 : vector<128x128xi32>
    %and3A_81 = arith.andi %ne3A_75, %ne3A_80 : vector<128x128xi1>
    %sub3A_82 = arith.constant 1 : i32
    %sub3A_83 = vector.broadcast %sub3A_82 : i32 to vector<128x128xi32>
    %sub3A_84 = arith.subi %div3A_57, %sub3A_83 : vector<128x128xi32>
    %select_n3A_85 = arith.select %and3A_81, %sub3A_84, %div3A_57 : vector<128x128xi1>, vector<128x128xi32>
    %eq3A = arith.cmpi eq, %select_n3A_53, %select_n3A_85 : vector<128x128xi32>
    %jit3A_86 = arith.constant 3.125000e-02 : f32
    %jit3A_87 = arith.constant 0.000000e+00 : f32
    %broadcast_in_dim3A = vector.broadcast %jit3A_86 : f32 to vector<128x128xf32>
    %broadcast_in_dim3A_88 = vector.broadcast %jit3A_87 : f32 to vector<128x128xf32>
    %select_n3A_89 = arith.select %eq3A, %broadcast_in_dim3A, %broadcast_in_dim3A_88 : vector<128x128xi1>, vector<128x128xf32>
    %dot_general3A_90 = arith.constant dense<0.000000e+00> : vector<2048x128xf32>
    %dot_general3A_91 = tpu.matmul %mul3A_23, %select_n3A_89, %dot_general3A_90 {dimension_numbers = #tpu.dot_dimension_numbers<[1], [0], [0], [1], [0, 0, 1, 1], [], []>, transpose_lhs_hint = false} : vector<2048x128xf32>, vector<128x128xf32>, vector<2048x128xf32> -> vector<2048x128xf32>
    %sub3A_92 = arith.subf %mul3A_23, %dot_general3A_91 : vector<2048x128xf32>
    %mul3A_93 = arith.mulf %sub3A_92, %sub3A_92 : vector<2048x128xf32>
    %dot_general3A_94 = arith.constant dense<0.000000e+00> : vector<2048x128xf32>
    %dot_general3A_95 = tpu.matmul %mul3A_93, %select_n3A_89, %dot_general3A_94 {dimension_numbers = #tpu.dot_dimension_numbers<[1], [0], [0], [1], [0, 0, 1, 1], [], []>, transpose_lhs_hint = false} : vector<2048x128xf32>, vector<128x128xf32>, vector<2048x128xf32> -> vector<2048x128xf32>
    %add3A_96 = arith.constant 9.99999974E-6 : f32
    %add3A_97 = vector.broadcast %add3A_96 : f32 to vector<2048x128xf32>
    %add3A_98 = arith.addf %dot_general3A_95, %add3A_97 : vector<2048x128xf32>
    %rsqrt3A = math.rsqrt %add3A_98 : vector<2048x128xf32>
    %mul3A_99 = arith.mulf %sub3A_92, %rsqrt3A : vector<2048x128xf32>
    %mul3A_100 = vector.broadcast %get3A_26 : vector<1x128xf32> to vector<2048x128xf32>
    %mul3A_101 = arith.mulf %mul3A_99, %mul3A_100 : vector<2048x128xf32>
    %add3A_102 = vector.broadcast %get3A_29 : vector<1x128xf32> to vector<2048x128xf32>
    %add3A_103 = arith.addf %mul3A_101, %add3A_102 : vector<2048x128xf32>
    %get3A_104 = arith.constant 0 : index
    %get3A_105 = arith.constant 0 : index
    %get3A_106 = vector.load %arg10[%get3A_104, %get3A_105] : memref<128x128xf32, #tpu.memory_space<vmem>>, vector<128x128xf32>
    %dot_general3A_107 = arith.constant dense<0.000000e+00> : vector<2048x128xf32>
    %dot_general3A_108 = tpu.matmul %add3A_103, %get3A_106, %dot_general3A_107 {dimension_numbers = #tpu.dot_dimension_numbers<[1], [1], [0], [0], [0, 0, 1, 0], [], []>, transpose_lhs_hint = false} : vector<2048x128xf32>, vector<128x128xf32>, vector<2048x128xf32> -> vector<2048x128xf32>
    %get3A_109 = arith.constant 0 : index
    %get3A_110 = arith.constant 0 : index
    %get3A_111 = vector.load %arg11[%get3A_109, %get3A_110] : memref<1x128xf32, #tpu.memory_space<vmem>>, vector<1x128xf32>
    %add3A_112 = vector.broadcast %get3A_111 : vector<1x128xf32> to vector<2048x128xf32>
    %add3A_113 = arith.addf %dot_general3A_108, %add3A_112 : vector<2048x128xf32>
    %swap3A = arith.constant 0 : index
    %swap3A_114 = arith.constant 0 : index
    %swap3A_115 = vector.load %arg16[%swap3A, %swap3A_114] : memref<2048x128xf32, #tpu.memory_space<vmem>>, vector<2048x128xf32>
    tpu.vector_store %arg16[%swap3A, %swap3A_114], %add3A_113 {strides = array<i32>} : memref<2048x128xf32, #tpu.memory_space<vmem>>, vector<2048x128xf32>,
    %get3A_116 = arith.constant 0 : index
    %get3A_117 = arith.constant 0 : index
    %get3A_118 = vector.load %arg12[%get3A_116, %get3A_117] : memref<128x128xf32, #tpu.memory_space<vmem>>, vector<128x128xf32>
    %dot_general3A_119 = arith.constant dense<0.000000e+00> : vector<2048x128xf32>
    %dot_general3A_120 = tpu.matmul %add3A_103, %get3A_118, %dot_general3A_119 {dimension_numbers = #tpu.dot_dimension_numbers<[1], [1], [0], [0], [0, 0, 1, 0], [], []>, transpose_lhs_hint = false} : vector<2048x128xf32>, vector<128x128xf32>, vector<2048x128xf32> -> vector<2048x128xf32>
    %swap3A_121 = arith.constant 0 : index
    %swap3A_122 = arith.constant 0 : index
    %swap3A_123 = vector.load %arg17[%swap3A_121, %swap3A_122] : memref<2048x128xf32, #tpu.memory_space<vmem>>, vector<2048x128xf32>
    tpu.vector_store %arg17[%swap3A_121, %swap3A_122], %dot_general3A_120 {strides = array<i32>} : memref<2048x128xf32, #tpu.memory_space<vmem>>, vector<2048x128xf32>,
    %get3A_124 = arith.constant 0 : index
    %get3A_125 = arith.constant 0 : index
    %get3A_126 = vector.load %arg1[%get3A_124, %get3A_125] : memref<8x128xf32, #tpu.memory_space<vmem>>, vector<8x128xf32>
    %ge3A_127 = arith.constant 0.000000e+00 : f32
    %ge3A_128 = vector.broadcast %ge3A_127 : f32 to vector<8x128xf32>
    %ge3A_129 = arith.cmpf oge, %get3A_126, %ge3A_128 : vector<8x128xf32>
    %mul3A_130 = arith.constant 0.00999999977 : f32
    %mul3A_131 = vector.broadcast %mul3A_130 : f32 to vector<8x128xf32>
    %mul3A_132 = arith.mulf %mul3A_131, %get3A_126 : vector<8x128xf32>
    %select_n3A_133 = arith.select %ge3A_129, %get3A_126, %mul3A_132 : vector<8x128xi1>, vector<8x128xf32>
    %get3A_134 = arith.constant 0 : index
    %get3A_135 = arith.constant 0 : index
    %get3A_136 = vector.load %arg6[%get3A_134, %get3A_135] : memref<128x128xf32, #tpu.memory_space<vmem>>, vector<128x128xf32>
    %dot_general3A_137 = arith.constant dense<0.000000e+00> : vector<8x128xf32>
    %dot_general3A_138 = tpu.matmul %select_n3A_133, %get3A_136, %dot_general3A_137 {dimension_numbers = #tpu.dot_dimension_numbers<[1], [1], [0], [0], [0, 0, 1, 0], [], []>, transpose_lhs_hint = false} : vector<8x128xf32>, vector<128x128xf32>, vector<8x128xf32> -> vector<8x128xf32>
    %get3A_139 = arith.constant 0 : index
    %get3A_140 = arith.constant 0 : index
    %get3A_141 = vector.load %arg7[%get3A_139, %get3A_140] : memref<1x128xf32, #tpu.memory_space<vmem>>, vector<1x128xf32>
    %add3A_142 = vector.broadcast %get3A_141 : vector<1x128xf32> to vector<8x128xf32>
    %add3A_143 = arith.addf %dot_general3A_138, %add3A_142 : vector<8x128xf32>
    %mul3A_144 = arith.constant 5.000000e-01 : f32
    %mul3A_145 = vector.broadcast %mul3A_144 : f32 to vector<8x128xf32>
    %mul3A_146 = arith.mulf %mul3A_145, %add3A_143 : vector<8x128xf32>
    %mul3A_147 = arith.constant 0.707106769 : f32
    %mul3A_148 = vector.broadcast %mul3A_147 : f32 to vector<8x128xf32>
    %mul3A_149 = arith.mulf %add3A_143, %mul3A_148 : vector<8x128xf32>
    %erf3A_150 = math.erf %mul3A_149 : vector<8x128xf32>
    %add3A_151 = arith.constant 1.000000e+00 : f32
    %add3A_152 = vector.broadcast %add3A_151 : f32 to vector<8x128xf32>
    %add3A_153 = arith.addf %add3A_152, %erf3A_150 : vector<8x128xf32>
    %mul3A_154 = arith.mulf %mul3A_146, %add3A_153 : vector<8x128xf32>
    %get3A_155 = arith.constant 0 : index
    %get3A_156 = arith.constant 0 : index
    %get3A_157 = vector.load %arg8[%get3A_155, %get3A_156] : memref<1x128xf32, #tpu.memory_space<vmem>>, vector<1x128xf32>
    %get3A_158 = arith.constant 0 : index
    %get3A_159 = arith.constant 0 : index
    %get3A_160 = vector.load %arg9[%get3A_158, %get3A_159] : memref<1x128xf32, #tpu.memory_space<vmem>>, vector<1x128xf32>
    %iota3A_161 = tpu.iota {dimensions = array<i32: 0>} : vector<128x128xi32>
    %jit3A_162 = arith.constant 32 : i32
    %div3A_163 = vector.broadcast %jit3A_162 : i32 to vector<128x128xi32>
    %div3A_164 = arith.divsi %iota3A_161, %div3A_163 : vector<128x128xi32>
    %sign3A_165 = arith.constant 0 : i32
    %sign3A_166 = vector.broadcast %sign3A_165 : i32 to vector<128x128xi32>
    %sign3A_167 = arith.cmpi sgt, %iota3A_161, %sign3A_166 : vector<128x128xi32>
    %sign3A_168 = arith.extui %sign3A_167 : vector<128x128xi1> to vector<128x128xi32>
    %sign3A_169 = arith.constant 0 : i32
    %sign3A_170 = vector.broadcast %sign3A_169 : i32 to vector<128x128xi32>
    %sign3A_171 = arith.cmpi slt, %iota3A_161, %sign3A_170 : vector<128x128xi32>
    %sign3A_172 = arith.extui %sign3A_171 : vector<128x128xi1> to vector<128x128xi32>
    %sign3A_173 = arith.subi %sign3A_168, %sign3A_172 : vector<128x128xi32>
    %sign3A_174 = arith.constant 0 : i32
    %sign3A_175 = arith.cmpi sgt, %jit3A_162, %sign3A_174 : i32
    %sign3A_176 = arith.extui %sign3A_175 : i1 to i32
    %sign3A_177 = arith.constant 0 : i32
    %sign3A_178 = arith.cmpi slt, %jit3A_162, %sign3A_177 : i32
    %sign3A_179 = arith.extui %sign3A_178 : i1 to i32
    %sign3A_180 = arith.subi %sign3A_176, %sign3A_179 : i32
    %ne3A_181 = vector.broadcast %sign3A_180 : i32 to vector<128x128xi32>
    %ne3A_182 = arith.cmpi ne, %sign3A_173, %ne3A_181 : vector<128x128xi32>
    %rem3A_183 = vector.broadcast %jit3A_162 : i32 to vector<128x128xi32>
    %rem3A_184 = arith.remsi %iota3A_161, %rem3A_183 : vector<128x128xi32>
    %ne3A_185 = arith.constant 0 : i32
    %ne3A_186 = vector.broadcast %ne3A_185 : i32 to vector<128x128xi32>
    %ne3A_187 = arith.cmpi ne, %rem3A_184, %ne3A_186 : vector<128x128xi32>
    %and3A_188 = arith.andi %ne3A_182, %ne3A_187 : vector<128x128xi1>
    %sub3A_189 = arith.constant 1 : i32
    %sub3A_190 = vector.broadcast %sub3A_189 : i32 to vector<128x128xi32>
    %sub3A_191 = arith.subi %div3A_164, %sub3A_190 : vector<128x128xi32>
    %select_n3A_192 = arith.select %and3A_188, %sub3A_191, %div3A_164 : vector<128x128xi1>, vector<128x128xi32>
    %iota3A_193 = tpu.iota {dimensions = array<i32: 1>} : vector<128x128xi32>
    %jit3A_194 = arith.constant 32 : i32
    %div3A_195 = vector.broadcast %jit3A_194 : i32 to vector<128x128xi32>
    %div3A_196 = arith.divsi %iota3A_193, %div3A_195 : vector<128x128xi32>
    %sign3A_197 = arith.constant 0 : i32
    %sign3A_198 = vector.broadcast %sign3A_197 : i32 to vector<128x128xi32>
    %sign3A_199 = arith.cmpi sgt, %iota3A_193, %sign3A_198 : vector<128x128xi32>
    %sign3A_200 = arith.extui %sign3A_199 : vector<128x128xi1> to vector<128x128xi32>
    %sign3A_201 = arith.constant 0 : i32
    %sign3A_202 = vector.broadcast %sign3A_201 : i32 to vector<128x128xi32>
    %sign3A_203 = arith.cmpi slt, %iota3A_193, %sign3A_202 : vector<128x128xi32>
    %sign3A_204 = arith.extui %sign3A_203 : vector<128x128xi1> to vector<128x128xi32>
    %sign3A_205 = arith.subi %sign3A_200, %sign3A_204 : vector<128x128xi32>
    %sign3A_206 = arith.constant 0 : i32
    %sign3A_207 = arith.cmpi sgt, %jit3A_194, %sign3A_206 : i32
    %sign3A_208 = arith.extui %sign3A_207 : i1 to i32
    %sign3A_209 = arith.constant 0 : i32
    %sign3A_210 = arith.cmpi slt, %jit3A_194, %sign3A_209 : i32
    %sign3A_211 = arith.extui %sign3A_210 : i1 to i32
    %sign3A_212 = arith.subi %sign3A_208, %sign3A_211 : i32
    %ne3A_213 = vector.broadcast %sign3A_212 : i32 to vector<128x128xi32>
    %ne3A_214 = arith.cmpi ne, %sign3A_205, %ne3A_213 : vector<128x128xi32>
    %rem3A_215 = vector.broadcast %jit3A_194 : i32 to vector<128x128xi32>
    %rem3A_216 = arith.remsi %iota3A_193, %rem3A_215 : vector<128x128xi32>
    %ne3A_217 = arith.constant 0 : i32
    %ne3A_218 = vector.broadcast %ne3A_217 : i32 to vector<128x128xi32>
    %ne3A_219 = arith.cmpi ne, %rem3A_216, %ne3A_218 : vector<128x128xi32>
    %and3A_220 = arith.andi %ne3A_214, %ne3A_219 : vector<128x128xi1>
    %sub3A_221 = arith.constant 1 : i32
    %sub3A_222 = vector.broadcast %sub3A_221 : i32 to vector<128x128xi32>
    %sub3A_223 = arith.subi %div3A_196, %sub3A_222 : vector<128x128xi32>
    %select_n3A_224 = arith.select %and3A_220, %sub3A_223, %div3A_196 : vector<128x128xi1>, vector<128x128xi32>
    %eq3A_225 = arith.cmpi eq, %select_n3A_192, %select_n3A_224 : vector<128x128xi32>
    %jit3A_226 = arith.constant 3.125000e-02 : f32
    %jit3A_227 = arith.constant 0.000000e+00 : f32
    %broadcast_in_dim3A_228 = vector.broadcast %jit3A_226 : f32 to vector<128x128xf32>
    %broadcast_in_dim3A_229 = vector.broadcast %jit3A_227 : f32 to vector<128x128xf32>
    %select_n3A_230 = arith.select %eq3A_225, %broadcast_in_dim3A_228, %broadcast_in_dim3A_229 : vector<128x128xi1>, vector<128x128xf32>
    %dot_general3A_231 = arith.constant dense<0.000000e+00> : vector<8x128xf32>
    %dot_general3A_232 = tpu.matmul %mul3A_154, %select_n3A_230, %dot_general3A_231 {dimension_numbers = #tpu.dot_dimension_numbers<[1], [0], [0], [1], [0, 0, 1, 1], [], []>, transpose_lhs_hint = false} : vector<8x128xf32>, vector<128x128xf32>, vector<8x128xf32> -> vector<8x128xf32>
    %sub3A_233 = arith.subf %mul3A_154, %dot_general3A_232 : vector<8x128xf32>
    %mul3A_234 = arith.mulf %sub3A_233, %sub3A_233 : vector<8x128xf32>
    %dot_general3A_235 = arith.constant dense<0.000000e+00> : vector<8x128xf32>
    %dot_general3A_236 = tpu.matmul %mul3A_234, %select_n3A_230, %dot_general3A_235 {dimension_numbers = #tpu.dot_dimension_numbers<[1], [0], [0], [1], [0, 0, 1, 1], [], []>, transpose_lhs_hint = false} : vector<8x128xf32>, vector<128x128xf32>, vector<8x128xf32> -> vector<8x128xf32>
    %add3A_237 = arith.constant 9.99999974E-6 : f32
    %add3A_238 = vector.broadcast %add3A_237 : f32 to vector<8x128xf32>
    %add3A_239 = arith.addf %dot_general3A_236, %add3A_238 : vector<8x128xf32>
    %rsqrt3A_240 = math.rsqrt %add3A_239 : vector<8x128xf32>
    %mul3A_241 = arith.mulf %sub3A_233, %rsqrt3A_240 : vector<8x128xf32>
    %mul3A_242 = vector.broadcast %get3A_157 : vector<1x128xf32> to vector<8x128xf32>
    %mul3A_243 = arith.mulf %mul3A_241, %mul3A_242 : vector<8x128xf32>
    %add3A_244 = vector.broadcast %get3A_160 : vector<1x128xf32> to vector<8x128xf32>
    %add3A_245 = arith.addf %mul3A_243, %add3A_244 : vector<8x128xf32>
    %get3A_246 = arith.constant 0 : index
    %get3A_247 = arith.constant 0 : index
    %get3A_248 = vector.load %arg13[%get3A_246, %get3A_247] : memref<128x128xf32, #tpu.memory_space<vmem>>, vector<128x128xf32>
    %dot_general3A_249 = arith.constant dense<0.000000e+00> : vector<8x128xf32>
    %dot_general3A_250 = tpu.matmul %add3A_245, %get3A_248, %dot_general3A_249 {dimension_numbers = #tpu.dot_dimension_numbers<[1], [1], [0], [0], [0, 0, 1, 0], [], []>, transpose_lhs_hint = false} : vector<8x128xf32>, vector<128x128xf32>, vector<8x128xf32> -> vector<8x128xf32>
    %get3A_251 = arith.constant 0 : index
    %get3A_252 = arith.constant 0 : index
    %get3A_253 = vector.load %arg14[%get3A_251, %get3A_252] : memref<1x128xf32, #tpu.memory_space<vmem>>, vector<1x128xf32>
    %add3A_254 = vector.broadcast %get3A_253 : vector<1x128xf32> to vector<8x128xf32>
    %add3A_255 = arith.addf %dot_general3A_250, %add3A_254 : vector<8x128xf32>
    %swap3A_256 = arith.constant 0 : index
    %swap3A_257 = arith.constant 0 : index
    %swap3A_258 = vector.load %arg18[%swap3A_256, %swap3A_257] : memref<8x128xf32, #tpu.memory_space<vmem>>, vector<8x128xf32>
    tpu.vector_store %arg18[%swap3A_256, %swap3A_257], %add3A_255 {strides = array<i32>} : memref<8x128xf32, #tpu.memory_space<vmem>>, vector<8x128xf32>,
    %get3A_259 = arith.constant 0 : index
    %get3A_260 = arith.constant 0 : index
    %get3A_261 = vector.load %arg15[%get3A_259, %get3A_260] : memref<128x128xf32, #tpu.memory_space<vmem>>, vector<128x128xf32>
    %dot_general3A_262 = arith.constant dense<0.000000e+00> : vector<8x128xf32>
    %dot_general3A_263 = tpu.matmul %add3A_245, %get3A_261, %dot_general3A_262 {dimension_numbers = #tpu.dot_dimension_numbers<[1], [1], [0], [0], [0, 0, 1, 0], [], []>, transpose_lhs_hint = false} : vector<8x128xf32>, vector<128x128xf32>, vector<8x128xf32> -> vector<8x128xf32>
    %swap3A_264 = arith.constant 0 : index
    %swap3A_265 = arith.constant 0 : index
    %swap3A_266 = vector.load %arg19[%swap3A_264, %swap3A_265] : memref<8x128xf32, #tpu.memory_space<vmem>>, vector<8x128xf32>
    tpu.vector_store %arg19[%swap3A_264, %swap3A_265], %dot_general3A_263 {strides = array<i32>} : memref<8x128xf32, #tpu.memory_space<vmem>>, vector<8x128xf32>,
    return
  }
}

module attributes {stable_mosaic.version = 14 : i64} {
  func.func @_p5_body(%arg0: memref<1000x2052xf32, #tpu.memory_space<vmem>>, %arg1: memref<2048x128xf32, #tpu.memory_space<vmem>>, %arg2: memref<8x128xf32, #tpu.memory_space<vmem>>, %arg3: memref<1000x128xf32, #tpu.memory_space<vmem>>, %arg4: memref<1x128xf32, #tpu.memory_space<vmem>>, %arg5: memref<1x128xf32, #tpu.memory_space<vmem>>, %arg6: memref<1000x128xf32, #tpu.memory_space<vmem>>) attributes {dimension_semantics = [], scalar_prefetch = 0 : i64, scratch_operands = 0 : i64, tpu.core_type = #tpu.core_type<tc>} {
    %get3A = arith.constant 0 : index
    %get3A_0 = arith.constant 0 : index
    %get3A_1 = vector.load %arg0[%get3A, %get3A_0] : memref<1000x2052xf32, #tpu.memory_space<vmem>>, vector<1000x2052xf32>
    %slice3A = vector.extract_strided_slice %get3A_1 {offsets = [0, 0], sizes = [1000, 2048], strides = [1, 1]} : vector<1000x2052xf32> to vector<1000x2048xf32>
    %get3A_2 = arith.constant 0 : index
    %get3A_3 = arith.constant 0 : index
    %get3A_4 = vector.load %arg1[%get3A_2, %get3A_3] : memref<2048x128xf32, #tpu.memory_space<vmem>>, vector<2048x128xf32>
    %dot_general3A = arith.constant dense<0.000000e+00> : vector<1000x128xf32>
    %dot_general3A_5 = tpu.matmul %slice3A, %get3A_4, %dot_general3A {dimension_numbers = #tpu.dot_dimension_numbers<[1], [0], [0], [1], [0, 0, 1, 1], [], []>, transpose_lhs_hint = false} : vector<1000x2048xf32>, vector<2048x128xf32>, vector<1000x128xf32> -> vector<1000x128xf32>
    %slice3A_6 = vector.extract_strided_slice %get3A_1 {offsets = [0, 2048], sizes = [1000, 1], strides = [1, 1]} : vector<1000x2052xf32> to vector<1000x1xf32>
    %max3A = arith.constant 1.000000e+00 : f32
    %max3A_7 = vector.broadcast %max3A : f32 to vector<1000x1xf32>
    %max3A_8 = arith.maximumf %slice3A_6, %max3A_7 : vector<1000x1xf32>
    %div3A = arith.constant 1.000000e+00 : f32
    %div3A_9 = vector.broadcast %div3A : f32 to vector<1000x1xf32>
    %div3A_10 = arith.divf %div3A_9, %max3A_8 : vector<1000x1xf32>
    %get3A_11 = arith.constant 0 : index
    %get3A_12 = arith.constant 0 : index
    %get3A_13 = vector.load %arg2[%get3A_11, %get3A_12] : memref<8x128xf32, #tpu.memory_space<vmem>>, vector<1x128xf32>
    %get3A_14 = arith.constant 1 : index
    %get3A_15 = arith.constant 0 : index
    %get3A_16 = vector.load %arg2[%get3A_14, %get3A_15] : memref<8x128xf32, #tpu.memory_space<vmem>>, vector<1x128xf32>
    %get3A_17 = arith.constant 0 : index
    %get3A_18 = arith.constant 0 : index
    %get3A_19 = vector.load %arg3[%get3A_17, %get3A_18] : memref<1000x128xf32, #tpu.memory_space<vmem>>, vector<1000x128xf32>
    %sub3A = arith.subf %get3A_16, %get3A_13 : vector<1x128xf32>
    %mul3A = vector.broadcast %sub3A : vector<1x128xf32> to vector<1000x128xf32>
    %mul3A_20 = arith.mulf %get3A_19, %mul3A : vector<1000x128xf32>
    %add3A = vector.broadcast %get3A_13 : vector<1x128xf32> to vector<1000x128xf32>
    %add3A_21 = arith.addf %add3A, %mul3A_20 : vector<1000x128xf32>
    %mul3A_22 = vector.broadcast %div3A_10 : vector<1000x1xf32> to vector<1000x128xf32>
    %mul3A_23 = arith.mulf %dot_general3A_5, %mul3A_22 : vector<1000x128xf32>
    %add3A_24 = arith.addf %add3A_21, %mul3A_23 : vector<1000x128xf32>
    %get3A_25 = arith.constant 0 : index
    %get3A_26 = arith.constant 0 : index
    %get3A_27 = vector.load %arg4[%get3A_25, %get3A_26] : memref<1x128xf32, #tpu.memory_space<vmem>>, vector<1x128xf32>
    %get3A_28 = arith.constant 0 : index
    %get3A_29 = arith.constant 0 : index
    %get3A_30 = vector.load %arg5[%get3A_28, %get3A_29] : memref<1x128xf32, #tpu.memory_space<vmem>>, vector<1x128xf32>
    %iota3A = tpu.iota {dimensions = array<i32: 0>} : vector<128x128xi32>
    %jit3A = arith.constant 32 : i32
    %div3A_31 = vector.broadcast %jit3A : i32 to vector<128x128xi32>
    %div3A_32 = arith.divsi %iota3A, %div3A_31 : vector<128x128xi32>
    %sign3A = arith.constant 0 : i32
    %sign3A_33 = vector.broadcast %sign3A : i32 to vector<128x128xi32>
    %sign3A_34 = arith.cmpi sgt, %iota3A, %sign3A_33 : vector<128x128xi32>
    %sign3A_35 = arith.extui %sign3A_34 : vector<128x128xi1> to vector<128x128xi32>
    %sign3A_36 = arith.constant 0 : i32
    %sign3A_37 = vector.broadcast %sign3A_36 : i32 to vector<128x128xi32>
    %sign3A_38 = arith.cmpi slt, %iota3A, %sign3A_37 : vector<128x128xi32>
    %sign3A_39 = arith.extui %sign3A_38 : vector<128x128xi1> to vector<128x128xi32>
    %sign3A_40 = arith.subi %sign3A_35, %sign3A_39 : vector<128x128xi32>
    %sign3A_41 = arith.constant 0 : i32
    %sign3A_42 = arith.cmpi sgt, %jit3A, %sign3A_41 : i32
    %sign3A_43 = arith.extui %sign3A_42 : i1 to i32
    %sign3A_44 = arith.constant 0 : i32
    %sign3A_45 = arith.cmpi slt, %jit3A, %sign3A_44 : i32
    %sign3A_46 = arith.extui %sign3A_45 : i1 to i32
    %sign3A_47 = arith.subi %sign3A_43, %sign3A_46 : i32
    %ne3A = vector.broadcast %sign3A_47 : i32 to vector<128x128xi32>
    %ne3A_48 = arith.cmpi ne, %sign3A_40, %ne3A : vector<128x128xi32>
    %rem3A = vector.broadcast %jit3A : i32 to vector<128x128xi32>
    %rem3A_49 = arith.remsi %iota3A, %rem3A : vector<128x128xi32>
    %ne3A_50 = arith.constant 0 : i32
    %ne3A_51 = vector.broadcast %ne3A_50 : i32 to vector<128x128xi32>
    %ne3A_52 = arith.cmpi ne, %rem3A_49, %ne3A_51 : vector<128x128xi32>
    %and3A = arith.andi %ne3A_48, %ne3A_52 : vector<128x128xi1>
    %sub3A_53 = arith.constant 1 : i32
    %sub3A_54 = vector.broadcast %sub3A_53 : i32 to vector<128x128xi32>
    %sub3A_55 = arith.subi %div3A_32, %sub3A_54 : vector<128x128xi32>
    %select_n3A = arith.select %and3A, %sub3A_55, %div3A_32 : vector<128x128xi1>, vector<128x128xi32>
    %iota3A_56 = tpu.iota {dimensions = array<i32: 1>} : vector<128x128xi32>
    %jit3A_57 = arith.constant 32 : i32
    %div3A_58 = vector.broadcast %jit3A_57 : i32 to vector<128x128xi32>
    %div3A_59 = arith.divsi %iota3A_56, %div3A_58 : vector<128x128xi32>
    %sign3A_60 = arith.constant 0 : i32
    %sign3A_61 = vector.broadcast %sign3A_60 : i32 to vector<128x128xi32>
    %sign3A_62 = arith.cmpi sgt, %iota3A_56, %sign3A_61 : vector<128x128xi32>
    %sign3A_63 = arith.extui %sign3A_62 : vector<128x128xi1> to vector<128x128xi32>
    %sign3A_64 = arith.constant 0 : i32
    %sign3A_65 = vector.broadcast %sign3A_64 : i32 to vector<128x128xi32>
    %sign3A_66 = arith.cmpi slt, %iota3A_56, %sign3A_65 : vector<128x128xi32>
    %sign3A_67 = arith.extui %sign3A_66 : vector<128x128xi1> to vector<128x128xi32>
    %sign3A_68 = arith.subi %sign3A_63, %sign3A_67 : vector<128x128xi32>
    %sign3A_69 = arith.constant 0 : i32
    %sign3A_70 = arith.cmpi sgt, %jit3A_57, %sign3A_69 : i32
    %sign3A_71 = arith.extui %sign3A_70 : i1 to i32
    %sign3A_72 = arith.constant 0 : i32
    %sign3A_73 = arith.cmpi slt, %jit3A_57, %sign3A_72 : i32
    %sign3A_74 = arith.extui %sign3A_73 : i1 to i32
    %sign3A_75 = arith.subi %sign3A_71, %sign3A_74 : i32
    %ne3A_76 = vector.broadcast %sign3A_75 : i32 to vector<128x128xi32>
    %ne3A_77 = arith.cmpi ne, %sign3A_68, %ne3A_76 : vector<128x128xi32>
    %rem3A_78 = vector.broadcast %jit3A_57 : i32 to vector<128x128xi32>
    %rem3A_79 = arith.remsi %iota3A_56, %rem3A_78 : vector<128x128xi32>
    %ne3A_80 = arith.constant 0 : i32
    %ne3A_81 = vector.broadcast %ne3A_80 : i32 to vector<128x128xi32>
    %ne3A_82 = arith.cmpi ne, %rem3A_79, %ne3A_81 : vector<128x128xi32>
    %and3A_83 = arith.andi %ne3A_77, %ne3A_82 : vector<128x128xi1>
    %sub3A_84 = arith.constant 1 : i32
    %sub3A_85 = vector.broadcast %sub3A_84 : i32 to vector<128x128xi32>
    %sub3A_86 = arith.subi %div3A_59, %sub3A_85 : vector<128x128xi32>
    %select_n3A_87 = arith.select %and3A_83, %sub3A_86, %div3A_59 : vector<128x128xi1>, vector<128x128xi32>
    %eq3A = arith.cmpi eq, %select_n3A, %select_n3A_87 : vector<128x128xi32>
    %jit3A_88 = arith.constant 3.125000e-02 : f32
    %jit3A_89 = arith.constant 0.000000e+00 : f32
    %broadcast_in_dim3A = vector.broadcast %jit3A_88 : f32 to vector<128x128xf32>
    %broadcast_in_dim3A_90 = vector.broadcast %jit3A_89 : f32 to vector<128x128xf32>
    %select_n3A_91 = arith.select %eq3A, %broadcast_in_dim3A, %broadcast_in_dim3A_90 : vector<128x128xi1>, vector<128x128xf32>
    %dot_general3A_92 = arith.constant dense<0.000000e+00> : vector<1000x128xf32>
    %dot_general3A_93 = tpu.matmul %add3A_24, %select_n3A_91, %dot_general3A_92 {dimension_numbers = #tpu.dot_dimension_numbers<[1], [0], [0], [1], [0, 0, 1, 1], [], []>, transpose_lhs_hint = false} : vector<1000x128xf32>, vector<128x128xf32>, vector<1000x128xf32> -> vector<1000x128xf32>
    %sub3A_94 = arith.subf %add3A_24, %dot_general3A_93 : vector<1000x128xf32>
    %mul3A_95 = arith.mulf %sub3A_94, %sub3A_94 : vector<1000x128xf32>
    %dot_general3A_96 = arith.constant dense<0.000000e+00> : vector<1000x128xf32>
    %dot_general3A_97 = tpu.matmul %mul3A_95, %select_n3A_91, %dot_general3A_96 {dimension_numbers = #tpu.dot_dimension_numbers<[1], [0], [0], [1], [0, 0, 1, 1], [], []>, transpose_lhs_hint = false} : vector<1000x128xf32>, vector<128x128xf32>, vector<1000x128xf32> -> vector<1000x128xf32>
    %add3A_98 = arith.constant 9.99999974E-6 : f32
    %add3A_99 = vector.broadcast %add3A_98 : f32 to vector<1000x128xf32>
    %add3A_100 = arith.addf %dot_general3A_97, %add3A_99 : vector<1000x128xf32>
    %rsqrt3A = math.rsqrt %add3A_100 : vector<1000x128xf32>
    %mul3A_101 = arith.mulf %sub3A_94, %rsqrt3A : vector<1000x128xf32>
    %mul3A_102 = vector.broadcast %get3A_27 : vector<1x128xf32> to vector<1000x128xf32>
    %mul3A_103 = arith.mulf %mul3A_101, %mul3A_102 : vector<1000x128xf32>
    %add3A_104 = vector.broadcast %get3A_30 : vector<1x128xf32> to vector<1000x128xf32>
    %add3A_105 = arith.addf %mul3A_103, %add3A_104 : vector<1000x128xf32>
    %mul3A_106 = arith.constant 5.000000e-01 : f32
    %mul3A_107 = vector.broadcast %mul3A_106 : f32 to vector<1000x128xf32>
    %mul3A_108 = arith.mulf %mul3A_107, %add3A_105 : vector<1000x128xf32>
    %mul3A_109 = arith.constant 0.707106769 : f32
    %mul3A_110 = vector.broadcast %mul3A_109 : f32 to vector<1000x128xf32>
    %mul3A_111 = arith.mulf %add3A_105, %mul3A_110 : vector<1000x128xf32>
    %erf3A = math.erf %mul3A_111 : vector<1000x128xf32>
    %add3A_112 = arith.constant 1.000000e+00 : f32
    %add3A_113 = vector.broadcast %add3A_112 : f32 to vector<1000x128xf32>
    %add3A_114 = arith.addf %add3A_113, %erf3A : vector<1000x128xf32>
    %mul3A_115 = arith.mulf %mul3A_108, %add3A_114 : vector<1000x128xf32>
    %swap3A = arith.constant 0 : index
    %swap3A_116 = arith.constant 0 : index
    %swap3A_117 = vector.load %arg6[%swap3A, %swap3A_116] : memref<1000x128xf32, #tpu.memory_space<vmem>>, vector<1000x128xf32>
    tpu.vector_store %arg6[%swap3A, %swap3A_116], %mul3A_115 {strides = array<i32>} : memref<1000x128xf32, #tpu.memory_space<vmem>>, vector<1000x128xf32>,
    return
  }
}

module attributes {stable_mosaic.version = 14 : i64} {
  func.func @_p4_body(%arg0: i32, %arg1: memref<1000x128xf32, #tpu.memory_space<vmem>>, %arg2: memref<1000x4xf32, #tpu.memory_space<vmem>>, %arg3: memref<1000x4xf32, #tpu.memory_space<vmem>>, %arg4: memref<1x128xf32, #tpu.memory_space<vmem>>, %arg5: memref<1x128xf32, #tpu.memory_space<vmem>>, %arg6: memref<1x128xf32, #tpu.memory_space<vmem>>, %arg7: memref<1x128xf32, #tpu.memory_space<vmem>>, %arg8: memref<1000x128xf32, #tpu.memory_space<vmem>>, %arg9: memref<1000x128xf32, #tpu.memory_space<vmem>>) attributes {dimension_semantics = [#tpu.dimension_semantics<arbitrary>], iteration_bounds = array<i64: 101>, scalar_prefetch = 0 : i64, scratch_operands = 0 : i64, tpu.core_type = #tpu.core_type<tc>, window_params = [{transform_indices = @transform_0, window_bounds = array<i64: 1000, 128>}, {transform_indices = @transform_1, window_bounds = array<i64: 1000, 4>}, {transform_indices = @transform_2, window_bounds = array<i64: 1000, 4>}, {pipeline_mode = #tpu.pipeline_mode<synchronous>, transform_indices = @transform_3, window_bounds = array<i64: 1, 128>}, {pipeline_mode = #tpu.pipeline_mode<synchronous>, transform_indices = @transform_4, window_bounds = array<i64: 1, 128>}, {pipeline_mode = #tpu.pipeline_mode<synchronous>, transform_indices = @transform_5, window_bounds = array<i64: 1, 128>}, {pipeline_mode = #tpu.pipeline_mode<synchronous>, transform_indices = @transform_6, window_bounds = array<i64: 1, 128>}, {pipeline_mode = #tpu.pipeline_mode<synchronous>, transform_indices = @transform_7, window_bounds = array<i64: 1000, 128>}, {transform_indices = @transform_8, window_bounds = array<i64: 1000, 128>}]} {
    %lt3A = arith.constant 100 : i32
    %lt3A_0 = arith.cmpi slt, %arg0, %lt3A : i32
    %convert_element_type3A = arith.extui %lt3A_0 : i1 to i32
    %cond3A = arith.constant 0 : i32
    %cond3A_1 = arith.cmpi ne, %convert_element_type3A, %cond3A : i32
    scf.if %cond3A_1 {
      %get3A = arith.constant 0 : index
      %get3A_6 = arith.constant 0 : index
      %get3A_7 = vector.load %arg2[%get3A, %get3A_6] : memref<1000x4xf32, #tpu.memory_space<vmem>>, vector<1000x4xf32>
      %get3A_8 = arith.constant 0 : index
      %get3A_9 = arith.constant 0 : index
      %get3A_10 = vector.load %arg3[%get3A_8, %get3A_9] : memref<1000x4xf32, #tpu.memory_space<vmem>>, vector<1000x4xf32>
      %add3A = arith.addf %get3A_7, %get3A_10 : vector<1000x4xf32>
      %slice3A = vector.extract_strided_slice %add3A {offsets = [0, 0], sizes = [1000, 1], strides = [1, 1]} : vector<1000x4xf32> to vector<1000x1xf32>
      %slice3A_11 = vector.extract_strided_slice %add3A {offsets = [0, 1], sizes = [1000, 1], strides = [1, 1]} : vector<1000x4xf32> to vector<1000x1xf32>
      %slice3A_12 = vector.extract_strided_slice %add3A {offsets = [0, 2], sizes = [1000, 1], strides = [1, 1]} : vector<1000x4xf32> to vector<1000x1xf32>
      %max3A = arith.constant 1.000000e+00 : f32
      %max3A_13 = vector.broadcast %max3A : f32 to vector<1000x1xf32>
      %max3A_14 = arith.maximumf %slice3A_12, %max3A_13 : vector<1000x1xf32>
      %get3A_15 = arith.constant 0 : index
      %get3A_16 = arith.constant 0 : index
      %get3A_17 = vector.load %arg1[%get3A_15, %get3A_16] : memref<1000x128xf32, #tpu.memory_space<vmem>>, vector<1000x128xf32>
      %div3A = arith.divf %slice3A, %max3A_14 : vector<1000x1xf32>
      %get3A_18 = arith.constant 0 : index
      %get3A_19 = arith.constant 0 : index
      %get3A_20 = vector.load %arg4[%get3A_18, %get3A_19] : memref<1x128xf32, #tpu.memory_space<vmem>>, vector<1x128xf32>
      %mul3A = vector.broadcast %div3A : vector<1000x1xf32> to vector<1000x128xf32>
      %mul3A_21 = vector.broadcast %get3A_20 : vector<1x128xf32> to vector<1000x128xf32>
      %mul3A_22 = arith.mulf %mul3A, %mul3A_21 : vector<1000x128xf32>
      %add3A_23 = arith.addf %get3A_17, %mul3A_22 : vector<1000x128xf32>
      %div3A_24 = arith.divf %slice3A_11, %max3A_14 : vector<1000x1xf32>
      %get3A_25 = arith.constant 0 : index
      %get3A_26 = arith.constant 0 : index
      %get3A_27 = vector.load %arg5[%get3A_25, %get3A_26] : memref<1x128xf32, #tpu.memory_space<vmem>>, vector<1x128xf32>
      %mul3A_28 = vector.broadcast %div3A_24 : vector<1000x1xf32> to vector<1000x128xf32>
      %mul3A_29 = vector.broadcast %get3A_27 : vector<1x128xf32> to vector<1000x128xf32>
      %mul3A_30 = arith.mulf %mul3A_28, %mul3A_29 : vector<1000x128xf32>
      %add3A_31 = arith.addf %add3A_23, %mul3A_30 : vector<1000x128xf32>
      %get3A_32 = arith.constant 0 : index
      %get3A_33 = arith.constant 0 : index
      %get3A_34 = vector.load %arg6[%get3A_32, %get3A_33] : memref<1x128xf32, #tpu.memory_space<vmem>>, vector<1x128xf32>
      %get3A_35 = arith.constant 0 : index
      %get3A_36 = arith.constant 0 : index
      %get3A_37 = vector.load %arg7[%get3A_35, %get3A_36] : memref<1x128xf32, #tpu.memory_space<vmem>>, vector<1x128xf32>
      %iota3A = tpu.iota {dimensions = array<i32: 0>} : vector<128x128xi32>
      %jit3A = arith.constant 32 : i32
      %div3A_38 = vector.broadcast %jit3A : i32 to vector<128x128xi32>
      %div3A_39 = arith.divsi %iota3A, %div3A_38 : vector<128x128xi32>
      %sign3A = arith.constant 0 : i32
      %sign3A_40 = vector.broadcast %sign3A : i32 to vector<128x128xi32>
      %sign3A_41 = arith.cmpi sgt, %iota3A, %sign3A_40 : vector<128x128xi32>
      %sign3A_42 = arith.extui %sign3A_41 : vector<128x128xi1> to vector<128x128xi32>
      %sign3A_43 = arith.constant 0 : i32
      %sign3A_44 = vector.broadcast %sign3A_43 : i32 to vector<128x128xi32>
      %sign3A_45 = arith.cmpi slt, %iota3A, %sign3A_44 : vector<128x128xi32>
      %sign3A_46 = arith.extui %sign3A_45 : vector<128x128xi1> to vector<128x128xi32>
      %sign3A_47 = arith.subi %sign3A_42, %sign3A_46 : vector<128x128xi32>
      %sign3A_48 = arith.constant 0 : i32
      %sign3A_49 = arith.cmpi sgt, %jit3A, %sign3A_48 : i32
      %sign3A_50 = arith.extui %sign3A_49 : i1 to i32
      %sign3A_51 = arith.constant 0 : i32
      %sign3A_52 = arith.cmpi slt, %jit3A, %sign3A_51 : i32
      %sign3A_53 = arith.extui %sign3A_52 : i1 to i32
      %sign3A_54 = arith.subi %sign3A_50, %sign3A_53 : i32
      %ne3A = vector.broadcast %sign3A_54 : i32 to vector<128x128xi32>
      %ne3A_55 = arith.cmpi ne, %sign3A_47, %ne3A : vector<128x128xi32>
      %rem3A = vector.broadcast %jit3A : i32 to vector<128x128xi32>
      %rem3A_56 = arith.remsi %iota3A, %rem3A : vector<128x128xi32>
      %ne3A_57 = arith.constant 0 : i32
      %ne3A_58 = vector.broadcast %ne3A_57 : i32 to vector<128x128xi32>
      %ne3A_59 = arith.cmpi ne, %rem3A_56, %ne3A_58 : vector<128x128xi32>
      %and3A = arith.andi %ne3A_55, %ne3A_59 : vector<128x128xi1>
      %sub3A = arith.constant 1 : i32
      %sub3A_60 = vector.broadcast %sub3A : i32 to vector<128x128xi32>
      %sub3A_61 = arith.subi %div3A_39, %sub3A_60 : vector<128x128xi32>
      %select_n3A = arith.select %and3A, %sub3A_61, %div3A_39 : vector<128x128xi1>, vector<128x128xi32>
      %iota3A_62 = tpu.iota {dimensions = array<i32: 1>} : vector<128x128xi32>
      %jit3A_63 = arith.constant 32 : i32
      %div3A_64 = vector.broadcast %jit3A_63 : i32 to vector<128x128xi32>
      %div3A_65 = arith.divsi %iota3A_62, %div3A_64 : vector<128x128xi32>
      %sign3A_66 = arith.constant 0 : i32
      %sign3A_67 = vector.broadcast %sign3A_66 : i32 to vector<128x128xi32>
      %sign3A_68 = arith.cmpi sgt, %iota3A_62, %sign3A_67 : vector<128x128xi32>
      %sign3A_69 = arith.extui %sign3A_68 : vector<128x128xi1> to vector<128x128xi32>
      %sign3A_70 = arith.constant 0 : i32
      %sign3A_71 = vector.broadcast %sign3A_70 : i32 to vector<128x128xi32>
      %sign3A_72 = arith.cmpi slt, %iota3A_62, %sign3A_71 : vector<128x128xi32>
      %sign3A_73 = arith.extui %sign3A_72 : vector<128x128xi1> to vector<128x128xi32>
      %sign3A_74 = arith.subi %sign3A_69, %sign3A_73 : vector<128x128xi32>
      %sign3A_75 = arith.constant 0 : i32
      %sign3A_76 = arith.cmpi sgt, %jit3A_63, %sign3A_75 : i32
      %sign3A_77 = arith.extui %sign3A_76 : i1 to i32
      %sign3A_78 = arith.constant 0 : i32
      %sign3A_79 = arith.cmpi slt, %jit3A_63, %sign3A_78 : i32
      %sign3A_80 = arith.extui %sign3A_79 : i1 to i32
      %sign3A_81 = arith.subi %sign3A_77, %sign3A_80 : i32
      %ne3A_82 = vector.broadcast %sign3A_81 : i32 to vector<128x128xi32>
      %ne3A_83 = arith.cmpi ne, %sign3A_74, %ne3A_82 : vector<128x128xi32>
      %rem3A_84 = vector.broadcast %jit3A_63 : i32 to vector<128x128xi32>
      %rem3A_85 = arith.remsi %iota3A_62, %rem3A_84 : vector<128x128xi32>
      %ne3A_86 = arith.constant 0 : i32
      %ne3A_87 = vector.broadcast %ne3A_86 : i32 to vector<128x128xi32>
      %ne3A_88 = arith.cmpi ne, %rem3A_85, %ne3A_87 : vector<128x128xi32>
      %and3A_89 = arith.andi %ne3A_83, %ne3A_88 : vector<128x128xi1>
      %sub3A_90 = arith.constant 1 : i32
      %sub3A_91 = vector.broadcast %sub3A_90 : i32 to vector<128x128xi32>
      %sub3A_92 = arith.subi %div3A_65, %sub3A_91 : vector<128x128xi32>
      %select_n3A_93 = arith.select %and3A_89, %sub3A_92, %div3A_65 : vector<128x128xi1>, vector<128x128xi32>
      %eq3A_94 = arith.cmpi eq, %select_n3A, %select_n3A_93 : vector<128x128xi32>
      %jit3A_95 = arith.constant 3.125000e-02 : f32
      %jit3A_96 = arith.constant 0.000000e+00 : f32
      %broadcast_in_dim3A = vector.broadcast %jit3A_95 : f32 to vector<128x128xf32>
      %broadcast_in_dim3A_97 = vector.broadcast %jit3A_96 : f32 to vector<128x128xf32>
      %select_n3A_98 = arith.select %eq3A_94, %broadcast_in_dim3A, %broadcast_in_dim3A_97 : vector<128x128xi1>, vector<128x128xf32>
      %dot_general3A = arith.constant dense<0.000000e+00> : vector<1000x128xf32>
      %dot_general3A_99 = tpu.matmul %add3A_31, %select_n3A_98, %dot_general3A {dimension_numbers = #tpu.dot_dimension_numbers<[1], [0], [0], [1], [0, 0, 1, 1], [], []>, transpose_lhs_hint = false} : vector<1000x128xf32>, vector<128x128xf32>, vector<1000x128xf32> -> vector<1000x128xf32>
      %sub3A_100 = arith.subf %add3A_31, %dot_general3A_99 : vector<1000x128xf32>
      %mul3A_101 = arith.mulf %sub3A_100, %sub3A_100 : vector<1000x128xf32>
      %dot_general3A_102 = arith.constant dense<0.000000e+00> : vector<1000x128xf32>
      %dot_general3A_103 = tpu.matmul %mul3A_101, %select_n3A_98, %dot_general3A_102 {dimension_numbers = #tpu.dot_dimension_numbers<[1], [0], [0], [1], [0, 0, 1, 1], [], []>, transpose_lhs_hint = false} : vector<1000x128xf32>, vector<128x128xf32>, vector<1000x128xf32> -> vector<1000x128xf32>
      %add3A_104 = arith.constant 9.99999974E-6 : f32
      %add3A_105 = vector.broadcast %add3A_104 : f32 to vector<1000x128xf32>
      %add3A_106 = arith.addf %dot_general3A_103, %add3A_105 : vector<1000x128xf32>
      %rsqrt3A = math.rsqrt %add3A_106 : vector<1000x128xf32>
      %mul3A_107 = arith.mulf %sub3A_100, %rsqrt3A : vector<1000x128xf32>
      %mul3A_108 = vector.broadcast %get3A_34 : vector<1x128xf32> to vector<1000x128xf32>
      %mul3A_109 = arith.mulf %mul3A_107, %mul3A_108 : vector<1000x128xf32>
      %add3A_110 = vector.broadcast %get3A_37 : vector<1x128xf32> to vector<1000x128xf32>
      %add3A_111 = arith.addf %mul3A_109, %add3A_110 : vector<1000x128xf32>
      %mul3A_112 = arith.constant 5.000000e-01 : f32
      %mul3A_113 = vector.broadcast %mul3A_112 : f32 to vector<1000x128xf32>
      %mul3A_114 = arith.mulf %mul3A_113, %add3A_111 : vector<1000x128xf32>
      %mul3A_115 = arith.constant 0.707106769 : f32
      %mul3A_116 = vector.broadcast %mul3A_115 : f32 to vector<1000x128xf32>
      %mul3A_117 = arith.mulf %add3A_111, %mul3A_116 : vector<1000x128xf32>
      %erf3A = math.erf %mul3A_117 : vector<1000x128xf32>
      %add3A_118 = arith.constant 1.000000e+00 : f32
      %add3A_119 = vector.broadcast %add3A_118 : f32 to vector<1000x128xf32>
      %add3A_120 = arith.addf %add3A_119, %erf3A : vector<1000x128xf32>
      %mul3A_121 = arith.mulf %mul3A_114, %add3A_120 : vector<1000x128xf32>
      %swap3A = arith.constant 0 : index
      %swap3A_122 = arith.constant 0 : index
      %swap3A_123 = vector.load %arg9[%swap3A, %swap3A_122] : memref<1000x128xf32, #tpu.memory_space<vmem>>, vector<1000x128xf32>
      tpu.vector_store %arg9[%swap3A, %swap3A_122], %mul3A_121 {strides = array<i32>} : memref<1000x128xf32, #tpu.memory_space<vmem>>, vector<1000x128xf32>,
    } else {
    }
    %eq3A = arith.constant 100 : i32
    %eq3A_2 = arith.cmpi eq, %arg0, %eq3A : i32
    %convert_element_type3A_3 = arith.extui %eq3A_2 : i1 to i32
    %cond3A_4 = arith.constant 0 : i32
    %cond3A_5 = arith.cmpi ne, %convert_element_type3A_3, %cond3A_4 : i32
    scf.if %cond3A_5 {
      %get3A = arith.constant 0 : index
      %get3A_6 = arith.constant 0 : index
      %get3A_7 = vector.load %arg8[%get3A, %get3A_6] : memref<1000x128xf32, #tpu.memory_space<vmem>>, vector<1000x128xf32>
      %swap3A = arith.constant 0 : index
      %swap3A_8 = arith.constant 0 : index
      %swap3A_9 = vector.load %arg9[%swap3A, %swap3A_8] : memref<1000x128xf32, #tpu.memory_space<vmem>>, vector<1000x128xf32>
      tpu.vector_store %arg9[%swap3A, %swap3A_8], %get3A_7 {strides = array<i32>} : memref<1000x128xf32, #tpu.memory_space<vmem>>, vector<1000x128xf32>,
    } else {
    }
    return
  }
  func.func @transform_0(%arg0: i32) -> (i32, i32) {
    %c0_i32 = arith.constant 0 : i32
    %c0_i32_0 = arith.constant 0 : i32
    return %arg0, %c0_i32 : i32, i32
  }
  func.func @transform_1(%arg0: i32) -> (i32, i32) {
    %c0_i32 = arith.constant 0 : i32
    %c0_i32_0 = arith.constant 0 : i32
    return %arg0, %c0_i32 : i32, i32
  }
  func.func @transform_2(%arg0: i32) -> (i32, i32) {
    %c0_i32 = arith.constant 0 : i32
    %c0_i32_0 = arith.constant 0 : i32
    return %arg0, %c0_i32 : i32, i32
  }
  func.func @transform_3(%arg0: i32) -> (i32, i32) {
    %c0_i32 = arith.constant 0 : i32
    %c0_i32_0 = arith.constant 0 : i32
    %c0_i32_1 = arith.constant 0 : i32
    return %c0_i32, %c0_i32_0 : i32, i32
  }
  func.func @transform_4(%arg0: i32) -> (i32, i32) {
    %c0_i32 = arith.constant 0 : i32
    %c0_i32_0 = arith.constant 0 : i32
    %c0_i32_1 = arith.constant 0 : i32
    return %c0_i32, %c0_i32_0 : i32, i32
  }
  func.func @transform_5(%arg0: i32) -> (i32, i32) {
    %c0_i32 = arith.constant 0 : i32
    %c0_i32_0 = arith.constant 0 : i32
    %c0_i32_1 = arith.constant 0 : i32
    return %c0_i32, %c0_i32_0 : i32, i32
  }
  func.func @transform_6(%arg0: i32) -> (i32, i32) {
    %c0_i32 = arith.constant 0 : i32
    %c0_i32_0 = arith.constant 0 : i32
    %c0_i32_1 = arith.constant 0 : i32
    return %c0_i32, %c0_i32_0 : i32, i32
  }
  func.func @transform_7(%arg0: i32) -> (i32, i32) {
    %c0_i32 = arith.constant 0 : i32
    %c0_i32_0 = arith.constant 0 : i32
    %c0_i32_1 = arith.constant 0 : i32
    return %c0_i32, %c0_i32_0 : i32, i32
  }
  func.func @transform_8(%arg0: i32) -> (i32, i32) {
    %c0_i32 = arith.constant 0 : i32
    %c0_i32_0 = arith.constant 0 : i32
    return %arg0, %c0_i32 : i32, i32
  }
}

</mosaic_0001>

<sc_bundles>
// kernel: kernel.10.cloned.1.call-start
scs
__scs_entry_jumppad:
0x0: {  	(pc) =	sbr.rel $0x88, $3  }
0x1: {  	(tag) =	ssettag $0x0;
	lr =	simm.s32 $0x1  }
0x2: {  	[smem:$0x3F87] =	sst lr;
	_ =	strace $0xD0000000  }
0x3: {  	_ = 	snop  }
0x4: {  	_ = 	snop  }
0x5: {  	_ = 	snop  }
0x6: {  	_ = 	snop  }
0x7: {  	_ = 	snop  }
__scs_overlays_trampoline_lowered:
0x8: {  	[smem:$0x3F96] =	sst s0  }
0x9: {  	[smem:$0x3F97] =	sst s1  }
0xa: {  	[smem:$0x3F98] =	sst s2  }
0xb: {  	[smem:$0x3F99] =	sst s3  }
0xc: {  	[smem:$0x3F9A] =	sst s4  }
0xd: {  	[smem:$0x3F9B] =	sst s5  }
0xe: {  	[smem:$0x3F9C] =	sst s6  }
0xf: {  	[smem:$0x3F9D] =	sst s7  }
0x10: {  	[smem:$0x3F9E] =	sst s8  }
0x11: {  	[smem:$0x3F9F] =	sst s9;
	s0 =	simm.s32 @!p0 $0x0  }
0x12: {  	s1 =	sld [smem:$0x3F85];
	s0 =	simm.s32 @p0 $0x1  }
0x13: {  	[smem:$0x3FA0] =	sst s0;
	s0 =	simm.s32 @!p1 $0x0  }
0x14: {  	s2 =	sld [smem:$0x3F84];
	s0 =	simm.s32 @p1 $0x1  }
0x15: {  	[smem:$0x3FA1] =	sst s0;
	s0 =	simm.s32 @!p2 $0x0  }
0x16: {  	s3 =	sld [smem:$0x3FDB];
	s0 =	simm.s32 @p2 $0x1  }
0x17: {  	s4 =	simm.s32 $0x1BF5;
	[smem:$0x3FA3] =	sst s0  }
0x18: {  	s0 =	sld [smem:$0x3F86];
	_ =	swait.ge [sflag:s4], $0x0  }
0x19: {  	s7 =	sld [smem:$0x3F87]  }
0x1a: {  	s8 =	sadd.s32 $0xFFFFE003, lr  }
0x1b: {  	s9 =	sadd.s32 $0xFFFFFEF7, lr;
	s5 =	simm.s32 $0xFFFFFFFF;
	p2 =	slt.u32 s8, $0xFFFFF086  }
0x1c: {  	p1 =	slt.u32 s9, $0xF7A;
	s5 =	simm.s32 @!p2 $0x0  }
0x1d: {  	s5 =	simm.s32 @p1 $0x1;
	p0 =	seq.s32 s7, s2  }
0x1e: {  	s7 =	smul.u32 @!p0 $0xF7A, s2;
	p2 =	seq.s32 @!p0 s5, $0x0  }
0x1f: {  	s9 =	smul.u32 $0xF7A, s1;
	s8 =	simm.s32 @!p0 $0x1BF5;
	p2 =	por !p2, p0  }
0x20: {  	[sflag:s8] =	ssyncset.s32 @!p0 $0xFFFFF086;
	s6 =	sadd.s32 @!p0 s3, s7;
	s7 =	simm.s32 @!p0 $0x108  }
0x21: {  	s3 =	sadd.s32 s3, s9;
	s6 =	sadd.s32 @!p0 $0x88, s6;
	s7 =	simm.s32 @p2 $0x1082  }
0x22: {  	[simem:s7], [sflag:s8] =	dma.local @!p0 [hbm:s6], $0xF7A  }
0x23: {  	s9 =	sor.u32 $0xD0000000, s2;
	s6 =	simm.s32 $0x108;
	_ =	swait.ge @!p0 [sflag:s8], $0x0  }
0x24: {  	s3 =	sadd.s32 $0x88, s3;
	s6 =	simm.s32 @!p1 $0x1082;
	[sflag:s4] =	ssyncset.s32 $0xFFFFF086  }
0x25: {  	[simem:s6], [sflag:s4] =	dma.local [hbm:s3], $0xF7A  }
0x26: {  	[smem:$0x3F87] =	sst s1;
	(tag) =	ssettag s2;
	_ =	strace s9  }
0x27: {  	s1 =	sld [smem:$0x3F97]  }
0x28: {  	s2 =	sld [smem:$0x3F98]  }
0x29: {  	s4 =	sld [smem:$0x3F9A]  }
0x2a: {  	p0 =	seq.s32 s5, $0x0;
	s5 =	sld [smem:$0x3F9B]  }
0x2b: {  	s6 =	sld [smem:$0x3F9C]  }
0x2c: {  	s7 =	sld [smem:$0x3F9D]  }
0x2d: {  	s3 =	simm.s32 $0x108;
	s8 =	sld [smem:$0x3F9E]  }
0x2e: {  	s3 =	simm.s32 @!p0 $0x1082;
	s9 =	sld [smem:$0x3F9F]  }
0x2f: {  	lr =	sadd.s32 s0, s3;
	s0 =	sld [smem:$0x3F96]  }
0x30: {  	s3 =	sld [smem:$0x3F99]  }
0x31: {  	[smem:$0x3FA2] =	sst s10  }
0x32: {  	s10 =	sld [smem:$0x3FA0];
	_ =	sdelay $0x3  }
0x33: {  	p0 =	seq.s32 s10, $0x1;
	s10 =	sld [smem:$0x3FA2];
	_ =	sdelay $0x3  }
0x34: {  	[smem:$0x3FA2] =	sst s10  }
0x35: {  	s10 =	sld [smem:$0x3FA1];
	_ =	sdelay $0x3  }
0x36: {  	p1 =	seq.s32 s10, $0x1;
	s10 =	sld [smem:$0x3FA2];
	_ =	sdelay $0x3  }
0x37: {  	[smem:$0x3FA2] =	sst s10  }
0x38: {  	s10 =	sld [smem:$0x3FA3]  }
0x39: {  	_ = 	snop;
	(pc) =	sbr.ind lr, $3  }
0x3a: {  	_ = 	snop  }
0x3b: {  	_ = 	snop  }
0x3c: {  	p2 =	seq.s32 s10, $0x1;
	s10 =	sld [smem:$0x3FA2]  }
0x3d: {  	_ =	shalt  }
0x3e: {  	_ =	shalt  }
0x3f: {  	_ =	shalt  }
0x40: {  	_ =	shalt  }
0x41: {  	_ =	shalt  }
0x42: {  	_ =	shalt  }
0x43: {  	_ =	shalt  }
0x44: {  	_ =	shalt  }
0x45: {  	_ =	shalt  }
0x46: {  	_ =	shalt  }
0x47: {  	_ =	shalt  }
0x48: {  	_ =	shalt  }
0x49: {  	_ =	shalt  }
0x4a: {  	_ =	shalt  }
0x4b: {  	_ =	shalt  }
0x4c: {  	_ =	shalt  }
0x4d: {  	_ =	shalt  }
0x4e: {  	_ =	shalt  }
0x4f: {  	_ =	shalt  }
0x50: {  	_ =	shalt  }
0x51: {  	_ =	shalt  }
0x52: {  	_ =	shalt  }
0x53: {  	_ =	shalt  }
0x54: {  	_ =	shalt  }
0x55: {  	_ =	shalt  }
0x56: {  	_ =	shalt  }
0x57: {  	_ =	shalt  }
0x58: {  	_ =	shalt  }
0x59: {  	_ =	shalt  }
0x5a: {  	_ =	shalt  }
0x5b: {  	_ =	shalt  }
0x5c: {  	_ =	shalt  }
0x5d: {  	_ =	shalt  }
0x5e: {  	_ =	shalt  }
0x5f: {  	_ =	shalt  }
0x60: {  	_ =	shalt  }
0x61: {  	_ =	shalt  }
0x62: {  	_ =	shalt  }
0x63: {  	_ =	shalt  }
0x64: {  	_ =	shalt  }
0x65: {  	_ =	shalt  }
0x66: {  	_ =	shalt  }
0x67: {  	_ =	shalt  }
0x68: {  	_ =	shalt  }
0x69: {  	_ =	shalt  }
0x6a: {  	_ =	shalt  }
0x6b: {  	_ =	shalt  }
0x6c: {  	_ =	shalt  }
0x6d: {  	_ =	shalt  }
0x6e: {  	_ =	shalt  }
0x6f: {  	_ =	shalt  }
0x70: {  	_ =	shalt  }
0x71: {  	_ =	shalt  }
0x72: {  	_ =	shalt  }
0x73: {  	_ =	shalt  }
0x74: {  	_ =	shalt  }
0x75: {  	_ =	shalt  }
0x76: {  	_ =	shalt  }
0x77: {  	_ =	shalt  }
0x78: {  	_ =	shalt  }
0x79: {  	_ =	shalt  }
0x7a: {  	_ =	shalt  }
0x7b: {  	_ =	shalt  }
0x7c: {  	_ =	shalt  }
0x7d: {  	_ =	shalt  }
0x7e: {  	_ =	shalt  }
0x7f: {  	_ =	shalt  }
0x80: {  	_ =	shalt  }
0x81: {  	_ =	shalt  }
0x82: {  	_ =	shalt  }
0x83: {  	_ =	shalt  }
0x84: {  	_ =	shalt  }
0x85: {  	_ =	shalt  }
0x86: {  	_ =	shalt  }
0x87: {  	_ =	shalt  }
.Lfunc_end0:
.L_simem_size_0:
called_computation.1_lowered:
.L_overlay_start_0:
0x88: {  	s2 =	sld [smem:$0x3FD9]  }
0x89: {  	s3 =	sld [smem:$0x3FFE];
	_ =	sdelay $0x1  }
0x8a: {  	s1 =	srdreg.scid  }
0x8b: {  	s0 =	sand.u32 $0x1, s1  }
0x8c: {  	s17 =	sshll.u32 s0, $0xA;
	s2 =	sadd.s32 s3, s2  }
0x8d: {  	s2 =	sadd.s32 s2, s17  }
0x8e: {  	[smem:$0x3FAE] =	sst s2  }
0x8f: {  	_ = 	snop  }
0x90: {  	(tm) =	ssettm $0x1  }
0x91: {  	s18 =	sld [smem:$0x3FFB];
	_ =	sdelay $0x3  }
0x92: {  	_ =	strace s18  }
0x93: {  	s2 =	sld [smem:$0x3FFC];
	_ =	sdelay $0x3  }
0x94: {  	_ =	strace s2  }
0x95: {  	s2 =	sld [smem:$0x3FFD];
	_ =	sdelay $0x3  }
0x96: {  	_ =	strace s2  }
0x97: {  	_ =	strace $0x8FFFFFFF  }
0x98: {  	s19 =	sld [smem:$0x3FDB];
	_ =	sdelay $0x1  }
0x99: {  	s20 =	simm.s32 $_scs_section_size  }
0x9a: {  	s4 =	simm.s32 $_size__tile_overlayer_lowered;
	s5 =	simm.s32 $_tile_overlayer_lowered  }
0x9b: {  	s6 =	simm.s32 $0x1BFF;
	s21 =	sshll.u32 s5, $0x1;
	s3 =	sadd.s32 s20, s19  }
0x9c: {  	s22 =	simm.s32 $0x0;
	s4 =	sshll.u32 s4, $0x1;
	s5 =	sadd.s32 s21, s3  }
0x9d: {  	[timem:s22], [sflag:s6] =	dma.local [hbm:s5], s4  }
0x9e: {  	_ =	swait.ge [sflag:s6], s4  }
0x9f: {  	s4 =	ssub.s32 $0x0, s4;
	[sflag:s6] =	ssyncset.done $0x0  }
0xa0: {  	[sflag:s6] =	ssyncadd.s32 s4;
	_ =	sdelay $0x1  }
0xa1: {  	s23 =	simm.s32 $0x1B8B  }
0xa2: {  	_ =	swait.ge [sflag:s23], $0x1  }
0xa3: {  	[sflag:s23] =	ssyncset.done $0x0  }
0xa4: {  	[sflag:s23] =	ssyncadd.s32 $0xFFFFFFFF  }
0xa5: {  	s4 =	sld [smem:$0x0]  }
0xa6: {  	s5 =	sand.u32 $0xFFFFFFFE, s1  }
0xa7: {  	p0 =	sne.s32 s1, s5  }
0xa8: {  	s5 =	sshll.u32 @p0 s5, $0xE  }
0xa9: {  	s5 =	sadd.s32 @p0 $0x11B8D, s5;
	s6 =	sshll.u32 @p0 s4, $0x11  }
0xaa: {  	s5 =	sor.u32 @p0 s6, s5  }
0xab: {  	[sflag:s5] =	ssyncadd.remote.s32 @p0 $0x1;
	_ =	sdelay $0x1  }
0xac: {  	s5 =	simm.s32 @p0 $0x1B8D  }
0xad: {  	_ =	swait.eq @p0 [sflag:s5], $0x1  }
0xae: {  	[sflag:s5] =	ssyncadd.s32 @p0 $0xFFFFFFFF  }
0xaf: {  	s6 =	sshll.u32 @!p0 s1, $0xE  }
0xb0: {  	s6 =	sor.u32 @!p0 $0x4000, s6;
	s5 =	simm.s32 @!p0 $0x1B8D  }
0xb1: {  	s4 =	sshll.u32 @!p0 s4, $0x11;
	s6 =	sadd.s32 @!p0 $0x11B8D, s6;
	_ =	swait.eq @!p0 [sflag:s5], $0x1  }
0xb2: {  	s4 =	sor.u32 @!p0 s4, s6;
	[sflag:s5] =	ssyncadd.s32 @!p0 $0xFFFFFFFF  }
0xb3: {  	s25 =	simm.s32 $0x1B8E;
	s24 =	sld [smem:$0x3FFE];
	[sflag:s4] =	ssyncadd.remote.s32 @!p0 $0x1  }
0xb4: {  	s26 =	simm.s32 $execute0_lowered;
	[smem:$0x3FD2] =	sst s25  }
0xb5: {  	s5 =	sshll.u32 s26, $0x1;
	_ =	strace $0x80000049;
	[dreg:$0x1] =	wrdreg $0xFFFFFFFF  }
0xb6: {  	s28 =	simm.s32 $_size_execute0_lowered;
	s3 =	sadd.s32 s3, s5;
	[dreg:$0x0] =	wrdreg $0x0  }
0xb7: {  	s5 =	sshll.u32 s28, $0x1;
	[dreg:$0x2] =	wrdreg s3  }
0xb8: {  	[dreg:$0x3] =	wrdreg s5  }
0xb9: {  	[dreg:$0x4] =	wrdreg $0xC0  }
0xba: {  	_ =	task [dreg:s22], $0x5FFFF  }
0xbb: {  	[dreg:$0x1] =	wrdreg $0xFFFFFFFF  }
0xbc: {  	[dreg:$0x0] =	wrdreg $0x60  }
0xbd: {  	[dreg:$0x2] =	wrdreg s24  }
0xbe: {  	[dreg:$0x3] =	wrdreg $0x143000  }
0xbf: {  	[dreg:$0x4] =	wrdreg $0xA  }
0xc0: {  	_ =	task.clear_ibuf [dreg:s22], $0x5FFFF;
	_ =	strace $0x90000049  }
0xc1: {  	s29 =	simm.s32 $0xA;
	_ =	strace $0x8000004B  }
0xc2: {  	_ =	swait.ge [sflag:s29], $0x1  }
0xc3: {  	[sflag:s29] =	ssyncadd.s32 $0xFFFFFFFF  }
0xc4: {  	_ =	strace $0x9000004B  }
0xc5: {  	_ =	sfence  }
0xc6: {  	s30 =	sld [smem:$0x0];
	_ =	sdelay $0x2  }
0xc7: {  	s31 =	sshll.u32 s1, $0xD;
	s1 =	sshrl.u32 s1, $0x2  }
0xc8: {  	s4 =	sand.u32 $0x4000, s31;
	s1 =	sadd.s32 s1, s30  }
0xc9: {  	s0 =	sor.u32 s4, s0;
	s1 =	sshll.u32 s1, $0x11  }
0xca: {  	s0 =	sor.u32 s1, s0  }
0xcb: {  	s0 =	sadd.s32 $0x8F2B, s0  }
0xcc: {  	[sflag:s0] =	ssyncadd.remote.s32 $0x1  }
0xcd: {  	_ =	sfence.sel $0xFFFF  }
0xce: {  	[dreg:$0x0] =	wrdreg $0xFFFFFFFF;
	(pc) =	sbr.abs _section_cstart, $3  }
0xcf: {  	[dreg:$0x1] =	wrdreg $0xFFFFFFFF  }
0xd0: {  	_ =	task.clear_ibuf [dreg:s22], $0x2FFFF;
	_ =	strace $0x9FFFFFFF  }
0xd1: {  	(tm) =	ssettm $0x7FFFFFFF  }
tec
execute0_lowered:
.L_overlay_start_1:
0x0: {  	(tag) =	ssettag $0x1  }
0x1: {  	s1 =	stileid.u32  }
0x2: {  	s12 =	rddreg [dreg:$0x0];
	s0 =	sshll.u32 s1, $0xB  }
0x3: {  	s2 =	rddreg [dreg:$0x1];
	s3 =	simm.s32 $0x0;
	s0 =	sadd.s32 s0, s12  }
0x4: {  	[smem:$0x7FF] =	sst s3;
	s0 =	sadd.s32 $0x42000, s0  }
0x5: {  	s23 =	sshll.u32 s1, $0xE;
	_ =	strace $0x8000004A;
	[dreg:$0x3] =	wrdreg s0  }
0x6: {  	s5 =	simm.s32 $0x300;
	s0 =	sadd.s32 s23, s2;
	s6 =	rddreg [dreg:$0x3]  }
0x7: {  	s4 =	simm.s32 $0x3;
	s25 =	srdreg.scid;
	[dreg:$0x4] =	wrdreg s0  }
0x8: {  	[tilespmem:s5], [sflag:$0x3] =	stream.linear.gather [hbm4b:s6+s3], $0x4000, $0x38;
	[tilespmem:$0x18300] =	vst v63  }
0x9: {  	s0 =	sand.u32 $0x1, s25;
	_ =	swait.ge [sflag:s4], $0x4000  }
0xa: {  	[dreg:$0x5] =	wrdreg s0;
	[sflag:s4] =	ssyncset.done $0x0  }
0xb: {  	s7 =	sshll.u32 s1, $0x1;
	s24 =	rddreg [dreg:$0x4];
	[sflag:s4] =	ssyncadd.s32 $0xFFFFC000  }
0xc: {  	[spmem:s24] =	stream.linear.scatter [tilespmem:s5], [sflag:$0x3], $0x4000, $0x38;
	[tilespmem:$0x18300] =	vst v63  }
0xd: {  	s13 =	sor.u32 s0, s7;
	_ =	swait.ge [sflag:s4], $0x4000  }
0xe: {  	s26 =	smul.u32 $0x28, s13;
	[sflag:s4] =	ssyncset.done $0x0  }
0xf: {  	s29 =	sadd.s32 $0x3EE00, s12;
	[sflag:s4] =	ssyncadd.s32 $0xFFFFC000  }
0x10: {  	s30 =	smul.u32 $0x140, s13;
	s6 =	sadd.s32 s29, s26;
	[bflag:$0x0] =	sbarrier.arrive $0xFFFF  }
0x11: {  	[tilespmem:s3], [sflag:$0x3] =	stream.linear.gather [hbm4b:s6+s3], $0x140, $0x38;
	[tilespmem:$0x18300] =	vst v63  }
0x12: {  	_ =	swait.ge [sflag:s4], $0x140  }
0x13: {  	s15 =	sadd.s32 $0x2800, s30;
	[sflag:s4] =	ssyncset.done $0x0  }
0x14: {  	s7 =	simm.s32 $0x140;
	s8 =	sshrl.u32 s15, $0x3;
	[sflag:s4] =	ssyncadd.s32 $0xFFFFFEC0  }
0x15: {  	[tilespmem:s5], [sflag:$0x1] =	stream.indirect.gather [spmem:s2], $0x80, s3, s7, $0xb8;
	[tilespmem:$0x18300] =	vst v63  }
0x16: {  	s9 =	simm.s32 $0x180;
	s8 =	sadd.s32 s29, s8  }
0x17: {  	[tilespmem:s9], [sflag:$0x3] =	stream.linear.gather [hbm4b:s8+s3], $0x140, $0x38;
	[tilespmem:$0x18300] =	vst v63  }
0x18: {  	_ =	swait.ge [sflag:s4], $0x140  }
0x19: {  	[sflag:s4] =	ssyncset.done $0x0  }
0x1a: {  	s10 =	simm.s32 $0xA300;
	s11 =	simm.s32 $0x1;
	[sflag:s4] =	ssyncadd.s32 $0xFFFFFEC0  }
0x1b: {  	[tilespmem:s10], [sflag:$0x2] =	stream.indirect.gather [spmem:s2], $0x80, s9, s7, $0xb8;
	[tilespmem:$0x18300] =	vst v63  }
0x1c: {  	s13 =	smul.u32 $0x1400, s13;
	_ =	swait.ge [sflag:s11], $0xA000  }
0x1d: {  	s31 =	sadd.s32 $0x4A000, s12;
	[sflag:s11] =	ssyncset.done $0x0  }
0x1e: {  	s12 =	sadd.s32 s31, s13;
	[sflag:s11] =	ssyncadd.s32 $0xFFFF6000  }
0x1f: {  	[hbm4b:s12+s3] =	stream.linear.scatter [tilespmem:s5], [sflag:$0x3], $0xA000, $0x38;
	[tilespmem:$0x18300] =	vst v63  }
0x20: {  	s17 =	sadd.s32 $0x5000, s30;
	_ =	swait.ge [sflag:s4], $0xA000  }
0x21: {  	s0 =	sshrl.u32 s17, $0x3;
	[sflag:s4] =	ssyncset.done $0x0  }
0x22: {  	s13 =	sadd.s32 s29, s0;
	[sflag:s4] =	ssyncadd.s32 $0xFFFF6000  }
0x23: {  	[tilespmem:s3], [sflag:$0x3] =	stream.linear.gather [hbm4b:s13+s3], $0x140, $0x38;
	[tilespmem:$0x18300] =	vst v63  }
0x24: {  	_ =	swait.ge [sflag:s4], $0x140  }
0x25: {  	[sflag:s4] =	ssyncset.done $0x0  }
0x26: {  	s14 =	simm.s32 $0x2;
	[sflag:s4] =	ssyncadd.s32 $0xFFFFFEC0  }
0x27: {  	[tilespmem:s5], [sflag:$0x1] =	stream.indirect.gather [spmem:s2], $0x80, s3, s7, $0xb8;
	[tilespmem:$0x18300] =	vst v63  }
0x28: {  	_ =	swait.ge [sflag:s14], $0xA000  }
0x29: {  	s15 =	sshll.u32 s15, $0x4;
	[sflag:s14] =	ssyncset.done $0x0  }
0x2a: {  	s15 =	sadd.s32 s31, s15;
	[sflag:s14] =	ssyncadd.s32 $0xFFFF6000  }
0x2b: {  	[hbm4b:s15+s3] =	stream.linear.scatter [tilespmem:s10], [sflag:$0x3], $0xA000, $0x38;
	[tilespmem:$0x18300] =	vst v63  }
0x2c: {  	s19 =	sadd.s32 $0x7800, s30;
	_ =	swait.ge [sflag:s4], $0xA000  }
0x2d: {  	s16 =	sshrl.u32 s19, $0x3;
	[sflag:s4] =	ssyncset.done $0x0  }
0x2e: {  	s16 =	sadd.s32 s29, s16;
	[sflag:s4] =	ssyncadd.s32 $0xFFFF6000  }
0x2f: {  	[tilespmem:s9], [sflag:$0x3] =	stream.linear.gather [hbm4b:s16+s3], $0x140, $0x38;
	[tilespmem:$0x18300] =	vst v63  }
0x30: {  	_ =	swait.ge [sflag:s4], $0x140  }
0x31: {  	[sflag:s4] =	ssyncset.done $0x0  }
0x32: {  	[sflag:s4] =	ssyncadd.s32 $0xFFFFFEC0  }
0x33: {  	[tilespmem:s10], [sflag:$0x2] =	stream.indirect.gather [spmem:s2], $0x80, s9, s7, $0xb8;
	[tilespmem:$0x18300] =	vst v63  }
0x34: {  	_ =	swait.ge [sflag:s11], $0xA000  }
0x35: {  	s17 =	sshll.u32 s17, $0x4;
	[sflag:s11] =	ssyncset.done $0x0  }
0x36: {  	s17 =	sadd.s32 s31, s17;
	[sflag:s11] =	ssyncadd.s32 $0xFFFF6000  }
0x37: {  	[hbm4b:s17+s3] =	stream.linear.scatter [tilespmem:s5], [sflag:$0x3], $0xA000, $0x38;
	[tilespmem:$0x18300] =	vst v63  }
0x38: {  	s21 =	sadd.s32 $0xA000, s30;
	_ =	swait.ge [sflag:s4], $0xA000  }
0x39: {  	s18 =	sshrl.u32 s21, $0x3;
	[sflag:s4] =	ssyncset.done $0x0  }
0x3a: {  	s18 =	sadd.s32 s29, s18;
	[sflag:s4] =	ssyncadd.s32 $0xFFFF6000  }
0x3b: {  	[tilespmem:s3], [sflag:$0x3] =	stream.linear.gather [hbm4b:s18+s3], $0x140, $0x38;
	[tilespmem:$0x18300] =	vst v63  }
0x3c: {  	_ =	swait.ge [sflag:s4], $0x140  }
0x3d: {  	[sflag:s4] =	ssyncset.done $0x0  }
0x3e: {  	[sflag:s4] =	ssyncadd.s32 $0xFFFFFEC0  }
0x3f: {  	[tilespmem:s5], [sflag:$0x1] =	stream.indirect.gather [spmem:s2], $0x80, s3, s7, $0xb8;
	[tilespmem:$0x18300] =	vst v63  }
0x40: {  	_ =	swait.ge [sflag:s14], $0xA000  }
0x41: {  	s19 =	sshll.u32 s19, $0x4;
	[sflag:s14] =	ssyncset.done $0x0  }
0x42: {  	s19 =	sadd.s32 s31, s19;
	[sflag:s14] =	ssyncadd.s32 $0xFFFF6000  }
0x43: {  	[hbm4b:s19+s3] =	stream.linear.scatter [tilespmem:s10], [sflag:$0x3], $0xA000, $0x38;
	[tilespmem:$0x18300] =	vst v63  }
0x44: {  	s23 =	sadd.s32 $0xC800, s30;
	_ =	swait.ge [sflag:s4], $0xA000  }
0x45: {  	s20 =	sshrl.u32 s23, $0x3;
	[sflag:s4] =	ssyncset.done $0x0  }
0x46: {  	s20 =	sadd.s32 s29, s20;
	[sflag:s4] =	ssyncadd.s32 $0xFFFF6000  }
0x47: {  	[tilespmem:s9], [sflag:$0x3] =	stream.linear.gather [hbm4b:s20+s3], $0x140, $0x38;
	[tilespmem:$0x18300] =	vst v63  }
0x48: {  	_ =	swait.ge [sflag:s4], $0x140  }
0x49: {  	[sflag:s4] =	ssyncset.done $0x0  }
0x4a: {  	[sflag:s4] =	ssyncadd.s32 $0xFFFFFEC0  }
0x4b: {  	[tilespmem:s10], [sflag:$0x2] =	stream.indirect.gather [spmem:s2], $0x80, s9, s7, $0xb8;
	[tilespmem:$0x18300] =	vst v63  }
0x4c: {  	_ =	swait.ge [sflag:s11], $0xA000  }
0x4d: {  	s21 =	sshll.u32 s21, $0x4;
	[sflag:s11] =	ssyncset.done $0x0  }
0x4e: {  	s21 =	sadd.s32 s31, s21;
	[sflag:s11] =	ssyncadd.s32 $0xFFFF6000  }
0x4f: {  	[hbm4b:s21+s3] =	stream.linear.scatter [tilespmem:s5], [sflag:$0x3], $0xA000, $0x38;
	[tilespmem:$0x18300] =	vst v63  }
0x50: {  	s25 =	sadd.s32 $0xF000, s30;
	_ =	swait.ge [sflag:s4], $0xA000  }
0x51: {  	s22 =	sshrl.u32 s25, $0x3;
	[sflag:s4] =	ssyncset.done $0x0  }
0x52: {  	s22 =	sadd.s32 s29, s22;
	[sflag:s4] =	ssyncadd.s32 $0xFFFF6000  }
0x53: {  	[tilespmem:s3], [sflag:$0x3] =	stream.linear.gather [hbm4b:s22+s3], $0x140, $0x38;
	[tilespmem:$0x18300] =	vst v63  }
0x54: {  	_ =	swait.ge [sflag:s4], $0x140  }
0x55: {  	[sflag:s4] =	ssyncset.done $0x0  }
0x56: {  	[sflag:s4] =	ssyncadd.s32 $0xFFFFFEC0  }
0x57: {  	[tilespmem:s5], [sflag:$0x1] =	stream.indirect.gather [spmem:s2], $0x80, s3, s7, $0xb8;
	[tilespmem:$0x18300] =	vst v63  }
0x58: {  	_ =	swait.ge [sflag:s14], $0xA000  }
0x59: {  	s23 =	sshll.u32 s23, $0x4;
	[sflag:s14] =	ssyncset.done $0x0  }
0x5a: {  	s23 =	sadd.s32 s31, s23;
	[sflag:s14] =	ssyncadd.s32 $0xFFFF6000  }
0x5b: {  	[hbm4b:s23+s3] =	stream.linear.scatter [tilespmem:s10], [sflag:$0x3], $0xA000, $0x38;
	[tilespmem:$0x18300] =	vst v63  }
0x5c: {  	s28 =	sadd.s32 $0x11800, s30;
	_ =	swait.ge [sflag:s4], $0xA000  }
0x5d: {  	s24 =	sshrl.u32 s28, $0x3;
	[sflag:s4] =	ssyncset.done $0x0  }
0x5e: {  	s24 =	sadd.s32 s29, s24;
	[sflag:s4] =	ssyncadd.s32 $0xFFFF6000  }
0x5f: {  	[tilespmem:s9], [sflag:$0x3] =	stream.linear.gather [hbm4b:s24+s3], $0x140, $0x38;
	[tilespmem:$0x18300] =	vst v63  }
0x60: {  	_ =	swait.ge [sflag:s4], $0x140  }
0x61: {  	[sflag:s4] =	ssyncset.done $0x0  }
0x62: {  	[sflag:s4] =	ssyncadd.s32 $0xFFFFFEC0  }
0x63: {  	[tilespmem:s10], [sflag:$0x2] =	stream.indirect.gather [spmem:s2], $0x80, s9, s7, $0xb8;
	[tilespmem:$0x18300] =	vst v63  }
0x64: {  	_ =	swait.ge [sflag:s11], $0xA000  }
0x65: {  	s25 =	sshll.u32 s25, $0x4;
	[sflag:s11] =	ssyncset.done $0x0  }
0x66: {  	s25 =	sadd.s32 s31, s25;
	[sflag:s11] =	ssyncadd.s32 $0xFFFF6000  }
0x67: {  	[hbm4b:s25+s3] =	stream.linear.scatter [tilespmem:s5], [sflag:$0x3], $0xA000, $0x38;
	[tilespmem:$0x18300] =	vst v63  }
0x68: {  	s1 =	sor.u32 $0x14000, s30;
	_ =	swait.ge [sflag:s4], $0xA000  }
0x69: {  	s26 =	sshrl.u32 s1, $0x3;
	[sflag:s4] =	ssyncset.done $0x0  }
0x6a: {  	s26 =	sadd.s32 s29, s26;
	[sflag:s4] =	ssyncadd.s32 $0xFFFF6000  }
0x6b: {  	[tilespmem:s3], [sflag:$0x3] =	stream.linear.gather [hbm4b:s26+s3], $0x140, $0x38;
	[tilespmem:$0x18300] =	vst v63  }
0x6c: {  	_ =	swait.ge [sflag:s4], $0x140  }
0x6d: {  	[sflag:s4] =	ssyncset.done $0x0  }
0x6e: {  	[sflag:s4] =	ssyncadd.s32 $0xFFFFFEC0  }
0x6f: {  	[tilespmem:s5], [sflag:$0x1] =	stream.indirect.gather [spmem:s2], $0x80, s3, s7, $0xb8;
	[tilespmem:$0x18300] =	vst v63  }
0x70: {  	_ =	swait.ge [sflag:s14], $0xA000  }
0x71: {  	s28 =	sshll.u32 s28, $0x4;
	s0 =	sadd.s32 $0x16800, s30;
	[sflag:s14] =	ssyncset.done $0x0  }
0x72: {  	s28 =	sadd.s32 s31, s28;
	[dreg:$0x6] =	wrdreg s0;
	[sflag:s14] =	ssyncadd.s32 $0xFFFF6000  }
0x73: {  	[hbm4b:s28+s3] =	stream.linear.scatter [tilespmem:s10], [sflag:$0x3], $0xA000, $0x38;
	[tilespmem:$0x18300] =	vst v63  }
0x74: {  	_ =	swait.ge [sflag:s4], $0xA000  }
0x75: {  	s30 =	sshrl.u32 s0, $0x3;
	[sflag:s4] =	ssyncset.done $0x0  }
0x76: {  	s29 =	sadd.s32 s29, s30;
	[sflag:s4] =	ssyncadd.s32 $0xFFFF6000  }
0x77: {  	[tilespmem:s9], [sflag:$0x3] =	stream.linear.gather [hbm4b:s29+s3], $0x140, $0x38;
	[tilespmem:$0x18300] =	vst v63  }
0x78: {  	_ =	swait.ge [sflag:s4], $0x140  }
0x79: {  	[sflag:s4] =	ssyncset.done $0x0  }
0x7a: {  	[sflag:s4] =	ssyncadd.s32 $0xFFFFFEC0  }
0x7b: {  	[tilespmem:s10], [sflag:$0x2] =	stream.indirect.gather [spmem:s2], $0x80, s9, s7, $0xb8;
	[tilespmem:$0x18300] =	vst v63  }
0x7c: {  	_ =	swait.ge [sflag:s11], $0xA000  }
0x7d: {  	s1 =	sshll.u32 s1, $0x4;
	[sflag:s11] =	ssyncset.done $0x0  }
0x7e: {  	s30 =	sadd.s32 s31, s1;
	[sflag:s11] =	ssyncadd.s32 $0xFFFF6000  }
0x7f: {  	[hbm4b:s30+s3] =	stream.linear.scatter [tilespmem:s5], [sflag:$0x3], $0xA000, $0x38;
	[tilespmem:$0x18300] =	vst v63  }
0x80: {  	_ =	swait.ge [sflag:s4], $0xA000  }
0x81: {  	s1 =	rddreg [dreg:$0x5]  }
0x82: {  	s1 =	ssub.s32 $0x2, s1  }
0x83: {  	s0 =	sshrl.u32 s1, $0x1  }
0x84: {  	[sflag:s4] =	ssyncset.done $0x0;
	s0 =	ssub.s32 s1, s0  }
0x85: {  	[sflag:s4] =	ssyncadd.s32 $0xFFFF6000;
	s0 =	smax.u32 s0, $0x1  }
0x86: {  	_ =	swait.ge [sflag:s14], $0xA000;
	p0 =	sne.s32 s0, $0x1  }
.Ltmp0:
0x87: {  	s1 =	rddreg [dreg:$0x6];
	(pc) =	sbr.rel @!p0 .LBB2_2-.Ltmp0, $4  }
0x88: {  	[sflag:s14] =	ssyncset.done $0x0;
	s1 =	sshll.u32 s1, $0x4  }
0x89: {  	[sflag:s14] =	ssyncadd.s32 $0xFFFF6000;
	s31 =	sadd.s32 s31, s1  }
0x8a: {  	[hbm4b:s31+s3] =	stream.linear.scatter [tilespmem:s10], [sflag:$0x3], $0xA000, $0x38;
	[tilespmem:$0x18300] =	vst v63  }
0x8b: {  	s0 =	sadd.s32 $0xFFFFFFFF, s0;
	_ =	swait.ge [sflag:s4], $0xA000  }
.LBB2_1:
0x8c: {  	[sflag:s4] =	ssyncset.done $0x0  }
0x8d: {  	s1 =	rddreg [dreg:$0x3];
	[sflag:s4] =	ssyncadd.s32 $0xFFFF6000  }
0x8e: {  	[tilespmem:s5], [sflag:$0x3] =	stream.linear.gather [hbm4b:s1+s3], $0x4000, $0x38;
	[tilespmem:$0x18300] =	vst v63  }
0x8f: {  	_ =	swait.ge [sflag:s4], $0x4000  }
0x90: {  	[sflag:s4] =	ssyncset.done $0x0  }
0x91: {  	s1 =	rddreg [dreg:$0x4];
	[sflag:s4] =	ssyncadd.s32 $0xFFFFC000  }
0x92: {  	[spmem:s1] =	stream.linear.scatter [tilespmem:s5], [sflag:$0x3], $0x4000, $0x38;
	[tilespmem:$0x18300] =	vst v63  }
0x93: {  	_ =	swait.ge [sflag:s4], $0x4000  }
0x94: {  	[sflag:s4] =	ssyncset.done $0x0  }
0x95: {  	[sflag:s4] =	ssyncadd.s32 $0xFFFFC000  }
0x96: {  	[bflag:$0x0] =	sbarrier.arrive $0xFFFF  }
0x97: {  	[tilespmem:s3], [sflag:$0x3] =	stream.linear.gather [hbm4b:s6+s3], $0x140, $0x38;
	[tilespmem:$0x18300] =	vst v63  }
0x98: {  	_ =	swait.ge [sflag:s4], $0x140  }
0x99: {  	[sflag:s4] =	ssyncset.done $0x0  }
0x9a: {  	[sflag:s4] =	ssyncadd.s32 $0xFFFFFEC0  }
0x9b: {  	[tilespmem:s5], [sflag:$0x1] =	stream.indirect.gather [spmem:s2], $0x80, s3, s7, $0xb8;
	[tilespmem:$0x18300] =	vst v63  }
0x9c: {  	_ = 	snop  }
0x9d: {  	[tilespmem:s9], [sflag:$0x3] =	stream.linear.gather [hbm4b:s8+s3], $0x140, $0x38;
	[tilespmem:$0x18300] =	vst v63  }
0x9e: {  	_ =	swait.ge [sflag:s4], $0x140  }
0x9f: {  	[sflag:s4] =	ssyncset.done $0x0  }
0xa0: {  	[sflag:s4] =	ssyncadd.s32 $0xFFFFFEC0  }
0xa1: {  	[tilespmem:s10], [sflag:$0x2] =	stream.indirect.gather [spmem:s2], $0x80, s9, s7, $0xb8;
	[tilespmem:$0x18300] =	vst v63  }
0xa2: {  	_ =	swait.ge [sflag:s11], $0xA000  }
0xa3: {  	[sflag:s11] =	ssyncset.done $0x0  }
0xa4: {  	[sflag:s11] =	ssyncadd.s32 $0xFFFF6000  }
0xa5: {  	[hbm4b:s12+s3] =	stream.linear.scatter [tilespmem:s5], [sflag:$0x3], $0xA000, $0x38;
	[tilespmem:$0x18300] =	vst v63  }
0xa6: {  	_ =	swait.ge [sflag:s4], $0xA000  }
0xa7: {  	[sflag:s4] =	ssyncset.done $0x0  }
0xa8: {  	[sflag:s4] =	ssyncadd.s32 $0xFFFF6000  }
0xa9: {  	[tilespmem:s3], [sflag:$0x3] =	stream.linear.gather [hbm4b:s13+s3], $0x140, $0x38;
	[tilespmem:$0x18300] =	vst v63  }
0xaa: {  	_ =	swait.ge [sflag:s4], $0x140  }
0xab: {  	[sflag:s4] =	ssyncset.done $0x0  }
0xac: {  	[sflag:s4] =	ssyncadd.s32 $0xFFFFFEC0  }
0xad: {  	[tilespmem:s5], [sflag:$0x1] =	stream.indirect.gather [spmem:s2], $0x80, s3, s7, $0xb8;
	[tilespmem:$0x18300] =	vst v63  }
0xae: {  	_ =	swait.ge [sflag:s14], $0xA000  }
0xaf: {  	[sflag:s14] =	ssyncset.done $0x0  }
0xb0: {  	[sflag:s14] =	ssyncadd.s32 $0xFFFF6000  }
0xb1: {  	[hbm4b:s15+s3] =	stream.linear.scatter [tilespmem:s10], [sflag:$0x3], $0xA000, $0x38;
	[tilespmem:$0x18300] =	vst v63  }
0xb2: {  	_ =	swait.ge [sflag:s4], $0xA000  }
0xb3: {  	[sflag:s4] =	ssyncset.done $0x0  }
0xb4: {  	[sflag:s4] =	ssyncadd.s32 $0xFFFF6000  }
0xb5: {  	[tilespmem:s9], [sflag:$0x3] =	stream.linear.gather [hbm4b:s16+s3], $0x140, $0x38;
	[tilespmem:$0x18300] =	vst v63  }
0xb6: {  	_ =	swait.ge [sflag:s4], $0x140  }
0xb7: {  	[sflag:s4] =	ssyncset.done $0x0  }
0xb8: {  	[sflag:s4] =	ssyncadd.s32 $0xFFFFFEC0  }
0xb9: {  	[tilespmem:s10], [sflag:$0x2] =	stream.indirect.gather [spmem:s2], $0x80, s9, s7, $0xb8;
	[tilespmem:$0x18300] =	vst v63  }
0xba: {  	_ =	swait.ge [sflag:s11], $0xA000  }
0xbb: {  	[sflag:s11] =	ssyncset.done $0x0  }
0xbc: {  	[sflag:s11] =	ssyncadd.s32 $0xFFFF6000  }
0xbd: {  	[hbm4b:s17+s3] =	stream.linear.scatter [tilespmem:s5], [sflag:$0x3], $0xA000, $0x38;
	[tilespmem:$0x18300] =	vst v63  }
0xbe: {  	_ =	swait.ge [sflag:s4], $0xA000  }
0xbf: {  	[sflag:s4] =	ssyncset.done $0x0  }
0xc0: {  	[sflag:s4] =	ssyncadd.s32 $0xFFFF6000  }
0xc1: {  	[tilespmem:s3], [sflag:$0x3] =	stream.linear.gather [hbm4b:s18+s3], $0x140, $0x38;
	[tilespmem:$0x18300] =	vst v63  }
0xc2: {  	_ =	swait.ge [sflag:s4], $0x140  }
0xc3: {  	[sflag:s4] =	ssyncset.done $0x0  }
0xc4: {  	[sflag:s4] =	ssyncadd.s32 $0xFFFFFEC0  }
0xc5: {  	[tilespmem:s5], [sflag:$0x1] =	stream.indirect.gather [spmem:s2], $0x80, s3, s7, $0xb8;
	[tilespmem:$0x18300] =	vst v63  }
0xc6: {  	_ =	swait.ge [sflag:s14], $0xA000  }
0xc7: {  	[sflag:s14] =	ssyncset.done $0x0  }
0xc8: {  	[sflag:s14] =	ssyncadd.s32 $0xFFFF6000  }
0xc9: {  	[hbm4b:s19+s3] =	stream.linear.scatter [tilespmem:s10], [sflag:$0x3], $0xA000, $0x38;
	[tilespmem:$0x18300] =	vst v63  }
0xca: {  	_ =	swait.ge [sflag:s4], $0xA000  }
0xcb: {  	[sflag:s4] =	ssyncset.done $0x0  }
0xcc: {  	[sflag:s4] =	ssyncadd.s32 $0xFFFF6000  }
0xcd: {  	[tilespmem:s9], [sflag:$0x3] =	stream.linear.gather [hbm4b:s20+s3], $0x140, $0x38;
	[tilespmem:$0x18300] =	vst v63  }
0xce: {  	_ =	swait.ge [sflag:s4], $0x140  }
0xcf: {  	[sflag:s4] =	ssyncset.done $0x0  }
0xd0: {  	[sflag:s4] =	ssyncadd.s32 $0xFFFFFEC0  }
0xd1: {  	[tilespmem:s10], [sflag:$0x2] =	stream.indirect.gather [spmem:s2], $0x80, s9, s7, $0xb8;
	[tilespmem:$0x18300] =	vst v63  }
0xd2: {  	_ =	swait.ge [sflag:s11], $0xA000  }
0xd3: {  	[sflag:s11] =	ssyncset.done $0x0  }
0xd4: {  	[sflag:s11] =	ssyncadd.s32 $0xFFFF6000  }
0xd5: {  	[hbm4b:s21+s3] =	stream.linear.scatter [tilespmem:s5], [sflag:$0x3], $0xA000, $0x38;
	[tilespmem:$0x18300] =	vst v63  }
0xd6: {  	_ =	swait.ge [sflag:s4], $0xA000  }
0xd7: {  	[sflag:s4] =	ssyncset.done $0x0  }
0xd8: {  	[sflag:s4] =	ssyncadd.s32 $0xFFFF6000  }
0xd9: {  	[tilespmem:s3], [sflag:$0x3] =	stream.linear.gather [hbm4b:s22+s3], $0x140, $0x38;
	[tilespmem:$0x18300] =	vst v63  }
0xda: {  	_ =	swait.ge [sflag:s4], $0x140  }
0xdb: {  	[sflag:s4] =	ssyncset.done $0x0  }
0xdc: {  	[sflag:s4] =	ssyncadd.s32 $0xFFFFFEC0  }
0xdd: {  	[tilespmem:s5], [sflag:$0x1] =	stream.indirect.gather [spmem:s2], $0x80, s3, s7, $0xb8;
	[tilespmem:$0x18300] =	vst v63  }
0xde: {  	_ =	swait.ge [sflag:s14], $0xA000  }
0xdf: {  	[sflag:s14] =	ssyncset.done $0x0  }
0xe0: {  	[sflag:s14] =	ssyncadd.s32 $0xFFFF6000  }
0xe1: {  	[hbm4b:s23+s3] =	stream.linear.scatter [tilespmem:s10], [sflag:$0x3], $0xA000, $0x38;
	[tilespmem:$0x18300] =	vst v63  }
0xe2: {  	_ =	swait.ge [sflag:s4], $0xA000  }
0xe3: {  	[sflag:s4] =	ssyncset.done $0x0  }
0xe4: {  	[sflag:s4] =	ssyncadd.s32 $0xFFFF6000  }
0xe5: {  	[tilespmem:s9], [sflag:$0x3] =	stream.linear.gather [hbm4b:s24+s3], $0x140, $0x38;
	[tilespmem:$0x18300] =	vst v63  }
0xe6: {  	_ =	swait.ge [sflag:s4], $0x140  }
0xe7: {  	[sflag:s4] =	ssyncset.done $0x0  }
0xe8: {  	[sflag:s4] =	ssyncadd.s32 $0xFFFFFEC0  }
0xe9: {  	[tilespmem:s10], [sflag:$0x2] =	stream.indirect.gather [spmem:s2], $0x80, s9, s7, $0xb8;
	[tilespmem:$0x18300] =	vst v63  }
0xea: {  	_ =	swait.ge [sflag:s11], $0xA000  }
0xeb: {  	[sflag:s11] =	ssyncset.done $0x0  }
0xec: {  	[sflag:s11] =	ssyncadd.s32 $0xFFFF6000  }
0xed: {  	[hbm4b:s25+s3] =	stream.linear.scatter [tilespmem:s5], [sflag:$0x3], $0xA000, $0x38;
	[tilespmem:$0x18300] =	vst v63  }
0xee: {  	_ =	swait.ge [sflag:s4], $0xA000  }
0xef: {  	[sflag:s4] =	ssyncset.done $0x0  }
0xf0: {  	[sflag:s4] =	ssyncadd.s32 $0xFFFF6000  }
0xf1: {  	[tilespmem:s3], [sflag:$0x3] =	stream.linear.gather [hbm4b:s26+s3], $0x140, $0x38;
	[tilespmem:$0x18300] =	vst v63  }
0xf2: {  	_ =	swait.ge [sflag:s4], $0x140  }
0xf3: {  	[sflag:s4] =	ssyncset.done $0x0  }
0xf4: {  	[sflag:s4] =	ssyncadd.s32 $0xFFFFFEC0  }
0xf5: {  	[tilespmem:s5], [sflag:$0x1] =	stream.indirect.gather [spmem:s2], $0x80, s3, s7, $0xb8;
	[tilespmem:$0x18300] =	vst v63  }
0xf6: {  	_ =	swait.ge [sflag:s14], $0xA000  }
0xf7: {  	[sflag:s14] =	ssyncset.done $0x0  }
0xf8: {  	[sflag:s14] =	ssyncadd.s32 $0xFFFF6000  }
0xf9: {  	[hbm4b:s28+s3] =	stream.linear.scatter [tilespmem:s10], [sflag:$0x3], $0xA000, $0x38;
	[tilespmem:$0x18300] =	vst v63  }
0xfa: {  	_ =	swait.ge [sflag:s4], $0xA000  }
0xfb: {  	[sflag:s4] =	ssyncset.done $0x0  }
0xfc: {  	[sflag:s4] =	ssyncadd.s32 $0xFFFF6000  }
0xfd: {  	[tilespmem:s9], [sflag:$0x3] =	stream.linear.gather [hbm4b:s29+s3], $0x140, $0x38;
	[tilespmem:$0x18300] =	vst v63  }
0xfe: {  	_ =	swait.ge [sflag:s4], $0x140  }
0xff: {  	[sflag:s4] =	ssyncset.done $0x0  }
0x100: {  	[sflag:s4] =	ssyncadd.s32 $0xFFFFFEC0  }
0x101: {  	[tilespmem:s10], [sflag:$0x2] =	stream.indirect.gather [spmem:s2], $0x80, s9, s7, $0xb8;
	[tilespmem:$0x18300] =	vst v63  }
0x102: {  	_ =	swait.ge [sflag:s11], $0xA000  }
0x103: {  	[sflag:s11] =	ssyncset.done $0x0  }
0x104: {  	[sflag:s11] =	ssyncadd.s32 $0xFFFF6000  }
0x105: {  	[hbm4b:s30+s3] =	stream.linear.scatter [tilespmem:s5], [sflag:$0x3], $0xA000, $0x38;
	[tilespmem:$0x18300] =	vst v63  }
0x106: {  	_ =	swait.ge [sflag:s4], $0xA000  }
0x107: {  	[sflag:s4] =	ssyncset.done $0x0  }
0x108: {  	p0 =	sne.s32 s0, $0x1;
	[sflag:s4] =	ssyncadd.s32 $0xFFFF6000  }
.Ltmp1:
0x109: {  	_ =	swait.ge [sflag:s14], $0xA000;
	(pc) =	sbr.rel @p0 .LBB2_1-.Ltmp1, $4  }
0x10a: {  	[sflag:s14] =	ssyncset.done $0x0  }
0x10b: {  	[sflag:s14] =	ssyncadd.s32 $0xFFFF6000  }
0x10c: {  	[hbm4b:s31+s3] =	stream.linear.scatter [tilespmem:s10], [sflag:$0x3], $0xA000, $0x38;
	[tilespmem:$0x18300] =	vst v63  }
0x10d: {  	s0 =	sadd.s32 $0xFFFFFFFF, s0;
	_ =	swait.ge [sflag:s4], $0xA000  }
.LBB2_2:
0x10e: {  	[sflag:s4] =	ssyncset.done $0x0  }
0x10f: {  	[sflag:s4] =	ssyncadd.s32 $0xFFFF6000  }
0x110: {  	_ =	sfence.sel $0x180000  }
0x111: {  	[bflag:$0x0] =	sbarrier.arrive $0xFFFF  }
0x112: {  	_ =	strace $0x9000004A  }
0x113: {  	s0 =	stileid.u32;
	[bflag:$0x2] =	sbarrier.arrive $0xFFFF  }
0x114: {  	p0 =	sne.s32 s0, $0x0;
	s0 =	rddreg [dreg:$0x2]  }
0x115: {  	s0 =	sadd.s32 @!p0 $0x100000, s0  }
0x116: {  	[sflag:s0] =	ssyncadd.tile.s32 @!p0 $0x1;
	_ =	shalt  }
.Lfunc_end2:
_tile_overlayer_lowered:
.L_overlay_start_2:
0x117: {  	(tag) =	ssettag $0x2  }
0x118: {  	s0 =	rddreg [dreg:$0x0];
	s2 =	stileid.u32  }
0x119: {  	s1 =	rddreg [dreg:$0x1];
	p0 =	sne.s32 s2, $0x0  }
0x11a: {  	s3 =	rddreg [dreg:$0x2];
	[bflag:$0x3] =	sbarrier.arrive $0xFFFF;
	s2 =	simm.s32 @!p0 $0x1C03  }
0x11b: {  	[timem:s3], [sflag:s2] =	dma.local @!p0 [hbm:s0], s1  }
0x11c: {  	s0 =	simm.s32 @!p0 $0x3  }
0x11d: {  	_ =	swait.ge @!p0 [sflag:s0], s1  }
0x11e: {  	s1 =	ssub.s32 @!p0 $0x0, s1;
	[sflag:s0] =	ssyncset.done @!p0 $0x0  }
0x11f: {  	[sflag:s0] =	ssyncadd.s32 @!p0 s1  }
0x120: {  	[bflag:$0x3] =	sbarrier.arrive $0xFFFF  }
0x121: {  	_ =	shalt  }

// kernel: kernel.7.cloned.1.call-start
scs
__scs_entry_jumppad:
0x0: {  	(pc) =	sbr.rel $0x88, $3  }
0x1: {  	(tag) =	ssettag $0x0;
	lr =	simm.s32 $0x1  }
0x2: {  	[smem:$0x3F87] =	sst lr;
	_ =	strace $0xD0000000  }
0x3: {  	_ = 	snop  }
0x4: {  	_ = 	snop  }
0x5: {  	_ = 	snop  }
0x6: {  	_ = 	snop  }
0x7: {  	_ = 	snop  }
__scs_overlays_trampoline_lowered:
0x8: {  	[smem:$0x3F96] =	sst s0  }
0x9: {  	[smem:$0x3F97] =	sst s1  }
0xa: {  	[smem:$0x3F98] =	sst s2  }
0xb: {  	[smem:$0x3F99] =	sst s3  }
0xc: {  	[smem:$0x3F9A] =	sst s4  }
0xd: {  	[smem:$0x3F9B] =	sst s5  }
0xe: {  	[smem:$0x3F9C] =	sst s6  }
0xf: {  	[smem:$0x3F9D] =	sst s7  }
0x10: {  	[smem:$0x3F9E] =	sst s8  }
0x11: {  	[smem:$0x3F9F] =	sst s9;
	s0 =	simm.s32 @!p0 $0x0  }
0x12: {  	s1 =	sld [smem:$0x3F85];
	s0 =	simm.s32 @p0 $0x1  }
0x13: {  	[smem:$0x3FA0] =	sst s0;
	s0 =	simm.s32 @!p1 $0x0  }
0x14: {  	s2 =	sld [smem:$0x3F84];
	s0 =	simm.s32 @p1 $0x1  }
0x15: {  	[smem:$0x3FA1] =	sst s0;
	s0 =	simm.s32 @!p2 $0x0  }
0x16: {  	s3 =	sld [smem:$0x3FDB];
	s0 =	simm.s32 @p2 $0x1  }
0x17: {  	s4 =	simm.s32 $0x1BF5;
	[smem:$0x3FA3] =	sst s0  }
0x18: {  	s0 =	sld [smem:$0x3F86];
	_ =	swait.ge [sflag:s4], $0x0  }
0x19: {  	s7 =	sld [smem:$0x3F87]  }
0x1a: {  	s8 =	sadd.s32 $0xFFFFE003, lr  }
0x1b: {  	s9 =	sadd.s32 $0xFFFFFEF7, lr;
	s5 =	simm.s32 $0xFFFFFFFF;
	p2 =	slt.u32 s8, $0xFFFFF086  }
0x1c: {  	p1 =	slt.u32 s9, $0xF7A;
	s5 =	simm.s32 @!p2 $0x0  }
0x1d: {  	s5 =	simm.s32 @p1 $0x1;
	p0 =	seq.s32 s7, s2  }
0x1e: {  	s7 =	smul.u32 @!p0 $0xF7A, s2;
	p2 =	seq.s32 @!p0 s5, $0x0  }
0x1f: {  	s9 =	smul.u32 $0xF7A, s1;
	s8 =	simm.s32 @!p0 $0x1BF5;
	p2 =	por !p2, p0  }
0x20: {  	[sflag:s8] =	ssyncset.s32 @!p0 $0xFFFFF086;
	s6 =	sadd.s32 @!p0 s3, s7;
	s7 =	simm.s32 @!p0 $0x108  }
0x21: {  	s3 =	sadd.s32 s3, s9;
	s6 =	sadd.s32 @!p0 $0x88, s6;
	s7 =	simm.s32 @p2 $0x1082  }
0x22: {  	[simem:s7], [sflag:s8] =	dma.local @!p0 [hbm:s6], $0xF7A  }
0x23: {  	s9 =	sor.u32 $0xD0000000, s2;
	s6 =	simm.s32 $0x108;
	_ =	swait.ge @!p0 [sflag:s8], $0x0  }
0x24: {  	s3 =	sadd.s32 $0x88, s3;
	s6 =	simm.s32 @!p1 $0x1082;
	[sflag:s4] =	ssyncset.s32 $0xFFFFF086  }
0x25: {  	[simem:s6], [sflag:s4] =	dma.local [hbm:s3], $0xF7A  }
0x26: {  	[smem:$0x3F87] =	sst s1;
	(tag) =	ssettag s2;
	_ =	strace s9  }
0x27: {  	s1 =	sld [smem:$0x3F97]  }
0x28: {  	s2 =	sld [smem:$0x3F98]  }
0x29: {  	s4 =	sld [smem:$0x3F9A]  }
0x2a: {  	p0 =	seq.s32 s5, $0x0;
	s5 =	sld [smem:$0x3F9B]  }
0x2b: {  	s6 =	sld [smem:$0x3F9C]  }
0x2c: {  	s7 =	sld [smem:$0x3F9D]  }
0x2d: {  	s3 =	simm.s32 $0x108;
	s8 =	sld [smem:$0x3F9E]  }
0x2e: {  	s3 =	simm.s32 @!p0 $0x1082;
	s9 =	sld [smem:$0x3F9F]  }
0x2f: {  	lr =	sadd.s32 s0, s3;
	s0 =	sld [smem:$0x3F96]  }
0x30: {  	s3 =	sld [smem:$0x3F99]  }
0x31: {  	[smem:$0x3FA2] =	sst s10  }
0x32: {  	s10 =	sld [smem:$0x3FA0];
	_ =	sdelay $0x3  }
0x33: {  	p0 =	seq.s32 s10, $0x1;
	s10 =	sld [smem:$0x3FA2];
	_ =	sdelay $0x3  }
0x34: {  	[smem:$0x3FA2] =	sst s10  }
0x35: {  	s10 =	sld [smem:$0x3FA1];
	_ =	sdelay $0x3  }
0x36: {  	p1 =	seq.s32 s10, $0x1;
	s10 =	sld [smem:$0x3FA2];
	_ =	sdelay $0x3  }
0x37: {  	[smem:$0x3FA2] =	sst s10  }
0x38: {  	s10 =	sld [smem:$0x3FA3]  }
0x39: {  	_ = 	snop;
	(pc) =	sbr.ind lr, $3  }
0x3a: {  	_ = 	snop  }
0x3b: {  	_ = 	snop  }
0x3c: {  	p2 =	seq.s32 s10, $0x1;
	s10 =	sld [smem:$0x3FA2]  }
0x3d: {  	_ =	shalt  }
0x3e: {  	_ =	shalt  }
0x3f: {  	_ =	shalt  }
0x40: {  	_ =	shalt  }
0x41: {  	_ =	shalt  }
0x42: {  	_ =	shalt  }
0x43: {  	_ =	shalt  }
0x44: {  	_ =	shalt  }
0x45: {  	_ =	shalt  }
0x46: {  	_ =	shalt  }
0x47: {  	_ =	shalt  }
0x48: {  	_ =	shalt  }
0x49: {  	_ =	shalt  }
0x4a: {  	_ =	shalt  }
0x4b: {  	_ =	shalt  }
0x4c: {  	_ =	shalt  }
0x4d: {  	_ =	shalt  }
0x4e: {  	_ =	shalt  }
0x4f: {  	_ =	shalt  }
0x50: {  	_ =	shalt  }
0x51: {  	_ =	shalt  }
0x52: {  	_ =	shalt  }
0x53: {  	_ =	shalt  }
0x54: {  	_ =	shalt  }
0x55: {  	_ =	shalt  }
0x56: {  	_ =	shalt  }
0x57: {  	_ =	shalt  }
0x58: {  	_ =	shalt  }
0x59: {  	_ =	shalt  }
0x5a: {  	_ =	shalt  }
0x5b: {  	_ =	shalt  }
0x5c: {  	_ =	shalt  }
0x5d: {  	_ =	shalt  }
0x5e: {  	_ =	shalt  }
0x5f: {  	_ =	shalt  }
0x60: {  	_ =	shalt  }
0x61: {  	_ =	shalt  }
0x62: {  	_ =	shalt  }
0x63: {  	_ =	shalt  }
0x64: {  	_ =	shalt  }
0x65: {  	_ =	shalt  }
0x66: {  	_ =	shalt  }
0x67: {  	_ =	shalt  }
0x68: {  	_ =	shalt  }
0x69: {  	_ =	shalt  }
0x6a: {  	_ =	shalt  }
0x6b: {  	_ =	shalt  }
0x6c: {  	_ =	shalt  }
0x6d: {  	_ =	shalt  }
0x6e: {  	_ =	shalt  }
0x6f: {  	_ =	shalt  }
0x70: {  	_ =	shalt  }
0x71: {  	_ =	shalt  }
0x72: {  	_ =	shalt  }
0x73: {  	_ =	shalt  }
0x74: {  	_ =	shalt  }
0x75: {  	_ =	shalt  }
0x76: {  	_ =	shalt  }
0x77: {  	_ =	shalt  }
0x78: {  	_ =	shalt  }
0x79: {  	_ =	shalt  }
0x7a: {  	_ =	shalt  }
0x7b: {  	_ =	shalt  }
0x7c: {  	_ =	shalt  }
0x7d: {  	_ =	shalt  }
0x7e: {  	_ =	shalt  }
0x7f: {  	_ =	shalt  }
0x80: {  	_ =	shalt  }
0x81: {  	_ =	shalt  }
0x82: {  	_ =	shalt  }
0x83: {  	_ =	shalt  }
0x84: {  	_ =	shalt  }
0x85: {  	_ =	shalt  }
0x86: {  	_ =	shalt  }
0x87: {  	_ =	shalt  }
.Lfunc_end0:
.L_simem_size_0:
called_computation_lowered:
.L_overlay_start_0:
0x88: {  	s2 =	sld [smem:$0x3FD9]  }
0x89: {  	s3 =	sld [smem:$0x3FFE];
	_ =	sdelay $0x1  }
0x8a: {  	s1 =	srdreg.scid  }
0x8b: {  	s0 =	sand.u32 $0x1, s1  }
0x8c: {  	s17 =	sshll.u32 s0, $0xA;
	s2 =	sadd.s32 s3, s2  }
0x8d: {  	s2 =	sadd.s32 s2, s17  }
0x8e: {  	[smem:$0x3FAE] =	sst s2  }
0x8f: {  	_ = 	snop  }
0x90: {  	s2 =	sld [smem:$0x3FC8]  }
0x91: {  	s18 =	sld [smem:$0x3FD0];
	(tm) =	ssettm $0x1  }
0x92: {  	s4 =	sld [smem:$0x3FFB];
	_ =	sdelay $0x3  }
0x93: {  	_ =	strace s4  }
0x94: {  	s4 =	sld [smem:$0x3FFC];
	_ =	sdelay $0x3  }
0x95: {  	_ =	strace s4  }
0x96: {  	s4 =	sld [smem:$0x3FFD];
	_ =	sdelay $0x3  }
0x97: {  	_ =	strace s4  }
0x98: {  	_ =	strace $0x8FFFFFFF  }
0x99: {  	s19 =	sld [smem:$0x3FDB];
	_ =	sdelay $0x1  }
0x9a: {  	s5 =	simm.s32 $_scs_section_size  }
0x9b: {  	s6 =	simm.s32 $_size__tile_overlayer_lowered;
	s7 =	simm.s32 $_tile_overlayer_lowered  }
0x9c: {  	s22 =	simm.s32 $0x1BFF;
	s21 =	sshll.u32 s7, $0x1;
	s4 =	sadd.s32 s5, s19  }
0x9d: {  	s8 =	simm.s32 $0x0;
	s20 =	sshll.u32 s6, $0x1;
	s6 =	sadd.s32 s21, s4  }
0x9e: {  	[timem:s8], [sflag:s22] =	dma.local [hbm:s6], s20  }
0x9f: {  	_ =	swait.ge [sflag:s22], s20  }
0xa0: {  	s5 =	ssub.s32 $0x0, s20;
	[sflag:s22] =	ssyncset.done $0x0  }
0xa1: {  	[sflag:s22] =	ssyncadd.s32 s5;
	_ =	sdelay $0x1  }
0xa2: {  	s23 =	simm.s32 $0x1B8B  }
0xa3: {  	_ =	swait.ge [sflag:s23], $0x1  }
0xa4: {  	[sflag:s23] =	ssyncset.done $0x0  }
0xa5: {  	s25 =	simm.s32 $0x1B8E;
	s24 =	sld [smem:$0x3FFE];
	[sflag:s23] =	ssyncadd.s32 $0xFFFFFFFF  }
0xa6: {  	s26 =	simm.s32 $execute0_lowered;
	[smem:$0x3FD2] =	sst s25  }
0xa7: {  	s6 =	sshll.u32 s26, $0x1;
	_ =	strace $0x80000046;
	[dreg:$0x1] =	wrdreg $0xFFFFFFFF  }
0xa8: {  	s28 =	simm.s32 $_size_execute0_lowered;
	s4 =	sadd.s32 s4, s6;
	[dreg:$0x0] =	wrdreg $0x0  }
0xa9: {  	s6 =	sshll.u32 s28, $0x1;
	[dreg:$0x2] =	wrdreg s4  }
0xaa: {  	[dreg:$0x3] =	wrdreg s6  }
0xab: {  	[dreg:$0x4] =	wrdreg $0xC0  }
0xac: {  	_ =	task [dreg:s8], $0x5FFFF  }
0xad: {  	[dreg:$0x1] =	wrdreg $0xFFFFFFFF  }
0xae: {  	[dreg:$0x0] =	wrdreg $0x60  }
0xaf: {  	[dreg:$0x2] =	wrdreg s24  }
0xb0: {  	[dreg:$0x3] =	wrdreg s2  }
0xb1: {  	[dreg:$0x4] =	wrdreg s18  }
0xb2: {  	[dreg:$0x5] =	wrdreg $0x82800  }
0xb3: {  	[dreg:$0x6] =	wrdreg $0x1E0800  }
0xb4: {  	[dreg:$0x7] =	wrdreg $0x9  }
0xb5: {  	_ =	task.clear_ibuf [dreg:s8], $0x8FFFF;
	_ =	strace $0x90000046  }
0xb6: {  	s29 =	simm.s32 $0x9;
	_ =	strace $0x80000048  }
0xb7: {  	_ =	swait.ge [sflag:s29], $0x1  }
0xb8: {  	[sflag:s29] =	ssyncadd.s32 $0xFFFFFFFF  }
0xb9: {  	_ =	strace $0x90000048  }
0xba: {  	_ =	sfence  }
0xbb: {  	s30 =	sld [smem:$0x0];
	_ =	sdelay $0x2  }
0xbc: {  	s31 =	sshll.u32 s1, $0xD;
	s1 =	sshrl.u32 s1, $0x2  }
0xbd: {  	s3 =	sand.u32 $0x4000, s31;
	s1 =	sadd.s32 s1, s30  }
0xbe: {  	s0 =	sor.u32 s3, s0;
	s1 =	sshll.u32 s1, $0x11  }
0xbf: {  	s0 =	sor.u32 s1, s0  }
0xc0: {  	s0 =	sadd.s32 $0x8F2B, s0  }
0xc1: {  	[sflag:s0] =	ssyncadd.remote.s32 $0x1  }
0xc2: {  	_ =	sfence.sel $0xFFFF  }
0xc3: {  	[dreg:$0x0] =	wrdreg $0xFFFFFFFF;
	(pc) =	sbr.abs _section_cstart, $3  }
0xc4: {  	[dreg:$0x1] =	wrdreg $0xFFFFFFFF  }
0xc5: {  	_ =	task.clear_ibuf [dreg:s8], $0x2FFFF;
	_ =	strace $0x9FFFFFFF  }
0xc6: {  	(tm) =	ssettm $0x7FFFFFFF  }
0xc7: {  	_ =	shalt  }
tec
execute0_lowered:
.L_overlay_start_1:
0x0: {  	(tag) =	ssettag $0x1  }
0x1: {  	s1 =	srdreg.scid;
	s0 =	rddreg [dreg:$0x0]  }
0x2: {  	s25 =	stileid.u32;
	s31 =	rddreg [dreg:$0x3]  }
0x3: {  	s1 =	sand.u32 $0x1, s1;
	s4 =	sadd.s32 $0x7600, s0;
	s6 =	sor.u32 $0x10, s25  }
0x4: {  	s5 =	sadd.s32 $0x2C600, s0;
	s7 =	sadd.s32 $0x19E00, s0;
	s11 =	sshll.u32 s6, $0x8  }
0x5: {  	s8 =	sshll.u32 s25, $0x8;
	s2 =	ssub.s32 $0x2, s1;
	s9 =	sadd.s32 s4, s11  }
0x6: {  	s19 =	sor.u32 $0x5000, s8;
	s10 =	sadd.s32 s5, s11;
	[dreg:$0x6] =	wrdreg s9  }
0x7: {  	s22 =	sor.u32 $0x6000, s8;
	s20 =	sadd.s32 s4, s19;
	[dreg:$0x7] =	wrdreg s10  }
0x8: {  	s3 =	sshrl.u32 s2, $0x1;
	s21 =	sadd.s32 s5, s19;
	[dreg:$0x12] =	wrdreg s20  }
0x9: {  	s23 =	sadd.s32 s4, s22;
	s24 =	sadd.s32 s5, s22;
	[dreg:$0x13] =	wrdreg s21  }
0xa: {  	s2 =	ssub.s32 s2, s3;
	s9 =	sor.u32 $0x20, s25;
	[dreg:$0x15] =	wrdreg s23  }
0xb: {  	s3 =	sadd.s32 s7, s11;
	[dreg:$0x16] =	wrdreg s24;
	s12 =	sshll.u32 s9, $0x8  }
0xc: {  	[dreg:$0x8] =	wrdreg s3;
	s13 =	sadd.s32 s4, s12  }
0xd: {  	s10 =	sor.u32 $0x30, s25;
	s14 =	sadd.s32 s5, s12;
	[dreg:$0x9] =	wrdreg s13  }
0xe: {  	s15 =	sshll.u32 s10, $0x8;
	s3 =	sadd.s32 s7, s12;
	[dreg:$0xa] =	wrdreg s14  }
0xf: {  	s11 =	sor.u32 $0x40, s25;
	s12 =	sadd.s32 s4, s15;
	[dreg:$0xb] =	wrdreg s3  }
0x10: {  	s17 =	sshll.u32 s11, $0x8;
	s16 =	sadd.s32 s5, s15;
	[dreg:$0xc] =	wrdreg s12  }
0x11: {  	s18 =	sadd.s32 s4, s17;
	[dreg:$0xd] =	wrdreg s16  }
0x12: {  	s3 =	sadd.s32 s7, s15;
	[dreg:$0xf] =	wrdreg s18  }
0x13: {  	s13 =	sadd.s32 s5, s17;
	[dreg:$0xe] =	wrdreg s3  }
0x14: {  	s26 =	sor.u32 $0x7000, s8;
	s12 =	sadd.s32 s7, s17;
	[dreg:$0x10] =	wrdreg s13  }
0x15: {  	s14 =	sadd.s32 s5, s26;
	[dreg:$0x11] =	wrdreg s12  }
0x16: {  	s15 =	sadd.s32 s7, s26;
	[dreg:$0x19] =	wrdreg s14  }
0x17: {  	s16 =	sadd.s32 s4, s8;
	s17 =	sadd.s32 s5, s8;
	[dreg:$0x1a] =	wrdreg s15  }
0x18: {  	s18 =	sadd.s32 s7, s8;
	s8 =	sor.u32 $0x8000, s8;
	[dreg:$0x1b] =	wrdreg s16  }
0x19: {  	s3 =	sadd.s32 s7, s19;
	s13 =	sadd.s32 s4, s26;
	[dreg:$0x1c] =	wrdreg s17  }
0x1a: {  	[dreg:$0x1d] =	wrdreg s18;
	s19 =	smin.u32 s25, $0x3;
	s21 =	sadd.s32 s4, s8  }
0x1b: {  	s26 =	smul.u32 $0x4A, s1;
	s15 =	smin.u32 s11, $0x49;
	[dreg:$0x14] =	wrdreg s3  }
0x1c: {  	s18 =	sadd.s32 $0x10A00, s0;
	s12 =	sadd.s32 $0x23200, s0;
	[dreg:$0x18] =	wrdreg s13  }
0x1d: {  	s3 =	sadd.s32 s7, s22;
	s20 =	sshll.u32 s19, $0x8;
	[dreg:$0x1e] =	wrdreg s21  }
0x1e: {  	s22 =	sadd.s32 s5, s8;
	s8 =	sadd.s32 s7, s8;
	[dreg:$0x17] =	wrdreg s3  }
0x1f: {  	s19 =	sadd.s32 $0x35A00, s0;
	s3 =	smul.u32 $0x1880, s25;
	[dreg:$0x1f] =	wrdreg s22  }
0x20: {  	[smem:$0x7D0] =	sst s8;
	s23 =	sor.u32 $0x9000, s20;
	s14 =	sadd.s32 s9, s26  }
0x21: {  	s16 =	sadd.s32 s10, s26;
	s10 =	rddreg [dreg:$0x2];
	s4 =	sadd.s32 s4, s23  }
0x22: {  	s17 =	sadd.s32 s25, s26;
	s5 =	sadd.s32 s5, s23;
	[smem:$0x7D1] =	sst s4  }
0x23: {  	s8 =	sadd.s32 s7, s23;
	s9 =	sshll.u32 s17, $0x8;
	[smem:$0x7D2] =	sst s5  }
0x24: {  	s13 =	sadd.s32 s6, s26;
	[smem:$0x7D3] =	sst s8;
	s21 =	sadd.s32 s18, s9  }
0x25: {  	s7 =	sadd.s32 s26, s15;
	s22 =	sadd.s32 s19, s9;
	[smem:$0x7D4] =	sst s21  }
0x26: {  	s20 =	sshll.u32 s13, $0x8;
	s23 =	sadd.s32 s12, s9;
	[smem:$0x7D5] =	sst s22  }
0x27: {  	s24 =	sshrl.u32 s3, $0x3;
	s26 =	sadd.s32 s19, s20;
	[smem:$0x7D6] =	sst s23  }
0x28: {  	s4 =	sadd.s32 s24, s0;
	s24 =	sadd.s32 s18, s20;
	[smem:$0x7D8] =	sst s26  }
0x29: {  	s5 =	sshll.u32 s14, $0x8;
	s0 =	sadd.s32 s12, s20;
	[smem:$0x7D7] =	sst s24  }
0x2a: {  	s28 =	simm.s32 $0xC00;
	s6 =	sadd.s32 s18, s5;
	[smem:$0x7D9] =	sst s0  }
0x2b: {  	s9 =	sshll.u32 s16, $0x8;
	s13 =	sadd.s32 s19, s5;
	[smem:$0x7DA] =	sst s6  }
0x2c: {  	s29 =	simm.s32 $0x1400;
	s14 =	sadd.s32 s18, s9;
	[smem:$0x7DB] =	sst s13  }
0x2d: {  	s30 =	simm.s32 $0x1C00;
	s15 =	sadd.s32 s19, s9;
	[smem:$0x7DD] =	sst s14  }
0x2e: {  	s17 =	sshll.u32 s7, $0x8;
	s16 =	sadd.s32 s12, s9;
	[smem:$0x7DE] =	sst s15  }
0x2f: {  	p0 =	sgt.u32 s25, $0x3;
	s18 =	sadd.s32 s18, s17;
	[smem:$0x7DF] =	sst s16  }
0x30: {  	p1 =	sgt.u32 s25, $0x9;
	s19 =	sadd.s32 s19, s17;
	[smem:$0x7E0] =	sst s18  }
0x31: {  	s0 =	sadd.s32 s12, s5;
	s5 =	smul.u32 $0x15E00, s25;
	[smem:$0x7E1] =	sst s19  }
0x32: {  	s6 =	sadd.s32 s12, s17;
	[smem:$0x7DC] =	sst s0;
	s0 =	smul.u32 $0x15E000, s1  }
0x33: {  	s15 =	simm.s32 $0x0;
	s4 =	sadd.s32 $0x4400, s4;
	[smem:$0x7E2] =	sst s6  }
0x34: {  	s25 =	simm.s32 $0x1;
	[smem:$0x7FF] =	sst s15;
	s20 =	sadd.s32 s5, s0  }
0x35: {  	s6 =	sadd.s32 $0x15E0, s5;
	s9 =	sadd.s32 $0x5780, s5;
	s7 =	sshrl.u32 s20, $0x3  }
0x36: {  	s21 =	sadd.s32 s0, s6;
	s26 =	sadd.s32 s0, s9;
	s7 =	sadd.s32 s10, s7  }
0x37: {  	s8 =	sshrl.u32 s21, $0x3;
	[smem:$0x7E3] =	sst s7;
	s7 =	sadd.s32 $0x2BC0, s5  }
0x38: {  	s22 =	sadd.s32 s10, s8;
	s8 =	sadd.s32 $0x41A0, s5;
	s23 =	sadd.s32 s0, s7  }
0x39: {  	s6 =	sadd.s32 s6, s31;
	s24 =	sadd.s32 s0, s8;
	s11 =	sshrl.u32 s23, $0x3  }
0x3a: {  	s9 =	sadd.s32 s9, s31;
	s12 =	sshrl.u32 s24, $0x3;
	s11 =	sadd.s32 s10, s11  }
0x3b: {  	s13 =	sshrl.u32 s26, $0x3;
	[smem:$0x7E5] =	sst s11;
	s11 =	sadd.s32 s10, s12  }
0x3c: {  	s14 =	sadd.s32 s10, s13;
	[smem:$0x7E6] =	sst s11;
	s11 =	sadd.s32 $0x6D60, s5  }
0x3d: {  	[smem:$0x7E7] =	sst s14;
	s12 =	sadd.s32 $0x8340, s5;
	s14 =	sadd.s32 s0, s11  }
0x3e: {  	s13 =	sadd.s32 $0x9920, s5;
	s16 =	sadd.s32 s0, s12;
	s14 =	sshrl.u32 s14, $0x3  }
0x3f: {  	s17 =	sadd.s32 s0, s13;
	s16 =	sshrl.u32 s16, $0x3;
	s14 =	sadd.s32 s10, s14  }
0x40: {  	s17 =	sshrl.u32 s17, $0x3;
	[smem:$0x7E8] =	sst s14;
	s14 =	sadd.s32 s10, s16  }
0x41: {  	s18 =	sadd.s32 s10, s17;
	[smem:$0x7E9] =	sst s14;
	s14 =	sadd.s32 $0xAF00, s5  }
0x42: {  	[smem:$0x7EA] =	sst s18;
	s16 =	sadd.s32 $0xC4E0, s5;
	s18 =	sadd.s32 s0, s14  }
0x43: {  	s17 =	sadd.s32 $0xDAC0, s5;
	s19 =	sadd.s32 s0, s16;
	s18 =	sshrl.u32 s18, $0x3  }
0x44: {  	s20 =	sadd.s32 s0, s17;
	s19 =	sshrl.u32 s19, $0x3;
	s18 =	sadd.s32 s10, s18  }
0x45: {  	s20 =	sshrl.u32 s20, $0x3;
	[smem:$0x7EB] =	sst s18;
	s18 =	sadd.s32 s10, s19  }
0x46: {  	s21 =	sadd.s32 s10, s20;
	[smem:$0x7EC] =	sst s18;
	s18 =	sadd.s32 $0xF0A0, s5  }
0x47: {  	[smem:$0x7ED] =	sst s21;
	s19 =	sadd.s32 $0x10680, s5;
	s21 =	sadd.s32 s0, s18  }
0x48: {  	[smem:$0x7E4] =	sst s22;
	s22 =	sadd.s32 s0, s19;
	s21 =	sshrl.u32 s21, $0x3  }
0x49: {  	s20 =	sadd.s32 $0x11C60, s5;
	s22 =	sshrl.u32 s22, $0x3;
	s21 =	sadd.s32 s10, s21  }
0x4a: {  	s23 =	sadd.s32 s0, s20;
	[smem:$0x7EE] =	sst s21;
	s21 =	sadd.s32 s10, s22  }
0x4b: {  	s23 =	sshrl.u32 s23, $0x3;
	[smem:$0x7EF] =	sst s21;
	s21 =	sadd.s32 $0x13240, s5  }
0x4c: {  	s24 =	sadd.s32 s10, s23;
	s22 =	sadd.s32 $0x14820, s5;
	s26 =	sadd.s32 s0, s21  }
0x4d: {  	[smem:$0x7F0] =	sst s24;
	s24 =	sadd.s32 s0, s22;
	s23 =	sshrl.u32 s26, $0x3  }
0x4e: {  	s0 =	rddreg [dreg:$0x4];
	s24 =	sshrl.u32 s24, $0x3;
	s23 =	sadd.s32 s10, s23  }
0x4f: {  	s26 =	sadd.s32 s11, s31;
	s10 =	sadd.s32 s10, s24;
	[smem:$0x7F1] =	sst s23  }
0x50: {  	s11 =	sadd.s32 s16, s31;
	s16 =	sadd.s32 s19, s31;
	[smem:$0x7F2] =	sst s10  }
0x51: {  	s23 =	sadd.s32 s7, s31;
	_ =	strace $0x80000047;
	[smem:$0x7F3] =	sst s6  }
0x52: {  	s19 =	sadd.s32 s22, s31;
	s24 =	sadd.s32 s8, s31;
	[smem:$0x7F4] =	sst s23  }
0x53: {  	s3 =	sadd.s32 s3, s0;
	s22 =	simm.s32 $0x3C00;
	[smem:$0x7F5] =	sst s24  }
0x54: {  	s8 =	sadd.s32 s14, s31;
	s7 =	sadd.s32 s13, s31;
	[smem:$0x7F6] =	sst s26  }
0x55: {  	s14 =	sadd.s32 s18, s31;
	s18 =	sadd.s32 s21, s31;
	[smem:$0x7F8] =	sst s7  }
0x56: {  	s21 =	simm.s32 $0x3400;
	s10 =	sadd.s32 s5, s31;
	[smem:$0x7F9] =	sst s8  }
0x57: {  	s13 =	sadd.s32 s17, s31;
	s17 =	sadd.s32 s20, s31;
	[smem:$0x7FA] =	sst s11  }
0x58: {  	s20 =	simm.s32 $0x800;
	s5 =	simm.s32 $0x2;
	[smem:$0x7FB] =	sst s4  }
.Ltmp0:
0x59: {  	s6 =	sadd.s32 s12, s31;
	[smem:$0x7FC] =	sst s3;
	(pc) =	sbr.rel .LBB2_1-.Ltmp0, $4  }
0x5a: {  	s12 =	smul.u32 $0x1F4, s1;
	s26 =	smax.u32 s2, $0x1;
	s23 =	simm.s32 $0x5400  }
0x5b: {  	s24 =	simm.s32 $0x3;
	s1 =	simm.s32 $0x2400;
	s2 =	simm.s32 $0x2C00  }
0x5c: {  	s3 =	simm.s32 $0x4400;
	s4 =	simm.s32 $0x4C00;
	[smem:$0x7F7] =	sst s6  }
0x5d: {  	v1 =	vimm.f32 $0.0e+00;
	v2 =	vimm.f32 $1.000000000e+00;
	[smem:$0x7FD] =	sst s26;
	s26 =	simm.s32 $0x400;
	s6 =	simm.s32 $0x0;
	v0 =	vmov s12  }
.LBB2_38:
0x5e: {  	v5 =	vld [tilespmem:s8+$0x400];
	_ =	sdelay $0x4  }
0x5f: {  	v3 =	vadd.s32 v4, v3  }
0x60: {  	v3 =	vadd.s32 $0xFB000, v3  }
0x61: {  	v62 =	vld [tilespmem:s8+$0xC00];
	[tilespmem:s7+$0x3C00] =	vst v3  }
0x62: {  	v3 =	vld.idx.msk [tilespmem:v5+s15+$0x0], $0xffff;
	_ =	sdelay $0x3  }
0x63: {  	v4 =	vshll.u32 v62, $0x2  }
0x64: {  	v63 =	vadd.s32 $0xFB002, v4;
	v3 =	vadd.s32 v3, v4  }
0x65: {  	[tilespmem:s8+$0x4400] =	vst v63;
	v3 =	vadd.s32 $0xFB000, v3  }
0x66: {  	[tilespmem:s8+$0x3C00] =	vst v3  }
0x67: {  	[spmem:s31] =	stream.indirect.scatter.add.f32 [tilespmem:s29], [sflag:$0x3], $0x1, s22, s20, $0xb8;
	[tilespmem:$0x1F900] =	vst v63  }
0x68: {  	_ =	swait.ge [sflag:s24], $0x800  }
0x69: {  	[sflag:s24] =	ssyncset.done $0x0  }
0x6a: {  	[sflag:s24] =	ssyncadd.s32 $0xFFFFF800  }
0x6b: {  	[spmem:s31] =	stream.indirect.scatter.add.f32 [tilespmem:s4], [sflag:$0x3], $0x1, s3, s20, $0xb8;
	[tilespmem:$0x1F900] =	vst v63  }
0x6c: {  	_ =	swait.ge [sflag:s24], $0x800  }
0x6d: {  	[sflag:s24] =	ssyncset.done $0x0  }
0x6e: {  	[sflag:s24] =	ssyncadd.s32 $0xFFFFF800  }
.LBB2_39:
0x6f: {  	[bflag:$0x0] =	sbarrier.arrive $0xFFFF  }
0x70: {  	[tilespmem:s23], [sflag:$0x3] =	stream.linear.gather [spmem:s10], $0x15E0, $0x38;
	[tilespmem:$0x1F900] =	vst v63  }
0x71: {  	_ =	swait.ge [sflag:s24], $0x15E0  }
0x72: {  	s7 =	sld [smem:$0x7E3]  }
0x73: {  	[sflag:s24] =	ssyncset.done $0x0  }
0x74: {  	[sflag:s24] =	ssyncadd.s32 $0xFFFFEA20  }
0x75: {  	[hbm4b:s7+s15] =	stream.linear.scatter [tilespmem:s23], [sflag:$0x3], $0x15E0, $0x38;
	[tilespmem:$0x1F900] =	vst v63  }
0x76: {  	_ =	swait.ge [sflag:s24], $0x15E0  }
0x77: {  	s8 =	sld [smem:$0x7F3]  }
0x78: {  	[sflag:s24] =	ssyncset.done $0x0  }
0x79: {  	[sflag:s24] =	ssyncadd.s32 $0xFFFFEA20  }
0x7a: {  	[tilespmem:s23], [sflag:$0x3] =	stream.linear.gather [spmem:s8], $0x15E0, $0x38;
	[tilespmem:$0x1F900] =	vst v63  }
0x7b: {  	_ =	swait.ge [sflag:s24], $0x15E0  }
0x7c: {  	s9 =	sld [smem:$0x7E4]  }
0x7d: {  	[sflag:s24] =	ssyncset.done $0x0  }
0x7e: {  	[sflag:s24] =	ssyncadd.s32 $0xFFFFEA20  }
0x7f: {  	[hbm4b:s9+s15] =	stream.linear.scatter [tilespmem:s23], [sflag:$0x3], $0x15E0, $0x38;
	[tilespmem:$0x1F900] =	vst v63  }
0x80: {  	_ =	swait.ge [sflag:s24], $0x15E0  }
0x81: {  	s11 =	sld [smem:$0x7F4]  }
0x82: {  	[sflag:s24] =	ssyncset.done $0x0  }
0x83: {  	[sflag:s24] =	ssyncadd.s32 $0xFFFFEA20  }
0x84: {  	[tilespmem:s23], [sflag:$0x3] =	stream.linear.gather [spmem:s11], $0x15E0, $0x38;
	[tilespmem:$0x1F900] =	vst v63  }
0x85: {  	_ =	swait.ge [sflag:s24], $0x15E0  }
0x86: {  	s8 =	sld [smem:$0x7E5]  }
0x87: {  	[sflag:s24] =	ssyncset.done $0x0  }
0x88: {  	[sflag:s24] =	ssyncadd.s32 $0xFFFFEA20  }
0x89: {  	[hbm4b:s8+s15] =	stream.linear.scatter [tilespmem:s23], [sflag:$0x3], $0x15E0, $0x38;
	[tilespmem:$0x1F900] =	vst v63  }
0x8a: {  	_ =	swait.ge [sflag:s24], $0x15E0  }
0x8b: {  	s9 =	sld [smem:$0x7F5]  }
0x8c: {  	[sflag:s24] =	ssyncset.done $0x0  }
0x8d: {  	[sflag:s24] =	ssyncadd.s32 $0xFFFFEA20  }
0x8e: {  	[tilespmem:s23], [sflag:$0x3] =	stream.linear.gather [spmem:s9], $0x15E0, $0x38;
	[tilespmem:$0x1F900] =	vst v63  }
0x8f: {  	_ =	swait.ge [sflag:s24], $0x15E0  }
0x90: {  	s11 =	sld [smem:$0x7E6]  }
0x91: {  	[sflag:s24] =	ssyncset.done $0x0  }
0x92: {  	[sflag:s24] =	ssyncadd.s32 $0xFFFFEA20  }
0x93: {  	[hbm4b:s11+s15] =	stream.linear.scatter [tilespmem:s23], [sflag:$0x3], $0x15E0, $0x38;
	[tilespmem:$0x1F900] =	vst v63  }
0x94: {  	_ =	swait.ge [sflag:s24], $0x15E0  }
0x95: {  	[sflag:s24] =	ssyncset.done $0x0  }
0x96: {  	[sflag:s24] =	ssyncadd.s32 $0xFFFFEA20  }
0x97: {  	[tilespmem:s23], [sflag:$0x3] =	stream.linear.gather [spmem:s12], $0x15E0, $0x38;
	[tilespmem:$0x1F900] =	vst v63  }
0x98: {  	_ =	swait.ge [sflag:s24], $0x15E0  }
0x99: {  	s8 =	sld [smem:$0x7E7]  }
0x9a: {  	[sflag:s24] =	ssyncset.done $0x0  }
0x9b: {  	[sflag:s24] =	ssyncadd.s32 $0xFFFFEA20  }
0x9c: {  	[hbm4b:s8+s15] =	stream.linear.scatter [tilespmem:s23], [sflag:$0x3], $0x15E0, $0x38;
	[tilespmem:$0x1F900] =	vst v63  }
0x9d: {  	_ =	swait.ge [sflag:s24], $0x15E0  }
0x9e: {  	s11 =	sld [smem:$0x7F6]  }
0x9f: {  	[sflag:s24] =	ssyncset.done $0x0  }
0xa0: {  	[sflag:s24] =	ssyncadd.s32 $0xFFFFEA20  }
0xa1: {  	[tilespmem:s23], [sflag:$0x3] =	stream.linear.gather [spmem:s11], $0x15E0, $0x38;
	[tilespmem:$0x1F900] =	vst v63  }
0xa2: {  	_ =	swait.ge [sflag:s24], $0x15E0  }
0xa3: {  	s9 =	smov.u32 s12;
	s12 =	sld [smem:$0x7E8]  }
0xa4: {  	[sflag:s24] =	ssyncset.done $0x0  }
0xa5: {  	[sflag:s24] =	ssyncadd.s32 $0xFFFFEA20  }
0xa6: {  	[hbm4b:s12+s15] =	stream.linear.scatter [tilespmem:s23], [sflag:$0x3], $0x15E0, $0x38;
	[tilespmem:$0x1F900] =	vst v63  }
0xa7: {  	_ =	swait.ge [sflag:s24], $0x15E0  }
0xa8: {  	s8 =	sld [smem:$0x7F7]  }
0xa9: {  	[sflag:s24] =	ssyncset.done $0x0  }
0xaa: {  	[sflag:s24] =	ssyncadd.s32 $0xFFFFEA20  }
0xab: {  	[tilespmem:s23], [sflag:$0x3] =	stream.linear.gather [spmem:s8], $0x15E0, $0x38;
	[tilespmem:$0x1F900] =	vst v63  }
0xac: {  	_ =	swait.ge [sflag:s24], $0x15E0  }
0xad: {  	s11 =	sld [smem:$0x7E9]  }
0xae: {  	[sflag:s24] =	ssyncset.done $0x0  }
0xaf: {  	[sflag:s24] =	ssyncadd.s32 $0xFFFFEA20  }
0xb0: {  	[hbm4b:s11+s15] =	stream.linear.scatter [tilespmem:s23], [sflag:$0x3], $0x15E0, $0x38;
	[tilespmem:$0x1F900] =	vst v63  }
0xb1: {  	_ =	swait.ge [sflag:s24], $0x15E0  }
0xb2: {  	s12 =	sld [smem:$0x7F8]  }
0xb3: {  	[sflag:s24] =	ssyncset.done $0x0  }
0xb4: {  	[sflag:s24] =	ssyncadd.s32 $0xFFFFEA20  }
0xb5: {  	[tilespmem:s23], [sflag:$0x3] =	stream.linear.gather [spmem:s12], $0x15E0, $0x38;
	[tilespmem:$0x1F900] =	vst v63  }
0xb6: {  	_ =	swait.ge [sflag:s24], $0x15E0  }
0xb7: {  	s8 =	sld [smem:$0x7EA]  }
0xb8: {  	[sflag:s24] =	ssyncset.done $0x0  }
0xb9: {  	[sflag:s24] =	ssyncadd.s32 $0xFFFFEA20  }
0xba: {  	[hbm4b:s8+s15] =	stream.linear.scatter [tilespmem:s23], [sflag:$0x3], $0x15E0, $0x38;
	[tilespmem:$0x1F900] =	vst v63  }
0xbb: {  	_ =	swait.ge [sflag:s24], $0x15E0  }
0xbc: {  	s11 =	sld [smem:$0x7F9]  }
0xbd: {  	[sflag:s24] =	ssyncset.done $0x0  }
0xbe: {  	[sflag:s24] =	ssyncadd.s32 $0xFFFFEA20  }
0xbf: {  	[tilespmem:s23], [sflag:$0x3] =	stream.linear.gather [spmem:s11], $0x15E0, $0x38;
	[tilespmem:$0x1F900] =	vst v63  }
0xc0: {  	_ =	swait.ge [sflag:s24], $0x15E0  }
0xc1: {  	s12 =	sld [smem:$0x7EB]  }
0xc2: {  	[sflag:s24] =	ssyncset.done $0x0  }
0xc3: {  	[sflag:s24] =	ssyncadd.s32 $0xFFFFEA20  }
0xc4: {  	[hbm4b:s12+s15] =	stream.linear.scatter [tilespmem:s23], [sflag:$0x3], $0x15E0, $0x38;
	[tilespmem:$0x1F900] =	vst v63  }
0xc5: {  	_ =	swait.ge [sflag:s24], $0x15E0  }
0xc6: {  	s8 =	sld [smem:$0x7FA]  }
0xc7: {  	[sflag:s24] =	ssyncset.done $0x0  }
0xc8: {  	[sflag:s24] =	ssyncadd.s32 $0xFFFFEA20  }
0xc9: {  	[tilespmem:s23], [sflag:$0x3] =	stream.linear.gather [spmem:s8], $0x15E0, $0x38;
	[tilespmem:$0x1F900] =	vst v63  }
0xca: {  	_ =	swait.ge [sflag:s24], $0x15E0  }
0xcb: {  	s11 =	sld [smem:$0x7EC]  }
0xcc: {  	[sflag:s24] =	ssyncset.done $0x0  }
0xcd: {  	[sflag:s24] =	ssyncadd.s32 $0xFFFFEA20  }
0xce: {  	[hbm4b:s11+s15] =	stream.linear.scatter [tilespmem:s23], [sflag:$0x3], $0x15E0, $0x38;
	[tilespmem:$0x1F900] =	vst v63  }
0xcf: {  	_ =	swait.ge [sflag:s24], $0x15E0  }
0xd0: {  	[sflag:s24] =	ssyncset.done $0x0  }
0xd1: {  	[sflag:s24] =	ssyncadd.s32 $0xFFFFEA20  }
0xd2: {  	[tilespmem:s23], [sflag:$0x3] =	stream.linear.gather [spmem:s13], $0x15E0, $0x38;
	[tilespmem:$0x1F900] =	vst v63  }
0xd3: {  	_ =	swait.ge [sflag:s24], $0x15E0  }
0xd4: {  	s12 =	sld [smem:$0x7ED]  }
0xd5: {  	[sflag:s24] =	ssyncset.done $0x0  }
0xd6: {  	[sflag:s24] =	ssyncadd.s32 $0xFFFFEA20  }
0xd7: {  	[hbm4b:s12+s15] =	stream.linear.scatter [tilespmem:s23], [sflag:$0x3], $0x15E0, $0x38;
	[tilespmem:$0x1F900] =	vst v63  }
0xd8: {  	_ =	swait.ge [sflag:s24], $0x15E0  }
0xd9: {  	[sflag:s24] =	ssyncset.done $0x0  }
0xda: {  	[sflag:s24] =	ssyncadd.s32 $0xFFFFEA20  }
0xdb: {  	[tilespmem:s23], [sflag:$0x3] =	stream.linear.gather [spmem:s14], $0x15E0, $0x38;
	[tilespmem:$0x1F900] =	vst v63  }
0xdc: {  	_ =	swait.ge [sflag:s24], $0x15E0  }
0xdd: {  	s8 =	sld [smem:$0x7EE]  }
0xde: {  	[sflag:s24] =	ssyncset.done $0x0  }
0xdf: {  	[sflag:s24] =	ssyncadd.s32 $0xFFFFEA20  }
0xe0: {  	[hbm4b:s8+s15] =	stream.linear.scatter [tilespmem:s23], [sflag:$0x3], $0x15E0, $0x38;
	[tilespmem:$0x1F900] =	vst v63  }
0xe1: {  	_ =	swait.ge [sflag:s24], $0x15E0  }
0xe2: {  	[sflag:s24] =	ssyncset.done $0x0  }
0xe3: {  	[sflag:s24] =	ssyncadd.s32 $0xFFFFEA20  }
0xe4: {  	[tilespmem:s23], [sflag:$0x3] =	stream.linear.gather [spmem:s16], $0x15E0, $0x38;
	[tilespmem:$0x1F900] =	vst v63  }
0xe5: {  	_ =	swait.ge [sflag:s24], $0x15E0  }
0xe6: {  	s11 =	sld [smem:$0x7EF]  }
0xe7: {  	[sflag:s24] =	ssyncset.done $0x0  }
0xe8: {  	[sflag:s24] =	ssyncadd.s32 $0xFFFFEA20  }
0xe9: {  	[hbm4b:s11+s15] =	stream.linear.scatter [tilespmem:s23], [sflag:$0x3], $0x15E0, $0x38;
	[tilespmem:$0x1F900] =	vst v63  }
0xea: {  	_ =	swait.ge [sflag:s24], $0x15E0  }
0xeb: {  	[sflag:s24] =	ssyncset.done $0x0  }
0xec: {  	[sflag:s24] =	ssyncadd.s32 $0xFFFFEA20  }
0xed: {  	[tilespmem:s23], [sflag:$0x3] =	stream.linear.gather [spmem:s17], $0x15E0, $0x38;
	[tilespmem:$0x1F900] =	vst v63  }
0xee: {  	_ =	swait.ge [sflag:s24], $0x15E0  }
0xef: {  	s12 =	sld [smem:$0x7F0]  }
0xf0: {  	[sflag:s24] =	ssyncset.done $0x0  }
0xf1: {  	[sflag:s24] =	ssyncadd.s32 $0xFFFFEA20  }
0xf2: {  	[hbm4b:s12+s15] =	stream.linear.scatter [tilespmem:s23], [sflag:$0x3], $0x15E0, $0x38;
	[tilespmem:$0x1F900] =	vst v63  }
0xf3: {  	_ =	swait.ge [sflag:s24], $0x15E0  }
0xf4: {  	[sflag:s24] =	ssyncset.done $0x0  }
0xf5: {  	[sflag:s24] =	ssyncadd.s32 $0xFFFFEA20  }
0xf6: {  	[tilespmem:s23], [sflag:$0x3] =	stream.linear.gather [spmem:s18], $0x15E0, $0x38;
	[tilespmem:$0x1F900] =	vst v63  }
0xf7: {  	_ =	swait.ge [sflag:s24], $0x15E0  }
0xf8: {  	s8 =	sld [smem:$0x7F1]  }
0xf9: {  	[sflag:s24] =	ssyncset.done $0x0  }
0xfa: {  	[sflag:s24] =	ssyncadd.s32 $0xFFFFEA20  }
0xfb: {  	[hbm4b:s8+s15] =	stream.linear.scatter [tilespmem:s23], [sflag:$0x3], $0x15E0, $0x38;
	[tilespmem:$0x1F900] =	vst v63  }
0xfc: {  	_ =	swait.ge [sflag:s24], $0x15E0  }
0xfd: {  	[sflag:s24] =	ssyncset.done $0x0  }
0xfe: {  	[sflag:s24] =	ssyncadd.s32 $0xFFFFEA20  }
0xff: {  	[tilespmem:s23], [sflag:$0x3] =	stream.linear.gather [spmem:s19], $0x15E0, $0x38;
	[tilespmem:$0x1F900] =	vst v63  }
0x100: {  	_ =	swait.ge [sflag:s24], $0x15E0  }
0x101: {  	s11 =	sld [smem:$0x7F2]  }
0x102: {  	[sflag:s24] =	ssyncset.done $0x0  }
0x103: {  	[sflag:s24] =	ssyncadd.s32 $0xFFFFEA20  }
0x104: {  	[hbm4b:s11+s15] =	stream.linear.scatter [tilespmem:s23], [sflag:$0x3], $0x15E0, $0x38;
	[tilespmem:$0x1F900] =	vst v63  }
0x105: {  	_ =	swait.ge [sflag:s24], $0x15E0  }
0x106: {  	s12 =	sld [smem:$0x7FD];
	_ =	sdelay $0x1  }
0x107: {  	s6 =	sadd.s32 $0x1, s6  }
0x108: {  	p2 =	sne.s32 s6, s12  }
.Ltmp1:
0x109: {  	_ = 	snop;
	(pc) =	sbr.rel @!p2 .LBB2_40-.Ltmp1, $3  }
0x10a: {  	_ =	sdelay $0x1  }
0x10b: {  	[sflag:s24] =	ssyncset.done $0x0  }
0x10c: {  	[sflag:s24] =	ssyncadd.s32 $0xFFFFEA20  }
.LBB2_1:
0x10d: {  	s7 =	simm.s32 $0x0  }
.LBB2_2:
0x10e: {  	p2 =	sne.s32 s7, $0x5740  }
.Ltmp2:
0x10f: {  	_ = 	snop;
	(pc) =	sbr.rel @p2 .LBB2_2-.Ltmp2, $3  }
0x110: {  	_ =	sdelay $0x1  }
0x111: {  	s8 =	sshra.s32 s7, $0x2  }
0x112: {  	s7 =	sadd.s32 $0x40, s7;
	[tilespmem:s8+$0x5400] =	vst v1  }
0x113: {  	s7 =	simm.s32 $0x40;
	s8 =	simm.s32 $0x0  }
.LBB2_4:
0x114: {  	p2 =	sne.s32 s7, $0x1FC0;
	[tilespmem:s8+$0x4C00] =	vst v2;
	s8 =	smov.u32 s7;
	s7 =	sadd.s32 $0x40, s7  }
.Ltmp3:
0x115: {  	(pc) =	sbr.rel @p2 .LBB2_4-.Ltmp3, $2  }
0x116: {  	_ =	sdelay $0x2  }
0x117: {  	s8 =	sshra.s32 s8, $0x2  }
0x118: {  	[tilespmem:s8+$0x4C00] =	vst v2  }
0x119: {  	[spmem:s10] =	stream.linear.scatter [tilespmem:s23], [sflag:$0x3], $0x15E0, $0x38;
	[tilespmem:$0x1F900] =	vst v63  }
0x11a: {  	_ =	swait.ge [sflag:s24], $0x15E0  }
0x11b: {  	s7 =	sld [smem:$0x7F3]  }
0x11c: {  	[sflag:s24] =	ssyncset.done $0x0  }
0x11d: {  	[sflag:s24] =	ssyncadd.s32 $0xFFFFEA20  }
0x11e: {  	[spmem:s7] =	stream.linear.scatter [tilespmem:s23], [sflag:$0x3], $0x15E0, $0x38;
	[tilespmem:$0x1F900] =	vst v63  }
0x11f: {  	_ =	swait.ge [sflag:s24], $0x15E0  }
0x120: {  	s11 =	smov.u32 s10;
	s10 =	sld [smem:$0x7F4]  }
0x121: {  	[sflag:s24] =	ssyncset.done $0x0  }
0x122: {  	[sflag:s24] =	ssyncadd.s32 $0xFFFFEA20  }
0x123: {  	[spmem:s10] =	stream.linear.scatter [tilespmem:s23], [sflag:$0x3], $0x15E0, $0x38;
	[tilespmem:$0x1F900] =	vst v63  }
0x124: {  	_ =	swait.ge [sflag:s24], $0x15E0  }
0x125: {  	s12 =	sld [smem:$0x7F5]  }
0x126: {  	[sflag:s24] =	ssyncset.done $0x0  }
0x127: {  	[sflag:s24] =	ssyncadd.s32 $0xFFFFEA20  }
0x128: {  	[spmem:s12] =	stream.linear.scatter [tilespmem:s23], [sflag:$0x3], $0x15E0, $0x38;
	[tilespmem:$0x1F900] =	vst v63  }
0x129: {  	_ =	swait.ge [sflag:s24], $0x15E0  }
0x12a: {  	[sflag:s24] =	ssyncset.done $0x0  }
0x12b: {  	[sflag:s24] =	ssyncadd.s32 $0xFFFFEA20  }
0x12c: {  	[spmem:s9] =	stream.linear.scatter [tilespmem:s23], [sflag:$0x3], $0x15E0, $0x38;
	[tilespmem:$0x1F900] =	vst v63  }
0x12d: {  	_ =	swait.ge [sflag:s24], $0x15E0  }
0x12e: {  	s8 =	sld [smem:$0x7F6]  }
0x12f: {  	[sflag:s24] =	ssyncset.done $0x0  }
0x130: {  	[sflag:s24] =	ssyncadd.s32 $0xFFFFEA20  }
0x131: {  	[spmem:s8] =	stream.linear.scatter [tilespmem:s23], [sflag:$0x3], $0x15E0, $0x38;
	[tilespmem:$0x1F900] =	vst v63  }
0x132: {  	_ =	swait.ge [sflag:s24], $0x15E0  }
0x133: {  	s12 =	smov.u32 s9;
	s9 =	sld [smem:$0x7F7]  }
0x134: {  	[sflag:s24] =	ssyncset.done $0x0  }
0x135: {  	[sflag:s24] =	ssyncadd.s32 $0xFFFFEA20  }
0x136: {  	[spmem:s9] =	stream.linear.scatter [tilespmem:s23], [sflag:$0x3], $0x15E0, $0x38;
	[tilespmem:$0x1F900] =	vst v63  }
0x137: {  	_ =	swait.ge [sflag:s24], $0x15E0  }
0x138: {  	s10 =	sld [smem:$0x7F8]  }
0x139: {  	[sflag:s24] =	ssyncset.done $0x0  }
0x13a: {  	[sflag:s24] =	ssyncadd.s32 $0xFFFFEA20  }
0x13b: {  	[spmem:s10] =	stream.linear.scatter [tilespmem:s23], [sflag:$0x3], $0x15E0, $0x38;
	[tilespmem:$0x1F900] =	vst v63  }
0x13c: {  	_ =	swait.ge [sflag:s24], $0x15E0  }
0x13d: {  	s8 =	sld [smem:$0x7F9]  }
0x13e: {  	[sflag:s24] =	ssyncset.done $0x0  }
0x13f: {  	[sflag:s24] =	ssyncadd.s32 $0xFFFFEA20  }
0x140: {  	[spmem:s8] =	stream.linear.scatter [tilespmem:s23], [sflag:$0x3], $0x15E0, $0x38;
	[tilespmem:$0x1F900] =	vst v63  }
0x141: {  	_ =	swait.ge [sflag:s24], $0x15E0  }
0x142: {  	s9 =	sld [smem:$0x7FA]  }
0x143: {  	[sflag:s24] =	ssyncset.done $0x0  }
0x144: {  	[sflag:s24] =	ssyncadd.s32 $0xFFFFEA20  }
0x145: {  	[spmem:s9] =	stream.linear.scatter [tilespmem:s23], [sflag:$0x3], $0x15E0, $0x38;
	[tilespmem:$0x1F900] =	vst v63  }
0x146: {  	_ =	swait.ge [sflag:s24], $0x15E0  }
0x147: {  	[sflag:s24] =	ssyncset.done $0x0  }
0x148: {  	[sflag:s24] =	ssyncadd.s32 $0xFFFFEA20  }
0x149: {  	[spmem:s13] =	stream.linear.scatter [tilespmem:s23], [sflag:$0x3], $0x15E0, $0x38;
	[tilespmem:$0x1F900] =	vst v63  }
0x14a: {  	_ =	swait.ge [sflag:s24], $0x15E0  }
0x14b: {  	[sflag:s24] =	ssyncset.done $0x0  }
0x14c: {  	[sflag:s24] =	ssyncadd.s32 $0xFFFFEA20  }
0x14d: {  	[spmem:s14] =	stream.linear.scatter [tilespmem:s23], [sflag:$0x3], $0x15E0, $0x38;
	[tilespmem:$0x1F900] =	vst v63  }
0x14e: {  	_ =	swait.ge [sflag:s24], $0x15E0  }
0x14f: {  	[sflag:s24] =	ssyncset.done $0x0  }
0x150: {  	[sflag:s24] =	ssyncadd.s32 $0xFFFFEA20  }
0x151: {  	[spmem:s16] =	stream.linear.scatter [tilespmem:s23], [sflag:$0x3], $0x15E0, $0x38;
	[tilespmem:$0x1F900] =	vst v63  }
0x152: {  	_ =	swait.ge [sflag:s24], $0x15E0  }
0x153: {  	[sflag:s24] =	ssyncset.done $0x0  }
0x154: {  	[sflag:s24] =	ssyncadd.s32 $0xFFFFEA20  }
0x155: {  	[spmem:s17] =	stream.linear.scatter [tilespmem:s23], [sflag:$0x3], $0x15E0, $0x38;
	[tilespmem:$0x1F900] =	vst v63  }
0x156: {  	_ =	swait.ge [sflag:s24], $0x15E0  }
0x157: {  	[sflag:s24] =	ssyncset.done $0x0  }
0x158: {  	[sflag:s24] =	ssyncadd.s32 $0xFFFFEA20  }
0x159: {  	[spmem:s18] =	stream.linear.scatter [tilespmem:s23], [sflag:$0x3], $0x15E0, $0x38;
	[tilespmem:$0x1F900] =	vst v63  }
0x15a: {  	_ =	swait.ge [sflag:s24], $0x15E0  }
0x15b: {  	[sflag:s24] =	ssyncset.done $0x0  }
0x15c: {  	[sflag:s24] =	ssyncadd.s32 $0xFFFFEA20  }
0x15d: {  	[spmem:s19] =	stream.linear.scatter [tilespmem:s23], [sflag:$0x3], $0x15E0, $0x38;
	[tilespmem:$0x1F900] =	vst v63  }
0x15e: {  	_ =	swait.ge [sflag:s24], $0x15E0  }
0x15f: {  	s10 =	sld [smem:$0x7FB]  }
0x160: {  	[sflag:s24] =	ssyncset.done $0x0  }
0x161: {  	s7 =	simm.s32 $0x0;
	s9 =	simm.s32 $0x6A00;
	[sflag:s24] =	ssyncadd.s32 $0xFFFFEA20  }
0x162: {  	[tilespmem:s9], [sflag:$0x3] =	stream.linear.gather [hbm4b:s10+s7], $0x1880, $0x38;
	[tilespmem:$0x1F900] =	vst v63  }
0x163: {  	_ =	swait.ge [sflag:s24], $0x1880  }
0x164: {  	s10 =	sld [smem:$0x7FC]  }
0x165: {  	[sflag:s24] =	ssyncset.done $0x0  }
0x166: {  	[sflag:s24] =	ssyncadd.s32 $0xFFFFE780  }
0x167: {  	[spmem:s10] =	stream.linear.scatter [tilespmem:s9], [sflag:$0x3], $0x1880, $0x38;
	[tilespmem:$0x1F900] =	vst v63  }
0x168: {  	_ =	swait.ge [sflag:s24], $0x1880  }
0x169: {  	[sflag:s24] =	ssyncset.done $0x0  }
0x16a: {  	[sflag:s24] =	ssyncadd.s32 $0xFFFFE780  }
0x16b: {  	s10 =	rddreg [dreg:$0x1]  }
0x16c: {  	[tilespmem:s7], [sflag:$0x3] =	stream.linear.gather [hbm4b:s10+s7], $0x400, $0x38;
	[tilespmem:$0x1F900] =	vst v63  }
0x16d: {  	_ =	swait.ge [sflag:s24], $0x400  }
0x16e: {  	[sflag:s24] =	ssyncset.done $0x0  }
0x16f: {  	[sflag:s24] =	ssyncadd.s32 $0xFFFFFC00  }
0x170: {  	[bflag:$0x0] =	sbarrier.arrive $0xFFFF  }
0x171: {  	s9 =	rddreg [dreg:$0x1b]  }
0x172: {  	[tilespmem:s26], [sflag:$0x1] =	stream.linear.gather [hbm4b:s9+s7], $0x800, $0x38;
	[tilespmem:$0x1F900] =	vst v63  }
0x173: {  	s10 =	rddreg [dreg:$0x1c]  }
0x174: {  	[tilespmem:s28], [sflag:$0x1] =	stream.linear.gather [hbm4b:s10+s7], $0x800, $0x38;
	[tilespmem:$0x1F900] =	vst v63  }
0x175: {  	s9 =	rddreg [dreg:$0x1d]  }
0x176: {  	[tilespmem:s29], [sflag:$0x1] =	stream.linear.gather [hbm4b:s9+s7], $0x800, $0x38;
	[tilespmem:$0x1F900] =	vst v63  }
0x177: {  	s10 =	rddreg [dreg:$0x6]  }
0x178: {  	[tilespmem:s30], [sflag:$0x2] =	stream.linear.gather [hbm4b:s10+s7], $0x800, $0x38;
	[tilespmem:$0x1F900] =	vst v63  }
0x179: {  	s9 =	rddreg [dreg:$0x7]  }
0x17a: {  	[tilespmem:s1], [sflag:$0x2] =	stream.linear.gather [hbm4b:s9+s7], $0x800, $0x38;
	[tilespmem:$0x1F900] =	vst v63  }
0x17b: {  	s10 =	rddreg [dreg:$0x8]  }
0x17c: {  	[tilespmem:s2], [sflag:$0x2] =	stream.linear.gather [hbm4b:s10+s7], $0x800, $0x38;
	[tilespmem:$0x1F900] =	vst v63  }
0x17d: {  	_ =	swait.ge [sflag:s25], $0x800  }
0x17e: {  	[sflag:s25] =	ssyncset.done $0x0  }
0x17f: {  	[sflag:s25] =	ssyncadd.s32 $0xFFFFF800  }
0x180: {  	_ =	swait.ge [sflag:s25], $0x800  }
0x181: {  	[sflag:s25] =	ssyncset.done $0x0  }
0x182: {  	[sflag:s25] =	ssyncadd.s32 $0xFFFFF800  }
0x183: {  	_ =	swait.ge [sflag:s25], $0x800  }
0x184: {  	[sflag:s25] =	ssyncset.done $0x0  }
0x185: {  	[sflag:s25] =	ssyncadd.s32 $0xFFFFF800  }
0x186: {  	[tilespmem:s21], [sflag:$0x3] =	stream.indirect.gather [spmem:s0], $0x1, s26, s20, $0xb8;
	[tilespmem:$0x1F900] =	vst v63  }
0x187: {  	_ =	swait.ge [sflag:s24], $0x800  }
0x188: {  	[sflag:s24] =	ssyncset.done $0x0  }
0x189: {  	s7 =	simm.s32 $0x0;
	[sflag:s24] =	ssyncadd.s32 $0xFFFFF800  }
0x18a: {  	v3 =	vld [tilespmem:s7+$0xC00];
	_ =	sdelay $0x4  }
0x18b: {  	v5 =	vld [tilespmem:s7+$0x3400];
	v3 =	vsub.s32 v3, v0  }
0x18c: {  	s8 =	simm.s32 $0x10;
	v4 =	vmin.u32 v3, $0x1F4  }
0x18d: {  	v6 =	vmul.u32 $0x804, v4;
	v4 =	vld [tilespmem:s8+$0xC00];
	_ =	sdelay $0x2  }
0x18e: {  	v8 =	vadd.s32 $0xFA7D0, v5;
	vm0 =	vlt.u32 v3, $0x1F4;
	v7 =	vadd.s32 $0x800, v6  }
0x18f: {  	s9 =	simm.s32 $0x80;
	v3 =	vld [tilespmem:s8+$0x3400];
	v5 =	vadd.s32 v5, v6;
	v6 =	vsel vm0, v7, v8  }
.LBB2_6:
0x190: {  	s10 =	sshra.s32 s9, $0x2;
	p2 =	sne.s32 s9, $0x1FC0;
	s9 =	sadd.s32 $0x40, s9;
	v7 =	vsub.s32 v4, v0;
	[tilespmem:s7+$0x4400] =	vst v6  }
.Ltmp4:
0x191: {  	v4 =	vld [tilespmem:s10+$0xC00];
	v6 =	vmin.u32 v7, $0x1F4;
	[tilespmem:s7+$0x3C00] =	vst v5;
	s7 =	smov.u32 s8;
	s8 =	smov.u32 s10;
	(pc) =	sbr.rel @p2 .LBB2_6-.Ltmp4, $3  }
0x192: {  	v5 =	vmul.u32 $0x804, v6;
	_ =	sdelay $0x1  }
0x193: {  	vm0 =	vlt.u32 v7, $0x1F4;
	v6 =	vadd.s32 $0x800, v5;
	v7 =	vadd.s32 $0xFA7D0, v3  }
0x194: {  	v5 =	vadd.s32 v3, v5;
	v3 =	vld [tilespmem:s8+$0x3400];
	v6 =	vsel vm0, v6, v7  }
0x195: {  	v4 =	vsub.s32 v4, v0  }
0x196: {  	v7 =	vmin.u32 v4, $0x1F4  }
0x197: {  	v7 =	vmul.u32 $0x804, v7  }
0x198: {  	[tilespmem:s7+$0x4400] =	vst v6;
	vm0 =	vlt.u32 v4, $0x1F4  }
0x199: {  	[tilespmem:s7+$0x3C00] =	vst v5;
	v4 =	vadd.s32 $0x800, v7;
	v6 =	vadd.s32 $0xFA7D0, v3;
	v3 =	vadd.s32 v3, v7  }
0x19a: {  	v4 =	vsel vm0, v4, v6;
	[tilespmem:s8+$0x3C00] =	vst v3  }
0x19b: {  	[tilespmem:s8+$0x4400] =	vst v4  }
0x19c: {  	[spmem:s31] =	stream.indirect.scatter.add.f32 [tilespmem:s29], [sflag:$0x3], $0x1, s22, s20, $0xb8;
	[tilespmem:$0x1F900] =	vst v63  }
0x19d: {  	_ =	swait.ge [sflag:s24], $0x800  }
0x19e: {  	[sflag:s24] =	ssyncset.done $0x0  }
0x19f: {  	[sflag:s24] =	ssyncadd.s32 $0xFFFFF800  }
0x1a0: {  	[spmem:s31] =	stream.indirect.scatter.add.f32 [tilespmem:s4], [sflag:$0x3], $0x1, s3, s20, $0xb8;
	[tilespmem:$0x1F900] =	vst v63  }
0x1a1: {  	_ =	swait.ge [sflag:s24], $0x800  }
0x1a2: {  	[sflag:s24] =	ssyncset.done $0x0  }
0x1a3: {  	s7 =	simm.s32 $0x0;
	s10 =	rddreg [dreg:$0x9];
	[sflag:s24] =	ssyncadd.s32 $0xFFFFF800  }
0x1a4: {  	[tilespmem:s26], [sflag:$0x1] =	stream.linear.gather [hbm4b:s10+s7], $0x800, $0x38;
	[tilespmem:$0x1F900] =	vst v63  }
0x1a5: {  	s9 =	rddreg [dreg:$0xa]  }
0x1a6: {  	[tilespmem:s28], [sflag:$0x1] =	stream.linear.gather [hbm4b:s9+s7], $0x800, $0x38;
	[tilespmem:$0x1F900] =	vst v63  }
0x1a7: {  	s10 =	rddreg [dreg:$0xb]  }
0x1a8: {  	[tilespmem:s29], [sflag:$0x1] =	stream.linear.gather [hbm4b:s10+s7], $0x800, $0x38;
	[tilespmem:$0x1F900] =	vst v63  }
0x1a9: {  	_ =	swait.ge [sflag:s5], $0x800  }
0x1aa: {  	[sflag:s5] =	ssyncset.done $0x0  }
0x1ab: {  	[sflag:s5] =	ssyncadd.s32 $0xFFFFF800  }
0x1ac: {  	_ =	swait.ge [sflag:s5], $0x800  }
0x1ad: {  	[sflag:s5] =	ssyncset.done $0x0  }
0x1ae: {  	[sflag:s5] =	ssyncadd.s32 $0xFFFFF800  }
0x1af: {  	_ =	swait.ge [sflag:s5], $0x800  }
0x1b0: {  	[sflag:s5] =	ssyncset.done $0x0  }
0x1b1: {  	[sflag:s5] =	ssyncadd.s32 $0xFFFFF800  }
0x1b2: {  	[tilespmem:s21], [sflag:$0x3] =	stream.indirect.gather [spmem:s0], $0x1, s30, s20, $0xb8;
	[tilespmem:$0x1F900] =	vst v63  }
0x1b3: {  	_ =	swait.ge [sflag:s24], $0x800  }
0x1b4: {  	[sflag:s24] =	ssyncset.done $0x0  }
0x1b5: {  	s7 =	simm.s32 $0x0;
	[sflag:s24] =	ssyncadd.s32 $0xFFFFF800  }
0x1b6: {  	v3 =	vld [tilespmem:s7+$0x2400];
	_ =	sdelay $0x4  }
0x1b7: {  	v5 =	vld [tilespmem:s7+$0x3400];
	v3 =	vsub.s32 v3, v0  }
0x1b8: {  	s8 =	simm.s32 $0x10;
	v4 =	vmin.u32 v3, $0x1F4  }
0x1b9: {  	v6 =	vmul.u32 $0x804, v4;
	v4 =	vld [tilespmem:s8+$0x2400];
	_ =	sdelay $0x2  }
0x1ba: {  	v8 =	vadd.s32 $0xFA7D0, v5;
	vm15 =	vlt.u32 v3, $0x1F4;
	v7 =	vadd.s32 $0x800, v6  }
0x1bb: {  	s9 =	simm.s32 $0x80;
	v3 =	vld [tilespmem:s8+$0x3400];
	v5 =	vadd.s32 v5, v6;
	v6 =	vsel vm15, v7, v8  }
.LBB2_8:
0x1bc: {  	s10 =	sshra.s32 s9, $0x2;
	p2 =	sne.s32 s9, $0x1FC0;
	s9 =	sadd.s32 $0x40, s9;
	v7 =	vsub.s32 v4, v0;
	[tilespmem:s7+$0x4400] =	vst v6  }
.Ltmp5:
0x1bd: {  	v4 =	vld [tilespmem:s10+$0x2400];
	v6 =	vmin.u32 v7, $0x1F4;
	[tilespmem:s7+$0x3C00] =	vst v5;
	s7 =	smov.u32 s8;
	s8 =	smov.u32 s10;
	(pc) =	sbr.rel @p2 .LBB2_8-.Ltmp5, $3  }
0x1be: {  	v5 =	vmul.u32 $0x804, v6;
	_ =	sdelay $0x1  }
0x1bf: {  	vm0 =	vlt.u32 v7, $0x1F4;
	v6 =	vadd.s32 $0x800, v5;
	v7 =	vadd.s32 $0xFA7D0, v3  }
0x1c0: {  	v5 =	vadd.s32 v3, v5;
	v3 =	vld [tilespmem:s8+$0x3400];
	v6 =	vsel vm0, v6, v7  }
0x1c1: {  	v4 =	vsub.s32 v4, v0  }
0x1c2: {  	v7 =	vmin.u32 v4, $0x1F4  }
0x1c3: {  	v7 =	vmul.u32 $0x804, v7  }
0x1c4: {  	[tilespmem:s7+$0x4400] =	vst v6;
	vm0 =	vlt.u32 v4, $0x1F4  }
0x1c5: {  	[tilespmem:s7+$0x3C00] =	vst v5;
	v4 =	vadd.s32 $0x800, v7;
	v6 =	vadd.s32 $0xFA7D0, v3;
	v3 =	vadd.s32 v3, v7  }
0x1c6: {  	v4 =	vsel vm0, v4, v6;
	[tilespmem:s8+$0x3C00] =	vst v3  }
0x1c7: {  	[tilespmem:s8+$0x4400] =	vst v4  }
0x1c8: {  	[spmem:s31] =	stream.indirect.scatter.add.f32 [tilespmem:s2], [sflag:$0x3], $0x1, s22, s20, $0xb8;
	[tilespmem:$0x1F900] =	vst v63  }
0x1c9: {  	_ =	swait.ge [sflag:s24], $0x800  }
0x1ca: {  	[sflag:s24] =	ssyncset.done $0x0  }
0x1cb: {  	[sflag:s24] =	ssyncadd.s32 $0xFFFFF800  }
0x1cc: {  	[spmem:s31] =	stream.indirect.scatter.add.f32 [tilespmem:s4], [sflag:$0x3], $0x1, s3, s20, $0xb8;
	[tilespmem:$0x1F900] =	vst v63  }
0x1cd: {  	_ =	swait.ge [sflag:s24], $0x800  }
0x1ce: {  	[sflag:s24] =	ssyncset.done $0x0  }
0x1cf: {  	s7 =	simm.s32 $0x0;
	s10 =	rddreg [dreg:$0xc];
	[sflag:s24] =	ssyncadd.s32 $0xFFFFF800  }
0x1d0: {  	[tilespmem:s30], [sflag:$0x2] =	stream.linear.gather [hbm4b:s10+s7], $0x800, $0x38;
	[tilespmem:$0x1F900] =	vst v63  }
0x1d1: {  	s9 =	rddreg [dreg:$0xd]  }
0x1d2: {  	[tilespmem:s1], [sflag:$0x2] =	stream.linear.gather [hbm4b:s9+s7], $0x800, $0x38;
	[tilespmem:$0x1F900] =	vst v63  }
0x1d3: {  	s10 =	rddreg [dreg:$0xe]  }
0x1d4: {  	[tilespmem:s2], [sflag:$0x2] =	stream.linear.gather [hbm4b:s10+s7], $0x800, $0x38;
	[tilespmem:$0x1F900] =	vst v63  }
0x1d5: {  	_ =	swait.ge [sflag:s25], $0x800  }
0x1d6: {  	[sflag:s25] =	ssyncset.done $0x0  }
0x1d7: {  	[sflag:s25] =	ssyncadd.s32 $0xFFFFF800  }
0x1d8: {  	_ =	swait.ge [sflag:s25], $0x800  }
0x1d9: {  	[sflag:s25] =	ssyncset.done $0x0  }
0x1da: {  	[sflag:s25] =	ssyncadd.s32 $0xFFFFF800  }
0x1db: {  	_ =	swait.ge [sflag:s25], $0x800  }
0x1dc: {  	[sflag:s25] =	ssyncset.done $0x0  }
0x1dd: {  	[sflag:s25] =	ssyncadd.s32 $0xFFFFF800  }
0x1de: {  	[tilespmem:s21], [sflag:$0x3] =	stream.indirect.gather [spmem:s0], $0x1, s26, s20, $0xb8;
	[tilespmem:$0x1F900] =	vst v63  }
0x1df: {  	_ =	swait.ge [sflag:s24], $0x800  }
0x1e0: {  	[sflag:s24] =	ssyncset.done $0x0  }
0x1e1: {  	s7 =	simm.s32 $0x0;
	[sflag:s24] =	ssyncadd.s32 $0xFFFFF800  }
0x1e2: {  	v3 =	vld [tilespmem:s7+$0xC00];
	_ =	sdelay $0x4  }
0x1e3: {  	v5 =	vld [tilespmem:s7+$0x3400];
	v3 =	vsub.s32 v3, v0  }
0x1e4: {  	s8 =	simm.s32 $0x10;
	v4 =	vmin.u32 v3, $0x1F4  }
0x1e5: {  	v6 =	vmul.u32 $0x804, v4;
	v4 =	vld [tilespmem:s8+$0xC00];
	_ =	sdelay $0x2  }
0x1e6: {  	v8 =	vadd.s32 $0xFA7D0, v5;
	vm15 =	vlt.u32 v3, $0x1F4;
	v7 =	vadd.s32 $0x800, v6  }
0x1e7: {  	s9 =	simm.s32 $0x80;
	v3 =	vld [tilespmem:s8+$0x3400];
	v5 =	vadd.s32 v5, v6;
	v6 =	vsel vm15, v7, v8  }
.LBB2_10:
0x1e8: {  	s10 =	sshra.s32 s9, $0x2;
	p2 =	sne.s32 s9, $0x1FC0;
	s9 =	sadd.s32 $0x40, s9;
	v7 =	vsub.s32 v4, v0;
	[tilespmem:s7+$0x4400] =	vst v6  }
.Ltmp6:
0x1e9: {  	v4 =	vld [tilespmem:s10+$0xC00];
	v6 =	vmin.u32 v7, $0x1F4;
	[tilespmem:s7+$0x3C00] =	vst v5;
	s7 =	smov.u32 s8;
	s8 =	smov.u32 s10;
	(pc) =	sbr.rel @p2 .LBB2_10-.Ltmp6, $3  }
0x1ea: {  	v5 =	vmul.u32 $0x804, v6;
	_ =	sdelay $0x1  }
0x1eb: {  	vm0 =	vlt.u32 v7, $0x1F4;
	v6 =	vadd.s32 $0x800, v5;
	v7 =	vadd.s32 $0xFA7D0, v3  }
0x1ec: {  	v5 =	vadd.s32 v3, v5;
	v3 =	vld [tilespmem:s8+$0x3400];
	v6 =	vsel vm0, v6, v7  }
0x1ed: {  	v4 =	vsub.s32 v4, v0  }
0x1ee: {  	v7 =	vmin.u32 v4, $0x1F4  }
0x1ef: {  	v7 =	vmul.u32 $0x804, v7  }
0x1f0: {  	[tilespmem:s7+$0x4400] =	vst v6;
	vm0 =	vlt.u32 v4, $0x1F4  }
0x1f1: {  	[tilespmem:s7+$0x3C00] =	vst v5;
	v4 =	vadd.s32 $0x800, v7;
	v6 =	vadd.s32 $0xFA7D0, v3;
	v3 =	vadd.s32 v3, v7  }
0x1f2: {  	v4 =	vsel vm0, v4, v6;
	[tilespmem:s8+$0x3C00] =	vst v3  }
0x1f3: {  	[tilespmem:s8+$0x4400] =	vst v4  }
0x1f4: {  	[spmem:s31] =	stream.indirect.scatter.add.f32 [tilespmem:s29], [sflag:$0x3], $0x1, s22, s20, $0xb8;
	[tilespmem:$0x1F900] =	vst v63  }
0x1f5: {  	_ =	swait.ge [sflag:s24], $0x800  }
0x1f6: {  	[sflag:s24] =	ssyncset.done $0x0  }
0x1f7: {  	[sflag:s24] =	ssyncadd.s32 $0xFFFFF800  }
0x1f8: {  	[spmem:s31] =	stream.indirect.scatter.add.f32 [tilespmem:s4], [sflag:$0x3], $0x1, s3, s20, $0xb8;
	[tilespmem:$0x1F900] =	vst v63  }
0x1f9: {  	_ =	swait.ge [sflag:s24], $0x800  }
0x1fa: {  	[sflag:s24] =	ssyncset.done $0x0  }
0x1fb: {  	s7 =	simm.s32 $0x0;
	s10 =	rddreg [dreg:$0xf];
	[sflag:s24] =	ssyncadd.s32 $0xFFFFF800  }
0x1fc: {  	[tilespmem:s26], [sflag:$0x1] =	stream.linear.gather [hbm4b:s10+s7], $0x800, $0x38;
	[tilespmem:$0x1F900] =	vst v63  }
0x1fd: {  	s9 =	rddreg [dreg:$0x10]  }
0x1fe: {  	[tilespmem:s28], [sflag:$0x1] =	stream.linear.gather [hbm4b:s9+s7], $0x800, $0x38;
	[tilespmem:$0x1F900] =	vst v63  }
0x1ff: {  	s10 =	rddreg [dreg:$0x11]  }
0x200: {  	[tilespmem:s29], [sflag:$0x1] =	stream.linear.gather [hbm4b:s10+s7], $0x800, $0x38;
	[tilespmem:$0x1F900] =	vst v63  }
0x201: {  	_ =	swait.ge [sflag:s5], $0x800  }
0x202: {  	[sflag:s5] =	ssyncset.done $0x0  }
0x203: {  	[sflag:s5] =	ssyncadd.s32 $0xFFFFF800  }
0x204: {  	_ =	swait.ge [sflag:s5], $0x800  }
0x205: {  	[sflag:s5] =	ssyncset.done $0x0  }
0x206: {  	[sflag:s5] =	ssyncadd.s32 $0xFFFFF800  }
0x207: {  	_ =	swait.ge [sflag:s5], $0x800  }
0x208: {  	[sflag:s5] =	ssyncset.done $0x0  }
0x209: {  	[sflag:s5] =	ssyncadd.s32 $0xFFFFF800  }
0x20a: {  	[tilespmem:s21], [sflag:$0x3] =	stream.indirect.gather [spmem:s0], $0x1, s30, s20, $0xb8;
	[tilespmem:$0x1F900] =	vst v63  }
0x20b: {  	_ =	swait.ge [sflag:s24], $0x800  }
0x20c: {  	[sflag:s24] =	ssyncset.done $0x0  }
0x20d: {  	s7 =	simm.s32 $0x0;
	[sflag:s24] =	ssyncadd.s32 $0xFFFFF800  }
0x20e: {  	v3 =	vld [tilespmem:s7+$0x2400];
	_ =	sdelay $0x4  }
0x20f: {  	v5 =	vld [tilespmem:s7+$0x3400];
	v3 =	vsub.s32 v3, v0  }
0x210: {  	s8 =	simm.s32 $0x10;
	v4 =	vmin.u32 v3, $0x1F4  }
0x211: {  	v6 =	vmul.u32 $0x804, v4;
	v4 =	vld [tilespmem:s8+$0x2400];
	_ =	sdelay $0x2  }
0x212: {  	v8 =	vadd.s32 $0xFA7D0, v5;
	vm15 =	vlt.u32 v3, $0x1F4;
	v7 =	vadd.s32 $0x800, v6  }
0x213: {  	s9 =	simm.s32 $0x80;
	v3 =	vld [tilespmem:s8+$0x3400];
	v5 =	vadd.s32 v5, v6;
	v6 =	vsel vm15, v7, v8  }
.LBB2_12:
0x214: {  	s10 =	sshra.s32 s9, $0x2;
	p2 =	sne.s32 s9, $0x1FC0;
	s9 =	sadd.s32 $0x40, s9;
	v7 =	vsub.s32 v4, v0;
	[tilespmem:s7+$0x4400] =	vst v6  }
.Ltmp7:
0x215: {  	v4 =	vld [tilespmem:s10+$0x2400];
	v6 =	vmin.u32 v7, $0x1F4;
	[tilespmem:s7+$0x3C00] =	vst v5;
	s7 =	smov.u32 s8;
	s8 =	smov.u32 s10;
	(pc) =	sbr.rel @p2 .LBB2_12-.Ltmp7, $3  }
0x216: {  	v5 =	vmul.u32 $0x804, v6;
	_ =	sdelay $0x1  }
0x217: {  	vm0 =	vlt.u32 v7, $0x1F4;
	v6 =	vadd.s32 $0x800, v5;
	v7 =	vadd.s32 $0xFA7D0, v3  }
0x218: {  	v5 =	vadd.s32 v3, v5;
	v3 =	vld [tilespmem:s8+$0x3400];
	v6 =	vsel vm0, v6, v7  }
0x219: {  	v4 =	vsub.s32 v4, v0  }
0x21a: {  	v7 =	vmin.u32 v4, $0x1F4  }
0x21b: {  	v7 =	vmul.u32 $0x804, v7  }
0x21c: {  	[tilespmem:s7+$0x4400] =	vst v6;
	vm0 =	vlt.u32 v4, $0x1F4  }
0x21d: {  	[tilespmem:s7+$0x3C00] =	vst v5;
	v4 =	vadd.s32 $0x800, v7;
	v6 =	vadd.s32 $0xFA7D0, v3;
	v3 =	vadd.s32 v3, v7  }
0x21e: {  	v4 =	vsel vm0, v4, v6;
	[tilespmem:s8+$0x3C00] =	vst v3  }
0x21f: {  	[tilespmem:s8+$0x4400] =	vst v4  }
0x220: {  	[spmem:s31] =	stream.indirect.scatter.add.f32 [tilespmem:s2], [sflag:$0x3], $0x1, s22, s20, $0xb8;
	[tilespmem:$0x1F900] =	vst v63  }
0x221: {  	_ =	swait.ge [sflag:s24], $0x800  }
0x222: {  	[sflag:s24] =	ssyncset.done $0x0  }
0x223: {  	[sflag:s24] =	ssyncadd.s32 $0xFFFFF800  }
0x224: {  	[spmem:s31] =	stream.indirect.scatter.add.f32 [tilespmem:s4], [sflag:$0x3], $0x1, s3, s20, $0xb8;
	[tilespmem:$0x1F900] =	vst v63  }
0x225: {  	_ =	swait.ge [sflag:s24], $0x800  }
0x226: {  	[sflag:s24] =	ssyncset.done $0x0  }
0x227: {  	s7 =	simm.s32 $0x0;
	s10 =	rddreg [dreg:$0x12];
	[sflag:s24] =	ssyncadd.s32 $0xFFFFF800  }
0x228: {  	[tilespmem:s30], [sflag:$0x2] =	stream.linear.gather [hbm4b:s10+s7], $0x800, $0x38;
	[tilespmem:$0x1F900] =	vst v63  }
0x229: {  	s9 =	rddreg [dreg:$0x13]  }
0x22a: {  	[tilespmem:s1], [sflag:$0x2] =	stream.linear.gather [hbm4b:s9+s7], $0x800, $0x38;
	[tilespmem:$0x1F900] =	vst v63  }
0x22b: {  	s10 =	rddreg [dreg:$0x14]  }
0x22c: {  	[tilespmem:s2], [sflag:$0x2] =	stream.linear.gather [hbm4b:s10+s7], $0x800, $0x38;
	[tilespmem:$0x1F900] =	vst v63  }
0x22d: {  	_ =	swait.ge [sflag:s25], $0x800  }
0x22e: {  	[sflag:s25] =	ssyncset.done $0x0  }
0x22f: {  	[sflag:s25] =	ssyncadd.s32 $0xFFFFF800  }
0x230: {  	_ =	swait.ge [sflag:s25], $0x800  }
0x231: {  	[sflag:s25] =	ssyncset.done $0x0  }
0x232: {  	[sflag:s25] =	ssyncadd.s32 $0xFFFFF800  }
0x233: {  	_ =	swait.ge [sflag:s25], $0x800  }
0x234: {  	[sflag:s25] =	ssyncset.done $0x0  }
0x235: {  	[sflag:s25] =	ssyncadd.s32 $0xFFFFF800  }
0x236: {  	[tilespmem:s21], [sflag:$0x3] =	stream.indirect.gather [spmem:s0], $0x1, s26, s20, $0xb8;
	[tilespmem:$0x1F900] =	vst v63  }
0x237: {  	_ =	swait.ge [sflag:s24], $0x800  }
0x238: {  	[sflag:s24] =	ssyncset.done $0x0  }
0x239: {  	s7 =	simm.s32 $0x0;
	[sflag:s24] =	ssyncadd.s32 $0xFFFFF800  }
0x23a: {  	v3 =	vld [tilespmem:s7+$0xC00];
	_ =	sdelay $0x4  }
0x23b: {  	v5 =	vld [tilespmem:s7+$0x3400];
	v3 =	vsub.s32 v3, v0  }
0x23c: {  	s8 =	simm.s32 $0x10;
	v4 =	vmin.u32 v3, $0x1F4  }
0x23d: {  	v6 =	vmul.u32 $0x804, v4;
	v4 =	vld [tilespmem:s8+$0xC00];
	_ =	sdelay $0x2  }
0x23e: {  	v8 =	vadd.s32 $0xFA7D0, v5;
	vm15 =	vlt.u32 v3, $0x1F4;
	v7 =	vadd.s32 $0x800, v6  }
0x23f: {  	s9 =	simm.s32 $0x80;
	v3 =	vld [tilespmem:s8+$0x3400];
	v5 =	vadd.s32 v5, v6;
	v6 =	vsel vm15, v7, v8  }
.LBB2_14:
0x240: {  	s10 =	sshra.s32 s9, $0x2;
	p2 =	sne.s32 s9, $0x1FC0;
	s9 =	sadd.s32 $0x40, s9;
	v7 =	vsub.s32 v4, v0;
	[tilespmem:s7+$0x4400] =	vst v6  }
.Ltmp8:
0x241: {  	v4 =	vld [tilespmem:s10+$0xC00];
	v6 =	vmin.u32 v7, $0x1F4;
	[tilespmem:s7+$0x3C00] =	vst v5;
	s7 =	smov.u32 s8;
	s8 =	smov.u32 s10;
	(pc) =	sbr.rel @p2 .LBB2_14-.Ltmp8, $3  }
0x242: {  	v5 =	vmul.u32 $0x804, v6;
	_ =	sdelay $0x1  }
0x243: {  	vm0 =	vlt.u32 v7, $0x1F4;
	v6 =	vadd.s32 $0x800, v5;
	v7 =	vadd.s32 $0xFA7D0, v3  }
0x244: {  	v5 =	vadd.s32 v3, v5;
	v3 =	vld [tilespmem:s8+$0x3400];
	v6 =	vsel vm0, v6, v7  }
0x245: {  	v4 =	vsub.s32 v4, v0  }
0x246: {  	v7 =	vmin.u32 v4, $0x1F4  }
0x247: {  	v7 =	vmul.u32 $0x804, v7  }
0x248: {  	[tilespmem:s7+$0x4400] =	vst v6;
	vm0 =	vlt.u32 v4, $0x1F4  }
0x249: {  	[tilespmem:s7+$0x3C00] =	vst v5;
	v4 =	vadd.s32 $0x800, v7;
	v6 =	vadd.s32 $0xFA7D0, v3;
	v3 =	vadd.s32 v3, v7  }
0x24a: {  	v4 =	vsel vm0, v4, v6;
	[tilespmem:s8+$0x3C00] =	vst v3  }
0x24b: {  	[tilespmem:s8+$0x4400] =	vst v4  }
0x24c: {  	[spmem:s31] =	stream.indirect.scatter.add.f32 [tilespmem:s29], [sflag:$0x3], $0x1, s22, s20, $0xb8;
	[tilespmem:$0x1F900] =	vst v63  }
0x24d: {  	_ =	swait.ge [sflag:s24], $0x800  }
0x24e: {  	[sflag:s24] =	ssyncset.done $0x0  }
0x24f: {  	[sflag:s24] =	ssyncadd.s32 $0xFFFFF800  }
0x250: {  	[spmem:s31] =	stream.indirect.scatter.add.f32 [tilespmem:s4], [sflag:$0x3], $0x1, s3, s20, $0xb8;
	[tilespmem:$0x1F900] =	vst v63  }
0x251: {  	_ =	swait.ge [sflag:s24], $0x800  }
0x252: {  	[sflag:s24] =	ssyncset.done $0x0  }
0x253: {  	s7 =	simm.s32 $0x0;
	s10 =	rddreg [dreg:$0x15];
	[sflag:s24] =	ssyncadd.s32 $0xFFFFF800  }
0x254: {  	[tilespmem:s26], [sflag:$0x1] =	stream.linear.gather [hbm4b:s10+s7], $0x800, $0x38;
	[tilespmem:$0x1F900] =	vst v63  }
0x255: {  	s9 =	rddreg [dreg:$0x16]  }
0x256: {  	[tilespmem:s28], [sflag:$0x1] =	stream.linear.gather [hbm4b:s9+s7], $0x800, $0x38;
	[tilespmem:$0x1F900] =	vst v63  }
0x257: {  	s10 =	rddreg [dreg:$0x17]  }
0x258: {  	[tilespmem:s29], [sflag:$0x1] =	stream.linear.gather [hbm4b:s10+s7], $0x800, $0x38;
	[tilespmem:$0x1F900] =	vst v63  }
0x259: {  	_ =	swait.ge [sflag:s5], $0x800  }
0x25a: {  	[sflag:s5] =	ssyncset.done $0x0  }
0x25b: {  	[sflag:s5] =	ssyncadd.s32 $0xFFFFF800  }
0x25c: {  	_ =	swait.ge [sflag:s5], $0x800  }
0x25d: {  	[sflag:s5] =	ssyncset.done $0x0  }
0x25e: {  	[sflag:s5] =	ssyncadd.s32 $0xFFFFF800  }
0x25f: {  	_ =	swait.ge [sflag:s5], $0x800  }
0x260: {  	[sflag:s5] =	ssyncset.done $0x0  }
0x261: {  	[sflag:s5] =	ssyncadd.s32 $0xFFFFF800  }
0x262: {  	[tilespmem:s21], [sflag:$0x3] =	stream.indirect.gather [spmem:s0], $0x1, s30, s20, $0xb8;
	[tilespmem:$0x1F900] =	vst v63  }
0x263: {  	_ =	swait.ge [sflag:s24], $0x800  }
0x264: {  	[sflag:s24] =	ssyncset.done $0x0  }
0x265: {  	s7 =	simm.s32 $0x0;
	[sflag:s24] =	ssyncadd.s32 $0xFFFFF800  }
0x266: {  	v3 =	vld [tilespmem:s7+$0x2400];
	_ =	sdelay $0x4  }
0x267: {  	v5 =	vld [tilespmem:s7+$0x3400];
	v3 =	vsub.s32 v3, v0  }
0x268: {  	s8 =	simm.s32 $0x10;
	v4 =	vmin.u32 v3, $0x1F4  }
0x269: {  	v6 =	vmul.u32 $0x804, v4;
	v4 =	vld [tilespmem:s8+$0x2400];
	_ =	sdelay $0x2  }
0x26a: {  	v8 =	vadd.s32 $0xFA7D0, v5;
	vm15 =	vlt.u32 v3, $0x1F4;
	v7 =	vadd.s32 $0x800, v6  }
0x26b: {  	s9 =	simm.s32 $0x80;
	v3 =	vld [tilespmem:s8+$0x3400];
	v5 =	vadd.s32 v5, v6;
	v6 =	vsel vm15, v7, v8  }
.LBB2_16:
0x26c: {  	s10 =	sshra.s32 s9, $0x2;
	p2 =	sne.s32 s9, $0x1FC0;
	s9 =	sadd.s32 $0x40, s9;
	v7 =	vsub.s32 v4, v0;
	[tilespmem:s7+$0x4400] =	vst v6  }
.Ltmp9:
0x26d: {  	v4 =	vld [tilespmem:s10+$0x2400];
	v6 =	vmin.u32 v7, $0x1F4;
	[tilespmem:s7+$0x3C00] =	vst v5;
	s7 =	smov.u32 s8;
	s8 =	smov.u32 s10;
	(pc) =	sbr.rel @p2 .LBB2_16-.Ltmp9, $3  }
0x26e: {  	v5 =	vmul.u32 $0x804, v6;
	_ =	sdelay $0x1  }
0x26f: {  	vm0 =	vlt.u32 v7, $0x1F4;
	v6 =	vadd.s32 $0x800, v5;
	v7 =	vadd.s32 $0xFA7D0, v3  }
0x270: {  	v5 =	vadd.s32 v3, v5;
	v3 =	vld [tilespmem:s8+$0x3400];
	v6 =	vsel vm0, v6, v7  }
0x271: {  	v4 =	vsub.s32 v4, v0  }
0x272: {  	v7 =	vmin.u32 v4, $0x1F4  }
0x273: {  	v7 =	vmul.u32 $0x804, v7  }
0x274: {  	[tilespmem:s7+$0x4400] =	vst v6;
	vm0 =	vlt.u32 v4, $0x1F4  }
0x275: {  	[tilespmem:s7+$0x3C00] =	vst v5;
	v4 =	vadd.s32 $0x800, v7;
	v6 =	vadd.s32 $0xFA7D0, v3;
	v3 =	vadd.s32 v3, v7  }
0x276: {  	v4 =	vsel vm0, v4, v6;
	[tilespmem:s8+$0x3C00] =	vst v3  }
0x277: {  	[tilespmem:s8+$0x4400] =	vst v4  }
0x278: {  	[spmem:s31] =	stream.indirect.scatter.add.f32 [tilespmem:s2], [sflag:$0x3], $0x1, s22, s20, $0xb8;
	[tilespmem:$0x1F900] =	vst v63  }
0x279: {  	_ =	swait.ge [sflag:s24], $0x800  }
0x27a: {  	[sflag:s24] =	ssyncset.done $0x0  }
0x27b: {  	[sflag:s24] =	ssyncadd.s32 $0xFFFFF800  }
0x27c: {  	[spmem:s31] =	stream.indirect.scatter.add.f32 [tilespmem:s4], [sflag:$0x3], $0x1, s3, s20, $0xb8;
	[tilespmem:$0x1F900] =	vst v63  }
0x27d: {  	_ =	swait.ge [sflag:s24], $0x800  }
0x27e: {  	[sflag:s24] =	ssyncset.done $0x0  }
0x27f: {  	s7 =	simm.s32 $0x0;
	s10 =	rddreg [dreg:$0x18];
	[sflag:s24] =	ssyncadd.s32 $0xFFFFF800  }
0x280: {  	[tilespmem:s30], [sflag:$0x2] =	stream.linear.gather [hbm4b:s10+s7], $0x800, $0x38;
	[tilespmem:$0x1F900] =	vst v63  }
0x281: {  	s9 =	rddreg [dreg:$0x19]  }
0x282: {  	[tilespmem:s1], [sflag:$0x2] =	stream.linear.gather [hbm4b:s9+s7], $0x800, $0x38;
	[tilespmem:$0x1F900] =	vst v63  }
0x283: {  	s10 =	rddreg [dreg:$0x1a]  }
0x284: {  	[tilespmem:s2], [sflag:$0x2] =	stream.linear.gather [hbm4b:s10+s7], $0x800, $0x38;
	[tilespmem:$0x1F900] =	vst v63  }
0x285: {  	_ =	swait.ge [sflag:s25], $0x800  }
0x286: {  	[sflag:s25] =	ssyncset.done $0x0  }
0x287: {  	[sflag:s25] =	ssyncadd.s32 $0xFFFFF800  }
0x288: {  	_ =	swait.ge [sflag:s25], $0x800  }
0x289: {  	[sflag:s25] =	ssyncset.done $0x0  }
0x28a: {  	[sflag:s25] =	ssyncadd.s32 $0xFFFFF800  }
0x28b: {  	_ =	swait.ge [sflag:s25], $0x800  }
0x28c: {  	[sflag:s25] =	ssyncset.done $0x0  }
0x28d: {  	[sflag:s25] =	ssyncadd.s32 $0xFFFFF800  }
0x28e: {  	[tilespmem:s21], [sflag:$0x3] =	stream.indirect.gather [spmem:s0], $0x1, s26, s20, $0xb8;
	[tilespmem:$0x1F900] =	vst v63  }
0x28f: {  	_ =	swait.ge [sflag:s24], $0x800  }
0x290: {  	[sflag:s24] =	ssyncset.done $0x0  }
0x291: {  	s7 =	simm.s32 $0x0;
	[sflag:s24] =	ssyncadd.s32 $0xFFFFF800  }
0x292: {  	v3 =	vld [tilespmem:s7+$0xC00];
	_ =	sdelay $0x4  }
0x293: {  	v5 =	vld [tilespmem:s7+$0x3400];
	v3 =	vsub.s32 v3, v0  }
0x294: {  	s8 =	simm.s32 $0x10;
	v4 =	vmin.u32 v3, $0x1F4  }
0x295: {  	v6 =	vmul.u32 $0x804, v4;
	v4 =	vld [tilespmem:s8+$0xC00];
	_ =	sdelay $0x2  }
0x296: {  	v8 =	vadd.s32 $0xFA7D0, v5;
	vm15 =	vlt.u32 v3, $0x1F4;
	v7 =	vadd.s32 $0x800, v6  }
0x297: {  	s9 =	simm.s32 $0x80;
	v3 =	vld [tilespmem:s8+$0x3400];
	v5 =	vadd.s32 v5, v6;
	v6 =	vsel vm15, v7, v8  }
.LBB2_18:
0x298: {  	s10 =	sshra.s32 s9, $0x2;
	p2 =	sne.s32 s9, $0x1FC0;
	s9 =	sadd.s32 $0x40, s9;
	v7 =	vsub.s32 v4, v0;
	[tilespmem:s7+$0x4400] =	vst v6  }
.Ltmp10:
0x299: {  	v4 =	vld [tilespmem:s10+$0xC00];
	v6 =	vmin.u32 v7, $0x1F4;
	[tilespmem:s7+$0x3C00] =	vst v5;
	s7 =	smov.u32 s8;
	s8 =	smov.u32 s10;
	(pc) =	sbr.rel @p2 .LBB2_18-.Ltmp10, $3  }
0x29a: {  	v5 =	vmul.u32 $0x804, v6;
	_ =	sdelay $0x1  }
0x29b: {  	vm0 =	vlt.u32 v7, $0x1F4;
	v6 =	vadd.s32 $0x800, v5;
	v7 =	vadd.s32 $0xFA7D0, v3  }
0x29c: {  	v5 =	vadd.s32 v3, v5;
	v3 =	vld [tilespmem:s8+$0x3400];
	v6 =	vsel vm0, v6, v7  }
0x29d: {  	v4 =	vsub.s32 v4, v0  }
0x29e: {  	v7 =	vmin.u32 v4, $0x1F4  }
0x29f: {  	v7 =	vmul.u32 $0x804, v7  }
0x2a0: {  	[tilespmem:s7+$0x4400] =	vst v6;
	vm0 =	vlt.u32 v4, $0x1F4  }
0x2a1: {  	[tilespmem:s7+$0x3C00] =	vst v5;
	v4 =	vadd.s32 $0x800, v7;
	v6 =	vadd.s32 $0xFA7D0, v3;
	v3 =	vadd.s32 v3, v7  }
0x2a2: {  	v4 =	vsel vm0, v4, v6;
	[tilespmem:s8+$0x3C00] =	vst v3  }
0x2a3: {  	[tilespmem:s8+$0x4400] =	vst v4  }
0x2a4: {  	[spmem:s31] =	stream.indirect.scatter.add.f32 [tilespmem:s29], [sflag:$0x3], $0x1, s22, s20, $0xb8;
	[tilespmem:$0x1F900] =	vst v63  }
0x2a5: {  	_ =	swait.ge [sflag:s24], $0x800  }
0x2a6: {  	[sflag:s24] =	ssyncset.done $0x0  }
0x2a7: {  	[sflag:s24] =	ssyncadd.s32 $0xFFFFF800  }
0x2a8: {  	[spmem:s31] =	stream.indirect.scatter.add.f32 [tilespmem:s4], [sflag:$0x3], $0x1, s3, s20, $0xb8;
	[tilespmem:$0x1F900] =	vst v63  }
0x2a9: {  	_ =	swait.ge [sflag:s24], $0x800  }
0x2aa: {  	[sflag:s24] =	ssyncset.done $0x0;
	s10 =	rddreg [dreg:$0x1e]  }
0x2ab: {  	s7 =	simm.s32 $0x0;
	s9 =	rddreg [dreg:$0x1f];
	[sflag:s24] =	ssyncadd.s32 $0xFFFFF800  }
0x2ac: {  	[tilespmem:s26], [sflag:$0x1] =	stream.linear.gather [hbm4b:s10+s7], $0x800, $0x38;
	[tilespmem:$0x1F900] =	vst v63  }
0x2ad: {  	s10 =	sld [smem:$0x7D0]  }
0x2ae: {  	[tilespmem:s28], [sflag:$0x1] =	stream.linear.gather [hbm4b:s9+s7], $0x800, $0x38;
	[tilespmem:$0x1F900] =	vst v63  }
0x2af: {  	_ = 	snop  }
0x2b0: {  	[tilespmem:s29], [sflag:$0x1] =	stream.linear.gather [hbm4b:s10+s7], $0x800, $0x38;
	[tilespmem:$0x1F900] =	vst v63  }
0x2b1: {  	_ =	swait.ge [sflag:s5], $0x800  }
0x2b2: {  	[sflag:s5] =	ssyncset.done $0x0  }
0x2b3: {  	[sflag:s5] =	ssyncadd.s32 $0xFFFFF800  }
0x2b4: {  	_ =	swait.ge [sflag:s5], $0x800  }
0x2b5: {  	[sflag:s5] =	ssyncset.done $0x0  }
0x2b6: {  	[sflag:s5] =	ssyncadd.s32 $0xFFFFF800  }
0x2b7: {  	_ =	swait.ge [sflag:s5], $0x800  }
0x2b8: {  	[sflag:s5] =	ssyncset.done $0x0  }
0x2b9: {  	[sflag:s5] =	ssyncadd.s32 $0xFFFFF800  }
0x2ba: {  	[tilespmem:s21], [sflag:$0x3] =	stream.indirect.gather [spmem:s0], $0x1, s30, s20, $0xb8;
	[tilespmem:$0x1F900] =	vst v63  }
0x2bb: {  	_ =	swait.ge [sflag:s24], $0x800  }
0x2bc: {  	[sflag:s24] =	ssyncset.done $0x0  }
0x2bd: {  	s7 =	simm.s32 $0x0;
	[sflag:s24] =	ssyncadd.s32 $0xFFFFF800  }
0x2be: {  	v3 =	vld [tilespmem:s7+$0x2400];
	_ =	sdelay $0x4  }
0x2bf: {  	v5 =	vld [tilespmem:s7+$0x3400];
	v3 =	vsub.s32 v3, v0  }
0x2c0: {  	s8 =	simm.s32 $0x10;
	v4 =	vmin.u32 v3, $0x1F4  }
0x2c1: {  	v6 =	vmul.u32 $0x804, v4;
	v4 =	vld [tilespmem:s8+$0x2400];
	_ =	sdelay $0x2  }
0x2c2: {  	v8 =	vadd.s32 $0xFA7D0, v5;
	vm15 =	vlt.u32 v3, $0x1F4;
	v7 =	vadd.s32 $0x800, v6  }
0x2c3: {  	s9 =	simm.s32 $0x80;
	v3 =	vld [tilespmem:s8+$0x3400];
	v5 =	vadd.s32 v5, v6;
	v6 =	vsel vm15, v7, v8  }
.LBB2_20:
0x2c4: {  	s10 =	sshra.s32 s9, $0x2;
	p2 =	sne.s32 s9, $0x1FC0;
	s9 =	sadd.s32 $0x40, s9;
	v7 =	vsub.s32 v4, v0;
	[tilespmem:s7+$0x4400] =	vst v6  }
.Ltmp11:
0x2c5: {  	v4 =	vld [tilespmem:s10+$0x2400];
	v6 =	vmin.u32 v7, $0x1F4;
	[tilespmem:s7+$0x3C00] =	vst v5;
	s7 =	smov.u32 s8;
	s8 =	smov.u32 s10;
	(pc) =	sbr.rel @p2 .LBB2_20-.Ltmp11, $3  }
0x2c6: {  	v5 =	vmul.u32 $0x804, v6;
	_ =	sdelay $0x1  }
0x2c7: {  	vm0 =	vlt.u32 v7, $0x1F4;
	v6 =	vadd.s32 $0x800, v5;
	v7 =	vadd.s32 $0xFA7D0, v3  }
0x2c8: {  	v5 =	vadd.s32 v3, v5;
	v3 =	vld [tilespmem:s8+$0x3400];
	v6 =	vsel vm0, v6, v7  }
0x2c9: {  	v4 =	vsub.s32 v4, v0  }
0x2ca: {  	v7 =	vmin.u32 v4, $0x1F4  }
0x2cb: {  	v7 =	vmul.u32 $0x804, v7  }
0x2cc: {  	[tilespmem:s7+$0x4400] =	vst v6;
	vm0 =	vlt.u32 v4, $0x1F4  }
0x2cd: {  	[tilespmem:s7+$0x3C00] =	vst v5;
	v4 =	vadd.s32 $0x800, v7;
	v6 =	vadd.s32 $0xFA7D0, v3;
	v3 =	vadd.s32 v3, v7  }
0x2ce: {  	v4 =	vsel vm0, v4, v6;
	[tilespmem:s8+$0x3C00] =	vst v3  }
0x2cf: {  	[tilespmem:s8+$0x4400] =	vst v4  }
0x2d0: {  	[spmem:s31] =	stream.indirect.scatter.add.f32 [tilespmem:s2], [sflag:$0x3], $0x1, s22, s20, $0xb8;
	[tilespmem:$0x1F900] =	vst v63  }
0x2d1: {  	_ =	swait.ge [sflag:s24], $0x800  }
0x2d2: {  	[sflag:s24] =	ssyncset.done $0x0  }
0x2d3: {  	[sflag:s24] =	ssyncadd.s32 $0xFFFFF800  }
0x2d4: {  	[spmem:s31] =	stream.indirect.scatter.add.f32 [tilespmem:s4], [sflag:$0x3], $0x1, s3, s20, $0xb8;
	[tilespmem:$0x1F900] =	vst v63  }
0x2d5: {  	_ =	swait.ge [sflag:s24], $0x800  }
0x2d6: {  	s10 =	sld [smem:$0x7D1]  }
0x2d7: {  	[sflag:s24] =	ssyncset.done $0x0  }
0x2d8: {  	s7 =	simm.s32 $0x0;
	s9 =	sld [smem:$0x7D2];
	[sflag:s24] =	ssyncadd.s32 $0xFFFFF800  }
0x2d9: {  	[tilespmem:s30], [sflag:$0x2] =	stream.linear.gather [hbm4b:s10+s7], $0x800, $0x38;
	[tilespmem:$0x1F900] =	vst v63  }
0x2da: {  	s10 =	sld [smem:$0x7D3]  }
0x2db: {  	[tilespmem:s1], [sflag:$0x2] =	stream.linear.gather [hbm4b:s9+s7], $0x800, $0x38;
	[tilespmem:$0x1F900] =	vst v63  }
0x2dc: {  	_ = 	snop  }
0x2dd: {  	[tilespmem:s2], [sflag:$0x2] =	stream.linear.gather [hbm4b:s10+s7], $0x800, $0x38;
	[tilespmem:$0x1F900] =	vst v63  }
0x2de: {  	_ =	swait.ge [sflag:s25], $0x800  }
0x2df: {  	[sflag:s25] =	ssyncset.done $0x0  }
0x2e0: {  	[sflag:s25] =	ssyncadd.s32 $0xFFFFF800  }
0x2e1: {  	_ =	swait.ge [sflag:s25], $0x800  }
0x2e2: {  	[sflag:s25] =	ssyncset.done $0x0  }
0x2e3: {  	[sflag:s25] =	ssyncadd.s32 $0xFFFFF800  }
0x2e4: {  	_ =	swait.ge [sflag:s25], $0x800  }
0x2e5: {  	[sflag:s25] =	ssyncset.done $0x0  }
0x2e6: {  	[sflag:s25] =	ssyncadd.s32 $0xFFFFF800  }
0x2e7: {  	[tilespmem:s21], [sflag:$0x3] =	stream.indirect.gather [spmem:s0], $0x1, s26, s20, $0xb8;
	[tilespmem:$0x1F900] =	vst v63  }
0x2e8: {  	_ =	swait.ge [sflag:s24], $0x800  }
0x2e9: {  	[sflag:s24] =	ssyncset.done $0x0  }
0x2ea: {  	s7 =	simm.s32 $0x0;
	[sflag:s24] =	ssyncadd.s32 $0xFFFFF800  }
0x2eb: {  	v3 =	vld [tilespmem:s7+$0xC00];
	_ =	sdelay $0x4  }
0x2ec: {  	v5 =	vld [tilespmem:s7+$0x3400];
	v3 =	vsub.s32 v3, v0  }
0x2ed: {  	s8 =	simm.s32 $0x10;
	v4 =	vmin.u32 v3, $0x1F4  }
0x2ee: {  	v6 =	vmul.u32 $0x804, v4;
	v4 =	vld [tilespmem:s8+$0xC00];
	_ =	sdelay $0x2  }
0x2ef: {  	v8 =	vadd.s32 $0xFA7D0, v5;
	vm15 =	vlt.u32 v3, $0x1F4;
	v7 =	vadd.s32 $0x800, v6  }
0x2f0: {  	s9 =	simm.s32 $0x80;
	v3 =	vld [tilespmem:s8+$0x3400];
	v5 =	vadd.s32 v5, v6;
	v6 =	vsel vm15, v7, v8  }
.LBB2_22:
0x2f1: {  	s10 =	sshra.s32 s9, $0x2;
	p2 =	sne.s32 s9, $0x1FC0;
	s9 =	sadd.s32 $0x40, s9;
	v7 =	vsub.s32 v4, v0;
	[tilespmem:s7+$0x4400] =	vst v6  }
.Ltmp12:
0x2f2: {  	v4 =	vld [tilespmem:s10+$0xC00];
	v6 =	vmin.u32 v7, $0x1F4;
	[tilespmem:s7+$0x3C00] =	vst v5;
	s7 =	smov.u32 s8;
	s8 =	smov.u32 s10;
	(pc) =	sbr.rel @p2 .LBB2_22-.Ltmp12, $3  }
0x2f3: {  	v5 =	vmul.u32 $0x804, v6;
	_ =	sdelay $0x1  }
0x2f4: {  	vm0 =	vlt.u32 v7, $0x1F4;
	v6 =	vadd.s32 $0x800, v5;
	v7 =	vadd.s32 $0xFA7D0, v3  }
0x2f5: {  	v5 =	vadd.s32 v3, v5;
	v3 =	vld [tilespmem:s8+$0x3400];
	v6 =	vsel vm0, v6, v7  }
0x2f6: {  	v4 =	vsub.s32 v4, v0  }
0x2f7: {  	v7 =	vmin.u32 v4, $0x1F4  }
0x2f8: {  	v7 =	vmul.u32 $0x804, v7  }
0x2f9: {  	[tilespmem:s7+$0x4400] =	vst v6;
	vm0 =	vlt.u32 v4, $0x1F4  }
0x2fa: {  	[tilespmem:s7+$0x3C00] =	vst v5;
	v62 =	vadd.s32 $0x800, v7;
	v63 =	vadd.s32 $0xFA7D0, v3;
	v3 =	vadd.s32 v3, v7  }
0x2fb: {  	v4 =	vsel vm0, v62, v63;
	[tilespmem:s8+$0x3C00] =	vst v3  }
0x2fc: {  	[tilespmem:s8+$0x4400] =	vst v4  }
0x2fd: {  	[spmem:s31] =	stream.indirect.scatter.add.f32 [tilespmem:s29], [sflag:$0x3], $0x1, s22, s20, $0xb8;
	[tilespmem:$0x1F900] =	vst v63  }
0x2fe: {  	_ =	swait.ge [sflag:s24], $0x800  }
0x2ff: {  	[sflag:s24] =	ssyncset.done $0x0  }
0x300: {  	[sflag:s24] =	ssyncadd.s32 $0xFFFFF800  }
0x301: {  	[spmem:s31] =	stream.indirect.scatter.add.f32 [tilespmem:s4], [sflag:$0x3], $0x1, s3, s20, $0xb8;
	[tilespmem:$0x1F900] =	vst v63  }
0x302: {  	_ =	swait.ge [sflag:s24], $0x800  }
0x303: {  	[sflag:s24] =	ssyncset.done $0x0  }
0x304: {  	[sflag:s24] =	ssyncadd.s32 $0xFFFFF800  }
0x305: {  	_ =	swait.ge [sflag:s5], $0x800  }
0x306: {  	[sflag:s5] =	ssyncset.done $0x0  }
0x307: {  	[sflag:s5] =	ssyncadd.s32 $0xFFFFF800  }
0x308: {  	_ =	swait.ge [sflag:s5], $0x800  }
.Ltmp13:
0x309: {  	[sflag:s5] =	ssyncset.done $0x0;
	(pc) =	sbr.rel @p0 .LBB2_27-.Ltmp13, $4  }
0x30a: {  	[sflag:s5] =	ssyncadd.s32 $0xFFFFF800  }
0x30b: {  	_ =	swait.ge [sflag:s5], $0x800  }
0x30c: {  	[sflag:s5] =	ssyncset.done $0x0  }
0x30d: {  	[sflag:s5] =	ssyncadd.s32 $0xFFFFF800  }
0x30e: {  	[tilespmem:s21], [sflag:$0x3] =	stream.indirect.gather [spmem:s0], $0x1, s30, s20, $0xb8;
	[tilespmem:$0x1F900] =	vst v63  }
0x30f: {  	_ =	swait.ge [sflag:s24], $0x800  }
0x310: {  	[sflag:s24] =	ssyncset.done $0x0  }
0x311: {  	s7 =	simm.s32 $0x0;
	[sflag:s24] =	ssyncadd.s32 $0xFFFFF800  }
0x312: {  	v3 =	vld [tilespmem:s7+$0x2400];
	_ =	sdelay $0x4  }
0x313: {  	v5 =	vld [tilespmem:s7+$0x3400];
	v3 =	vsub.s32 v3, v0  }
0x314: {  	s8 =	simm.s32 $0x10;
	v4 =	vmin.u32 v3, $0x1F4  }
0x315: {  	v6 =	vmul.u32 $0x804, v4;
	v4 =	vld [tilespmem:s8+$0x2400];
	_ =	sdelay $0x2  }
0x316: {  	v8 =	vadd.s32 $0xFA7D0, v5;
	vm0 =	vlt.u32 v3, $0x1F4;
	v7 =	vadd.s32 $0x800, v6  }
0x317: {  	s9 =	simm.s32 $0x80;
	v3 =	vld [tilespmem:s8+$0x3400];
	v5 =	vadd.s32 v5, v6;
	v6 =	vsel vm0, v7, v8  }
.LBB2_25:
0x318: {  	s10 =	sshra.s32 s9, $0x2;
	p2 =	sne.s32 s9, $0x1FC0;
	s9 =	sadd.s32 $0x40, s9;
	v7 =	vsub.s32 v4, v0;
	[tilespmem:s7+$0x4400] =	vst v6  }
.Ltmp14:
0x319: {  	v4 =	vld [tilespmem:s10+$0x2400];
	v6 =	vmin.u32 v7, $0x1F4;
	[tilespmem:s7+$0x3C00] =	vst v5;
	s7 =	smov.u32 s8;
	s8 =	smov.u32 s10;
	(pc) =	sbr.rel @p2 .LBB2_25-.Ltmp14, $3  }
0x31a: {  	v5 =	vmul.u32 $0x804, v6;
	_ =	sdelay $0x1  }
0x31b: {  	vm0 =	vlt.u32 v7, $0x1F4;
	v6 =	vadd.s32 $0x800, v5;
	v7 =	vadd.s32 $0xFA7D0, v3  }
0x31c: {  	v5 =	vadd.s32 v3, v5;
	v3 =	vld [tilespmem:s8+$0x3400];
	v6 =	vsel vm0, v6, v7  }
0x31d: {  	v4 =	vsub.s32 v4, v0  }
0x31e: {  	v7 =	vmin.u32 v4, $0x1F4  }
0x31f: {  	v7 =	vmul.u32 $0x804, v7  }
0x320: {  	[tilespmem:s7+$0x4400] =	vst v6;
	vm0 =	vlt.u32 v4, $0x1F4  }
0x321: {  	[tilespmem:s7+$0x3C00] =	vst v5;
	v62 =	vadd.s32 $0x800, v7;
	v63 =	vadd.s32 $0xFA7D0, v3;
	v3 =	vadd.s32 v3, v7  }
0x322: {  	v4 =	vsel vm0, v62, v63;
	[tilespmem:s8+$0x3C00] =	vst v3  }
0x323: {  	[tilespmem:s8+$0x4400] =	vst v4  }
0x324: {  	[spmem:s31] =	stream.indirect.scatter.add.f32 [tilespmem:s2], [sflag:$0x3], $0x1, s22, s20, $0xb8;
	[tilespmem:$0x1F900] =	vst v63  }
0x325: {  	_ =	swait.ge [sflag:s24], $0x800  }
0x326: {  	[sflag:s24] =	ssyncset.done $0x0  }
0x327: {  	[sflag:s24] =	ssyncadd.s32 $0xFFFFF800  }
0x328: {  	[spmem:s31] =	stream.indirect.scatter.add.f32 [tilespmem:s4], [sflag:$0x3], $0x1, s3, s20, $0xb8;
	[tilespmem:$0x1F900] =	vst v63  }
0x329: {  	_ =	swait.ge [sflag:s24], $0x800  }
0x32a: {  	[sflag:s24] =	ssyncset.done $0x0  }
0x32b: {  	[sflag:s24] =	ssyncadd.s32 $0xFFFFF800  }
.LBB2_27:
0x32c: {  	s8 =	sld [smem:$0x7D4];
	_ =	sdelay $0x1  }
0x32d: {  	s7 =	simm.s32 $0x0;
	s10 =	sld [smem:$0x7D5]  }
0x32e: {  	[tilespmem:s26], [sflag:$0x1] =	stream.linear.gather [hbm4b:s8+s7], $0x800, $0x38;
	[tilespmem:$0x1F900] =	vst v63  }
0x32f: {  	s9 =	sld [smem:$0x7D6]  }
0x330: {  	[tilespmem:s28], [sflag:$0x1] =	stream.linear.gather [hbm4b:s10+s7], $0x800, $0x38;
	[tilespmem:$0x1F900] =	vst v63  }
0x331: {  	s10 =	sld [smem:$0x7D7]  }
0x332: {  	[tilespmem:s29], [sflag:$0x1] =	stream.linear.gather [hbm4b:s9+s7], $0x800, $0x38;
	[tilespmem:$0x1F900] =	vst v63  }
0x333: {  	s9 =	sld [smem:$0x7D8]  }
0x334: {  	[tilespmem:s30], [sflag:$0x2] =	stream.linear.gather [hbm4b:s10+s7], $0x800, $0x38;
	[tilespmem:$0x1F900] =	vst v63  }
0x335: {  	s10 =	sld [smem:$0x7D9]  }
0x336: {  	[tilespmem:s1], [sflag:$0x2] =	stream.linear.gather [hbm4b:s9+s7], $0x800, $0x38;
	[tilespmem:$0x1F900] =	vst v63  }
0x337: {  	_ = 	snop  }
0x338: {  	[tilespmem:s2], [sflag:$0x2] =	stream.linear.gather [hbm4b:s10+s7], $0x800, $0x38;
	[tilespmem:$0x1F900] =	vst v63  }
0x339: {  	_ =	swait.ge [sflag:s25], $0x800  }
0x33a: {  	[sflag:s25] =	ssyncset.done $0x0  }
0x33b: {  	[sflag:s25] =	ssyncadd.s32 $0xFFFFF800  }
0x33c: {  	_ =	swait.ge [sflag:s25], $0x800  }
0x33d: {  	[sflag:s25] =	ssyncset.done $0x0  }
0x33e: {  	[sflag:s25] =	ssyncadd.s32 $0xFFFFF800  }
0x33f: {  	_ =	swait.ge [sflag:s25], $0x800  }
0x340: {  	[sflag:s25] =	ssyncset.done $0x0  }
0x341: {  	s7 =	simm.s32 $0x0;
	[sflag:s25] =	ssyncadd.s32 $0xFFFFF800  }
0x342: {  	v4 =	vld [tilespmem:s7+$0x400]  }
0x343: {  	v3 =	vld [tilespmem:s7+$0xC00];
	_ =	sdelay $0x4  }
0x344: {  	v3 =	vshll.u32 v3, $0x2  }
0x345: {  	v5 =	vadd.s32 $0xFB002, v3  }
0x346: {  	s8 =	simm.s32 $0x10;
	s9 =	simm.s32 $0x80;
	v4 =	vld.idx.msk [tilespmem:v4+s15+$0x0], $0xffff;
	[tilespmem:s7+$0x4400] =	vst v5  }
.LBB2_28:
0x347: {  	p2 =	sne.s32 s9, $0x1FC0;
	v5 =	vld [tilespmem:s8+$0x400]  }
0x348: {  	v6 =	vld [tilespmem:s8+$0xC00];
	_ =	sdelay $0x2  }
.Ltmp15:
0x349: {  	(pc) =	sbr.rel @p2 .LBB2_28-.Ltmp15, $4  }
0x34a: {  	v4 =	vadd.s32 v4, v3  }
0x34b: {  	v4 =	vadd.s32 $0xFB000, v4;
	v3 =	vshll.u32 v6, $0x2  }
0x34c: {  	v6 =	vadd.s32 $0xFB002, v3;
	[tilespmem:s7+$0x3C00] =	vst v4;
	s7 =	smov.u32 s8  }
0x34d: {  	s8 =	sshra.s32 s9, $0x2;
	s9 =	sadd.s32 $0x40, s9;
	v4 =	vld.idx.msk [tilespmem:v5+s15+$0x0], $0xffff;
	[tilespmem:s7+$0x4400] =	vst v6  }
0x34e: {  	v5 =	vld [tilespmem:s8+$0x400];
	_ =	sdelay $0x4  }
0x34f: {  	v3 =	vadd.s32 v4, v3  }
0x350: {  	v3 =	vadd.s32 $0xFB000, v3  }
0x351: {  	v4 =	vld [tilespmem:s8+$0xC00];
	[tilespmem:s7+$0x3C00] =	vst v3  }
0x352: {  	v3 =	vld.idx.msk [tilespmem:v5+s15+$0x0], $0xffff;
	_ =	sdelay $0x3  }
0x353: {  	v4 =	vshll.u32 v4, $0x2  }
0x354: {  	v5 =	vadd.s32 $0xFB002, v4;
	v3 =	vadd.s32 v3, v4  }
0x355: {  	[tilespmem:s8+$0x4400] =	vst v5;
	v3 =	vadd.s32 $0xFB000, v3  }
0x356: {  	[tilespmem:s8+$0x3C00] =	vst v3  }
0x357: {  	[spmem:s31] =	stream.indirect.scatter.add.f32 [tilespmem:s29], [sflag:$0x3], $0x1, s22, s20, $0xb8;
	[tilespmem:$0x1F900] =	vst v63  }
0x358: {  	_ =	swait.ge [sflag:s24], $0x800  }
0x359: {  	[sflag:s24] =	ssyncset.done $0x0  }
0x35a: {  	[sflag:s24] =	ssyncadd.s32 $0xFFFFF800  }
0x35b: {  	[spmem:s31] =	stream.indirect.scatter.add.f32 [tilespmem:s4], [sflag:$0x3], $0x1, s3, s20, $0xb8;
	[tilespmem:$0x1F900] =	vst v63  }
0x35c: {  	_ =	swait.ge [sflag:s24], $0x800  }
0x35d: {  	s10 =	sld [smem:$0x7DA]  }
0x35e: {  	[sflag:s24] =	ssyncset.done $0x0  }
0x35f: {  	s7 =	simm.s32 $0x0;
	s9 =	sld [smem:$0x7DB];
	[sflag:s24] =	ssyncadd.s32 $0xFFFFF800  }
0x360: {  	[tilespmem:s26], [sflag:$0x1] =	stream.linear.gather [hbm4b:s10+s7], $0x800, $0x38;
	[tilespmem:$0x1F900] =	vst v63  }
0x361: {  	s10 =	sld [smem:$0x7DC]  }
0x362: {  	[tilespmem:s28], [sflag:$0x1] =	stream.linear.gather [hbm4b:s9+s7], $0x800, $0x38;
	[tilespmem:$0x1F900] =	vst v63  }
0x363: {  	_ = 	snop  }
0x364: {  	[tilespmem:s29], [sflag:$0x1] =	stream.linear.gather [hbm4b:s10+s7], $0x800, $0x38;
	[tilespmem:$0x1F900] =	vst v63  }
0x365: {  	_ =	swait.ge [sflag:s5], $0x800  }
0x366: {  	[sflag:s5] =	ssyncset.done $0x0  }
0x367: {  	[sflag:s5] =	ssyncadd.s32 $0xFFFFF800  }
0x368: {  	_ =	swait.ge [sflag:s5], $0x800  }
0x369: {  	[sflag:s5] =	ssyncset.done $0x0  }
0x36a: {  	[sflag:s5] =	ssyncadd.s32 $0xFFFFF800  }
0x36b: {  	_ =	swait.ge [sflag:s5], $0x800  }
0x36c: {  	[sflag:s5] =	ssyncset.done $0x0  }
0x36d: {  	s7 =	simm.s32 $0x0;
	[sflag:s5] =	ssyncadd.s32 $0xFFFFF800  }
0x36e: {  	v4 =	vld [tilespmem:s7+$0x1C00]  }
0x36f: {  	v3 =	vld [tilespmem:s7+$0x2400];
	_ =	sdelay $0x4  }
0x370: {  	v3 =	vshll.u32 v3, $0x2  }
0x371: {  	v5 =	vadd.s32 $0xFB002, v3  }
0x372: {  	s8 =	simm.s32 $0x10;
	s9 =	simm.s32 $0x80;
	s10 =	smov.u32 s11;
	v4 =	vld.idx.msk [tilespmem:v4+s15+$0x0], $0xffff;
	[tilespmem:s7+$0x4400] =	vst v5  }
.LBB2_30:
0x373: {  	p2 =	sne.s32 s9, $0x1FC0;
	v5 =	vld [tilespmem:s8+$0x1C00]  }
0x374: {  	v6 =	vld [tilespmem:s8+$0x2400];
	_ =	sdelay $0x2  }
.Ltmp16:
0x375: {  	(pc) =	sbr.rel @p2 .LBB2_30-.Ltmp16, $4  }
0x376: {  	v4 =	vadd.s32 v4, v3  }
0x377: {  	v4 =	vadd.s32 $0xFB000, v4;
	v3 =	vshll.u32 v6, $0x2  }
0x378: {  	v6 =	vadd.s32 $0xFB002, v3;
	[tilespmem:s7+$0x3C00] =	vst v4;
	s7 =	smov.u32 s8  }
0x379: {  	s8 =	sshra.s32 s9, $0x2;
	s9 =	sadd.s32 $0x40, s9;
	v4 =	vld.idx.msk [tilespmem:v5+s15+$0x0], $0xffff;
	[tilespmem:s7+$0x4400] =	vst v6  }
0x37a: {  	v5 =	vld [tilespmem:s8+$0x1C00];
	_ =	sdelay $0x4  }
0x37b: {  	v3 =	vadd.s32 v4, v3  }
0x37c: {  	v3 =	vadd.s32 $0xFB000, v3  }
0x37d: {  	v4 =	vld [tilespmem:s8+$0x2400];
	[tilespmem:s7+$0x3C00] =	vst v3  }
0x37e: {  	v3 =	vld.idx.msk [tilespmem:v5+s15+$0x0], $0xffff;
	_ =	sdelay $0x3  }
0x37f: {  	v4 =	vshll.u32 v4, $0x2  }
0x380: {  	v5 =	vadd.s32 $0xFB002, v4;
	v3 =	vadd.s32 v3, v4  }
0x381: {  	[tilespmem:s8+$0x4400] =	vst v5;
	v3 =	vadd.s32 $0xFB000, v3  }
0x382: {  	[tilespmem:s8+$0x3C00] =	vst v3  }
0x383: {  	[spmem:s31] =	stream.indirect.scatter.add.f32 [tilespmem:s2], [sflag:$0x3], $0x1, s22, s20, $0xb8;
	[tilespmem:$0x1F900] =	vst v63  }
0x384: {  	_ =	swait.ge [sflag:s24], $0x800  }
0x385: {  	[sflag:s24] =	ssyncset.done $0x0  }
0x386: {  	[sflag:s24] =	ssyncadd.s32 $0xFFFFF800  }
0x387: {  	[spmem:s31] =	stream.indirect.scatter.add.f32 [tilespmem:s4], [sflag:$0x3], $0x1, s3, s20, $0xb8;
	[tilespmem:$0x1F900] =	vst v63  }
0x388: {  	_ =	swait.ge [sflag:s24], $0x800  }
0x389: {  	s11 =	sld [smem:$0x7DD]  }
0x38a: {  	[sflag:s24] =	ssyncset.done $0x0  }
0x38b: {  	s7 =	simm.s32 $0x0;
	s9 =	sld [smem:$0x7DE];
	[sflag:s24] =	ssyncadd.s32 $0xFFFFF800  }
0x38c: {  	[tilespmem:s30], [sflag:$0x2] =	stream.linear.gather [hbm4b:s11+s7], $0x800, $0x38;
	[tilespmem:$0x1F900] =	vst v63  }
0x38d: {  	s11 =	sld [smem:$0x7DF]  }
0x38e: {  	[tilespmem:s1], [sflag:$0x2] =	stream.linear.gather [hbm4b:s9+s7], $0x800, $0x38;
	[tilespmem:$0x1F900] =	vst v63  }
0x38f: {  	_ = 	snop  }
0x390: {  	[tilespmem:s2], [sflag:$0x2] =	stream.linear.gather [hbm4b:s11+s7], $0x800, $0x38;
	[tilespmem:$0x1F900] =	vst v63  }
0x391: {  	_ =	swait.ge [sflag:s25], $0x800  }
0x392: {  	[sflag:s25] =	ssyncset.done $0x0  }
0x393: {  	[sflag:s25] =	ssyncadd.s32 $0xFFFFF800  }
0x394: {  	_ =	swait.ge [sflag:s25], $0x800  }
0x395: {  	[sflag:s25] =	ssyncset.done $0x0  }
0x396: {  	[sflag:s25] =	ssyncadd.s32 $0xFFFFF800  }
0x397: {  	_ =	swait.ge [sflag:s25], $0x800  }
0x398: {  	[sflag:s25] =	ssyncset.done $0x0  }
0x399: {  	s7 =	simm.s32 $0x0;
	[sflag:s25] =	ssyncadd.s32 $0xFFFFF800  }
0x39a: {  	v4 =	vld [tilespmem:s7+$0x400]  }
0x39b: {  	v3 =	vld [tilespmem:s7+$0xC00];
	_ =	sdelay $0x4  }
0x39c: {  	v3 =	vshll.u32 v3, $0x2  }
0x39d: {  	v5 =	vadd.s32 $0xFB002, v3  }
0x39e: {  	s8 =	simm.s32 $0x10;
	s9 =	simm.s32 $0x80;
	v4 =	vld.idx.msk [tilespmem:v4+s15+$0x0], $0xffff;
	[tilespmem:s7+$0x4400] =	vst v5  }
.LBB2_32:
0x39f: {  	p2 =	sne.s32 s9, $0x1FC0;
	v5 =	vld [tilespmem:s8+$0x400]  }
0x3a0: {  	v6 =	vld [tilespmem:s8+$0xC00];
	_ =	sdelay $0x2  }
.Ltmp17:
0x3a1: {  	(pc) =	sbr.rel @p2 .LBB2_32-.Ltmp17, $4  }
0x3a2: {  	v4 =	vadd.s32 v4, v3  }
0x3a3: {  	v4 =	vadd.s32 $0xFB000, v4;
	v3 =	vshll.u32 v6, $0x2  }
0x3a4: {  	v6 =	vadd.s32 $0xFB002, v3;
	[tilespmem:s7+$0x3C00] =	vst v4;
	s7 =	smov.u32 s8  }
0x3a5: {  	s8 =	sshra.s32 s9, $0x2;
	s9 =	sadd.s32 $0x40, s9;
	v4 =	vld.idx.msk [tilespmem:v5+s15+$0x0], $0xffff;
	[tilespmem:s7+$0x4400] =	vst v6  }
0x3a6: {  	v5 =	vld [tilespmem:s8+$0x400];
	_ =	sdelay $0x4  }
0x3a7: {  	v3 =	vadd.s32 v4, v3  }
0x3a8: {  	v3 =	vadd.s32 $0xFB000, v3  }
0x3a9: {  	v4 =	vld [tilespmem:s8+$0xC00];
	[tilespmem:s7+$0x3C00] =	vst v3  }
0x3aa: {  	v3 =	vld.idx.msk [tilespmem:v5+s15+$0x0], $0xffff;
	_ =	sdelay $0x3  }
0x3ab: {  	v4 =	vshll.u32 v4, $0x2  }
0x3ac: {  	v5 =	vadd.s32 $0xFB002, v4;
	v3 =	vadd.s32 v3, v4  }
0x3ad: {  	[tilespmem:s8+$0x4400] =	vst v5;
	v3 =	vadd.s32 $0xFB000, v3  }
0x3ae: {  	[tilespmem:s8+$0x3C00] =	vst v3  }
0x3af: {  	[spmem:s31] =	stream.indirect.scatter.add.f32 [tilespmem:s29], [sflag:$0x3], $0x1, s22, s20, $0xb8;
	[tilespmem:$0x1F900] =	vst v63  }
0x3b0: {  	_ =	swait.ge [sflag:s24], $0x800  }
0x3b1: {  	[sflag:s24] =	ssyncset.done $0x0  }
0x3b2: {  	[sflag:s24] =	ssyncadd.s32 $0xFFFFF800  }
0x3b3: {  	[spmem:s31] =	stream.indirect.scatter.add.f32 [tilespmem:s4], [sflag:$0x3], $0x1, s3, s20, $0xb8;
	[tilespmem:$0x1F900] =	vst v63  }
0x3b4: {  	_ =	swait.ge [sflag:s24], $0x800  }
0x3b5: {  	s11 =	sld [smem:$0x7E0]  }
0x3b6: {  	[sflag:s24] =	ssyncset.done $0x0  }
0x3b7: {  	s7 =	simm.s32 $0x0;
	s9 =	sld [smem:$0x7E1];
	[sflag:s24] =	ssyncadd.s32 $0xFFFFF800  }
0x3b8: {  	[tilespmem:s26], [sflag:$0x1] =	stream.linear.gather [hbm4b:s11+s7], $0x800, $0x38;
	[tilespmem:$0x1F900] =	vst v63  }
0x3b9: {  	s11 =	sld [smem:$0x7E2]  }
0x3ba: {  	[tilespmem:s28], [sflag:$0x1] =	stream.linear.gather [hbm4b:s9+s7], $0x800, $0x38;
	[tilespmem:$0x1F900] =	vst v63  }
0x3bb: {  	_ = 	snop  }
0x3bc: {  	[tilespmem:s29], [sflag:$0x1] =	stream.linear.gather [hbm4b:s11+s7], $0x800, $0x38;
	[tilespmem:$0x1F900] =	vst v63  }
0x3bd: {  	_ =	swait.ge [sflag:s5], $0x800  }
0x3be: {  	[sflag:s5] =	ssyncset.done $0x0  }
0x3bf: {  	[sflag:s5] =	ssyncadd.s32 $0xFFFFF800  }
0x3c0: {  	_ =	swait.ge [sflag:s5], $0x800  }
0x3c1: {  	[sflag:s5] =	ssyncset.done $0x0  }
0x3c2: {  	[sflag:s5] =	ssyncadd.s32 $0xFFFFF800  }
0x3c3: {  	_ =	swait.ge [sflag:s5], $0x800  }
0x3c4: {  	[sflag:s5] =	ssyncset.done $0x0  }
0x3c5: {  	s7 =	simm.s32 $0x0;
	[sflag:s5] =	ssyncadd.s32 $0xFFFFF800  }
0x3c6: {  	v4 =	vld [tilespmem:s7+$0x1C00]  }
0x3c7: {  	v3 =	vld [tilespmem:s7+$0x2400];
	_ =	sdelay $0x4  }
0x3c8: {  	v3 =	vshll.u32 v3, $0x2  }
0x3c9: {  	v5 =	vadd.s32 $0xFB002, v3  }
0x3ca: {  	s8 =	simm.s32 $0x10;
	s9 =	simm.s32 $0x80;
	v4 =	vld.idx.msk [tilespmem:v4+s15+$0x0], $0xffff;
	[tilespmem:s7+$0x4400] =	vst v5  }
.LBB2_34:
0x3cb: {  	p2 =	sne.s32 s9, $0x1FC0;
	v5 =	vld [tilespmem:s8+$0x1C00]  }
0x3cc: {  	v6 =	vld [tilespmem:s8+$0x2400];
	_ =	sdelay $0x2  }
.Ltmp18:
0x3cd: {  	(pc) =	sbr.rel @p2 .LBB2_34-.Ltmp18, $4  }
0x3ce: {  	v4 =	vadd.s32 v4, v3  }
0x3cf: {  	v4 =	vadd.s32 $0xFB000, v4;
	v3 =	vshll.u32 v6, $0x2  }
0x3d0: {  	v6 =	vadd.s32 $0xFB002, v3;
	[tilespmem:s7+$0x3C00] =	vst v4;
	s7 =	smov.u32 s8  }
0x3d1: {  	s8 =	sshra.s32 s9, $0x2;
	s9 =	sadd.s32 $0x40, s9;
	v4 =	vld.idx.msk [tilespmem:v5+s15+$0x0], $0xffff;
	[tilespmem:s7+$0x4400] =	vst v6  }
0x3d2: {  	v5 =	vld [tilespmem:s8+$0x1C00];
	_ =	sdelay $0x4  }
0x3d3: {  	v3 =	vadd.s32 v4, v3  }
0x3d4: {  	v3 =	vadd.s32 $0xFB000, v3  }
0x3d5: {  	v62 =	vld [tilespmem:s8+$0x2400];
	[tilespmem:s7+$0x3C00] =	vst v3  }
0x3d6: {  	v3 =	vld.idx.msk [tilespmem:v5+s15+$0x0], $0xffff;
	_ =	sdelay $0x3  }
0x3d7: {  	v4 =	vshll.u32 v62, $0x2  }
0x3d8: {  	v63 =	vadd.s32 $0xFB002, v4;
	v3 =	vadd.s32 v3, v4  }
0x3d9: {  	[tilespmem:s8+$0x4400] =	vst v63;
	v3 =	vadd.s32 $0xFB000, v3  }
0x3da: {  	[tilespmem:s8+$0x3C00] =	vst v3  }
0x3db: {  	[spmem:s31] =	stream.indirect.scatter.add.f32 [tilespmem:s2], [sflag:$0x3], $0x1, s22, s20, $0xb8;
	[tilespmem:$0x1F900] =	vst v63  }
0x3dc: {  	_ =	swait.ge [sflag:s24], $0x800  }
0x3dd: {  	[sflag:s24] =	ssyncset.done $0x0  }
0x3de: {  	[sflag:s24] =	ssyncadd.s32 $0xFFFFF800  }
0x3df: {  	[spmem:s31] =	stream.indirect.scatter.add.f32 [tilespmem:s4], [sflag:$0x3], $0x1, s3, s20, $0xb8;
	[tilespmem:$0x1F900] =	vst v63  }
0x3e0: {  	_ =	swait.ge [sflag:s24], $0x800  }
0x3e1: {  	[sflag:s24] =	ssyncset.done $0x0  }
0x3e2: {  	[sflag:s24] =	ssyncadd.s32 $0xFFFFF800  }
0x3e3: {  	_ =	swait.ge [sflag:s25], $0x800  }
0x3e4: {  	[sflag:s25] =	ssyncset.done $0x0  }
0x3e5: {  	[sflag:s25] =	ssyncadd.s32 $0xFFFFF800  }
0x3e6: {  	_ =	swait.ge [sflag:s25], $0x800  }
.Ltmp19:
0x3e7: {  	[sflag:s25] =	ssyncset.done $0x0;
	(pc) =	sbr.rel @p1 .LBB2_39-.Ltmp19, $4  }
0x3e8: {  	[sflag:s25] =	ssyncadd.s32 $0xFFFFF800  }
0x3e9: {  	_ =	swait.ge [sflag:s25], $0x800  }
0x3ea: {  	[sflag:s25] =	ssyncset.done $0x0  }
0x3eb: {  	[sflag:s25] =	ssyncadd.s32 $0xFFFFF800  }
0x3ec: {  	s7 =	simm.s32 $0x0  }
0x3ed: {  	v4 =	vld [tilespmem:s7+$0x400]  }
0x3ee: {  	v3 =	vld [tilespmem:s7+$0xC00];
	_ =	sdelay $0x4  }
0x3ef: {  	v3 =	vshll.u32 v3, $0x2  }
0x3f0: {  	v5 =	vadd.s32 $0xFB002, v3  }
0x3f1: {  	s8 =	simm.s32 $0x10;
	s9 =	simm.s32 $0x80;
	v4 =	vld.idx.msk [tilespmem:v4+s15+$0x0], $0xffff;
	[tilespmem:s7+$0x4400] =	vst v5  }
.LBB2_37:
0x3f2: {  	p2 =	sne.s32 s9, $0x1FC0;
	v5 =	vld [tilespmem:s8+$0x400]  }
0x3f3: {  	v6 =	vld [tilespmem:s8+$0xC00];
	_ =	sdelay $0x2  }
.Ltmp20:
0x3f4: {  	(pc) =	sbr.rel @p2 .LBB2_37-.Ltmp20, $4  }
0x3f5: {  	v4 =	vadd.s32 v4, v3  }
0x3f6: {  	v4 =	vadd.s32 $0xFB000, v4;
	v3 =	vshll.u32 v6, $0x2  }
0x3f7: {  	v6 =	vadd.s32 $0xFB002, v3;
	[tilespmem:s7+$0x3C00] =	vst v4;
	s7 =	smov.u32 s8  }
0x3f8: {  	s8 =	sshra.s32 s9, $0x2;
	s9 =	sadd.s32 $0x40, s9;
	v4 =	vld.idx.msk [tilespmem:v5+s15+$0x0], $0xffff;
	[tilespmem:s7+$0x4400] =	vst v6  }
.Ltmp21:
0x3f9: {  	_ = 	snop;
	(pc) =	sbr.rel .LBB2_38-.Ltmp21, $1  }
0x3fa: {  	_ =	sdelay $0x3  }
.LBB2_40:
0x3fb: {  	_ =	sfence.sel $0x180000  }
0x3fc: {  	[bflag:$0x0] =	sbarrier.arrive $0xFFFF  }
0x3fd: {  	_ =	strace $0x90000047  }
0x3fe: {  	s0 =	stileid.u32;
	[bflag:$0x2] =	sbarrier.arrive $0xFFFF  }
0x3ff: {  	p0 =	sne.s32 s0, $0x0;
	s0 =	rddreg [dreg:$0x5]  }
0x400: {  	s0 =	sadd.s32 @!p0 $0x100000, s0  }
0x401: {  	[sflag:s0] =	ssyncadd.tile.s32 @!p0 $0x1;
	_ =	shalt  }
.Lfunc_end2:
_tile_overlayer_lowered:
.L_overlay_start_2:
0x402: {  	(tag) =	ssettag $0x2  }
0x403: {  	s0 =	rddreg [dreg:$0x0];
	s2 =	stileid.u32  }
0x404: {  	s1 =	rddreg [dreg:$0x1];
	p0 =	sne.s32 s2, $0x0  }
0x405: {  	s3 =	rddreg [dreg:$0x2];
	[bflag:$0x3] =	sbarrier.arrive $0xFFFF;
	s2 =	simm.s32 @!p0 $0x1C03  }
0x406: {  	[timem:s3], [sflag:s2] =	dma.local @!p0 [hbm:s0], s1  }
0x407: {  	s0 =	simm.s32 @!p0 $0x3  }
0x408: {  	_ =	swait.ge @!p0 [sflag:s0], s1  }
0x409: {  	s1 =	ssub.s32 @!p0 $0x0, s1;
	[sflag:s0] =	ssyncset.done @!p0 $0x0  }
0x40a: {  	[sflag:s0] =	ssyncadd.s32 @!p0 s1  }
0x40b: {  	[bflag:$0x3] =	sbarrier.arrive $0xFFFF  }
0x40c: {  	_ =	shalt  }

</sc_bundles>
